<compile_context>
chip_gen: v7x
topology: tpu7x:2x2x1
jax: 0.10.2.dev20260603
libtpu: 0.0.44.dev20260713+nightly
codegen_flags: <defaults>
</compile_context>

<pallas_src>
import functools

import jax
import jax.numpy as jnp
from jax import lax
from jax.experimental import pallas as pl
from jax.experimental.pallas import tpu as pltpu
from jax.experimental.pallas import tpu_sc as plsc

H = 512
W = 512
L = 32
T = 1048576
OUT_DIM = 4
N = H * W

PADD = 16
NC = 2
NS = 16
NW = NC * NS
RPT = N // NW
C = 64
NCHUNK = RPT // C
NPAIR = NCHUNK // 2
NSTREAM = 4
GR = C // NSTREAM * L


def _render_body(table, idx_hbm, lens_hbm, out_rgb, out_mask,
                 idx_a0, idx_a1, idx_a2, idx_a3,
                 idx_b0, idx_b1, idx_b2, idx_b3,
                 rows_a0, rows_a1, rows_a2, rows_a3,
                 rows_b0, rows_b1, rows_b2, rows_b3,
                 lens_a, lens_b, out_stage, ones_v,
                 sem_ga, sem_gb, sem_sa, sem_sb):
    cid = lax.axis_index("c")
    sid = lax.axis_index("s")
    wid = sid * NC + cid
    base = wid * RPT
    lane = lax.iota(jnp.int32, 16)

    idx_set = ((idx_a0, idx_a1, idx_a2, idx_a3),
               (idx_b0, idx_b1, idx_b2, idx_b3))
    rows_set = ((rows_a0, rows_a1, rows_a2, rows_a3),
                (rows_b0, rows_b1, rows_b2, rows_b3))
    lens_set = (lens_a, lens_b)
    sem_g = (sem_ga, sem_gb)
    sem_s = (sem_sa, sem_sb)

    for k in range(2048 // 16):
        ones_v[pl.ds(k * 16, 16)] = jnp.ones((16,), jnp.float32)

    def stage_descs(ci, s):
        rbase = pl.multiple_of(base + ci * C, C)
        ds = []
        for j in range(NSTREAM):
            off = pl.multiple_of(rbase * L + j * GR, GR)
            ds.append(pltpu.make_async_copy(
                idx_hbm.at[pl.ds(off, GR)], idx_set[s][j], sem_s[s]))
        ds.append(pltpu.make_async_copy(
            lens_hbm.at[pl.ds(rbase, C)], lens_set[s], sem_s[s]))
        return ds

    def start_stage(ci, s):
        for d in stage_descs(ci, s):
            d.start()

    def wait_stage(ci, s):
        for d in stage_descs(ci, s):
            d.wait()

    def gather_descs(s):
        return [pltpu.make_async_copy(table.at[idx_set[s][j]],
                                      rows_set[s][j], sem_g[s])
                for j in range(NSTREAM)]

    def fire(s):
        for d in gather_descs(s):
            d.start()

    def drain(s):
        for d in gather_descs(s):
            d.wait()

    def compute(ci, s):
        lens_x = lens_set[s]
        for j in range(NSTREAM):
            rows = rows_set[s][j]
            lens = lens_x[pl.ds(j * 16, 16)]
            row0 = lane * L

            def lbody(li, carry, rows=rows, lens=lens, row0=row0):
                rgb0, rgb1, rgb2, acc, trans = carry
                for u in range(4):
                    l = li * 4 + u
                    r = row0 + l
                    f3 = plsc.load_gather(
                        rows, [r, jnp.full((16,), 3, jnp.int32)])
                    sig = 1.0 / (1.0 + jnp.exp(-f3))
                    alpha = jnp.where(lens > l, sig, 0.0)
                    wgt = alpha * trans
                    trans = trans * (1.0 - alpha + 1e-10)
                    c0 = plsc.load_gather(
                        rows, [r, jnp.full((16,), 0, jnp.int32)])
                    c1 = plsc.load_gather(
                        rows, [r, jnp.full((16,), 1, jnp.int32)])
                    c2 = plsc.load_gather(
                        rows, [r, jnp.full((16,), 2, jnp.int32)])
                    rgb0 = rgb0 + wgt * c0
                    rgb1 = rgb1 + wgt * c1
                    rgb2 = rgb2 + wgt * c2
                    acc = acc + wgt
                return rgb0, rgb1, rgb2, acc, trans

            z = jnp.zeros((16,), jnp.float32)
            rgb0, rgb1, rgb2, acc, _ = lax.fori_loop(
                0, L // 4, lbody, (z, z, z, z, jnp.ones((16,), jnp.float32)))
            local = ci * C + j * 16
            out_stage[pl.ds(0 * RPT + local, 16)] = rgb0
            out_stage[pl.ds(1 * RPT + local, 16)] = rgb1
            out_stage[pl.ds(2 * RPT + local, 16)] = rgb2
            out_stage[pl.ds(3 * RPT + local, 16)] = acc

    start_stage(0, 0)
    wait_stage(0, 0)
    fire(0)
    start_stage(1, 1)

    def pair_body(i, _):
        ci0 = 2 * i
        drain(0)
        wait_stage(ci0 + 1, 1)
        fire(1)
        compute(ci0, 0)

        @pl.when(i < NPAIR - 1)
        def _pre_a():
            start_stage(ci0 + 2, 0)

        drain(1)

        @pl.when(i < NPAIR - 1)
        def _fire_a():
            wait_stage(ci0 + 2, 0)
            fire(0)

        compute(ci0 + 1, 1)

        @pl.when(i < NPAIR - 1)
        def _pre_b():
            start_stage(ci0 + 3, 1)

        return _

    lax.fori_loop(0, NPAIR, pair_body, 0)

    for c in range(OUT_DIM):
        pltpu.sync_copy(out_stage.at[pl.ds(c * RPT, RPT)],
                        out_rgb.at[c, pl.ds(base, RPT)])
    for k in range(RPT // 2048):
        pltpu.sync_copy(ones_v, out_mask.at[pl.ds(base + k * 2048, 2048)])


@jax.jit
def _render(table_padded, idx_flat, rays_lengths):
    mesh = plsc.VectorSubcoreMesh(core_axis_name="c", subcore_axis_name="s")
    return pl.kernel(
        _render_body,
        out_type=[
            jax.ShapeDtypeStruct((OUT_DIM, N), jnp.float32),
            jax.ShapeDtypeStruct((N,), jnp.float32),
        ],
        mesh=mesh,
        compiler_params=pltpu.CompilerParams(
            use_tc_tiling_on_sc=False, needs_layout_passes=False),
        scratch_types=(
            [pltpu.VMEM((GR,), jnp.int32)] * 8
            + [pltpu.VMEM((GR, PADD), jnp.float32)] * 8
            + [pltpu.VMEM((C,), jnp.int32)] * 2
            + [pltpu.VMEM((OUT_DIM * RPT,), jnp.float32),
               pltpu.VMEM((2048,), jnp.float32),
               pltpu.SemaphoreType.DMA,
               pltpu.SemaphoreType.DMA,
               pltpu.SemaphoreType.DMA,
               pltpu.SemaphoreType.DMA]
        ),
    )(table_padded, idx_flat, rays_lengths)


def kernel(texture_table, point_idx, rays_lengths, canvas_flat_idx):
    table_padded = jnp.pad(texture_table, ((0, 0), (0, PADD - OUT_DIM)))
    idx_flat = point_idx.reshape(N * L)
    render, mask = _render(table_padded, idx_flat, rays_lengths)
    canvas_texture = render.reshape(1, OUT_DIM, H, W)
    canvas_mask = mask.reshape(1, 1, H, W)
    return canvas_texture, canvas_mask

# --- scband reference (transcript-rebuilt; emitter-appended) ---
"""Pipeline reference for scband-ray-texture-72954314490427 (READ-ONLY COPY).

The authoritative reference and input builder live on the scoring server;
editing this copy changes nothing except your own understanding.
"""

import jax, jax.numpy as jnp
import numpy as np

H = 512
W = 512
L = 32
T = 1048576
OUT_DIM = 4
N = H * W


def setup_inputs(seed: int = 0) -> dict:
    key = jax.random.key(seed)
    k1, k2, k3 = jax.random.split(key, 3)
    texture_table = jax.random.normal(k1, (T, OUT_DIM), dtype=jnp.float32)
    point_idx = jax.random.randint(k2, (N, L), 0, T, dtype=jnp.int32)
    rays_lengths = jax.random.randint(k3, (N,), 0, L, dtype=jnp.int32)
    canvas_flat_idx = jnp.arange(N, dtype=jnp.int32)
    return {
        'texture_table': texture_table,
        'point_idx': point_idx,
        'rays_lengths': rays_lengths,
        'canvas_flat_idx': canvas_flat_idx,
    }


def reference(texture_table, point_idx, rays_lengths, canvas_flat_idx):
    # texture lookup (texture(batch)): gather per-ray-sample features from table
    feats = jnp.take(texture_table, point_idx, axis=0)  # [N, L, OUT_DIM]
    color = feats[..., : OUT_DIM - 1]                    # [N, L, OUT_DIM-1]
    density = jax.nn.softplus(feats[..., OUT_DIM - 1])   # [N, L]
    # mask samples beyond each ray's length (rays_lengths_batch)
    steps = jnp.arange(L, dtype=jnp.int32)[None, :]
    valid = steps < rays_lengths[:, None]
    density = jnp.where(valid, density, 0.0)
    # ray_block: volume-rendering alpha compositing along the ray
    alpha = 1.0 - jnp.exp(-density)                      # [N, L]
    trans = jnp.cumprod(1.0 - alpha + 1e-10, axis=-1)
    trans = jnp.concatenate([jnp.ones_like(trans[:, :1]), trans[:, :-1]], axis=-1)
    weights = alpha * trans                              # [N, L]
    rgb = jnp.sum(weights[..., None] * color, axis=1)    # [N, OUT_DIM-1]
    acc = jnp.sum(weights, axis=1)                       # [N]
    render = jnp.concatenate([rgb, acc[:, None]], axis=-1)  # [N, OUT_DIM]
    # canvas scatter: index_put_ of rendered rays into the canvas (overwrite)
    rows = canvas_flat_idx // W
    cols = canvas_flat_idx % W
    canvas_texture = jnp.zeros((H, W, OUT_DIM), dtype=jnp.float32)
    canvas_texture = canvas_texture.at[rows, cols].set(render)
    canvas_texture = jnp.transpose(canvas_texture, (2, 0, 1))[None]  # [1, OUT_DIM, H, W]
    # canvas mask: index_put_ of ones at hit pixels
    canvas_mask = jnp.zeros((1, H, W), dtype=jnp.float32)
    canvas_mask = canvas_mask.at[jnp.zeros_like(rows), rows, cols].set(1.0)
    return canvas_texture, canvas_mask[None]

if __name__ == "__main__":
    import jax
    _d = setup_inputs()
    print(jax.jit(kernel)(*tuple(_d.values())))

</pallas_src>

<mosaic_0001>
#map = affine_map<(d0, d1) -> (0, 0)>
#map1 = affine_map<(d0, d1) -> (0)>
module attributes {stable_mosaic.version = 14 : i64} {
  func.func @_render_body(%arg0: i32, %arg1: i32, %arg2: memref<1048576x16xf32, #tpu.memory_space<hbm>>, %arg3: memref<8388608xi32, #tpu.memory_space<hbm>>, %arg4: memref<262144xi32, #tpu.memory_space<hbm>>, %arg5: memref<4x262144xf32, #tpu.memory_space<hbm>>, %arg6: memref<262144xf32, #tpu.memory_space<hbm>>, %arg7: memref<512xi32, #tpu.memory_space<vmem>>, %arg8: memref<512xi32, #tpu.memory_space<vmem>>, %arg9: memref<512xi32, #tpu.memory_space<vmem>>, %arg10: memref<512xi32, #tpu.memory_space<vmem>>, %arg11: memref<512xi32, #tpu.memory_space<vmem>>, %arg12: memref<512xi32, #tpu.memory_space<vmem>>, %arg13: memref<512xi32, #tpu.memory_space<vmem>>, %arg14: memref<512xi32, #tpu.memory_space<vmem>>, %arg15: memref<512x16xf32, #tpu.memory_space<vmem>>, %arg16: memref<512x16xf32, #tpu.memory_space<vmem>>, %arg17: memref<512x16xf32, #tpu.memory_space<vmem>>, %arg18: memref<512x16xf32, #tpu.memory_space<vmem>>, %arg19: memref<512x16xf32, #tpu.memory_space<vmem>>, %arg20: memref<512x16xf32, #tpu.memory_space<vmem>>, %arg21: memref<512x16xf32, #tpu.memory_space<vmem>>, %arg22: memref<512x16xf32, #tpu.memory_space<vmem>>, %arg23: memref<64xi32, #tpu.memory_space<vmem>>, %arg24: memref<64xi32, #tpu.memory_space<vmem>>, %arg25: memref<32768xf32, #tpu.memory_space<vmem>>, %arg26: memref<2048xf32, #tpu.memory_space<vmem>>, %arg27: memref<!tpu.dma_semaphore, #tpu.memory_space<semaphore_mem>>, %arg28: memref<!tpu.dma_semaphore, #tpu.memory_space<semaphore_mem>>, %arg29: memref<!tpu.dma_semaphore, #tpu.memory_space<semaphore_mem>>, %arg30: memref<!tpu.dma_semaphore, #tpu.memory_space<semaphore_mem>>) attributes {dimension_semantics = [#tpu.dimension_semantics<core_parallel>, #tpu.dimension_semantics<subcore_parallel>], iteration_bounds = array<i64: 2, 16>, scalar_prefetch = 0 : i64, scratch_operands = 24 : i64, tpu.core_type = #tpu.core_type<sc_vector_subcore>, window_params = [{transform_indices = #map}, {transform_indices = #map1}, {transform_indices = #map1}, {transform_indices = #map}, {transform_indices = #map1}]} {
    %mul3A = arith.constant 2 : i32
    %mul3A_0 = arith.muli %arg1, %mul3A : i32
    %add3A = arith.addi %mul3A_0, %arg0 : i32
    %mul3A_1 = arith.constant 8192 : i32
    %mul3A_2 = arith.muli %add3A, %mul3A_1 : i32
    %iota3A = tpu.iota {dimensions = array<i32: 0>} : vector<16xi32>
    %broadcast_in_dim3A = arith.constant 1.000000e+00 : f32
    %broadcast_in_dim3A_3 = vector.broadcast %broadcast_in_dim3A : f32 to vector<16xf32>
    %swap3A = arith.constant 0 : index
    %swap3A_4 = tpu.vector_load %arg26[%swap3A] {strides = array<i32>} : memref<2048xf32, #tpu.memory_space<vmem>>, vector<16xf32>,
    tpu.vector_store %arg26[%swap3A], %broadcast_in_dim3A_3 {strides = array<i32>} : memref<2048xf32, #tpu.memory_space<vmem>>, vector<16xf32>,
    %broadcast_in_dim3A_5 = arith.constant 1.000000e+00 : f32
    %broadcast_in_dim3A_6 = vector.broadcast %broadcast_in_dim3A_5 : f32 to vector<16xf32>
    %swap3A_7 = arith.constant 16 : index
    %swap3A_8 = tpu.vector_load %arg26[%swap3A_7] {strides = array<i32>} : memref<2048xf32, #tpu.memory_space<vmem>>, vector<16xf32>,
    tpu.vector_store %arg26[%swap3A_7], %broadcast_in_dim3A_6 {strides = array<i32>} : memref<2048xf32, #tpu.memory_space<vmem>>, vector<16xf32>,
    %broadcast_in_dim3A_9 = arith.constant 1.000000e+00 : f32
    %broadcast_in_dim3A_10 = vector.broadcast %broadcast_in_dim3A_9 : f32 to vector<16xf32>
    %swap3A_11 = arith.constant 32 : index
    %swap3A_12 = tpu.vector_load %arg26[%swap3A_11] {strides = array<i32>} : memref<2048xf32, #tpu.memory_space<vmem>>, vector<16xf32>,
    tpu.vector_store %arg26[%swap3A_11], %broadcast_in_dim3A_10 {strides = array<i32>} : memref<2048xf32, #tpu.memory_space<vmem>>, vector<16xf32>,
    %broadcast_in_dim3A_13 = arith.constant 1.000000e+00 : f32
    %broadcast_in_dim3A_14 = vector.broadcast %broadcast_in_dim3A_13 : f32 to vector<16xf32>
    %swap3A_15 = arith.constant 48 : index
    %swap3A_16 = tpu.vector_load %arg26[%swap3A_15] {strides = array<i32>} : memref<2048xf32, #tpu.memory_space<vmem>>, vector<16xf32>,
    tpu.vector_store %arg26[%swap3A_15], %broadcast_in_dim3A_14 {strides = array<i32>} : memref<2048xf32, #tpu.memory_space<vmem>>, vector<16xf32>,
    %broadcast_in_dim3A_17 = arith.constant 1.000000e+00 : f32
    %broadcast_in_dim3A_18 = vector.broadcast %broadcast_in_dim3A_17 : f32 to vector<16xf32>
    %swap3A_19 = arith.constant 64 : index
    %swap3A_20 = tpu.vector_load %arg26[%swap3A_19] {strides = array<i32>} : memref<2048xf32, #tpu.memory_space<vmem>>, vector<16xf32>,
    tpu.vector_store %arg26[%swap3A_19], %broadcast_in_dim3A_18 {strides = array<i32>} : memref<2048xf32, #tpu.memory_space<vmem>>, vector<16xf32>,
    %broadcast_in_dim3A_21 = arith.constant 1.000000e+00 : f32
    %broadcast_in_dim3A_22 = vector.broadcast %broadcast_in_dim3A_21 : f32 to vector<16xf32>
    %swap3A_23 = arith.constant 80 : index
    %swap3A_24 = tpu.vector_load %arg26[%swap3A_23] {strides = array<i32>} : memref<2048xf32, #tpu.memory_space<vmem>>, vector<16xf32>,
    tpu.vector_store %arg26[%swap3A_23], %broadcast_in_dim3A_22 {strides = array<i32>} : memref<2048xf32, #tpu.memory_space<vmem>>, vector<16xf32>,
    %broadcast_in_dim3A_25 = arith.constant 1.000000e+00 : f32
    %broadcast_in_dim3A_26 = vector.broadcast %broadcast_in_dim3A_25 : f32 to vector<16xf32>
    %swap3A_27 = arith.constant 96 : index
    %swap3A_28 = tpu.vector_load %arg26[%swap3A_27] {strides = array<i32>} : memref<2048xf32, #tpu.memory_space<vmem>>, vector<16xf32>,
    tpu.vector_store %arg26[%swap3A_27], %broadcast_in_dim3A_26 {strides = array<i32>} : memref<2048xf32, #tpu.memory_space<vmem>>, vector<16xf32>,
    %broadcast_in_dim3A_29 = arith.constant 1.000000e+00 : f32
    %broadcast_in_dim3A_30 = vector.broadcast %broadcast_in_dim3A_29 : f32 to vector<16xf32>
    %swap3A_31 = arith.constant 112 : index
    %swap3A_32 = tpu.vector_load %arg26[%swap3A_31] {strides = array<i32>} : memref<2048xf32, #tpu.memory_space<vmem>>, vector<16xf32>,
    tpu.vector_store %arg26[%swap3A_31], %broadcast_in_dim3A_30 {strides = array<i32>} : memref<2048xf32, #tpu.memory_space<vmem>>, vector<16xf32>,
    %broadcast_in_dim3A_33 = arith.constant 1.000000e+00 : f32
    %broadcast_in_dim3A_34 = vector.broadcast %broadcast_in_dim3A_33 : f32 to vector<16xf32>
    %swap3A_35 = arith.constant 128 : index
    %swap3A_36 = tpu.vector_load %arg26[%swap3A_35] {strides = array<i32>} : memref<2048xf32, #tpu.memory_space<vmem>>, vector<16xf32>,
    tpu.vector_store %arg26[%swap3A_35], %broadcast_in_dim3A_34 {strides = array<i32>} : memref<2048xf32, #tpu.memory_space<vmem>>, vector<16xf32>,
    %broadcast_in_dim3A_37 = arith.constant 1.000000e+00 : f32
    %broadcast_in_dim3A_38 = vector.broadcast %broadcast_in_dim3A_37 : f32 to vector<16xf32>
    %swap3A_39 = arith.constant 144 : index
    %swap3A_40 = tpu.vector_load %arg26[%swap3A_39] {strides = array<i32>} : memref<2048xf32, #tpu.memory_space<vmem>>, vector<16xf32>,
    tpu.vector_store %arg26[%swap3A_39], %broadcast_in_dim3A_38 {strides = array<i32>} : memref<2048xf32, #tpu.memory_space<vmem>>, vector<16xf32>,
    %broadcast_in_dim3A_41 = arith.constant 1.000000e+00 : f32
    %broadcast_in_dim3A_42 = vector.broadcast %broadcast_in_dim3A_41 : f32 to vector<16xf32>
    %swap3A_43 = arith.constant 160 : index
    %swap3A_44 = tpu.vector_load %arg26[%swap3A_43] {strides = array<i32>} : memref<2048xf32, #tpu.memory_space<vmem>>, vector<16xf32>,
    tpu.vector_store %arg26[%swap3A_43], %broadcast_in_dim3A_42 {strides = array<i32>} : memref<2048xf32, #tpu.memory_space<vmem>>, vector<16xf32>,
    %broadcast_in_dim3A_45 = arith.constant 1.000000e+00 : f32
    %broadcast_in_dim3A_46 = vector.broadcast %broadcast_in_dim3A_45 : f32 to vector<16xf32>
    %swap3A_47 = arith.constant 176 : index
    %swap3A_48 = tpu.vector_load %arg26[%swap3A_47] {strides = array<i32>} : memref<2048xf32, #tpu.memory_space<vmem>>, vector<16xf32>,
    tpu.vector_store %arg26[%swap3A_47], %broadcast_in_dim3A_46 {strides = array<i32>} : memref<2048xf32, #tpu.memory_space<vmem>>, vector<16xf32>,
    %broadcast_in_dim3A_49 = arith.constant 1.000000e+00 : f32
    %broadcast_in_dim3A_50 = vector.broadcast %broadcast_in_dim3A_49 : f32 to vector<16xf32>
    %swap3A_51 = arith.constant 192 : index
    %swap3A_52 = tpu.vector_load %arg26[%swap3A_51] {strides = array<i32>} : memref<2048xf32, #tpu.memory_space<vmem>>, vector<16xf32>,
    tpu.vector_store %arg26[%swap3A_51], %broadcast_in_dim3A_50 {strides = array<i32>} : memref<2048xf32, #tpu.memory_space<vmem>>, vector<16xf32>,
    %broadcast_in_dim3A_53 = arith.constant 1.000000e+00 : f32
    %broadcast_in_dim3A_54 = vector.broadcast %broadcast_in_dim3A_53 : f32 to vector<16xf32>
    %swap3A_55 = arith.constant 208 : index
    %swap3A_56 = tpu.vector_load %arg26[%swap3A_55] {strides = array<i32>} : memref<2048xf32, #tpu.memory_space<vmem>>, vector<16xf32>,
    tpu.vector_store %arg26[%swap3A_55], %broadcast_in_dim3A_54 {strides = array<i32>} : memref<2048xf32, #tpu.memory_space<vmem>>, vector<16xf32>,
    %broadcast_in_dim3A_57 = arith.constant 1.000000e+00 : f32
    %broadcast_in_dim3A_58 = vector.broadcast %broadcast_in_dim3A_57 : f32 to vector<16xf32>
    %swap3A_59 = arith.constant 224 : index
    %swap3A_60 = tpu.vector_load %arg26[%swap3A_59] {strides = array<i32>} : memref<2048xf32, #tpu.memory_space<vmem>>, vector<16xf32>,
    tpu.vector_store %arg26[%swap3A_59], %broadcast_in_dim3A_58 {strides = array<i32>} : memref<2048xf32, #tpu.memory_space<vmem>>, vector<16xf32>,
    %broadcast_in_dim3A_61 = arith.constant 1.000000e+00 : f32
    %broadcast_in_dim3A_62 = vector.broadcast %broadcast_in_dim3A_61 : f32 to vector<16xf32>
    %swap3A_63 = arith.constant 240 : index
    %swap3A_64 = tpu.vector_load %arg26[%swap3A_63] {strides = array<i32>} : memref<2048xf32, #tpu.memory_space<vmem>>, vector<16xf32>,
    tpu.vector_store %arg26[%swap3A_63], %broadcast_in_dim3A_62 {strides = array<i32>} : memref<2048xf32, #tpu.memory_space<vmem>>, vector<16xf32>,
    %broadcast_in_dim3A_65 = arith.constant 1.000000e+00 : f32
    %broadcast_in_dim3A_66 = vector.broadcast %broadcast_in_dim3A_65 : f32 to vector<16xf32>
    %swap3A_67 = arith.constant 256 : index
    %swap3A_68 = tpu.vector_load %arg26[%swap3A_67] {strides = array<i32>} : memref<2048xf32, #tpu.memory_space<vmem>>, vector<16xf32>,
    tpu.vector_store %arg26[%swap3A_67], %broadcast_in_dim3A_66 {strides = array<i32>} : memref<2048xf32, #tpu.memory_space<vmem>>, vector<16xf32>,
    %broadcast_in_dim3A_69 = arith.constant 1.000000e+00 : f32
    %broadcast_in_dim3A_70 = vector.broadcast %broadcast_in_dim3A_69 : f32 to vector<16xf32>
    %swap3A_71 = arith.constant 272 : index
    %swap3A_72 = tpu.vector_load %arg26[%swap3A_71] {strides = array<i32>} : memref<2048xf32, #tpu.memory_space<vmem>>, vector<16xf32>,
    tpu.vector_store %arg26[%swap3A_71], %broadcast_in_dim3A_70 {strides = array<i32>} : memref<2048xf32, #tpu.memory_space<vmem>>, vector<16xf32>,
    %broadcast_in_dim3A_73 = arith.constant 1.000000e+00 : f32
    %broadcast_in_dim3A_74 = vector.broadcast %broadcast_in_dim3A_73 : f32 to vector<16xf32>
    %swap3A_75 = arith.constant 288 : index
    %swap3A_76 = tpu.vector_load %arg26[%swap3A_75] {strides = array<i32>} : memref<2048xf32, #tpu.memory_space<vmem>>, vector<16xf32>,
    tpu.vector_store %arg26[%swap3A_75], %broadcast_in_dim3A_74 {strides = array<i32>} : memref<2048xf32, #tpu.memory_space<vmem>>, vector<16xf32>,
    %broadcast_in_dim3A_77 = arith.constant 1.000000e+00 : f32
    %broadcast_in_dim3A_78 = vector.broadcast %broadcast_in_dim3A_77 : f32 to vector<16xf32>
    %swap3A_79 = arith.constant 304 : index
    %swap3A_80 = tpu.vector_load %arg26[%swap3A_79] {strides = array<i32>} : memref<2048xf32, #tpu.memory_space<vmem>>, vector<16xf32>,
    tpu.vector_store %arg26[%swap3A_79], %broadcast_in_dim3A_78 {strides = array<i32>} : memref<2048xf32, #tpu.memory_space<vmem>>, vector<16xf32>,
    %broadcast_in_dim3A_81 = arith.constant 1.000000e+00 : f32
    %broadcast_in_dim3A_82 = vector.broadcast %broadcast_in_dim3A_81 : f32 to vector<16xf32>
    %swap3A_83 = arith.constant 320 : index
    %swap3A_84 = tpu.vector_load %arg26[%swap3A_83] {strides = array<i32>} : memref<2048xf32, #tpu.memory_space<vmem>>, vector<16xf32>,
    tpu.vector_store %arg26[%swap3A_83], %broadcast_in_dim3A_82 {strides = array<i32>} : memref<2048xf32, #tpu.memory_space<vmem>>, vector<16xf32>,
    %broadcast_in_dim3A_85 = arith.constant 1.000000e+00 : f32
    %broadcast_in_dim3A_86 = vector.broadcast %broadcast_in_dim3A_85 : f32 to vector<16xf32>
    %swap3A_87 = arith.constant 336 : index
    %swap3A_88 = tpu.vector_load %arg26[%swap3A_87] {strides = array<i32>} : memref<2048xf32, #tpu.memory_space<vmem>>, vector<16xf32>,
    tpu.vector_store %arg26[%swap3A_87], %broadcast_in_dim3A_86 {strides = array<i32>} : memref<2048xf32, #tpu.memory_space<vmem>>, vector<16xf32>,
    %broadcast_in_dim3A_89 = arith.constant 1.000000e+00 : f32
    %broadcast_in_dim3A_90 = vector.broadcast %broadcast_in_dim3A_89 : f32 to vector<16xf32>
    %swap3A_91 = arith.constant 352 : index
    %swap3A_92 = tpu.vector_load %arg26[%swap3A_91] {strides = array<i32>} : memref<2048xf32, #tpu.memory_space<vmem>>, vector<16xf32>,
    tpu.vector_store %arg26[%swap3A_91], %broadcast_in_dim3A_90 {strides = array<i32>} : memref<2048xf32, #tpu.memory_space<vmem>>, vector<16xf32>,
    %broadcast_in_dim3A_93 = arith.constant 1.000000e+00 : f32
    %broadcast_in_dim3A_94 = vector.broadcast %broadcast_in_dim3A_93 : f32 to vector<16xf32>
    %swap3A_95 = arith.constant 368 : index
    %swap3A_96 = tpu.vector_load %arg26[%swap3A_95] {strides = array<i32>} : memref<2048xf32, #tpu.memory_space<vmem>>, vector<16xf32>,
    tpu.vector_store %arg26[%swap3A_95], %broadcast_in_dim3A_94 {strides = array<i32>} : memref<2048xf32, #tpu.memory_space<vmem>>, vector<16xf32>,
    %broadcast_in_dim3A_97 = arith.constant 1.000000e+00 : f32
    %broadcast_in_dim3A_98 = vector.broadcast %broadcast_in_dim3A_97 : f32 to vector<16xf32>
    %swap3A_99 = arith.constant 384 : index
    %swap3A_100 = tpu.vector_load %arg26[%swap3A_99] {strides = array<i32>} : memref<2048xf32, #tpu.memory_space<vmem>>, vector<16xf32>,
    tpu.vector_store %arg26[%swap3A_99], %broadcast_in_dim3A_98 {strides = array<i32>} : memref<2048xf32, #tpu.memory_space<vmem>>, vector<16xf32>,
    %broadcast_in_dim3A_101 = arith.constant 1.000000e+00 : f32
    %broadcast_in_dim3A_102 = vector.broadcast %broadcast_in_dim3A_101 : f32 to vector<16xf32>
    %swap3A_103 = arith.constant 400 : index
    %swap3A_104 = tpu.vector_load %arg26[%swap3A_103] {strides = array<i32>} : memref<2048xf32, #tpu.memory_space<vmem>>, vector<16xf32>,
    tpu.vector_store %arg26[%swap3A_103], %broadcast_in_dim3A_102 {strides = array<i32>} : memref<2048xf32, #tpu.memory_space<vmem>>, vector<16xf32>,
    %broadcast_in_dim3A_105 = arith.constant 1.000000e+00 : f32
    %broadcast_in_dim3A_106 = vector.broadcast %broadcast_in_dim3A_105 : f32 to vector<16xf32>
    %swap3A_107 = arith.constant 416 : index
    %swap3A_108 = tpu.vector_load %arg26[%swap3A_107] {strides = array<i32>} : memref<2048xf32, #tpu.memory_space<vmem>>, vector<16xf32>,
    tpu.vector_store %arg26[%swap3A_107], %broadcast_in_dim3A_106 {strides = array<i32>} : memref<2048xf32, #tpu.memory_space<vmem>>, vector<16xf32>,
    %broadcast_in_dim3A_109 = arith.constant 1.000000e+00 : f32
    %broadcast_in_dim3A_110 = vector.broadcast %broadcast_in_dim3A_109 : f32 to vector<16xf32>
    %swap3A_111 = arith.constant 432 : index
    %swap3A_112 = tpu.vector_load %arg26[%swap3A_111] {strides = array<i32>} : memref<2048xf32, #tpu.memory_space<vmem>>, vector<16xf32>,
    tpu.vector_store %arg26[%swap3A_111], %broadcast_in_dim3A_110 {strides = array<i32>} : memref<2048xf32, #tpu.memory_space<vmem>>, vector<16xf32>,
    %broadcast_in_dim3A_113 = arith.constant 1.000000e+00 : f32
    %broadcast_in_dim3A_114 = vector.broadcast %broadcast_in_dim3A_113 : f32 to vector<16xf32>
    %swap3A_115 = arith.constant 448 : index
    %swap3A_116 = tpu.vector_load %arg26[%swap3A_115] {strides = array<i32>} : memref<2048xf32, #tpu.memory_space<vmem>>, vector<16xf32>,
    tpu.vector_store %arg26[%swap3A_115], %broadcast_in_dim3A_114 {strides = array<i32>} : memref<2048xf32, #tpu.memory_space<vmem>>, vector<16xf32>,
    %broadcast_in_dim3A_117 = arith.constant 1.000000e+00 : f32
    %broadcast_in_dim3A_118 = vector.broadcast %broadcast_in_dim3A_117 : f32 to vector<16xf32>
    %swap3A_119 = arith.constant 464 : index
    %swap3A_120 = tpu.vector_load %arg26[%swap3A_119] {strides = array<i32>} : memref<2048xf32, #tpu.memory_space<vmem>>, vector<16xf32>,
    tpu.vector_store %arg26[%swap3A_119], %broadcast_in_dim3A_118 {strides = array<i32>} : memref<2048xf32, #tpu.memory_space<vmem>>, vector<16xf32>,
    %broadcast_in_dim3A_121 = arith.constant 1.000000e+00 : f32
    %broadcast_in_dim3A_122 = vector.broadcast %broadcast_in_dim3A_121 : f32 to vector<16xf32>
    %swap3A_123 = arith.constant 480 : index
    %swap3A_124 = tpu.vector_load %arg26[%swap3A_123] {strides = array<i32>} : memref<2048xf32, #tpu.memory_space<vmem>>, vector<16xf32>,
    tpu.vector_store %arg26[%swap3A_123], %broadcast_in_dim3A_122 {strides = array<i32>} : memref<2048xf32, #tpu.memory_space<vmem>>, vector<16xf32>,
    %broadcast_in_dim3A_125 = arith.constant 1.000000e+00 : f32
    %broadcast_in_dim3A_126 = vector.broadcast %broadcast_in_dim3A_125 : f32 to vector<16xf32>
    %swap3A_127 = arith.constant 496 : index
    %swap3A_128 = tpu.vector_load %arg26[%swap3A_127] {strides = array<i32>} : memref<2048xf32, #tpu.memory_space<vmem>>, vector<16xf32>,
    tpu.vector_store %arg26[%swap3A_127], %broadcast_in_dim3A_126 {strides = array<i32>} : memref<2048xf32, #tpu.memory_space<vmem>>, vector<16xf32>,
    %broadcast_in_dim3A_129 = arith.constant 1.000000e+00 : f32
    %broadcast_in_dim3A_130 = vector.broadcast %broadcast_in_dim3A_129 : f32 to vector<16xf32>
    %swap3A_131 = arith.constant 512 : index
    %swap3A_132 = tpu.vector_load %arg26[%swap3A_131] {strides = array<i32>} : memref<2048xf32, #tpu.memory_space<vmem>>, vector<16xf32>,
    tpu.vector_store %arg26[%swap3A_131], %broadcast_in_dim3A_130 {strides = array<i32>} : memref<2048xf32, #tpu.memory_space<vmem>>, vector<16xf32>,
    %broadcast_in_dim3A_133 = arith.constant 1.000000e+00 : f32
    %broadcast_in_dim3A_134 = vector.broadcast %broadcast_in_dim3A_133 : f32 to vector<16xf32>
    %swap3A_135 = arith.constant 528 : index
    %swap3A_136 = tpu.vector_load %arg26[%swap3A_135] {strides = array<i32>} : memref<2048xf32, #tpu.memory_space<vmem>>, vector<16xf32>,
    tpu.vector_store %arg26[%swap3A_135], %broadcast_in_dim3A_134 {strides = array<i32>} : memref<2048xf32, #tpu.memory_space<vmem>>, vector<16xf32>,
    %broadcast_in_dim3A_137 = arith.constant 1.000000e+00 : f32
    %broadcast_in_dim3A_138 = vector.broadcast %broadcast_in_dim3A_137 : f32 to vector<16xf32>
    %swap3A_139 = arith.constant 544 : index
    %swap3A_140 = tpu.vector_load %arg26[%swap3A_139] {strides = array<i32>} : memref<2048xf32, #tpu.memory_space<vmem>>, vector<16xf32>,
    tpu.vector_store %arg26[%swap3A_139], %broadcast_in_dim3A_138 {strides = array<i32>} : memref<2048xf32, #tpu.memory_space<vmem>>, vector<16xf32>,
    %broadcast_in_dim3A_141 = arith.constant 1.000000e+00 : f32
    %broadcast_in_dim3A_142 = vector.broadcast %broadcast_in_dim3A_141 : f32 to vector<16xf32>
    %swap3A_143 = arith.constant 560 : index
    %swap3A_144 = tpu.vector_load %arg26[%swap3A_143] {strides = array<i32>} : memref<2048xf32, #tpu.memory_space<vmem>>, vector<16xf32>,
    tpu.vector_store %arg26[%swap3A_143], %broadcast_in_dim3A_142 {strides = array<i32>} : memref<2048xf32, #tpu.memory_space<vmem>>, vector<16xf32>,
    %broadcast_in_dim3A_145 = arith.constant 1.000000e+00 : f32
    %broadcast_in_dim3A_146 = vector.broadcast %broadcast_in_dim3A_145 : f32 to vector<16xf32>
    %swap3A_147 = arith.constant 576 : index
    %swap3A_148 = tpu.vector_load %arg26[%swap3A_147] {strides = array<i32>} : memref<2048xf32, #tpu.memory_space<vmem>>, vector<16xf32>,
    tpu.vector_store %arg26[%swap3A_147], %broadcast_in_dim3A_146 {strides = array<i32>} : memref<2048xf32, #tpu.memory_space<vmem>>, vector<16xf32>,
    %broadcast_in_dim3A_149 = arith.constant 1.000000e+00 : f32
    %broadcast_in_dim3A_150 = vector.broadcast %broadcast_in_dim3A_149 : f32 to vector<16xf32>
    %swap3A_151 = arith.constant 592 : index
    %swap3A_152 = tpu.vector_load %arg26[%swap3A_151] {strides = array<i32>} : memref<2048xf32, #tpu.memory_space<vmem>>, vector<16xf32>,
    tpu.vector_store %arg26[%swap3A_151], %broadcast_in_dim3A_150 {strides = array<i32>} : memref<2048xf32, #tpu.memory_space<vmem>>, vector<16xf32>,
    %broadcast_in_dim3A_153 = arith.constant 1.000000e+00 : f32
    %broadcast_in_dim3A_154 = vector.broadcast %broadcast_in_dim3A_153 : f32 to vector<16xf32>
    %swap3A_155 = arith.constant 608 : index
    %swap3A_156 = tpu.vector_load %arg26[%swap3A_155] {strides = array<i32>} : memref<2048xf32, #tpu.memory_space<vmem>>, vector<16xf32>,
    tpu.vector_store %arg26[%swap3A_155], %broadcast_in_dim3A_154 {strides = array<i32>} : memref<2048xf32, #tpu.memory_space<vmem>>, vector<16xf32>,
    %broadcast_in_dim3A_157 = arith.constant 1.000000e+00 : f32
    %broadcast_in_dim3A_158 = vector.broadcast %broadcast_in_dim3A_157 : f32 to vector<16xf32>
    %swap3A_159 = arith.constant 624 : index
    %swap3A_160 = tpu.vector_load %arg26[%swap3A_159] {strides = array<i32>} : memref<2048xf32, #tpu.memory_space<vmem>>, vector<16xf32>,
    tpu.vector_store %arg26[%swap3A_159], %broadcast_in_dim3A_158 {strides = array<i32>} : memref<2048xf32, #tpu.memory_space<vmem>>, vector<16xf32>,
    %broadcast_in_dim3A_161 = arith.constant 1.000000e+00 : f32
    %broadcast_in_dim3A_162 = vector.broadcast %broadcast_in_dim3A_161 : f32 to vector<16xf32>
    %swap3A_163 = arith.constant 640 : index
    %swap3A_164 = tpu.vector_load %arg26[%swap3A_163] {strides = array<i32>} : memref<2048xf32, #tpu.memory_space<vmem>>, vector<16xf32>,
    tpu.vector_store %arg26[%swap3A_163], %broadcast_in_dim3A_162 {strides = array<i32>} : memref<2048xf32, #tpu.memory_space<vmem>>, vector<16xf32>,
    %broadcast_in_dim3A_165 = arith.constant 1.000000e+00 : f32
    %broadcast_in_dim3A_166 = vector.broadcast %broadcast_in_dim3A_165 : f32 to vector<16xf32>
    %swap3A_167 = arith.constant 656 : index
    %swap3A_168 = tpu.vector_load %arg26[%swap3A_167] {strides = array<i32>} : memref<2048xf32, #tpu.memory_space<vmem>>, vector<16xf32>,
    tpu.vector_store %arg26[%swap3A_167], %broadcast_in_dim3A_166 {strides = array<i32>} : memref<2048xf32, #tpu.memory_space<vmem>>, vector<16xf32>,
    %broadcast_in_dim3A_169 = arith.constant 1.000000e+00 : f32
    %broadcast_in_dim3A_170 = vector.broadcast %broadcast_in_dim3A_169 : f32 to vector<16xf32>
    %swap3A_171 = arith.constant 672 : index
    %swap3A_172 = tpu.vector_load %arg26[%swap3A_171] {strides = array<i32>} : memref<2048xf32, #tpu.memory_space<vmem>>, vector<16xf32>,
    tpu.vector_store %arg26[%swap3A_171], %broadcast_in_dim3A_170 {strides = array<i32>} : memref<2048xf32, #tpu.memory_space<vmem>>, vector<16xf32>,
    %broadcast_in_dim3A_173 = arith.constant 1.000000e+00 : f32
    %broadcast_in_dim3A_174 = vector.broadcast %broadcast_in_dim3A_173 : f32 to vector<16xf32>
    %swap3A_175 = arith.constant 688 : index
    %swap3A_176 = tpu.vector_load %arg26[%swap3A_175] {strides = array<i32>} : memref<2048xf32, #tpu.memory_space<vmem>>, vector<16xf32>,
    tpu.vector_store %arg26[%swap3A_175], %broadcast_in_dim3A_174 {strides = array<i32>} : memref<2048xf32, #tpu.memory_space<vmem>>, vector<16xf32>,
    %broadcast_in_dim3A_177 = arith.constant 1.000000e+00 : f32
    %broadcast_in_dim3A_178 = vector.broadcast %broadcast_in_dim3A_177 : f32 to vector<16xf32>
    %swap3A_179 = arith.constant 704 : index
    %swap3A_180 = tpu.vector_load %arg26[%swap3A_179] {strides = array<i32>} : memref<2048xf32, #tpu.memory_space<vmem>>, vector<16xf32>,
    tpu.vector_store %arg26[%swap3A_179], %broadcast_in_dim3A_178 {strides = array<i32>} : memref<2048xf32, #tpu.memory_space<vmem>>, vector<16xf32>,
    %broadcast_in_dim3A_181 = arith.constant 1.000000e+00 : f32
    %broadcast_in_dim3A_182 = vector.broadcast %broadcast_in_dim3A_181 : f32 to vector<16xf32>
    %swap3A_183 = arith.constant 720 : index
    %swap3A_184 = tpu.vector_load %arg26[%swap3A_183] {strides = array<i32>} : memref<2048xf32, #tpu.memory_space<vmem>>, vector<16xf32>,
    tpu.vector_store %arg26[%swap3A_183], %broadcast_in_dim3A_182 {strides = array<i32>} : memref<2048xf32, #tpu.memory_space<vmem>>, vector<16xf32>,
    %broadcast_in_dim3A_185 = arith.constant 1.000000e+00 : f32
    %broadcast_in_dim3A_186 = vector.broadcast %broadcast_in_dim3A_185 : f32 to vector<16xf32>
    %swap3A_187 = arith.constant 736 : index
    %swap3A_188 = tpu.vector_load %arg26[%swap3A_187] {strides = array<i32>} : memref<2048xf32, #tpu.memory_space<vmem>>, vector<16xf32>,
    tpu.vector_store %arg26[%swap3A_187], %broadcast_in_dim3A_186 {strides = array<i32>} : memref<2048xf32, #tpu.memory_space<vmem>>, vector<16xf32>,
    %broadcast_in_dim3A_189 = arith.constant 1.000000e+00 : f32
    %broadcast_in_dim3A_190 = vector.broadcast %broadcast_in_dim3A_189 : f32 to vector<16xf32>
    %swap3A_191 = arith.constant 752 : index
    %swap3A_192 = tpu.vector_load %arg26[%swap3A_191] {strides = array<i32>} : memref<2048xf32, #tpu.memory_space<vmem>>, vector<16xf32>,
    tpu.vector_store %arg26[%swap3A_191], %broadcast_in_dim3A_190 {strides = array<i32>} : memref<2048xf32, #tpu.memory_space<vmem>>, vector<16xf32>,
    %broadcast_in_dim3A_193 = arith.constant 1.000000e+00 : f32
    %broadcast_in_dim3A_194 = vector.broadcast %broadcast_in_dim3A_193 : f32 to vector<16xf32>
    %swap3A_195 = arith.constant 768 : index
    %swap3A_196 = tpu.vector_load %arg26[%swap3A_195] {strides = array<i32>} : memref<2048xf32, #tpu.memory_space<vmem>>, vector<16xf32>,
    tpu.vector_store %arg26[%swap3A_195], %broadcast_in_dim3A_194 {strides = array<i32>} : memref<2048xf32, #tpu.memory_space<vmem>>, vector<16xf32>,
    %broadcast_in_dim3A_197 = arith.constant 1.000000e+00 : f32
    %broadcast_in_dim3A_198 = vector.broadcast %broadcast_in_dim3A_197 : f32 to vector<16xf32>
    %swap3A_199 = arith.constant 784 : index
    %swap3A_200 = tpu.vector_load %arg26[%swap3A_199] {strides = array<i32>} : memref<2048xf32, #tpu.memory_space<vmem>>, vector<16xf32>,
    tpu.vector_store %arg26[%swap3A_199], %broadcast_in_dim3A_198 {strides = array<i32>} : memref<2048xf32, #tpu.memory_space<vmem>>, vector<16xf32>,
    %broadcast_in_dim3A_201 = arith.constant 1.000000e+00 : f32
    %broadcast_in_dim3A_202 = vector.broadcast %broadcast_in_dim3A_201 : f32 to vector<16xf32>
    %swap3A_203 = arith.constant 800 : index
    %swap3A_204 = tpu.vector_load %arg26[%swap3A_203] {strides = array<i32>} : memref<2048xf32, #tpu.memory_space<vmem>>, vector<16xf32>,
    tpu.vector_store %arg26[%swap3A_203], %broadcast_in_dim3A_202 {strides = array<i32>} : memref<2048xf32, #tpu.memory_space<vmem>>, vector<16xf32>,
    %broadcast_in_dim3A_205 = arith.constant 1.000000e+00 : f32
    %broadcast_in_dim3A_206 = vector.broadcast %broadcast_in_dim3A_205 : f32 to vector<16xf32>
    %swap3A_207 = arith.constant 816 : index
    %swap3A_208 = tpu.vector_load %arg26[%swap3A_207] {strides = array<i32>} : memref<2048xf32, #tpu.memory_space<vmem>>, vector<16xf32>,
    tpu.vector_store %arg26[%swap3A_207], %broadcast_in_dim3A_206 {strides = array<i32>} : memref<2048xf32, #tpu.memory_space<vmem>>, vector<16xf32>,
    %broadcast_in_dim3A_209 = arith.constant 1.000000e+00 : f32
    %broadcast_in_dim3A_210 = vector.broadcast %broadcast_in_dim3A_209 : f32 to vector<16xf32>
    %swap3A_211 = arith.constant 832 : index
    %swap3A_212 = tpu.vector_load %arg26[%swap3A_211] {strides = array<i32>} : memref<2048xf32, #tpu.memory_space<vmem>>, vector<16xf32>,
    tpu.vector_store %arg26[%swap3A_211], %broadcast_in_dim3A_210 {strides = array<i32>} : memref<2048xf32, #tpu.memory_space<vmem>>, vector<16xf32>,
    %broadcast_in_dim3A_213 = arith.constant 1.000000e+00 : f32
    %broadcast_in_dim3A_214 = vector.broadcast %broadcast_in_dim3A_213 : f32 to vector<16xf32>
    %swap3A_215 = arith.constant 848 : index
    %swap3A_216 = tpu.vector_load %arg26[%swap3A_215] {strides = array<i32>} : memref<2048xf32, #tpu.memory_space<vmem>>, vector<16xf32>,
    tpu.vector_store %arg26[%swap3A_215], %broadcast_in_dim3A_214 {strides = array<i32>} : memref<2048xf32, #tpu.memory_space<vmem>>, vector<16xf32>,
    %broadcast_in_dim3A_217 = arith.constant 1.000000e+00 : f32
    %broadcast_in_dim3A_218 = vector.broadcast %broadcast_in_dim3A_217 : f32 to vector<16xf32>
    %swap3A_219 = arith.constant 864 : index
    %swap3A_220 = tpu.vector_load %arg26[%swap3A_219] {strides = array<i32>} : memref<2048xf32, #tpu.memory_space<vmem>>, vector<16xf32>,
    tpu.vector_store %arg26[%swap3A_219], %broadcast_in_dim3A_218 {strides = array<i32>} : memref<2048xf32, #tpu.memory_space<vmem>>, vector<16xf32>,
    %broadcast_in_dim3A_221 = arith.constant 1.000000e+00 : f32
    %broadcast_in_dim3A_222 = vector.broadcast %broadcast_in_dim3A_221 : f32 to vector<16xf32>
    %swap3A_223 = arith.constant 880 : index
    %swap3A_224 = tpu.vector_load %arg26[%swap3A_223] {strides = array<i32>} : memref<2048xf32, #tpu.memory_space<vmem>>, vector<16xf32>,
    tpu.vector_store %arg26[%swap3A_223], %broadcast_in_dim3A_222 {strides = array<i32>} : memref<2048xf32, #tpu.memory_space<vmem>>, vector<16xf32>,
    %broadcast_in_dim3A_225 = arith.constant 1.000000e+00 : f32
    %broadcast_in_dim3A_226 = vector.broadcast %broadcast_in_dim3A_225 : f32 to vector<16xf32>
    %swap3A_227 = arith.constant 896 : index
    %swap3A_228 = tpu.vector_load %arg26[%swap3A_227] {strides = array<i32>} : memref<2048xf32, #tpu.memory_space<vmem>>, vector<16xf32>,
    tpu.vector_store %arg26[%swap3A_227], %broadcast_in_dim3A_226 {strides = array<i32>} : memref<2048xf32, #tpu.memory_space<vmem>>, vector<16xf32>,
    %broadcast_in_dim3A_229 = arith.constant 1.000000e+00 : f32
    %broadcast_in_dim3A_230 = vector.broadcast %broadcast_in_dim3A_229 : f32 to vector<16xf32>
    %swap3A_231 = arith.constant 912 : index
    %swap3A_232 = tpu.vector_load %arg26[%swap3A_231] {strides = array<i32>} : memref<2048xf32, #tpu.memory_space<vmem>>, vector<16xf32>,
    tpu.vector_store %arg26[%swap3A_231], %broadcast_in_dim3A_230 {strides = array<i32>} : memref<2048xf32, #tpu.memory_space<vmem>>, vector<16xf32>,
    %broadcast_in_dim3A_233 = arith.constant 1.000000e+00 : f32
    %broadcast_in_dim3A_234 = vector.broadcast %broadcast_in_dim3A_233 : f32 to vector<16xf32>
    %swap3A_235 = arith.constant 928 : index
    %swap3A_236 = tpu.vector_load %arg26[%swap3A_235] {strides = array<i32>} : memref<2048xf32, #tpu.memory_space<vmem>>, vector<16xf32>,
    tpu.vector_store %arg26[%swap3A_235], %broadcast_in_dim3A_234 {strides = array<i32>} : memref<2048xf32, #tpu.memory_space<vmem>>, vector<16xf32>,
    %broadcast_in_dim3A_237 = arith.constant 1.000000e+00 : f32
    %broadcast_in_dim3A_238 = vector.broadcast %broadcast_in_dim3A_237 : f32 to vector<16xf32>
    %swap3A_239 = arith.constant 944 : index
    %swap3A_240 = tpu.vector_load %arg26[%swap3A_239] {strides = array<i32>} : memref<2048xf32, #tpu.memory_space<vmem>>, vector<16xf32>,
    tpu.vector_store %arg26[%swap3A_239], %broadcast_in_dim3A_238 {strides = array<i32>} : memref<2048xf32, #tpu.memory_space<vmem>>, vector<16xf32>,
    %broadcast_in_dim3A_241 = arith.constant 1.000000e+00 : f32
    %broadcast_in_dim3A_242 = vector.broadcast %broadcast_in_dim3A_241 : f32 to vector<16xf32>
    %swap3A_243 = arith.constant 960 : index
    %swap3A_244 = tpu.vector_load %arg26[%swap3A_243] {strides = array<i32>} : memref<2048xf32, #tpu.memory_space<vmem>>, vector<16xf32>,
    tpu.vector_store %arg26[%swap3A_243], %broadcast_in_dim3A_242 {strides = array<i32>} : memref<2048xf32, #tpu.memory_space<vmem>>, vector<16xf32>,
    %broadcast_in_dim3A_245 = arith.constant 1.000000e+00 : f32
    %broadcast_in_dim3A_246 = vector.broadcast %broadcast_in_dim3A_245 : f32 to vector<16xf32>
    %swap3A_247 = arith.constant 976 : index
    %swap3A_248 = tpu.vector_load %arg26[%swap3A_247] {strides = array<i32>} : memref<2048xf32, #tpu.memory_space<vmem>>, vector<16xf32>,
    tpu.vector_store %arg26[%swap3A_247], %broadcast_in_dim3A_246 {strides = array<i32>} : memref<2048xf32, #tpu.memory_space<vmem>>, vector<16xf32>,
    %broadcast_in_dim3A_249 = arith.constant 1.000000e+00 : f32
    %broadcast_in_dim3A_250 = vector.broadcast %broadcast_in_dim3A_249 : f32 to vector<16xf32>
    %swap3A_251 = arith.constant 992 : index
    %swap3A_252 = tpu.vector_load %arg26[%swap3A_251] {strides = array<i32>} : memref<2048xf32, #tpu.memory_space<vmem>>, vector<16xf32>,
    tpu.vector_store %arg26[%swap3A_251], %broadcast_in_dim3A_250 {strides = array<i32>} : memref<2048xf32, #tpu.memory_space<vmem>>, vector<16xf32>,
    %broadcast_in_dim3A_253 = arith.constant 1.000000e+00 : f32
    %broadcast_in_dim3A_254 = vector.broadcast %broadcast_in_dim3A_253 : f32 to vector<16xf32>
    %swap3A_255 = arith.constant 1008 : index
    %swap3A_256 = tpu.vector_load %arg26[%swap3A_255] {strides = array<i32>} : memref<2048xf32, #tpu.memory_space<vmem>>, vector<16xf32>,
    tpu.vector_store %arg26[%swap3A_255], %broadcast_in_dim3A_254 {strides = array<i32>} : memref<2048xf32, #tpu.memory_space<vmem>>, vector<16xf32>,
    %broadcast_in_dim3A_257 = arith.constant 1.000000e+00 : f32
    %broadcast_in_dim3A_258 = vector.broadcast %broadcast_in_dim3A_257 : f32 to vector<16xf32>
    %swap3A_259 = arith.constant 1024 : index
    %swap3A_260 = tpu.vector_load %arg26[%swap3A_259] {strides = array<i32>} : memref<2048xf32, #tpu.memory_space<vmem>>, vector<16xf32>,
    tpu.vector_store %arg26[%swap3A_259], %broadcast_in_dim3A_258 {strides = array<i32>} : memref<2048xf32, #tpu.memory_space<vmem>>, vector<16xf32>,
    %broadcast_in_dim3A_261 = arith.constant 1.000000e+00 : f32
    %broadcast_in_dim3A_262 = vector.broadcast %broadcast_in_dim3A_261 : f32 to vector<16xf32>
    %swap3A_263 = arith.constant 1040 : index
    %swap3A_264 = tpu.vector_load %arg26[%swap3A_263] {strides = array<i32>} : memref<2048xf32, #tpu.memory_space<vmem>>, vector<16xf32>,
    tpu.vector_store %arg26[%swap3A_263], %broadcast_in_dim3A_262 {strides = array<i32>} : memref<2048xf32, #tpu.memory_space<vmem>>, vector<16xf32>,
    %broadcast_in_dim3A_265 = arith.constant 1.000000e+00 : f32
    %broadcast_in_dim3A_266 = vector.broadcast %broadcast_in_dim3A_265 : f32 to vector<16xf32>
    %swap3A_267 = arith.constant 1056 : index
    %swap3A_268 = tpu.vector_load %arg26[%swap3A_267] {strides = array<i32>} : memref<2048xf32, #tpu.memory_space<vmem>>, vector<16xf32>,
    tpu.vector_store %arg26[%swap3A_267], %broadcast_in_dim3A_266 {strides = array<i32>} : memref<2048xf32, #tpu.memory_space<vmem>>, vector<16xf32>,
    %broadcast_in_dim3A_269 = arith.constant 1.000000e+00 : f32
    %broadcast_in_dim3A_270 = vector.broadcast %broadcast_in_dim3A_269 : f32 to vector<16xf32>
    %swap3A_271 = arith.constant 1072 : index
    %swap3A_272 = tpu.vector_load %arg26[%swap3A_271] {strides = array<i32>} : memref<2048xf32, #tpu.memory_space<vmem>>, vector<16xf32>,
    tpu.vector_store %arg26[%swap3A_271], %broadcast_in_dim3A_270 {strides = array<i32>} : memref<2048xf32, #tpu.memory_space<vmem>>, vector<16xf32>,
    %broadcast_in_dim3A_273 = arith.constant 1.000000e+00 : f32
    %broadcast_in_dim3A_274 = vector.broadcast %broadcast_in_dim3A_273 : f32 to vector<16xf32>
    %swap3A_275 = arith.constant 1088 : index
    %swap3A_276 = tpu.vector_load %arg26[%swap3A_275] {strides = array<i32>} : memref<2048xf32, #tpu.memory_space<vmem>>, vector<16xf32>,
    tpu.vector_store %arg26[%swap3A_275], %broadcast_in_dim3A_274 {strides = array<i32>} : memref<2048xf32, #tpu.memory_space<vmem>>, vector<16xf32>,
    %broadcast_in_dim3A_277 = arith.constant 1.000000e+00 : f32
    %broadcast_in_dim3A_278 = vector.broadcast %broadcast_in_dim3A_277 : f32 to vector<16xf32>
    %swap3A_279 = arith.constant 1104 : index
    %swap3A_280 = tpu.vector_load %arg26[%swap3A_279] {strides = array<i32>} : memref<2048xf32, #tpu.memory_space<vmem>>, vector<16xf32>,
    tpu.vector_store %arg26[%swap3A_279], %broadcast_in_dim3A_278 {strides = array<i32>} : memref<2048xf32, #tpu.memory_space<vmem>>, vector<16xf32>,
    %broadcast_in_dim3A_281 = arith.constant 1.000000e+00 : f32
    %broadcast_in_dim3A_282 = vector.broadcast %broadcast_in_dim3A_281 : f32 to vector<16xf32>
    %swap3A_283 = arith.constant 1120 : index
    %swap3A_284 = tpu.vector_load %arg26[%swap3A_283] {strides = array<i32>} : memref<2048xf32, #tpu.memory_space<vmem>>, vector<16xf32>,
    tpu.vector_store %arg26[%swap3A_283], %broadcast_in_dim3A_282 {strides = array<i32>} : memref<2048xf32, #tpu.memory_space<vmem>>, vector<16xf32>,
    %broadcast_in_dim3A_285 = arith.constant 1.000000e+00 : f32
    %broadcast_in_dim3A_286 = vector.broadcast %broadcast_in_dim3A_285 : f32 to vector<16xf32>
    %swap3A_287 = arith.constant 1136 : index
    %swap3A_288 = tpu.vector_load %arg26[%swap3A_287] {strides = array<i32>} : memref<2048xf32, #tpu.memory_space<vmem>>, vector<16xf32>,
    tpu.vector_store %arg26[%swap3A_287], %broadcast_in_dim3A_286 {strides = array<i32>} : memref<2048xf32, #tpu.memory_space<vmem>>, vector<16xf32>,
    %broadcast_in_dim3A_289 = arith.constant 1.000000e+00 : f32
    %broadcast_in_dim3A_290 = vector.broadcast %broadcast_in_dim3A_289 : f32 to vector<16xf32>
    %swap3A_291 = arith.constant 1152 : index
    %swap3A_292 = tpu.vector_load %arg26[%swap3A_291] {strides = array<i32>} : memref<2048xf32, #tpu.memory_space<vmem>>, vector<16xf32>,
    tpu.vector_store %arg26[%swap3A_291], %broadcast_in_dim3A_290 {strides = array<i32>} : memref<2048xf32, #tpu.memory_space<vmem>>, vector<16xf32>,
    %broadcast_in_dim3A_293 = arith.constant 1.000000e+00 : f32
    %broadcast_in_dim3A_294 = vector.broadcast %broadcast_in_dim3A_293 : f32 to vector<16xf32>
    %swap3A_295 = arith.constant 1168 : index
    %swap3A_296 = tpu.vector_load %arg26[%swap3A_295] {strides = array<i32>} : memref<2048xf32, #tpu.memory_space<vmem>>, vector<16xf32>,
    tpu.vector_store %arg26[%swap3A_295], %broadcast_in_dim3A_294 {strides = array<i32>} : memref<2048xf32, #tpu.memory_space<vmem>>, vector<16xf32>,
    %broadcast_in_dim3A_297 = arith.constant 1.000000e+00 : f32
    %broadcast_in_dim3A_298 = vector.broadcast %broadcast_in_dim3A_297 : f32 to vector<16xf32>
    %swap3A_299 = arith.constant 1184 : index
    %swap3A_300 = tpu.vector_load %arg26[%swap3A_299] {strides = array<i32>} : memref<2048xf32, #tpu.memory_space<vmem>>, vector<16xf32>,
    tpu.vector_store %arg26[%swap3A_299], %broadcast_in_dim3A_298 {strides = array<i32>} : memref<2048xf32, #tpu.memory_space<vmem>>, vector<16xf32>,
    %broadcast_in_dim3A_301 = arith.constant 1.000000e+00 : f32
    %broadcast_in_dim3A_302 = vector.broadcast %broadcast_in_dim3A_301 : f32 to vector<16xf32>
    %swap3A_303 = arith.constant 1200 : index
    %swap3A_304 = tpu.vector_load %arg26[%swap3A_303] {strides = array<i32>} : memref<2048xf32, #tpu.memory_space<vmem>>, vector<16xf32>,
    tpu.vector_store %arg26[%swap3A_303], %broadcast_in_dim3A_302 {strides = array<i32>} : memref<2048xf32, #tpu.memory_space<vmem>>, vector<16xf32>,
    %broadcast_in_dim3A_305 = arith.constant 1.000000e+00 : f32
    %broadcast_in_dim3A_306 = vector.broadcast %broadcast_in_dim3A_305 : f32 to vector<16xf32>
    %swap3A_307 = arith.constant 1216 : index
    %swap3A_308 = tpu.vector_load %arg26[%swap3A_307] {strides = array<i32>} : memref<2048xf32, #tpu.memory_space<vmem>>, vector<16xf32>,
    tpu.vector_store %arg26[%swap3A_307], %broadcast_in_dim3A_306 {strides = array<i32>} : memref<2048xf32, #tpu.memory_space<vmem>>, vector<16xf32>,
    %broadcast_in_dim3A_309 = arith.constant 1.000000e+00 : f32
    %broadcast_in_dim3A_310 = vector.broadcast %broadcast_in_dim3A_309 : f32 to vector<16xf32>
    %swap3A_311 = arith.constant 1232 : index
    %swap3A_312 = tpu.vector_load %arg26[%swap3A_311] {strides = array<i32>} : memref<2048xf32, #tpu.memory_space<vmem>>, vector<16xf32>,
    tpu.vector_store %arg26[%swap3A_311], %broadcast_in_dim3A_310 {strides = array<i32>} : memref<2048xf32, #tpu.memory_space<vmem>>, vector<16xf32>,
    %broadcast_in_dim3A_313 = arith.constant 1.000000e+00 : f32
    %broadcast_in_dim3A_314 = vector.broadcast %broadcast_in_dim3A_313 : f32 to vector<16xf32>
    %swap3A_315 = arith.constant 1248 : index
    %swap3A_316 = tpu.vector_load %arg26[%swap3A_315] {strides = array<i32>} : memref<2048xf32, #tpu.memory_space<vmem>>, vector<16xf32>,
    tpu.vector_store %arg26[%swap3A_315], %broadcast_in_dim3A_314 {strides = array<i32>} : memref<2048xf32, #tpu.memory_space<vmem>>, vector<16xf32>,
    %broadcast_in_dim3A_317 = arith.constant 1.000000e+00 : f32
    %broadcast_in_dim3A_318 = vector.broadcast %broadcast_in_dim3A_317 : f32 to vector<16xf32>
    %swap3A_319 = arith.constant 1264 : index
    %swap3A_320 = tpu.vector_load %arg26[%swap3A_319] {strides = array<i32>} : memref<2048xf32, #tpu.memory_space<vmem>>, vector<16xf32>,
    tpu.vector_store %arg26[%swap3A_319], %broadcast_in_dim3A_318 {strides = array<i32>} : memref<2048xf32, #tpu.memory_space<vmem>>, vector<16xf32>,
    %broadcast_in_dim3A_321 = arith.constant 1.000000e+00 : f32
    %broadcast_in_dim3A_322 = vector.broadcast %broadcast_in_dim3A_321 : f32 to vector<16xf32>
    %swap3A_323 = arith.constant 1280 : index
    %swap3A_324 = tpu.vector_load %arg26[%swap3A_323] {strides = array<i32>} : memref<2048xf32, #tpu.memory_space<vmem>>, vector<16xf32>,
    tpu.vector_store %arg26[%swap3A_323], %broadcast_in_dim3A_322 {strides = array<i32>} : memref<2048xf32, #tpu.memory_space<vmem>>, vector<16xf32>,
    %broadcast_in_dim3A_325 = arith.constant 1.000000e+00 : f32
    %broadcast_in_dim3A_326 = vector.broadcast %broadcast_in_dim3A_325 : f32 to vector<16xf32>
    %swap3A_327 = arith.constant 1296 : index
    %swap3A_328 = tpu.vector_load %arg26[%swap3A_327] {strides = array<i32>} : memref<2048xf32, #tpu.memory_space<vmem>>, vector<16xf32>,
    tpu.vector_store %arg26[%swap3A_327], %broadcast_in_dim3A_326 {strides = array<i32>} : memref<2048xf32, #tpu.memory_space<vmem>>, vector<16xf32>,
    %broadcast_in_dim3A_329 = arith.constant 1.000000e+00 : f32
    %broadcast_in_dim3A_330 = vector.broadcast %broadcast_in_dim3A_329 : f32 to vector<16xf32>
    %swap3A_331 = arith.constant 1312 : index
    %swap3A_332 = tpu.vector_load %arg26[%swap3A_331] {strides = array<i32>} : memref<2048xf32, #tpu.memory_space<vmem>>, vector<16xf32>,
    tpu.vector_store %arg26[%swap3A_331], %broadcast_in_dim3A_330 {strides = array<i32>} : memref<2048xf32, #tpu.memory_space<vmem>>, vector<16xf32>,
    %broadcast_in_dim3A_333 = arith.constant 1.000000e+00 : f32
    %broadcast_in_dim3A_334 = vector.broadcast %broadcast_in_dim3A_333 : f32 to vector<16xf32>
    %swap3A_335 = arith.constant 1328 : index
    %swap3A_336 = tpu.vector_load %arg26[%swap3A_335] {strides = array<i32>} : memref<2048xf32, #tpu.memory_space<vmem>>, vector<16xf32>,
    tpu.vector_store %arg26[%swap3A_335], %broadcast_in_dim3A_334 {strides = array<i32>} : memref<2048xf32, #tpu.memory_space<vmem>>, vector<16xf32>,
    %broadcast_in_dim3A_337 = arith.constant 1.000000e+00 : f32
    %broadcast_in_dim3A_338 = vector.broadcast %broadcast_in_dim3A_337 : f32 to vector<16xf32>
    %swap3A_339 = arith.constant 1344 : index
    %swap3A_340 = tpu.vector_load %arg26[%swap3A_339] {strides = array<i32>} : memref<2048xf32, #tpu.memory_space<vmem>>, vector<16xf32>,
    tpu.vector_store %arg26[%swap3A_339], %broadcast_in_dim3A_338 {strides = array<i32>} : memref<2048xf32, #tpu.memory_space<vmem>>, vector<16xf32>,
    %broadcast_in_dim3A_341 = arith.constant 1.000000e+00 : f32
    %broadcast_in_dim3A_342 = vector.broadcast %broadcast_in_dim3A_341 : f32 to vector<16xf32>
    %swap3A_343 = arith.constant 1360 : index
    %swap3A_344 = tpu.vector_load %arg26[%swap3A_343] {strides = array<i32>} : memref<2048xf32, #tpu.memory_space<vmem>>, vector<16xf32>,
    tpu.vector_store %arg26[%swap3A_343], %broadcast_in_dim3A_342 {strides = array<i32>} : memref<2048xf32, #tpu.memory_space<vmem>>, vector<16xf32>,
    %broadcast_in_dim3A_345 = arith.constant 1.000000e+00 : f32
    %broadcast_in_dim3A_346 = vector.broadcast %broadcast_in_dim3A_345 : f32 to vector<16xf32>
    %swap3A_347 = arith.constant 1376 : index
    %swap3A_348 = tpu.vector_load %arg26[%swap3A_347] {strides = array<i32>} : memref<2048xf32, #tpu.memory_space<vmem>>, vector<16xf32>,
    tpu.vector_store %arg26[%swap3A_347], %broadcast_in_dim3A_346 {strides = array<i32>} : memref<2048xf32, #tpu.memory_space<vmem>>, vector<16xf32>,
    %broadcast_in_dim3A_349 = arith.constant 1.000000e+00 : f32
    %broadcast_in_dim3A_350 = vector.broadcast %broadcast_in_dim3A_349 : f32 to vector<16xf32>
    %swap3A_351 = arith.constant 1392 : index
    %swap3A_352 = tpu.vector_load %arg26[%swap3A_351] {strides = array<i32>} : memref<2048xf32, #tpu.memory_space<vmem>>, vector<16xf32>,
    tpu.vector_store %arg26[%swap3A_351], %broadcast_in_dim3A_350 {strides = array<i32>} : memref<2048xf32, #tpu.memory_space<vmem>>, vector<16xf32>,
    %broadcast_in_dim3A_353 = arith.constant 1.000000e+00 : f32
    %broadcast_in_dim3A_354 = vector.broadcast %broadcast_in_dim3A_353 : f32 to vector<16xf32>
    %swap3A_355 = arith.constant 1408 : index
    %swap3A_356 = tpu.vector_load %arg26[%swap3A_355] {strides = array<i32>} : memref<2048xf32, #tpu.memory_space<vmem>>, vector<16xf32>,
    tpu.vector_store %arg26[%swap3A_355], %broadcast_in_dim3A_354 {strides = array<i32>} : memref<2048xf32, #tpu.memory_space<vmem>>, vector<16xf32>,
    %broadcast_in_dim3A_357 = arith.constant 1.000000e+00 : f32
    %broadcast_in_dim3A_358 = vector.broadcast %broadcast_in_dim3A_357 : f32 to vector<16xf32>
    %swap3A_359 = arith.constant 1424 : index
    %swap3A_360 = tpu.vector_load %arg26[%swap3A_359] {strides = array<i32>} : memref<2048xf32, #tpu.memory_space<vmem>>, vector<16xf32>,
    tpu.vector_store %arg26[%swap3A_359], %broadcast_in_dim3A_358 {strides = array<i32>} : memref<2048xf32, #tpu.memory_space<vmem>>, vector<16xf32>,
    %broadcast_in_dim3A_361 = arith.constant 1.000000e+00 : f32
    %broadcast_in_dim3A_362 = vector.broadcast %broadcast_in_dim3A_361 : f32 to vector<16xf32>
    %swap3A_363 = arith.constant 1440 : index
    %swap3A_364 = tpu.vector_load %arg26[%swap3A_363] {strides = array<i32>} : memref<2048xf32, #tpu.memory_space<vmem>>, vector<16xf32>,
    tpu.vector_store %arg26[%swap3A_363], %broadcast_in_dim3A_362 {strides = array<i32>} : memref<2048xf32, #tpu.memory_space<vmem>>, vector<16xf32>,
    %broadcast_in_dim3A_365 = arith.constant 1.000000e+00 : f32
    %broadcast_in_dim3A_366 = vector.broadcast %broadcast_in_dim3A_365 : f32 to vector<16xf32>
    %swap3A_367 = arith.constant 1456 : index
    %swap3A_368 = tpu.vector_load %arg26[%swap3A_367] {strides = array<i32>} : memref<2048xf32, #tpu.memory_space<vmem>>, vector<16xf32>,
    tpu.vector_store %arg26[%swap3A_367], %broadcast_in_dim3A_366 {strides = array<i32>} : memref<2048xf32, #tpu.memory_space<vmem>>, vector<16xf32>,
    %broadcast_in_dim3A_369 = arith.constant 1.000000e+00 : f32
    %broadcast_in_dim3A_370 = vector.broadcast %broadcast_in_dim3A_369 : f32 to vector<16xf32>
    %swap3A_371 = arith.constant 1472 : index
    %swap3A_372 = tpu.vector_load %arg26[%swap3A_371] {strides = array<i32>} : memref<2048xf32, #tpu.memory_space<vmem>>, vector<16xf32>,
    tpu.vector_store %arg26[%swap3A_371], %broadcast_in_dim3A_370 {strides = array<i32>} : memref<2048xf32, #tpu.memory_space<vmem>>, vector<16xf32>,
    %broadcast_in_dim3A_373 = arith.constant 1.000000e+00 : f32
    %broadcast_in_dim3A_374 = vector.broadcast %broadcast_in_dim3A_373 : f32 to vector<16xf32>
    %swap3A_375 = arith.constant 1488 : index
    %swap3A_376 = tpu.vector_load %arg26[%swap3A_375] {strides = array<i32>} : memref<2048xf32, #tpu.memory_space<vmem>>, vector<16xf32>,
    tpu.vector_store %arg26[%swap3A_375], %broadcast_in_dim3A_374 {strides = array<i32>} : memref<2048xf32, #tpu.memory_space<vmem>>, vector<16xf32>,
    %broadcast_in_dim3A_377 = arith.constant 1.000000e+00 : f32
    %broadcast_in_dim3A_378 = vector.broadcast %broadcast_in_dim3A_377 : f32 to vector<16xf32>
    %swap3A_379 = arith.constant 1504 : index
    %swap3A_380 = tpu.vector_load %arg26[%swap3A_379] {strides = array<i32>} : memref<2048xf32, #tpu.memory_space<vmem>>, vector<16xf32>,
    tpu.vector_store %arg26[%swap3A_379], %broadcast_in_dim3A_378 {strides = array<i32>} : memref<2048xf32, #tpu.memory_space<vmem>>, vector<16xf32>,
    %broadcast_in_dim3A_381 = arith.constant 1.000000e+00 : f32
    %broadcast_in_dim3A_382 = vector.broadcast %broadcast_in_dim3A_381 : f32 to vector<16xf32>
    %swap3A_383 = arith.constant 1520 : index
    %swap3A_384 = tpu.vector_load %arg26[%swap3A_383] {strides = array<i32>} : memref<2048xf32, #tpu.memory_space<vmem>>, vector<16xf32>,
    tpu.vector_store %arg26[%swap3A_383], %broadcast_in_dim3A_382 {strides = array<i32>} : memref<2048xf32, #tpu.memory_space<vmem>>, vector<16xf32>,
    %broadcast_in_dim3A_385 = arith.constant 1.000000e+00 : f32
    %broadcast_in_dim3A_386 = vector.broadcast %broadcast_in_dim3A_385 : f32 to vector<16xf32>
    %swap3A_387 = arith.constant 1536 : index
    %swap3A_388 = tpu.vector_load %arg26[%swap3A_387] {strides = array<i32>} : memref<2048xf32, #tpu.memory_space<vmem>>, vector<16xf32>,
    tpu.vector_store %arg26[%swap3A_387], %broadcast_in_dim3A_386 {strides = array<i32>} : memref<2048xf32, #tpu.memory_space<vmem>>, vector<16xf32>,
    %broadcast_in_dim3A_389 = arith.constant 1.000000e+00 : f32
    %broadcast_in_dim3A_390 = vector.broadcast %broadcast_in_dim3A_389 : f32 to vector<16xf32>
    %swap3A_391 = arith.constant 1552 : index
    %swap3A_392 = tpu.vector_load %arg26[%swap3A_391] {strides = array<i32>} : memref<2048xf32, #tpu.memory_space<vmem>>, vector<16xf32>,
    tpu.vector_store %arg26[%swap3A_391], %broadcast_in_dim3A_390 {strides = array<i32>} : memref<2048xf32, #tpu.memory_space<vmem>>, vector<16xf32>,
    %broadcast_in_dim3A_393 = arith.constant 1.000000e+00 : f32
    %broadcast_in_dim3A_394 = vector.broadcast %broadcast_in_dim3A_393 : f32 to vector<16xf32>
    %swap3A_395 = arith.constant 1568 : index
    %swap3A_396 = tpu.vector_load %arg26[%swap3A_395] {strides = array<i32>} : memref<2048xf32, #tpu.memory_space<vmem>>, vector<16xf32>,
    tpu.vector_store %arg26[%swap3A_395], %broadcast_in_dim3A_394 {strides = array<i32>} : memref<2048xf32, #tpu.memory_space<vmem>>, vector<16xf32>,
    %broadcast_in_dim3A_397 = arith.constant 1.000000e+00 : f32
    %broadcast_in_dim3A_398 = vector.broadcast %broadcast_in_dim3A_397 : f32 to vector<16xf32>
    %swap3A_399 = arith.constant 1584 : index
    %swap3A_400 = tpu.vector_load %arg26[%swap3A_399] {strides = array<i32>} : memref<2048xf32, #tpu.memory_space<vmem>>, vector<16xf32>,
    tpu.vector_store %arg26[%swap3A_399], %broadcast_in_dim3A_398 {strides = array<i32>} : memref<2048xf32, #tpu.memory_space<vmem>>, vector<16xf32>,
    %broadcast_in_dim3A_401 = arith.constant 1.000000e+00 : f32
    %broadcast_in_dim3A_402 = vector.broadcast %broadcast_in_dim3A_401 : f32 to vector<16xf32>
    %swap3A_403 = arith.constant 1600 : index
    %swap3A_404 = tpu.vector_load %arg26[%swap3A_403] {strides = array<i32>} : memref<2048xf32, #tpu.memory_space<vmem>>, vector<16xf32>,
    tpu.vector_store %arg26[%swap3A_403], %broadcast_in_dim3A_402 {strides = array<i32>} : memref<2048xf32, #tpu.memory_space<vmem>>, vector<16xf32>,
    %broadcast_in_dim3A_405 = arith.constant 1.000000e+00 : f32
    %broadcast_in_dim3A_406 = vector.broadcast %broadcast_in_dim3A_405 : f32 to vector<16xf32>
    %swap3A_407 = arith.constant 1616 : index
    %swap3A_408 = tpu.vector_load %arg26[%swap3A_407] {strides = array<i32>} : memref<2048xf32, #tpu.memory_space<vmem>>, vector<16xf32>,
    tpu.vector_store %arg26[%swap3A_407], %broadcast_in_dim3A_406 {strides = array<i32>} : memref<2048xf32, #tpu.memory_space<vmem>>, vector<16xf32>,
    %broadcast_in_dim3A_409 = arith.constant 1.000000e+00 : f32
    %broadcast_in_dim3A_410 = vector.broadcast %broadcast_in_dim3A_409 : f32 to vector<16xf32>
    %swap3A_411 = arith.constant 1632 : index
    %swap3A_412 = tpu.vector_load %arg26[%swap3A_411] {strides = array<i32>} : memref<2048xf32, #tpu.memory_space<vmem>>, vector<16xf32>,
    tpu.vector_store %arg26[%swap3A_411], %broadcast_in_dim3A_410 {strides = array<i32>} : memref<2048xf32, #tpu.memory_space<vmem>>, vector<16xf32>,
    %broadcast_in_dim3A_413 = arith.constant 1.000000e+00 : f32
    %broadcast_in_dim3A_414 = vector.broadcast %broadcast_in_dim3A_413 : f32 to vector<16xf32>
    %swap3A_415 = arith.constant 1648 : index
    %swap3A_416 = tpu.vector_load %arg26[%swap3A_415] {strides = array<i32>} : memref<2048xf32, #tpu.memory_space<vmem>>, vector<16xf32>,
    tpu.vector_store %arg26[%swap3A_415], %broadcast_in_dim3A_414 {strides = array<i32>} : memref<2048xf32, #tpu.memory_space<vmem>>, vector<16xf32>,
    %broadcast_in_dim3A_417 = arith.constant 1.000000e+00 : f32
    %broadcast_in_dim3A_418 = vector.broadcast %broadcast_in_dim3A_417 : f32 to vector<16xf32>
    %swap3A_419 = arith.constant 1664 : index
    %swap3A_420 = tpu.vector_load %arg26[%swap3A_419] {strides = array<i32>} : memref<2048xf32, #tpu.memory_space<vmem>>, vector<16xf32>,
    tpu.vector_store %arg26[%swap3A_419], %broadcast_in_dim3A_418 {strides = array<i32>} : memref<2048xf32, #tpu.memory_space<vmem>>, vector<16xf32>,
    %broadcast_in_dim3A_421 = arith.constant 1.000000e+00 : f32
    %broadcast_in_dim3A_422 = vector.broadcast %broadcast_in_dim3A_421 : f32 to vector<16xf32>
    %swap3A_423 = arith.constant 1680 : index
    %swap3A_424 = tpu.vector_load %arg26[%swap3A_423] {strides = array<i32>} : memref<2048xf32, #tpu.memory_space<vmem>>, vector<16xf32>,
    tpu.vector_store %arg26[%swap3A_423], %broadcast_in_dim3A_422 {strides = array<i32>} : memref<2048xf32, #tpu.memory_space<vmem>>, vector<16xf32>,
    %broadcast_in_dim3A_425 = arith.constant 1.000000e+00 : f32
    %broadcast_in_dim3A_426 = vector.broadcast %broadcast_in_dim3A_425 : f32 to vector<16xf32>
    %swap3A_427 = arith.constant 1696 : index
    %swap3A_428 = tpu.vector_load %arg26[%swap3A_427] {strides = array<i32>} : memref<2048xf32, #tpu.memory_space<vmem>>, vector<16xf32>,
    tpu.vector_store %arg26[%swap3A_427], %broadcast_in_dim3A_426 {strides = array<i32>} : memref<2048xf32, #tpu.memory_space<vmem>>, vector<16xf32>,
    %broadcast_in_dim3A_429 = arith.constant 1.000000e+00 : f32
    %broadcast_in_dim3A_430 = vector.broadcast %broadcast_in_dim3A_429 : f32 to vector<16xf32>
    %swap3A_431 = arith.constant 1712 : index
    %swap3A_432 = tpu.vector_load %arg26[%swap3A_431] {strides = array<i32>} : memref<2048xf32, #tpu.memory_space<vmem>>, vector<16xf32>,
    tpu.vector_store %arg26[%swap3A_431], %broadcast_in_dim3A_430 {strides = array<i32>} : memref<2048xf32, #tpu.memory_space<vmem>>, vector<16xf32>,
    %broadcast_in_dim3A_433 = arith.constant 1.000000e+00 : f32
    %broadcast_in_dim3A_434 = vector.broadcast %broadcast_in_dim3A_433 : f32 to vector<16xf32>
    %swap3A_435 = arith.constant 1728 : index
    %swap3A_436 = tpu.vector_load %arg26[%swap3A_435] {strides = array<i32>} : memref<2048xf32, #tpu.memory_space<vmem>>, vector<16xf32>,
    tpu.vector_store %arg26[%swap3A_435], %broadcast_in_dim3A_434 {strides = array<i32>} : memref<2048xf32, #tpu.memory_space<vmem>>, vector<16xf32>,
    %broadcast_in_dim3A_437 = arith.constant 1.000000e+00 : f32
    %broadcast_in_dim3A_438 = vector.broadcast %broadcast_in_dim3A_437 : f32 to vector<16xf32>
    %swap3A_439 = arith.constant 1744 : index
    %swap3A_440 = tpu.vector_load %arg26[%swap3A_439] {strides = array<i32>} : memref<2048xf32, #tpu.memory_space<vmem>>, vector<16xf32>,
    tpu.vector_store %arg26[%swap3A_439], %broadcast_in_dim3A_438 {strides = array<i32>} : memref<2048xf32, #tpu.memory_space<vmem>>, vector<16xf32>,
    %broadcast_in_dim3A_441 = arith.constant 1.000000e+00 : f32
    %broadcast_in_dim3A_442 = vector.broadcast %broadcast_in_dim3A_441 : f32 to vector<16xf32>
    %swap3A_443 = arith.constant 1760 : index
    %swap3A_444 = tpu.vector_load %arg26[%swap3A_443] {strides = array<i32>} : memref<2048xf32, #tpu.memory_space<vmem>>, vector<16xf32>,
    tpu.vector_store %arg26[%swap3A_443], %broadcast_in_dim3A_442 {strides = array<i32>} : memref<2048xf32, #tpu.memory_space<vmem>>, vector<16xf32>,
    %broadcast_in_dim3A_445 = arith.constant 1.000000e+00 : f32
    %broadcast_in_dim3A_446 = vector.broadcast %broadcast_in_dim3A_445 : f32 to vector<16xf32>
    %swap3A_447 = arith.constant 1776 : index
    %swap3A_448 = tpu.vector_load %arg26[%swap3A_447] {strides = array<i32>} : memref<2048xf32, #tpu.memory_space<vmem>>, vector<16xf32>,
    tpu.vector_store %arg26[%swap3A_447], %broadcast_in_dim3A_446 {strides = array<i32>} : memref<2048xf32, #tpu.memory_space<vmem>>, vector<16xf32>,
    %broadcast_in_dim3A_449 = arith.constant 1.000000e+00 : f32
    %broadcast_in_dim3A_450 = vector.broadcast %broadcast_in_dim3A_449 : f32 to vector<16xf32>
    %swap3A_451 = arith.constant 1792 : index
    %swap3A_452 = tpu.vector_load %arg26[%swap3A_451] {strides = array<i32>} : memref<2048xf32, #tpu.memory_space<vmem>>, vector<16xf32>,
    tpu.vector_store %arg26[%swap3A_451], %broadcast_in_dim3A_450 {strides = array<i32>} : memref<2048xf32, #tpu.memory_space<vmem>>, vector<16xf32>,
    %broadcast_in_dim3A_453 = arith.constant 1.000000e+00 : f32
    %broadcast_in_dim3A_454 = vector.broadcast %broadcast_in_dim3A_453 : f32 to vector<16xf32>
    %swap3A_455 = arith.constant 1808 : index
    %swap3A_456 = tpu.vector_load %arg26[%swap3A_455] {strides = array<i32>} : memref<2048xf32, #tpu.memory_space<vmem>>, vector<16xf32>,
    tpu.vector_store %arg26[%swap3A_455], %broadcast_in_dim3A_454 {strides = array<i32>} : memref<2048xf32, #tpu.memory_space<vmem>>, vector<16xf32>,
    %broadcast_in_dim3A_457 = arith.constant 1.000000e+00 : f32
    %broadcast_in_dim3A_458 = vector.broadcast %broadcast_in_dim3A_457 : f32 to vector<16xf32>
    %swap3A_459 = arith.constant 1824 : index
    %swap3A_460 = tpu.vector_load %arg26[%swap3A_459] {strides = array<i32>} : memref<2048xf32, #tpu.memory_space<vmem>>, vector<16xf32>,
    tpu.vector_store %arg26[%swap3A_459], %broadcast_in_dim3A_458 {strides = array<i32>} : memref<2048xf32, #tpu.memory_space<vmem>>, vector<16xf32>,
    %broadcast_in_dim3A_461 = arith.constant 1.000000e+00 : f32
    %broadcast_in_dim3A_462 = vector.broadcast %broadcast_in_dim3A_461 : f32 to vector<16xf32>
    %swap3A_463 = arith.constant 1840 : index
    %swap3A_464 = tpu.vector_load %arg26[%swap3A_463] {strides = array<i32>} : memref<2048xf32, #tpu.memory_space<vmem>>, vector<16xf32>,
    tpu.vector_store %arg26[%swap3A_463], %broadcast_in_dim3A_462 {strides = array<i32>} : memref<2048xf32, #tpu.memory_space<vmem>>, vector<16xf32>,
    %broadcast_in_dim3A_465 = arith.constant 1.000000e+00 : f32
    %broadcast_in_dim3A_466 = vector.broadcast %broadcast_in_dim3A_465 : f32 to vector<16xf32>
    %swap3A_467 = arith.constant 1856 : index
    %swap3A_468 = tpu.vector_load %arg26[%swap3A_467] {strides = array<i32>} : memref<2048xf32, #tpu.memory_space<vmem>>, vector<16xf32>,
    tpu.vector_store %arg26[%swap3A_467], %broadcast_in_dim3A_466 {strides = array<i32>} : memref<2048xf32, #tpu.memory_space<vmem>>, vector<16xf32>,
    %broadcast_in_dim3A_469 = arith.constant 1.000000e+00 : f32
    %broadcast_in_dim3A_470 = vector.broadcast %broadcast_in_dim3A_469 : f32 to vector<16xf32>
    %swap3A_471 = arith.constant 1872 : index
    %swap3A_472 = tpu.vector_load %arg26[%swap3A_471] {strides = array<i32>} : memref<2048xf32, #tpu.memory_space<vmem>>, vector<16xf32>,
    tpu.vector_store %arg26[%swap3A_471], %broadcast_in_dim3A_470 {strides = array<i32>} : memref<2048xf32, #tpu.memory_space<vmem>>, vector<16xf32>,
    %broadcast_in_dim3A_473 = arith.constant 1.000000e+00 : f32
    %broadcast_in_dim3A_474 = vector.broadcast %broadcast_in_dim3A_473 : f32 to vector<16xf32>
    %swap3A_475 = arith.constant 1888 : index
    %swap3A_476 = tpu.vector_load %arg26[%swap3A_475] {strides = array<i32>} : memref<2048xf32, #tpu.memory_space<vmem>>, vector<16xf32>,
    tpu.vector_store %arg26[%swap3A_475], %broadcast_in_dim3A_474 {strides = array<i32>} : memref<2048xf32, #tpu.memory_space<vmem>>, vector<16xf32>,
    %broadcast_in_dim3A_477 = arith.constant 1.000000e+00 : f32
    %broadcast_in_dim3A_478 = vector.broadcast %broadcast_in_dim3A_477 : f32 to vector<16xf32>
    %swap3A_479 = arith.constant 1904 : index
    %swap3A_480 = tpu.vector_load %arg26[%swap3A_479] {strides = array<i32>} : memref<2048xf32, #tpu.memory_space<vmem>>, vector<16xf32>,
    tpu.vector_store %arg26[%swap3A_479], %broadcast_in_dim3A_478 {strides = array<i32>} : memref<2048xf32, #tpu.memory_space<vmem>>, vector<16xf32>,
    %broadcast_in_dim3A_481 = arith.constant 1.000000e+00 : f32
    %broadcast_in_dim3A_482 = vector.broadcast %broadcast_in_dim3A_481 : f32 to vector<16xf32>
    %swap3A_483 = arith.constant 1920 : index
    %swap3A_484 = tpu.vector_load %arg26[%swap3A_483] {strides = array<i32>} : memref<2048xf32, #tpu.memory_space<vmem>>, vector<16xf32>,
    tpu.vector_store %arg26[%swap3A_483], %broadcast_in_dim3A_482 {strides = array<i32>} : memref<2048xf32, #tpu.memory_space<vmem>>, vector<16xf32>,
    %broadcast_in_dim3A_485 = arith.constant 1.000000e+00 : f32
    %broadcast_in_dim3A_486 = vector.broadcast %broadcast_in_dim3A_485 : f32 to vector<16xf32>
    %swap3A_487 = arith.constant 1936 : index
    %swap3A_488 = tpu.vector_load %arg26[%swap3A_487] {strides = array<i32>} : memref<2048xf32, #tpu.memory_space<vmem>>, vector<16xf32>,
    tpu.vector_store %arg26[%swap3A_487], %broadcast_in_dim3A_486 {strides = array<i32>} : memref<2048xf32, #tpu.memory_space<vmem>>, vector<16xf32>,
    %broadcast_in_dim3A_489 = arith.constant 1.000000e+00 : f32
    %broadcast_in_dim3A_490 = vector.broadcast %broadcast_in_dim3A_489 : f32 to vector<16xf32>
    %swap3A_491 = arith.constant 1952 : index
    %swap3A_492 = tpu.vector_load %arg26[%swap3A_491] {strides = array<i32>} : memref<2048xf32, #tpu.memory_space<vmem>>, vector<16xf32>,
    tpu.vector_store %arg26[%swap3A_491], %broadcast_in_dim3A_490 {strides = array<i32>} : memref<2048xf32, #tpu.memory_space<vmem>>, vector<16xf32>,
    %broadcast_in_dim3A_493 = arith.constant 1.000000e+00 : f32
    %broadcast_in_dim3A_494 = vector.broadcast %broadcast_in_dim3A_493 : f32 to vector<16xf32>
    %swap3A_495 = arith.constant 1968 : index
    %swap3A_496 = tpu.vector_load %arg26[%swap3A_495] {strides = array<i32>} : memref<2048xf32, #tpu.memory_space<vmem>>, vector<16xf32>,
    tpu.vector_store %arg26[%swap3A_495], %broadcast_in_dim3A_494 {strides = array<i32>} : memref<2048xf32, #tpu.memory_space<vmem>>, vector<16xf32>,
    %broadcast_in_dim3A_497 = arith.constant 1.000000e+00 : f32
    %broadcast_in_dim3A_498 = vector.broadcast %broadcast_in_dim3A_497 : f32 to vector<16xf32>
    %swap3A_499 = arith.constant 1984 : index
    %swap3A_500 = tpu.vector_load %arg26[%swap3A_499] {strides = array<i32>} : memref<2048xf32, #tpu.memory_space<vmem>>, vector<16xf32>,
    tpu.vector_store %arg26[%swap3A_499], %broadcast_in_dim3A_498 {strides = array<i32>} : memref<2048xf32, #tpu.memory_space<vmem>>, vector<16xf32>,
    %broadcast_in_dim3A_501 = arith.constant 1.000000e+00 : f32
    %broadcast_in_dim3A_502 = vector.broadcast %broadcast_in_dim3A_501 : f32 to vector<16xf32>
    %swap3A_503 = arith.constant 2000 : index
    %swap3A_504 = tpu.vector_load %arg26[%swap3A_503] {strides = array<i32>} : memref<2048xf32, #tpu.memory_space<vmem>>, vector<16xf32>,
    tpu.vector_store %arg26[%swap3A_503], %broadcast_in_dim3A_502 {strides = array<i32>} : memref<2048xf32, #tpu.memory_space<vmem>>, vector<16xf32>,
    %broadcast_in_dim3A_505 = arith.constant 1.000000e+00 : f32
    %broadcast_in_dim3A_506 = vector.broadcast %broadcast_in_dim3A_505 : f32 to vector<16xf32>
    %swap3A_507 = arith.constant 2016 : index
    %swap3A_508 = tpu.vector_load %arg26[%swap3A_507] {strides = array<i32>} : memref<2048xf32, #tpu.memory_space<vmem>>, vector<16xf32>,
    tpu.vector_store %arg26[%swap3A_507], %broadcast_in_dim3A_506 {strides = array<i32>} : memref<2048xf32, #tpu.memory_space<vmem>>, vector<16xf32>,
    %broadcast_in_dim3A_509 = arith.constant 1.000000e+00 : f32
    %broadcast_in_dim3A_510 = vector.broadcast %broadcast_in_dim3A_509 : f32 to vector<16xf32>
    %swap3A_511 = arith.constant 2032 : index
    %swap3A_512 = tpu.vector_load %arg26[%swap3A_511] {strides = array<i32>} : memref<2048xf32, #tpu.memory_space<vmem>>, vector<16xf32>,
    tpu.vector_store %arg26[%swap3A_511], %broadcast_in_dim3A_510 {strides = array<i32>} : memref<2048xf32, #tpu.memory_space<vmem>>, vector<16xf32>,
    %add3A_513 = arith.constant 0 : i32
    %add3A_514 = arith.addi %mul3A_2, %add3A_513 : i32
    %multiple_of3A = tpu.assume_multiple %add3A_514, 64 : i32
    %mul3A_515 = arith.constant 32 : i32
    %mul3A_516 = arith.muli %multiple_of3A, %mul3A_515 : i32
    %add3A_517 = arith.constant 0 : i32
    %add3A_518 = arith.addi %mul3A_516, %add3A_517 : i32
    %multiple_of3A_519 = tpu.assume_multiple %add3A_518, 512 : i32
    %mul3A_520 = arith.constant 32 : i32
    %mul3A_521 = arith.muli %multiple_of3A, %mul3A_520 : i32
    %add3A_522 = arith.constant 512 : i32
    %add3A_523 = arith.addi %mul3A_521, %add3A_522 : i32
    %multiple_of3A_524 = tpu.assume_multiple %add3A_523, 512 : i32
    %mul3A_525 = arith.constant 32 : i32
    %mul3A_526 = arith.muli %multiple_of3A, %mul3A_525 : i32
    %add3A_527 = arith.constant 1024 : i32
    %add3A_528 = arith.addi %mul3A_526, %add3A_527 : i32
    %multiple_of3A_529 = tpu.assume_multiple %add3A_528, 512 : i32
    %mul3A_530 = arith.constant 32 : i32
    %mul3A_531 = arith.muli %multiple_of3A, %mul3A_530 : i32
    %add3A_532 = arith.constant 1536 : i32
    %add3A_533 = arith.addi %mul3A_531, %add3A_532 : i32
    %multiple_of3A_534 = tpu.assume_multiple %add3A_533, 512 : i32
    %dma_start3A = tpu.memref_slice %arg3[%multiple_of3A_519] : memref<8388608xi32, #tpu.memory_space<hbm>> -> memref<512xi32, #tpu.memory_space<hbm>>
    %dma_start3A_535 = tpu.memref_slice %arg3[%multiple_of3A_519] : memref<8388608xi32, #tpu.memory_space<hbm>> -> memref<512xi32, #tpu.memory_space<hbm>>
    tpu.enqueue_dma source(%dma_start3A_535 : memref<512xi32, #tpu.memory_space<hbm>>) target(%arg7 : memref<512xi32, #tpu.memory_space<vmem>>) target_semaphore(%arg29 : memref<!tpu.dma_semaphore, #tpu.memory_space<semaphore_mem>>)
    %dma_start3A_536 = tpu.memref_slice %arg3[%multiple_of3A_524] : memref<8388608xi32, #tpu.memory_space<hbm>> -> memref<512xi32, #tpu.memory_space<hbm>>
    %dma_start3A_537 = tpu.memref_slice %arg3[%multiple_of3A_524] : memref<8388608xi32, #tpu.memory_space<hbm>> -> memref<512xi32, #tpu.memory_space<hbm>>
    tpu.enqueue_dma source(%dma_start3A_537 : memref<512xi32, #tpu.memory_space<hbm>>) target(%arg8 : memref<512xi32, #tpu.memory_space<vmem>>) target_semaphore(%arg29 : memref<!tpu.dma_semaphore, #tpu.memory_space<semaphore_mem>>)
    %dma_start3A_538 = tpu.memref_slice %arg3[%multiple_of3A_529] : memref<8388608xi32, #tpu.memory_space<hbm>> -> memref<512xi32, #tpu.memory_space<hbm>>
    %dma_start3A_539 = tpu.memref_slice %arg3[%multiple_of3A_529] : memref<8388608xi32, #tpu.memory_space<hbm>> -> memref<512xi32, #tpu.memory_space<hbm>>
    tpu.enqueue_dma source(%dma_start3A_539 : memref<512xi32, #tpu.memory_space<hbm>>) target(%arg9 : memref<512xi32, #tpu.memory_space<vmem>>) target_semaphore(%arg29 : memref<!tpu.dma_semaphore, #tpu.memory_space<semaphore_mem>>)
    %dma_start3A_540 = tpu.memref_slice %arg3[%multiple_of3A_534] : memref<8388608xi32, #tpu.memory_space<hbm>> -> memref<512xi32, #tpu.memory_space<hbm>>
    %dma_start3A_541 = tpu.memref_slice %arg3[%multiple_of3A_534] : memref<8388608xi32, #tpu.memory_space<hbm>> -> memref<512xi32, #tpu.memory_space<hbm>>
    tpu.enqueue_dma source(%dma_start3A_541 : memref<512xi32, #tpu.memory_space<hbm>>) target(%arg10 : memref<512xi32, #tpu.memory_space<vmem>>) target_semaphore(%arg29 : memref<!tpu.dma_semaphore, #tpu.memory_space<semaphore_mem>>)
    %dma_start3A_542 = tpu.memref_slice %arg4[%multiple_of3A] : memref<262144xi32, #tpu.memory_space<hbm>> -> memref<64xi32, #tpu.memory_space<hbm>>
    %dma_start3A_543 = tpu.memref_slice %arg4[%multiple_of3A] : memref<262144xi32, #tpu.memory_space<hbm>> -> memref<64xi32, #tpu.memory_space<hbm>>
    tpu.enqueue_dma source(%dma_start3A_543 : memref<64xi32, #tpu.memory_space<hbm>>) target(%arg23 : memref<64xi32, #tpu.memory_space<vmem>>) target_semaphore(%arg29 : memref<!tpu.dma_semaphore, #tpu.memory_space<semaphore_mem>>)
    %add3A_544 = arith.constant 0 : i32
    %add3A_545 = arith.addi %mul3A_2, %add3A_544 : i32
    %multiple_of3A_546 = tpu.assume_multiple %add3A_545, 64 : i32
    %mul3A_547 = arith.constant 32 : i32
    %mul3A_548 = arith.muli %multiple_of3A_546, %mul3A_547 : i32
    %add3A_549 = arith.constant 0 : i32
    %add3A_550 = arith.addi %mul3A_548, %add3A_549 : i32
    %multiple_of3A_551 = tpu.assume_multiple %add3A_550, 512 : i32
    %mul3A_552 = arith.constant 32 : i32
    %mul3A_553 = arith.muli %multiple_of3A_546, %mul3A_552 : i32
    %add3A_554 = arith.constant 512 : i32
    %add3A_555 = arith.addi %mul3A_553, %add3A_554 : i32
    %multiple_of3A_556 = tpu.assume_multiple %add3A_555, 512 : i32
    %mul3A_557 = arith.constant 32 : i32
    %mul3A_558 = arith.muli %multiple_of3A_546, %mul3A_557 : i32
    %add3A_559 = arith.constant 1024 : i32
    %add3A_560 = arith.addi %mul3A_558, %add3A_559 : i32
    %multiple_of3A_561 = tpu.assume_multiple %add3A_560, 512 : i32
    %mul3A_562 = arith.constant 32 : i32
    %mul3A_563 = arith.muli %multiple_of3A_546, %mul3A_562 : i32
    %add3A_564 = arith.constant 1536 : i32
    %add3A_565 = arith.addi %mul3A_563, %add3A_564 : i32
    %multiple_of3A_566 = tpu.assume_multiple %add3A_565, 512 : i32
    %dma_wait3A = tpu.memref_slice %arg3[%multiple_of3A_551] : memref<8388608xi32, #tpu.memory_space<hbm>> -> memref<512xi32, #tpu.memory_space<hbm>>
    %dma_wait3A_567 = tpu.memref_slice %arg3[%multiple_of3A_551] : memref<8388608xi32, #tpu.memory_space<hbm>> -> memref<512xi32, #tpu.memory_space<hbm>>
    tpu.wait_dma2 semaphore(%arg29 : memref<!tpu.dma_semaphore, #tpu.memory_space<semaphore_mem>>) src(%dma_wait3A_567 : memref<512xi32, #tpu.memory_space<hbm>>) dst(%arg7 : memref<512xi32, #tpu.memory_space<vmem>>)
    %dma_wait3A_568 = tpu.memref_slice %arg3[%multiple_of3A_556] : memref<8388608xi32, #tpu.memory_space<hbm>> -> memref<512xi32, #tpu.memory_space<hbm>>
    %dma_wait3A_569 = tpu.memref_slice %arg3[%multiple_of3A_556] : memref<8388608xi32, #tpu.memory_space<hbm>> -> memref<512xi32, #tpu.memory_space<hbm>>
    tpu.wait_dma2 semaphore(%arg29 : memref<!tpu.dma_semaphore, #tpu.memory_space<semaphore_mem>>) src(%dma_wait3A_569 : memref<512xi32, #tpu.memory_space<hbm>>) dst(%arg8 : memref<512xi32, #tpu.memory_space<vmem>>)
    %dma_wait3A_570 = tpu.memref_slice %arg3[%multiple_of3A_561] : memref<8388608xi32, #tpu.memory_space<hbm>> -> memref<512xi32, #tpu.memory_space<hbm>>
    %dma_wait3A_571 = tpu.memref_slice %arg3[%multiple_of3A_561] : memref<8388608xi32, #tpu.memory_space<hbm>> -> memref<512xi32, #tpu.memory_space<hbm>>
    tpu.wait_dma2 semaphore(%arg29 : memref<!tpu.dma_semaphore, #tpu.memory_space<semaphore_mem>>) src(%dma_wait3A_571 : memref<512xi32, #tpu.memory_space<hbm>>) dst(%arg9 : memref<512xi32, #tpu.memory_space<vmem>>)
    %dma_wait3A_572 = tpu.memref_slice %arg3[%multiple_of3A_566] : memref<8388608xi32, #tpu.memory_space<hbm>> -> memref<512xi32, #tpu.memory_space<hbm>>
    %dma_wait3A_573 = tpu.memref_slice %arg3[%multiple_of3A_566] : memref<8388608xi32, #tpu.memory_space<hbm>> -> memref<512xi32, #tpu.memory_space<hbm>>
    tpu.wait_dma2 semaphore(%arg29 : memref<!tpu.dma_semaphore, #tpu.memory_space<semaphore_mem>>) src(%dma_wait3A_573 : memref<512xi32, #tpu.memory_space<hbm>>) dst(%arg10 : memref<512xi32, #tpu.memory_space<vmem>>)
    %dma_wait3A_574 = tpu.memref_slice %arg4[%multiple_of3A_546] : memref<262144xi32, #tpu.memory_space<hbm>> -> memref<64xi32, #tpu.memory_space<hbm>>
    %dma_wait3A_575 = tpu.memref_slice %arg4[%multiple_of3A_546] : memref<262144xi32, #tpu.memory_space<hbm>> -> memref<64xi32, #tpu.memory_space<hbm>>
    tpu.wait_dma2 semaphore(%arg29 : memref<!tpu.dma_semaphore, #tpu.memory_space<semaphore_mem>>) src(%dma_wait3A_575 : memref<64xi32, #tpu.memory_space<hbm>>) dst(%arg23 : memref<64xi32, #tpu.memory_space<vmem>>)
    %dma_start3A_576 = arith.constant 0 : i32
    %dma_start3A_577 = arith.constant 0 : i32
    %dma_start3A_578 = tpu.memref_slice %arg2[%dma_start3A_576, %dma_start3A_577] : memref<1048576x16xf32, #tpu.memory_space<hbm>> -> memref<1048576x16xf32, #tpu.memory_space<hbm>>
    tpu.enqueue_indirect_dma source(%dma_start3A_578 : memref<1048576x16xf32, #tpu.memory_space<hbm>>) target(%arg15 : memref<512x16xf32, #tpu.memory_space<vmem>>) offsets(%arg7 : memref<512xi32, #tpu.memory_space<vmem>>) semaphore(%arg27 : memref<!tpu.dma_semaphore, #tpu.memory_space<semaphore_mem>>)
    %dma_start3A_579 = arith.constant 0 : i32
    %dma_start3A_580 = arith.constant 0 : i32
    %dma_start3A_581 = tpu.memref_slice %arg2[%dma_start3A_579, %dma_start3A_580] : memref<1048576x16xf32, #tpu.memory_space<hbm>> -> memref<1048576x16xf32, #tpu.memory_space<hbm>>
    tpu.enqueue_indirect_dma source(%dma_start3A_581 : memref<1048576x16xf32, #tpu.memory_space<hbm>>) target(%arg16 : memref<512x16xf32, #tpu.memory_space<vmem>>) offsets(%arg8 : memref<512xi32, #tpu.memory_space<vmem>>) semaphore(%arg27 : memref<!tpu.dma_semaphore, #tpu.memory_space<semaphore_mem>>)
    %dma_start3A_582 = arith.constant 0 : i32
    %dma_start3A_583 = arith.constant 0 : i32
    %dma_start3A_584 = tpu.memref_slice %arg2[%dma_start3A_582, %dma_start3A_583] : memref<1048576x16xf32, #tpu.memory_space<hbm>> -> memref<1048576x16xf32, #tpu.memory_space<hbm>>
    tpu.enqueue_indirect_dma source(%dma_start3A_584 : memref<1048576x16xf32, #tpu.memory_space<hbm>>) target(%arg17 : memref<512x16xf32, #tpu.memory_space<vmem>>) offsets(%arg9 : memref<512xi32, #tpu.memory_space<vmem>>) semaphore(%arg27 : memref<!tpu.dma_semaphore, #tpu.memory_space<semaphore_mem>>)
    %dma_start3A_585 = arith.constant 0 : i32
    %dma_start3A_586 = arith.constant 0 : i32
    %dma_start3A_587 = tpu.memref_slice %arg2[%dma_start3A_585, %dma_start3A_586] : memref<1048576x16xf32, #tpu.memory_space<hbm>> -> memref<1048576x16xf32, #tpu.memory_space<hbm>>
    tpu.enqueue_indirect_dma source(%dma_start3A_587 : memref<1048576x16xf32, #tpu.memory_space<hbm>>) target(%arg18 : memref<512x16xf32, #tpu.memory_space<vmem>>) offsets(%arg10 : memref<512xi32, #tpu.memory_space<vmem>>) semaphore(%arg27 : memref<!tpu.dma_semaphore, #tpu.memory_space<semaphore_mem>>)
    %add3A_588 = arith.constant 64 : i32
    %add3A_589 = arith.addi %mul3A_2, %add3A_588 : i32
    %multiple_of3A_590 = tpu.assume_multiple %add3A_589, 64 : i32
    %mul3A_591 = arith.constant 32 : i32
    %mul3A_592 = arith.muli %multiple_of3A_590, %mul3A_591 : i32
    %add3A_593 = arith.constant 0 : i32
    %add3A_594 = arith.addi %mul3A_592, %add3A_593 : i32
    %multiple_of3A_595 = tpu.assume_multiple %add3A_594, 512 : i32
    %mul3A_596 = arith.constant 32 : i32
    %mul3A_597 = arith.muli %multiple_of3A_590, %mul3A_596 : i32
    %add3A_598 = arith.constant 512 : i32
    %add3A_599 = arith.addi %mul3A_597, %add3A_598 : i32
    %multiple_of3A_600 = tpu.assume_multiple %add3A_599, 512 : i32
    %mul3A_601 = arith.constant 32 : i32
    %mul3A_602 = arith.muli %multiple_of3A_590, %mul3A_601 : i32
    %add3A_603 = arith.constant 1024 : i32
    %add3A_604 = arith.addi %mul3A_602, %add3A_603 : i32
    %multiple_of3A_605 = tpu.assume_multiple %add3A_604, 512 : i32
    %mul3A_606 = arith.constant 32 : i32
    %mul3A_607 = arith.muli %multiple_of3A_590, %mul3A_606 : i32
    %add3A_608 = arith.constant 1536 : i32
    %add3A_609 = arith.addi %mul3A_607, %add3A_608 : i32
    %multiple_of3A_610 = tpu.assume_multiple %add3A_609, 512 : i32
    %dma_start3A_611 = tpu.memref_slice %arg3[%multiple_of3A_595] : memref<8388608xi32, #tpu.memory_space<hbm>> -> memref<512xi32, #tpu.memory_space<hbm>>
    %dma_start3A_612 = tpu.memref_slice %arg3[%multiple_of3A_595] : memref<8388608xi32, #tpu.memory_space<hbm>> -> memref<512xi32, #tpu.memory_space<hbm>>
    tpu.enqueue_dma source(%dma_start3A_612 : memref<512xi32, #tpu.memory_space<hbm>>) target(%arg11 : memref<512xi32, #tpu.memory_space<vmem>>) target_semaphore(%arg30 : memref<!tpu.dma_semaphore, #tpu.memory_space<semaphore_mem>>)
    %dma_start3A_613 = tpu.memref_slice %arg3[%multiple_of3A_600] : memref<8388608xi32, #tpu.memory_space<hbm>> -> memref<512xi32, #tpu.memory_space<hbm>>
    %dma_start3A_614 = tpu.memref_slice %arg3[%multiple_of3A_600] : memref<8388608xi32, #tpu.memory_space<hbm>> -> memref<512xi32, #tpu.memory_space<hbm>>
    tpu.enqueue_dma source(%dma_start3A_614 : memref<512xi32, #tpu.memory_space<hbm>>) target(%arg12 : memref<512xi32, #tpu.memory_space<vmem>>) target_semaphore(%arg30 : memref<!tpu.dma_semaphore, #tpu.memory_space<semaphore_mem>>)
    %dma_start3A_615 = tpu.memref_slice %arg3[%multiple_of3A_605] : memref<8388608xi32, #tpu.memory_space<hbm>> -> memref<512xi32, #tpu.memory_space<hbm>>
    %dma_start3A_616 = tpu.memref_slice %arg3[%multiple_of3A_605] : memref<8388608xi32, #tpu.memory_space<hbm>> -> memref<512xi32, #tpu.memory_space<hbm>>
    tpu.enqueue_dma source(%dma_start3A_616 : memref<512xi32, #tpu.memory_space<hbm>>) target(%arg13 : memref<512xi32, #tpu.memory_space<vmem>>) target_semaphore(%arg30 : memref<!tpu.dma_semaphore, #tpu.memory_space<semaphore_mem>>)
    %dma_start3A_617 = tpu.memref_slice %arg3[%multiple_of3A_610] : memref<8388608xi32, #tpu.memory_space<hbm>> -> memref<512xi32, #tpu.memory_space<hbm>>
    %dma_start3A_618 = tpu.memref_slice %arg3[%multiple_of3A_610] : memref<8388608xi32, #tpu.memory_space<hbm>> -> memref<512xi32, #tpu.memory_space<hbm>>
    tpu.enqueue_dma source(%dma_start3A_618 : memref<512xi32, #tpu.memory_space<hbm>>) target(%arg14 : memref<512xi32, #tpu.memory_space<vmem>>) target_semaphore(%arg30 : memref<!tpu.dma_semaphore, #tpu.memory_space<semaphore_mem>>)
    %dma_start3A_619 = tpu.memref_slice %arg4[%multiple_of3A_590] : memref<262144xi32, #tpu.memory_space<hbm>> -> memref<64xi32, #tpu.memory_space<hbm>>
    %dma_start3A_620 = tpu.memref_slice %arg4[%multiple_of3A_590] : memref<262144xi32, #tpu.memory_space<hbm>> -> memref<64xi32, #tpu.memory_space<hbm>>
    tpu.enqueue_dma source(%dma_start3A_620 : memref<64xi32, #tpu.memory_space<hbm>>) target(%arg24 : memref<64xi32, #tpu.memory_space<vmem>>) target_semaphore(%arg30 : memref<!tpu.dma_semaphore, #tpu.memory_space<semaphore_mem>>)
    %scan3A = arith.constant 0 : i32
    %scan3A_621 = arith.constant 0 : i32
    %scan3A_622 = arith.constant 64 : i32
    %scan3A_623 = arith.addi %scan3A_621, %scan3A_622 : i32
    %scan3A_624 = arith.constant 1 : i32
    scf.for %scan3A_637 = %scan3A_621 to %scan3A_623 step %scan3A_624  : i32 {
      %mul3A_638 = arith.constant 2 : i32
      %mul3A_639 = arith.muli %mul3A_638, %scan3A_637 : i32
      %dma_wait3A_640 = arith.constant 0 : i32
      %dma_wait3A_641 = arith.constant 0 : i32
      %dma_wait3A_642 = tpu.memref_slice %arg2[%dma_wait3A_640, %dma_wait3A_641] : memref<1048576x16xf32, #tpu.memory_space<hbm>> -> memref<1048576x16xf32, #tpu.memory_space<hbm>>
      tpu.wait_indirect_dma semaphore(%arg27 : memref<!tpu.dma_semaphore, #tpu.memory_space<semaphore_mem>>) src(%dma_wait3A_642 : memref<1048576x16xf32, #tpu.memory_space<hbm>>) dst(%arg15 : memref<512x16xf32, #tpu.memory_space<vmem>>)
      %dma_wait3A_643 = arith.constant 0 : i32
      %dma_wait3A_644 = arith.constant 0 : i32
      %dma_wait3A_645 = tpu.memref_slice %arg2[%dma_wait3A_643, %dma_wait3A_644] : memref<1048576x16xf32, #tpu.memory_space<hbm>> -> memref<1048576x16xf32, #tpu.memory_space<hbm>>
      tpu.wait_indirect_dma semaphore(%arg27 : memref<!tpu.dma_semaphore, #tpu.memory_space<semaphore_mem>>) src(%dma_wait3A_645 : memref<1048576x16xf32, #tpu.memory_space<hbm>>) dst(%arg16 : memref<512x16xf32, #tpu.memory_space<vmem>>)
      %dma_wait3A_646 = arith.constant 0 : i32
      %dma_wait3A_647 = arith.constant 0 : i32
      %dma_wait3A_648 = tpu.memref_slice %arg2[%dma_wait3A_646, %dma_wait3A_647] : memref<1048576x16xf32, #tpu.memory_space<hbm>> -> memref<1048576x16xf32, #tpu.memory_space<hbm>>
      tpu.wait_indirect_dma semaphore(%arg27 : memref<!tpu.dma_semaphore, #tpu.memory_space<semaphore_mem>>) src(%dma_wait3A_648 : memref<1048576x16xf32, #tpu.memory_space<hbm>>) dst(%arg17 : memref<512x16xf32, #tpu.memory_space<vmem>>)
      %dma_wait3A_649 = arith.constant 0 : i32
      %dma_wait3A_650 = arith.constant 0 : i32
      %dma_wait3A_651 = tpu.memref_slice %arg2[%dma_wait3A_649, %dma_wait3A_650] : memref<1048576x16xf32, #tpu.memory_space<hbm>> -> memref<1048576x16xf32, #tpu.memory_space<hbm>>
      tpu.wait_indirect_dma semaphore(%arg27 : memref<!tpu.dma_semaphore, #tpu.memory_space<semaphore_mem>>) src(%dma_wait3A_651 : memref<1048576x16xf32, #tpu.memory_space<hbm>>) dst(%arg18 : memref<512x16xf32, #tpu.memory_space<vmem>>)
      %add3A_652 = arith.constant 1 : i32
      %add3A_653 = arith.addi %mul3A_639, %add3A_652 : i32
      %mul3A_654 = arith.constant 64 : i32
      %mul3A_655 = arith.muli %add3A_653, %mul3A_654 : i32
      %add3A_656 = arith.addi %mul3A_2, %mul3A_655 : i32
      %multiple_of3A_657 = tpu.assume_multiple %add3A_656, 64 : i32
      %mul3A_658 = arith.constant 32 : i32
      %mul3A_659 = arith.muli %multiple_of3A_657, %mul3A_658 : i32
      %add3A_660 = arith.constant 0 : i32
      %add3A_661 = arith.addi %mul3A_659, %add3A_660 : i32
      %multiple_of3A_662 = tpu.assume_multiple %add3A_661, 512 : i32
      %mul3A_663 = arith.constant 32 : i32
      %mul3A_664 = arith.muli %multiple_of3A_657, %mul3A_663 : i32
      %add3A_665 = arith.constant 512 : i32
      %add3A_666 = arith.addi %mul3A_664, %add3A_665 : i32
      %multiple_of3A_667 = tpu.assume_multiple %add3A_666, 512 : i32
      %mul3A_668 = arith.constant 32 : i32
      %mul3A_669 = arith.muli %multiple_of3A_657, %mul3A_668 : i32
      %add3A_670 = arith.constant 1024 : i32
      %add3A_671 = arith.addi %mul3A_669, %add3A_670 : i32
      %multiple_of3A_672 = tpu.assume_multiple %add3A_671, 512 : i32
      %mul3A_673 = arith.constant 32 : i32
      %mul3A_674 = arith.muli %multiple_of3A_657, %mul3A_673 : i32
      %add3A_675 = arith.constant 1536 : i32
      %add3A_676 = arith.addi %mul3A_674, %add3A_675 : i32
      %multiple_of3A_677 = tpu.assume_multiple %add3A_676, 512 : i32
      %dma_wait3A_678 = tpu.memref_slice %arg3[%multiple_of3A_662] : memref<8388608xi32, #tpu.memory_space<hbm>> -> memref<512xi32, #tpu.memory_space<hbm>>
      %dma_wait3A_679 = tpu.memref_slice %arg3[%multiple_of3A_662] : memref<8388608xi32, #tpu.memory_space<hbm>> -> memref<512xi32, #tpu.memory_space<hbm>>
      tpu.wait_dma2 semaphore(%arg30 : memref<!tpu.dma_semaphore, #tpu.memory_space<semaphore_mem>>) src(%dma_wait3A_679 : memref<512xi32, #tpu.memory_space<hbm>>) dst(%arg11 : memref<512xi32, #tpu.memory_space<vmem>>)
      %dma_wait3A_680 = tpu.memref_slice %arg3[%multiple_of3A_667] : memref<8388608xi32, #tpu.memory_space<hbm>> -> memref<512xi32, #tpu.memory_space<hbm>>
      %dma_wait3A_681 = tpu.memref_slice %arg3[%multiple_of3A_667] : memref<8388608xi32, #tpu.memory_space<hbm>> -> memref<512xi32, #tpu.memory_space<hbm>>
      tpu.wait_dma2 semaphore(%arg30 : memref<!tpu.dma_semaphore, #tpu.memory_space<semaphore_mem>>) src(%dma_wait3A_681 : memref<512xi32, #tpu.memory_space<hbm>>) dst(%arg12 : memref<512xi32, #tpu.memory_space<vmem>>)
      %dma_wait3A_682 = tpu.memref_slice %arg3[%multiple_of3A_672] : memref<8388608xi32, #tpu.memory_space<hbm>> -> memref<512xi32, #tpu.memory_space<hbm>>
      %dma_wait3A_683 = tpu.memref_slice %arg3[%multiple_of3A_672] : memref<8388608xi32, #tpu.memory_space<hbm>> -> memref<512xi32, #tpu.memory_space<hbm>>
      tpu.wait_dma2 semaphore(%arg30 : memref<!tpu.dma_semaphore, #tpu.memory_space<semaphore_mem>>) src(%dma_wait3A_683 : memref<512xi32, #tpu.memory_space<hbm>>) dst(%arg13 : memref<512xi32, #tpu.memory_space<vmem>>)
      %dma_wait3A_684 = tpu.memref_slice %arg3[%multiple_of3A_677] : memref<8388608xi32, #tpu.memory_space<hbm>> -> memref<512xi32, #tpu.memory_space<hbm>>
      %dma_wait3A_685 = tpu.memref_slice %arg3[%multiple_of3A_677] : memref<8388608xi32, #tpu.memory_space<hbm>> -> memref<512xi32, #tpu.memory_space<hbm>>
      tpu.wait_dma2 semaphore(%arg30 : memref<!tpu.dma_semaphore, #tpu.memory_space<semaphore_mem>>) src(%dma_wait3A_685 : memref<512xi32, #tpu.memory_space<hbm>>) dst(%arg14 : memref<512xi32, #tpu.memory_space<vmem>>)
      %dma_wait3A_686 = tpu.memref_slice %arg4[%multiple_of3A_657] : memref<262144xi32, #tpu.memory_space<hbm>> -> memref<64xi32, #tpu.memory_space<hbm>>
      %dma_wait3A_687 = tpu.memref_slice %arg4[%multiple_of3A_657] : memref<262144xi32, #tpu.memory_space<hbm>> -> memref<64xi32, #tpu.memory_space<hbm>>
      tpu.wait_dma2 semaphore(%arg30 : memref<!tpu.dma_semaphore, #tpu.memory_space<semaphore_mem>>) src(%dma_wait3A_687 : memref<64xi32, #tpu.memory_space<hbm>>) dst(%arg24 : memref<64xi32, #tpu.memory_space<vmem>>)
      %dma_start3A_688 = arith.constant 0 : i32
      %dma_start3A_689 = arith.constant 0 : i32
      %dma_start3A_690 = tpu.memref_slice %arg2[%dma_start3A_688, %dma_start3A_689] : memref<1048576x16xf32, #tpu.memory_space<hbm>> -> memref<1048576x16xf32, #tpu.memory_space<hbm>>
      tpu.enqueue_indirect_dma source(%dma_start3A_690 : memref<1048576x16xf32, #tpu.memory_space<hbm>>) target(%arg19 : memref<512x16xf32, #tpu.memory_space<vmem>>) offsets(%arg11 : memref<512xi32, #tpu.memory_space<vmem>>) semaphore(%arg28 : memref<!tpu.dma_semaphore, #tpu.memory_space<semaphore_mem>>)
      %dma_start3A_691 = arith.constant 0 : i32
      %dma_start3A_692 = arith.constant 0 : i32
      %dma_start3A_693 = tpu.memref_slice %arg2[%dma_start3A_691, %dma_start3A_692] : memref<1048576x16xf32, #tpu.memory_space<hbm>> -> memref<1048576x16xf32, #tpu.memory_space<hbm>>
      tpu.enqueue_indirect_dma source(%dma_start3A_693 : memref<1048576x16xf32, #tpu.memory_space<hbm>>) target(%arg20 : memref<512x16xf32, #tpu.memory_space<vmem>>) offsets(%arg12 : memref<512xi32, #tpu.memory_space<vmem>>) semaphore(%arg28 : memref<!tpu.dma_semaphore, #tpu.memory_space<semaphore_mem>>)
      %dma_start3A_694 = arith.constant 0 : i32
      %dma_start3A_695 = arith.constant 0 : i32
      %dma_start3A_696 = tpu.memref_slice %arg2[%dma_start3A_694, %dma_start3A_695] : memref<1048576x16xf32, #tpu.memory_space<hbm>> -> memref<1048576x16xf32, #tpu.memory_space<hbm>>
      tpu.enqueue_indirect_dma source(%dma_start3A_696 : memref<1048576x16xf32, #tpu.memory_space<hbm>>) target(%arg21 : memref<512x16xf32, #tpu.memory_space<vmem>>) offsets(%arg13 : memref<512xi32, #tpu.memory_space<vmem>>) semaphore(%arg28 : memref<!tpu.dma_semaphore, #tpu.memory_space<semaphore_mem>>)
      %dma_start3A_697 = arith.constant 0 : i32
      %dma_start3A_698 = arith.constant 0 : i32
      %dma_start3A_699 = tpu.memref_slice %arg2[%dma_start3A_697, %dma_start3A_698] : memref<1048576x16xf32, #tpu.memory_space<hbm>> -> memref<1048576x16xf32, #tpu.memory_space<hbm>>
      tpu.enqueue_indirect_dma source(%dma_start3A_699 : memref<1048576x16xf32, #tpu.memory_space<hbm>>) target(%arg22 : memref<512x16xf32, #tpu.memory_space<vmem>>) offsets(%arg14 : memref<512xi32, #tpu.memory_space<vmem>>) semaphore(%arg28 : memref<!tpu.dma_semaphore, #tpu.memory_space<semaphore_mem>>)
      %get3A = arith.constant 0 : index
      %get3A_700 = tpu.vector_load %arg23[%get3A] {strides = array<i32>} : memref<64xi32, #tpu.memory_space<vmem>>, vector<16xi32>,
      %mul3A_701 = arith.constant 32 : i32
      %mul3A_702 = vector.broadcast %mul3A_701 : i32 to vector<16xi32>
      %mul3A_703 = arith.muli %iota3A, %mul3A_702 : vector<16xi32>
      %broadcast_in_dim3A_704 = arith.constant 0.000000e+00 : f32
      %broadcast_in_dim3A_705 = vector.broadcast %broadcast_in_dim3A_704 : f32 to vector<16xf32>
      %broadcast_in_dim3A_706 = arith.constant 1.000000e+00 : f32
      %broadcast_in_dim3A_707 = vector.broadcast %broadcast_in_dim3A_706 : f32 to vector<16xf32>
      %scan3A_708 = arith.constant 0 : i32
      %scan3A_709 = arith.constant 8 : i32
      %scan3A_710 = arith.addi %scan3A_708, %scan3A_709 : i32
      %scan3A_711 = arith.constant 1 : i32
      %scan3A_712:5 = scf.for %scan3A_1005 = %scan3A_708 to %scan3A_710 step %scan3A_711 iter_args(%scan3A_1006 = %broadcast_in_dim3A_705, %scan3A_1007 = %broadcast_in_dim3A_705, %scan3A_1008 = %broadcast_in_dim3A_705, %scan3A_1009 = %broadcast_in_dim3A_705, %scan3A_1010 = %broadcast_in_dim3A_707) -> (vector<16xf32>, vector<16xf32>, vector<16xf32>, vector<16xf32>, vector<16xf32>)  : i32 {
        %mul3A_1011 = arith.constant 4 : i32
        %mul3A_1012 = arith.muli %scan3A_1005, %mul3A_1011 : i32
        %add3A_1013 = arith.constant 0 : i32
        %add3A_1014 = arith.addi %mul3A_1012, %add3A_1013 : i32
        %add3A_1015 = vector.broadcast %add3A_1014 : i32 to vector<16xi32>
        %add3A_1016 = arith.addi %mul3A_703, %add3A_1015 : vector<16xi32>
        %broadcast_in_dim3A_1017 = arith.constant 3 : i32
        %broadcast_in_dim3A_1018 = vector.broadcast %broadcast_in_dim3A_1017 : i32 to vector<16xi32>
        %gather3A = tpu.vector_load_idx %arg15[%add3A_1016, %broadcast_in_dim3A_1018] : memref<512x16xf32, #tpu.memory_space<vmem>>[vector<16xi32>, vector<16xi32>], vector<16xf32>,
        %neg3A = arith.constant 0.000000e+00 : f32
        %neg3A_1019 = vector.broadcast %neg3A : f32 to vector<16xf32>
        %neg3A_1020 = arith.subf %neg3A_1019, %gather3A : vector<16xf32>
        %exp3A = math.exp %neg3A_1020 : vector<16xf32>
        %add3A_1021 = arith.constant 1.000000e+00 : f32
        %add3A_1022 = vector.broadcast %add3A_1021 : f32 to vector<16xf32>
        %add3A_1023 = arith.addf %add3A_1022, %exp3A : vector<16xf32>
        %div3A = arith.constant 1.000000e+00 : f32
        %div3A_1024 = vector.broadcast %div3A : f32 to vector<16xf32>
        %div3A_1025 = arith.divf %div3A_1024, %add3A_1023 : vector<16xf32>
        %gt3A = vector.broadcast %add3A_1014 : i32 to vector<16xi32>
        %gt3A_1026 = arith.cmpi sgt, %get3A_700, %gt3A : vector<16xi32>
        %jit3A = arith.constant 0.000000e+00 : f32
        %broadcast_in_dim3A_1027 = vector.broadcast %jit3A : f32 to vector<16xf32>
        %select_n3A = arith.select %gt3A_1026, %div3A_1025, %broadcast_in_dim3A_1027 : vector<16xi1>, vector<16xf32>
        %mul3A_1028 = arith.mulf %select_n3A, %scan3A_1010 : vector<16xf32>
        %sub3A = arith.constant 1.000000e+00 : f32
        %sub3A_1029 = vector.broadcast %sub3A : f32 to vector<16xf32>
        %sub3A_1030 = arith.subf %sub3A_1029, %select_n3A : vector<16xf32>
        %add3A_1031 = arith.constant 1.000000e-10 : f32
        %add3A_1032 = vector.broadcast %add3A_1031 : f32 to vector<16xf32>
        %add3A_1033 = arith.addf %sub3A_1030, %add3A_1032 : vector<16xf32>
        %mul3A_1034 = arith.mulf %scan3A_1010, %add3A_1033 : vector<16xf32>
        %broadcast_in_dim3A_1035 = arith.constant 0 : i32
        %broadcast_in_dim3A_1036 = vector.broadcast %broadcast_in_dim3A_1035 : i32 to vector<16xi32>
        %gather3A_1037 = tpu.vector_load_idx %arg15[%add3A_1016, %broadcast_in_dim3A_1036] : memref<512x16xf32, #tpu.memory_space<vmem>>[vector<16xi32>, vector<16xi32>], vector<16xf32>,
        %broadcast_in_dim3A_1038 = arith.constant 1 : i32
        %broadcast_in_dim3A_1039 = vector.broadcast %broadcast_in_dim3A_1038 : i32 to vector<16xi32>
        %gather3A_1040 = tpu.vector_load_idx %arg15[%add3A_1016, %broadcast_in_dim3A_1039] : memref<512x16xf32, #tpu.memory_space<vmem>>[vector<16xi32>, vector<16xi32>], vector<16xf32>,
        %broadcast_in_dim3A_1041 = arith.constant 2 : i32
        %broadcast_in_dim3A_1042 = vector.broadcast %broadcast_in_dim3A_1041 : i32 to vector<16xi32>
        %gather3A_1043 = tpu.vector_load_idx %arg15[%add3A_1016, %broadcast_in_dim3A_1042] : memref<512x16xf32, #tpu.memory_space<vmem>>[vector<16xi32>, vector<16xi32>], vector<16xf32>,
        %mul3A_1044 = arith.mulf %mul3A_1028, %gather3A_1037 : vector<16xf32>
        %add3A_1045 = arith.addf %scan3A_1006, %mul3A_1044 : vector<16xf32>
        %mul3A_1046 = arith.mulf %mul3A_1028, %gather3A_1040 : vector<16xf32>
        %add3A_1047 = arith.addf %scan3A_1007, %mul3A_1046 : vector<16xf32>
        %mul3A_1048 = arith.mulf %mul3A_1028, %gather3A_1043 : vector<16xf32>
        %add3A_1049 = arith.addf %scan3A_1008, %mul3A_1048 : vector<16xf32>
        %add3A_1050 = arith.addf %scan3A_1009, %mul3A_1028 : vector<16xf32>
        %mul3A_1051 = arith.constant 4 : i32
        %mul3A_1052 = arith.muli %scan3A_1005, %mul3A_1051 : i32
        %add3A_1053 = arith.constant 1 : i32
        %add3A_1054 = arith.addi %mul3A_1052, %add3A_1053 : i32
        %add3A_1055 = vector.broadcast %add3A_1054 : i32 to vector<16xi32>
        %add3A_1056 = arith.addi %mul3A_703, %add3A_1055 : vector<16xi32>
        %broadcast_in_dim3A_1057 = arith.constant 3 : i32
        %broadcast_in_dim3A_1058 = vector.broadcast %broadcast_in_dim3A_1057 : i32 to vector<16xi32>
        %gather3A_1059 = tpu.vector_load_idx %arg15[%add3A_1056, %broadcast_in_dim3A_1058] : memref<512x16xf32, #tpu.memory_space<vmem>>[vector<16xi32>, vector<16xi32>], vector<16xf32>,
        %neg3A_1060 = arith.constant 0.000000e+00 : f32
        %neg3A_1061 = vector.broadcast %neg3A_1060 : f32 to vector<16xf32>
        %neg3A_1062 = arith.subf %neg3A_1061, %gather3A_1059 : vector<16xf32>
        %exp3A_1063 = math.exp %neg3A_1062 : vector<16xf32>
        %add3A_1064 = arith.constant 1.000000e+00 : f32
        %add3A_1065 = vector.broadcast %add3A_1064 : f32 to vector<16xf32>
        %add3A_1066 = arith.addf %add3A_1065, %exp3A_1063 : vector<16xf32>
        %div3A_1067 = arith.constant 1.000000e+00 : f32
        %div3A_1068 = vector.broadcast %div3A_1067 : f32 to vector<16xf32>
        %div3A_1069 = arith.divf %div3A_1068, %add3A_1066 : vector<16xf32>
        %gt3A_1070 = vector.broadcast %add3A_1054 : i32 to vector<16xi32>
        %gt3A_1071 = arith.cmpi sgt, %get3A_700, %gt3A_1070 : vector<16xi32>
        %jit3A_1072 = arith.constant 0.000000e+00 : f32
        %broadcast_in_dim3A_1073 = vector.broadcast %jit3A_1072 : f32 to vector<16xf32>
        %select_n3A_1074 = arith.select %gt3A_1071, %div3A_1069, %broadcast_in_dim3A_1073 : vector<16xi1>, vector<16xf32>
        %mul3A_1075 = arith.mulf %select_n3A_1074, %mul3A_1034 : vector<16xf32>
        %sub3A_1076 = arith.constant 1.000000e+00 : f32
        %sub3A_1077 = vector.broadcast %sub3A_1076 : f32 to vector<16xf32>
        %sub3A_1078 = arith.subf %sub3A_1077, %select_n3A_1074 : vector<16xf32>
        %add3A_1079 = arith.constant 1.000000e-10 : f32
        %add3A_1080 = vector.broadcast %add3A_1079 : f32 to vector<16xf32>
        %add3A_1081 = arith.addf %sub3A_1078, %add3A_1080 : vector<16xf32>
        %mul3A_1082 = arith.mulf %mul3A_1034, %add3A_1081 : vector<16xf32>
        %broadcast_in_dim3A_1083 = arith.constant 0 : i32
        %broadcast_in_dim3A_1084 = vector.broadcast %broadcast_in_dim3A_1083 : i32 to vector<16xi32>
        %gather3A_1085 = tpu.vector_load_idx %arg15[%add3A_1056, %broadcast_in_dim3A_1084] : memref<512x16xf32, #tpu.memory_space<vmem>>[vector<16xi32>, vector<16xi32>], vector<16xf32>,
        %broadcast_in_dim3A_1086 = arith.constant 1 : i32
        %broadcast_in_dim3A_1087 = vector.broadcast %broadcast_in_dim3A_1086 : i32 to vector<16xi32>
        %gather3A_1088 = tpu.vector_load_idx %arg15[%add3A_1056, %broadcast_in_dim3A_1087] : memref<512x16xf32, #tpu.memory_space<vmem>>[vector<16xi32>, vector<16xi32>], vector<16xf32>,
        %broadcast_in_dim3A_1089 = arith.constant 2 : i32
        %broadcast_in_dim3A_1090 = vector.broadcast %broadcast_in_dim3A_1089 : i32 to vector<16xi32>
        %gather3A_1091 = tpu.vector_load_idx %arg15[%add3A_1056, %broadcast_in_dim3A_1090] : memref<512x16xf32, #tpu.memory_space<vmem>>[vector<16xi32>, vector<16xi32>], vector<16xf32>,
        %mul3A_1092 = arith.mulf %mul3A_1075, %gather3A_1085 : vector<16xf32>
        %add3A_1093 = arith.addf %add3A_1045, %mul3A_1092 : vector<16xf32>
        %mul3A_1094 = arith.mulf %mul3A_1075, %gather3A_1088 : vector<16xf32>
        %add3A_1095 = arith.addf %add3A_1047, %mul3A_1094 : vector<16xf32>
        %mul3A_1096 = arith.mulf %mul3A_1075, %gather3A_1091 : vector<16xf32>
        %add3A_1097 = arith.addf %add3A_1049, %mul3A_1096 : vector<16xf32>
        %add3A_1098 = arith.addf %add3A_1050, %mul3A_1075 : vector<16xf32>
        %mul3A_1099 = arith.constant 4 : i32
        %mul3A_1100 = arith.muli %scan3A_1005, %mul3A_1099 : i32
        %add3A_1101 = arith.constant 2 : i32
        %add3A_1102 = arith.addi %mul3A_1100, %add3A_1101 : i32
        %add3A_1103 = vector.broadcast %add3A_1102 : i32 to vector<16xi32>
        %add3A_1104 = arith.addi %mul3A_703, %add3A_1103 : vector<16xi32>
        %broadcast_in_dim3A_1105 = arith.constant 3 : i32
        %broadcast_in_dim3A_1106 = vector.broadcast %broadcast_in_dim3A_1105 : i32 to vector<16xi32>
        %gather3A_1107 = tpu.vector_load_idx %arg15[%add3A_1104, %broadcast_in_dim3A_1106] : memref<512x16xf32, #tpu.memory_space<vmem>>[vector<16xi32>, vector<16xi32>], vector<16xf32>,
        %neg3A_1108 = arith.constant 0.000000e+00 : f32
        %neg3A_1109 = vector.broadcast %neg3A_1108 : f32 to vector<16xf32>
        %neg3A_1110 = arith.subf %neg3A_1109, %gather3A_1107 : vector<16xf32>
        %exp3A_1111 = math.exp %neg3A_1110 : vector<16xf32>
        %add3A_1112 = arith.constant 1.000000e+00 : f32
        %add3A_1113 = vector.broadcast %add3A_1112 : f32 to vector<16xf32>
        %add3A_1114 = arith.addf %add3A_1113, %exp3A_1111 : vector<16xf32>
        %div3A_1115 = arith.constant 1.000000e+00 : f32
        %div3A_1116 = vector.broadcast %div3A_1115 : f32 to vector<16xf32>
        %div3A_1117 = arith.divf %div3A_1116, %add3A_1114 : vector<16xf32>
        %gt3A_1118 = vector.broadcast %add3A_1102 : i32 to vector<16xi32>
        %gt3A_1119 = arith.cmpi sgt, %get3A_700, %gt3A_1118 : vector<16xi32>
        %jit3A_1120 = arith.constant 0.000000e+00 : f32
        %broadcast_in_dim3A_1121 = vector.broadcast %jit3A_1120 : f32 to vector<16xf32>
        %select_n3A_1122 = arith.select %gt3A_1119, %div3A_1117, %broadcast_in_dim3A_1121 : vector<16xi1>, vector<16xf32>
        %mul3A_1123 = arith.mulf %select_n3A_1122, %mul3A_1082 : vector<16xf32>
        %sub3A_1124 = arith.constant 1.000000e+00 : f32
        %sub3A_1125 = vector.broadcast %sub3A_1124 : f32 to vector<16xf32>
        %sub3A_1126 = arith.subf %sub3A_1125, %select_n3A_1122 : vector<16xf32>
        %add3A_1127 = arith.constant 1.000000e-10 : f32
        %add3A_1128 = vector.broadcast %add3A_1127 : f32 to vector<16xf32>
        %add3A_1129 = arith.addf %sub3A_1126, %add3A_1128 : vector<16xf32>
        %mul3A_1130 = arith.mulf %mul3A_1082, %add3A_1129 : vector<16xf32>
        %broadcast_in_dim3A_1131 = arith.constant 0 : i32
        %broadcast_in_dim3A_1132 = vector.broadcast %broadcast_in_dim3A_1131 : i32 to vector<16xi32>
        %gather3A_1133 = tpu.vector_load_idx %arg15[%add3A_1104, %broadcast_in_dim3A_1132] : memref<512x16xf32, #tpu.memory_space<vmem>>[vector<16xi32>, vector<16xi32>], vector<16xf32>,
        %broadcast_in_dim3A_1134 = arith.constant 1 : i32
        %broadcast_in_dim3A_1135 = vector.broadcast %broadcast_in_dim3A_1134 : i32 to vector<16xi32>
        %gather3A_1136 = tpu.vector_load_idx %arg15[%add3A_1104, %broadcast_in_dim3A_1135] : memref<512x16xf32, #tpu.memory_space<vmem>>[vector<16xi32>, vector<16xi32>], vector<16xf32>,
        %broadcast_in_dim3A_1137 = arith.constant 2 : i32
        %broadcast_in_dim3A_1138 = vector.broadcast %broadcast_in_dim3A_1137 : i32 to vector<16xi32>
        %gather3A_1139 = tpu.vector_load_idx %arg15[%add3A_1104, %broadcast_in_dim3A_1138] : memref<512x16xf32, #tpu.memory_space<vmem>>[vector<16xi32>, vector<16xi32>], vector<16xf32>,
        %mul3A_1140 = arith.mulf %mul3A_1123, %gather3A_1133 : vector<16xf32>
        %add3A_1141 = arith.addf %add3A_1093, %mul3A_1140 : vector<16xf32>
        %mul3A_1142 = arith.mulf %mul3A_1123, %gather3A_1136 : vector<16xf32>
        %add3A_1143 = arith.addf %add3A_1095, %mul3A_1142 : vector<16xf32>
        %mul3A_1144 = arith.mulf %mul3A_1123, %gather3A_1139 : vector<16xf32>
        %add3A_1145 = arith.addf %add3A_1097, %mul3A_1144 : vector<16xf32>
        %add3A_1146 = arith.addf %add3A_1098, %mul3A_1123 : vector<16xf32>
        %mul3A_1147 = arith.constant 4 : i32
        %mul3A_1148 = arith.muli %scan3A_1005, %mul3A_1147 : i32
        %add3A_1149 = arith.constant 3 : i32
        %add3A_1150 = arith.addi %mul3A_1148, %add3A_1149 : i32
        %add3A_1151 = vector.broadcast %add3A_1150 : i32 to vector<16xi32>
        %add3A_1152 = arith.addi %mul3A_703, %add3A_1151 : vector<16xi32>
        %broadcast_in_dim3A_1153 = arith.constant 3 : i32
        %broadcast_in_dim3A_1154 = vector.broadcast %broadcast_in_dim3A_1153 : i32 to vector<16xi32>
        %gather3A_1155 = tpu.vector_load_idx %arg15[%add3A_1152, %broadcast_in_dim3A_1154] : memref<512x16xf32, #tpu.memory_space<vmem>>[vector<16xi32>, vector<16xi32>], vector<16xf32>,
        %neg3A_1156 = arith.constant 0.000000e+00 : f32
        %neg3A_1157 = vector.broadcast %neg3A_1156 : f32 to vector<16xf32>
        %neg3A_1158 = arith.subf %neg3A_1157, %gather3A_1155 : vector<16xf32>
        %exp3A_1159 = math.exp %neg3A_1158 : vector<16xf32>
        %add3A_1160 = arith.constant 1.000000e+00 : f32
        %add3A_1161 = vector.broadcast %add3A_1160 : f32 to vector<16xf32>
        %add3A_1162 = arith.addf %add3A_1161, %exp3A_1159 : vector<16xf32>
        %div3A_1163 = arith.constant 1.000000e+00 : f32
        %div3A_1164 = vector.broadcast %div3A_1163 : f32 to vector<16xf32>
        %div3A_1165 = arith.divf %div3A_1164, %add3A_1162 : vector<16xf32>
        %gt3A_1166 = vector.broadcast %add3A_1150 : i32 to vector<16xi32>
        %gt3A_1167 = arith.cmpi sgt, %get3A_700, %gt3A_1166 : vector<16xi32>
        %jit3A_1168 = arith.constant 0.000000e+00 : f32
        %broadcast_in_dim3A_1169 = vector.broadcast %jit3A_1168 : f32 to vector<16xf32>
        %select_n3A_1170 = arith.select %gt3A_1167, %div3A_1165, %broadcast_in_dim3A_1169 : vector<16xi1>, vector<16xf32>
        %mul3A_1171 = arith.mulf %select_n3A_1170, %mul3A_1130 : vector<16xf32>
        %sub3A_1172 = arith.constant 1.000000e+00 : f32
        %sub3A_1173 = vector.broadcast %sub3A_1172 : f32 to vector<16xf32>
        %sub3A_1174 = arith.subf %sub3A_1173, %select_n3A_1170 : vector<16xf32>
        %add3A_1175 = arith.constant 1.000000e-10 : f32
        %add3A_1176 = vector.broadcast %add3A_1175 : f32 to vector<16xf32>
        %add3A_1177 = arith.addf %sub3A_1174, %add3A_1176 : vector<16xf32>
        %mul3A_1178 = arith.mulf %mul3A_1130, %add3A_1177 : vector<16xf32>
        %broadcast_in_dim3A_1179 = arith.constant 0 : i32
        %broadcast_in_dim3A_1180 = vector.broadcast %broadcast_in_dim3A_1179 : i32 to vector<16xi32>
        %gather3A_1181 = tpu.vector_load_idx %arg15[%add3A_1152, %broadcast_in_dim3A_1180] : memref<512x16xf32, #tpu.memory_space<vmem>>[vector<16xi32>, vector<16xi32>], vector<16xf32>,
        %broadcast_in_dim3A_1182 = arith.constant 1 : i32
        %broadcast_in_dim3A_1183 = vector.broadcast %broadcast_in_dim3A_1182 : i32 to vector<16xi32>
        %gather3A_1184 = tpu.vector_load_idx %arg15[%add3A_1152, %broadcast_in_dim3A_1183] : memref<512x16xf32, #tpu.memory_space<vmem>>[vector<16xi32>, vector<16xi32>], vector<16xf32>,
        %broadcast_in_dim3A_1185 = arith.constant 2 : i32
        %broadcast_in_dim3A_1186 = vector.broadcast %broadcast_in_dim3A_1185 : i32 to vector<16xi32>
        %gather3A_1187 = tpu.vector_load_idx %arg15[%add3A_1152, %broadcast_in_dim3A_1186] : memref<512x16xf32, #tpu.memory_space<vmem>>[vector<16xi32>, vector<16xi32>], vector<16xf32>,
        %mul3A_1188 = arith.mulf %mul3A_1171, %gather3A_1181 : vector<16xf32>
        %add3A_1189 = arith.addf %add3A_1141, %mul3A_1188 : vector<16xf32>
        %mul3A_1190 = arith.mulf %mul3A_1171, %gather3A_1184 : vector<16xf32>
        %add3A_1191 = arith.addf %add3A_1143, %mul3A_1190 : vector<16xf32>
        %mul3A_1192 = arith.mulf %mul3A_1171, %gather3A_1187 : vector<16xf32>
        %add3A_1193 = arith.addf %add3A_1145, %mul3A_1192 : vector<16xf32>
        %add3A_1194 = arith.addf %add3A_1146, %mul3A_1171 : vector<16xf32>
        scf.yield %add3A_1189, %add3A_1191, %add3A_1193, %add3A_1194, %mul3A_1178 : vector<16xf32>, vector<16xf32>, vector<16xf32>, vector<16xf32>, vector<16xf32>
      }
      %scan3A_713 = arith.constant 8 : i32
      %mul3A_714 = arith.constant 64 : i32
      %mul3A_715 = arith.muli %mul3A_639, %mul3A_714 : i32
      %add3A_716 = arith.constant 0 : i32
      %add3A_717 = arith.addi %mul3A_715, %add3A_716 : i32
      %add3A_718 = arith.constant 0 : i32
      %add3A_719 = arith.addi %add3A_718, %add3A_717 : i32
      %swap3A_720 = arith.index_cast %add3A_719 : i32 to index
      %swap3A_721 = tpu.vector_load %arg25[%swap3A_720] {strides = array<i32>} : memref<32768xf32, #tpu.memory_space<vmem>>, vector<16xf32>,
      tpu.vector_store %arg25[%swap3A_720], %scan3A_712#0 {strides = array<i32>} : memref<32768xf32, #tpu.memory_space<vmem>>, vector<16xf32>,
      %add3A_722 = arith.constant 8192 : i32
      %add3A_723 = arith.addi %add3A_722, %add3A_717 : i32
      %swap3A_724 = arith.index_cast %add3A_723 : i32 to index
      %swap3A_725 = tpu.vector_load %arg25[%swap3A_724] {strides = array<i32>} : memref<32768xf32, #tpu.memory_space<vmem>>, vector<16xf32>,
      tpu.vector_store %arg25[%swap3A_724], %scan3A_712#1 {strides = array<i32>} : memref<32768xf32, #tpu.memory_space<vmem>>, vector<16xf32>,
      %add3A_726 = arith.constant 16384 : i32
      %add3A_727 = arith.addi %add3A_726, %add3A_717 : i32
      %swap3A_728 = arith.index_cast %add3A_727 : i32 to index
      %swap3A_729 = tpu.vector_load %arg25[%swap3A_728] {strides = array<i32>} : memref<32768xf32, #tpu.memory_space<vmem>>, vector<16xf32>,
      tpu.vector_store %arg25[%swap3A_728], %scan3A_712#2 {strides = array<i32>} : memref<32768xf32, #tpu.memory_space<vmem>>, vector<16xf32>,
      %add3A_730 = arith.constant 24576 : i32
      %add3A_731 = arith.addi %add3A_730, %add3A_717 : i32
      %swap3A_732 = arith.index_cast %add3A_731 : i32 to index
      %swap3A_733 = tpu.vector_load %arg25[%swap3A_732] {strides = array<i32>} : memref<32768xf32, #tpu.memory_space<vmem>>, vector<16xf32>,
      tpu.vector_store %arg25[%swap3A_732], %scan3A_712#3 {strides = array<i32>} : memref<32768xf32, #tpu.memory_space<vmem>>, vector<16xf32>,
      %get3A_734 = arith.constant 16 : index
      %get3A_735 = tpu.vector_load %arg23[%get3A_734] {strides = array<i32>} : memref<64xi32, #tpu.memory_space<vmem>>, vector<16xi32>,
      %mul3A_736 = arith.constant 32 : i32
      %mul3A_737 = vector.broadcast %mul3A_736 : i32 to vector<16xi32>
      %mul3A_738 = arith.muli %iota3A, %mul3A_737 : vector<16xi32>
      %broadcast_in_dim3A_739 = arith.constant 0.000000e+00 : f32
      %broadcast_in_dim3A_740 = vector.broadcast %broadcast_in_dim3A_739 : f32 to vector<16xf32>
      %broadcast_in_dim3A_741 = arith.constant 1.000000e+00 : f32
      %broadcast_in_dim3A_742 = vector.broadcast %broadcast_in_dim3A_741 : f32 to vector<16xf32>
      %scan3A_743 = arith.constant 0 : i32
      %scan3A_744 = arith.constant 8 : i32
      %scan3A_745 = arith.addi %scan3A_743, %scan3A_744 : i32
      %scan3A_746 = arith.constant 1 : i32
      %scan3A_747:5 = scf.for %scan3A_1005 = %scan3A_743 to %scan3A_745 step %scan3A_746 iter_args(%scan3A_1006 = %broadcast_in_dim3A_740, %scan3A_1007 = %broadcast_in_dim3A_740, %scan3A_1008 = %broadcast_in_dim3A_740, %scan3A_1009 = %broadcast_in_dim3A_740, %scan3A_1010 = %broadcast_in_dim3A_742) -> (vector<16xf32>, vector<16xf32>, vector<16xf32>, vector<16xf32>, vector<16xf32>)  : i32 {
        %mul3A_1011 = arith.constant 4 : i32
        %mul3A_1012 = arith.muli %scan3A_1005, %mul3A_1011 : i32
        %add3A_1013 = arith.constant 0 : i32
        %add3A_1014 = arith.addi %mul3A_1012, %add3A_1013 : i32
        %add3A_1015 = vector.broadcast %add3A_1014 : i32 to vector<16xi32>
        %add3A_1016 = arith.addi %mul3A_738, %add3A_1015 : vector<16xi32>
        %broadcast_in_dim3A_1017 = arith.constant 3 : i32
        %broadcast_in_dim3A_1018 = vector.broadcast %broadcast_in_dim3A_1017 : i32 to vector<16xi32>
        %gather3A = tpu.vector_load_idx %arg16[%add3A_1016, %broadcast_in_dim3A_1018] : memref<512x16xf32, #tpu.memory_space<vmem>>[vector<16xi32>, vector<16xi32>], vector<16xf32>,
        %neg3A = arith.constant 0.000000e+00 : f32
        %neg3A_1019 = vector.broadcast %neg3A : f32 to vector<16xf32>
        %neg3A_1020 = arith.subf %neg3A_1019, %gather3A : vector<16xf32>
        %exp3A = math.exp %neg3A_1020 : vector<16xf32>
        %add3A_1021 = arith.constant 1.000000e+00 : f32
        %add3A_1022 = vector.broadcast %add3A_1021 : f32 to vector<16xf32>
        %add3A_1023 = arith.addf %add3A_1022, %exp3A : vector<16xf32>
        %div3A = arith.constant 1.000000e+00 : f32
        %div3A_1024 = vector.broadcast %div3A : f32 to vector<16xf32>
        %div3A_1025 = arith.divf %div3A_1024, %add3A_1023 : vector<16xf32>
        %gt3A = vector.broadcast %add3A_1014 : i32 to vector<16xi32>
        %gt3A_1026 = arith.cmpi sgt, %get3A_735, %gt3A : vector<16xi32>
        %jit3A = arith.constant 0.000000e+00 : f32
        %broadcast_in_dim3A_1027 = vector.broadcast %jit3A : f32 to vector<16xf32>
        %select_n3A = arith.select %gt3A_1026, %div3A_1025, %broadcast_in_dim3A_1027 : vector<16xi1>, vector<16xf32>
        %mul3A_1028 = arith.mulf %select_n3A, %scan3A_1010 : vector<16xf32>
        %sub3A = arith.constant 1.000000e+00 : f32
        %sub3A_1029 = vector.broadcast %sub3A : f32 to vector<16xf32>
        %sub3A_1030 = arith.subf %sub3A_1029, %select_n3A : vector<16xf32>
        %add3A_1031 = arith.constant 1.000000e-10 : f32
        %add3A_1032 = vector.broadcast %add3A_1031 : f32 to vector<16xf32>
        %add3A_1033 = arith.addf %sub3A_1030, %add3A_1032 : vector<16xf32>
        %mul3A_1034 = arith.mulf %scan3A_1010, %add3A_1033 : vector<16xf32>
        %broadcast_in_dim3A_1035 = arith.constant 0 : i32
        %broadcast_in_dim3A_1036 = vector.broadcast %broadcast_in_dim3A_1035 : i32 to vector<16xi32>
        %gather3A_1037 = tpu.vector_load_idx %arg16[%add3A_1016, %broadcast_in_dim3A_1036] : memref<512x16xf32, #tpu.memory_space<vmem>>[vector<16xi32>, vector<16xi32>], vector<16xf32>,
        %broadcast_in_dim3A_1038 = arith.constant 1 : i32
        %broadcast_in_dim3A_1039 = vector.broadcast %broadcast_in_dim3A_1038 : i32 to vector<16xi32>
        %gather3A_1040 = tpu.vector_load_idx %arg16[%add3A_1016, %broadcast_in_dim3A_1039] : memref<512x16xf32, #tpu.memory_space<vmem>>[vector<16xi32>, vector<16xi32>], vector<16xf32>,
        %broadcast_in_dim3A_1041 = arith.constant 2 : i32
        %broadcast_in_dim3A_1042 = vector.broadcast %broadcast_in_dim3A_1041 : i32 to vector<16xi32>
        %gather3A_1043 = tpu.vector_load_idx %arg16[%add3A_1016, %broadcast_in_dim3A_1042] : memref<512x16xf32, #tpu.memory_space<vmem>>[vector<16xi32>, vector<16xi32>], vector<16xf32>,
        %mul3A_1044 = arith.mulf %mul3A_1028, %gather3A_1037 : vector<16xf32>
        %add3A_1045 = arith.addf %scan3A_1006, %mul3A_1044 : vector<16xf32>
        %mul3A_1046 = arith.mulf %mul3A_1028, %gather3A_1040 : vector<16xf32>
        %add3A_1047 = arith.addf %scan3A_1007, %mul3A_1046 : vector<16xf32>
        %mul3A_1048 = arith.mulf %mul3A_1028, %gather3A_1043 : vector<16xf32>
        %add3A_1049 = arith.addf %scan3A_1008, %mul3A_1048 : vector<16xf32>
        %add3A_1050 = arith.addf %scan3A_1009, %mul3A_1028 : vector<16xf32>
        %mul3A_1051 = arith.constant 4 : i32
        %mul3A_1052 = arith.muli %scan3A_1005, %mul3A_1051 : i32
        %add3A_1053 = arith.constant 1 : i32
        %add3A_1054 = arith.addi %mul3A_1052, %add3A_1053 : i32
        %add3A_1055 = vector.broadcast %add3A_1054 : i32 to vector<16xi32>
        %add3A_1056 = arith.addi %mul3A_738, %add3A_1055 : vector<16xi32>
        %broadcast_in_dim3A_1057 = arith.constant 3 : i32
        %broadcast_in_dim3A_1058 = vector.broadcast %broadcast_in_dim3A_1057 : i32 to vector<16xi32>
        %gather3A_1059 = tpu.vector_load_idx %arg16[%add3A_1056, %broadcast_in_dim3A_1058] : memref<512x16xf32, #tpu.memory_space<vmem>>[vector<16xi32>, vector<16xi32>], vector<16xf32>,
        %neg3A_1060 = arith.constant 0.000000e+00 : f32
        %neg3A_1061 = vector.broadcast %neg3A_1060 : f32 to vector<16xf32>
        %neg3A_1062 = arith.subf %neg3A_1061, %gather3A_1059 : vector<16xf32>
        %exp3A_1063 = math.exp %neg3A_1062 : vector<16xf32>
        %add3A_1064 = arith.constant 1.000000e+00 : f32
        %add3A_1065 = vector.broadcast %add3A_1064 : f32 to vector<16xf32>
        %add3A_1066 = arith.addf %add3A_1065, %exp3A_1063 : vector<16xf32>
        %div3A_1067 = arith.constant 1.000000e+00 : f32
        %div3A_1068 = vector.broadcast %div3A_1067 : f32 to vector<16xf32>
        %div3A_1069 = arith.divf %div3A_1068, %add3A_1066 : vector<16xf32>
        %gt3A_1070 = vector.broadcast %add3A_1054 : i32 to vector<16xi32>
        %gt3A_1071 = arith.cmpi sgt, %get3A_735, %gt3A_1070 : vector<16xi32>
        %jit3A_1072 = arith.constant 0.000000e+00 : f32
        %broadcast_in_dim3A_1073 = vector.broadcast %jit3A_1072 : f32 to vector<16xf32>
        %select_n3A_1074 = arith.select %gt3A_1071, %div3A_1069, %broadcast_in_dim3A_1073 : vector<16xi1>, vector<16xf32>
        %mul3A_1075 = arith.mulf %select_n3A_1074, %mul3A_1034 : vector<16xf32>
        %sub3A_1076 = arith.constant 1.000000e+00 : f32
        %sub3A_1077 = vector.broadcast %sub3A_1076 : f32 to vector<16xf32>
        %sub3A_1078 = arith.subf %sub3A_1077, %select_n3A_1074 : vector<16xf32>
        %add3A_1079 = arith.constant 1.000000e-10 : f32
        %add3A_1080 = vector.broadcast %add3A_1079 : f32 to vector<16xf32>
        %add3A_1081 = arith.addf %sub3A_1078, %add3A_1080 : vector<16xf32>
        %mul3A_1082 = arith.mulf %mul3A_1034, %add3A_1081 : vector<16xf32>
        %broadcast_in_dim3A_1083 = arith.constant 0 : i32
        %broadcast_in_dim3A_1084 = vector.broadcast %broadcast_in_dim3A_1083 : i32 to vector<16xi32>
        %gather3A_1085 = tpu.vector_load_idx %arg16[%add3A_1056, %broadcast_in_dim3A_1084] : memref<512x16xf32, #tpu.memory_space<vmem>>[vector<16xi32>, vector<16xi32>], vector<16xf32>,
        %broadcast_in_dim3A_1086 = arith.constant 1 : i32
        %broadcast_in_dim3A_1087 = vector.broadcast %broadcast_in_dim3A_1086 : i32 to vector<16xi32>
        %gather3A_1088 = tpu.vector_load_idx %arg16[%add3A_1056, %broadcast_in_dim3A_1087] : memref<512x16xf32, #tpu.memory_space<vmem>>[vector<16xi32>, vector<16xi32>], vector<16xf32>,
        %broadcast_in_dim3A_1089 = arith.constant 2 : i32
        %broadcast_in_dim3A_1090 = vector.broadcast %broadcast_in_dim3A_1089 : i32 to vector<16xi32>
        %gather3A_1091 = tpu.vector_load_idx %arg16[%add3A_1056, %broadcast_in_dim3A_1090] : memref<512x16xf32, #tpu.memory_space<vmem>>[vector<16xi32>, vector<16xi32>], vector<16xf32>,
        %mul3A_1092 = arith.mulf %mul3A_1075, %gather3A_1085 : vector<16xf32>
        %add3A_1093 = arith.addf %add3A_1045, %mul3A_1092 : vector<16xf32>
        %mul3A_1094 = arith.mulf %mul3A_1075, %gather3A_1088 : vector<16xf32>
        %add3A_1095 = arith.addf %add3A_1047, %mul3A_1094 : vector<16xf32>
        %mul3A_1096 = arith.mulf %mul3A_1075, %gather3A_1091 : vector<16xf32>
        %add3A_1097 = arith.addf %add3A_1049, %mul3A_1096 : vector<16xf32>
        %add3A_1098 = arith.addf %add3A_1050, %mul3A_1075 : vector<16xf32>
        %mul3A_1099 = arith.constant 4 : i32
        %mul3A_1100 = arith.muli %scan3A_1005, %mul3A_1099 : i32
        %add3A_1101 = arith.constant 2 : i32
        %add3A_1102 = arith.addi %mul3A_1100, %add3A_1101 : i32
        %add3A_1103 = vector.broadcast %add3A_1102 : i32 to vector<16xi32>
        %add3A_1104 = arith.addi %mul3A_738, %add3A_1103 : vector<16xi32>
        %broadcast_in_dim3A_1105 = arith.constant 3 : i32
        %broadcast_in_dim3A_1106 = vector.broadcast %broadcast_in_dim3A_1105 : i32 to vector<16xi32>
        %gather3A_1107 = tpu.vector_load_idx %arg16[%add3A_1104, %broadcast_in_dim3A_1106] : memref<512x16xf32, #tpu.memory_space<vmem>>[vector<16xi32>, vector<16xi32>], vector<16xf32>,
        %neg3A_1108 = arith.constant 0.000000e+00 : f32
        %neg3A_1109 = vector.broadcast %neg3A_1108 : f32 to vector<16xf32>
        %neg3A_1110 = arith.subf %neg3A_1109, %gather3A_1107 : vector<16xf32>
        %exp3A_1111 = math.exp %neg3A_1110 : vector<16xf32>
        %add3A_1112 = arith.constant 1.000000e+00 : f32
        %add3A_1113 = vector.broadcast %add3A_1112 : f32 to vector<16xf32>
        %add3A_1114 = arith.addf %add3A_1113, %exp3A_1111 : vector<16xf32>
        %div3A_1115 = arith.constant 1.000000e+00 : f32
        %div3A_1116 = vector.broadcast %div3A_1115 : f32 to vector<16xf32>
        %div3A_1117 = arith.divf %div3A_1116, %add3A_1114 : vector<16xf32>
        %gt3A_1118 = vector.broadcast %add3A_1102 : i32 to vector<16xi32>
        %gt3A_1119 = arith.cmpi sgt, %get3A_735, %gt3A_1118 : vector<16xi32>
        %jit3A_1120 = arith.constant 0.000000e+00 : f32
        %broadcast_in_dim3A_1121 = vector.broadcast %jit3A_1120 : f32 to vector<16xf32>
        %select_n3A_1122 = arith.select %gt3A_1119, %div3A_1117, %broadcast_in_dim3A_1121 : vector<16xi1>, vector<16xf32>
        %mul3A_1123 = arith.mulf %select_n3A_1122, %mul3A_1082 : vector<16xf32>
        %sub3A_1124 = arith.constant 1.000000e+00 : f32
        %sub3A_1125 = vector.broadcast %sub3A_1124 : f32 to vector<16xf32>
        %sub3A_1126 = arith.subf %sub3A_1125, %select_n3A_1122 : vector<16xf32>
        %add3A_1127 = arith.constant 1.000000e-10 : f32
        %add3A_1128 = vector.broadcast %add3A_1127 : f32 to vector<16xf32>
        %add3A_1129 = arith.addf %sub3A_1126, %add3A_1128 : vector<16xf32>
        %mul3A_1130 = arith.mulf %mul3A_1082, %add3A_1129 : vector<16xf32>
        %broadcast_in_dim3A_1131 = arith.constant 0 : i32
        %broadcast_in_dim3A_1132 = vector.broadcast %broadcast_in_dim3A_1131 : i32 to vector<16xi32>
        %gather3A_1133 = tpu.vector_load_idx %arg16[%add3A_1104, %broadcast_in_dim3A_1132] : memref<512x16xf32, #tpu.memory_space<vmem>>[vector<16xi32>, vector<16xi32>], vector<16xf32>,
        %broadcast_in_dim3A_1134 = arith.constant 1 : i32
        %broadcast_in_dim3A_1135 = vector.broadcast %broadcast_in_dim3A_1134 : i32 to vector<16xi32>
        %gather3A_1136 = tpu.vector_load_idx %arg16[%add3A_1104, %broadcast_in_dim3A_1135] : memref<512x16xf32, #tpu.memory_space<vmem>>[vector<16xi32>, vector<16xi32>], vector<16xf32>,
        %broadcast_in_dim3A_1137 = arith.constant 2 : i32
        %broadcast_in_dim3A_1138 = vector.broadcast %broadcast_in_dim3A_1137 : i32 to vector<16xi32>
        %gather3A_1139 = tpu.vector_load_idx %arg16[%add3A_1104, %broadcast_in_dim3A_1138] : memref<512x16xf32, #tpu.memory_space<vmem>>[vector<16xi32>, vector<16xi32>], vector<16xf32>,
        %mul3A_1140 = arith.mulf %mul3A_1123, %gather3A_1133 : vector<16xf32>
        %add3A_1141 = arith.addf %add3A_1093, %mul3A_1140 : vector<16xf32>
        %mul3A_1142 = arith.mulf %mul3A_1123, %gather3A_1136 : vector<16xf32>
        %add3A_1143 = arith.addf %add3A_1095, %mul3A_1142 : vector<16xf32>
        %mul3A_1144 = arith.mulf %mul3A_1123, %gather3A_1139 : vector<16xf32>
        %add3A_1145 = arith.addf %add3A_1097, %mul3A_1144 : vector<16xf32>
        %add3A_1146 = arith.addf %add3A_1098, %mul3A_1123 : vector<16xf32>
        %mul3A_1147 = arith.constant 4 : i32
        %mul3A_1148 = arith.muli %scan3A_1005, %mul3A_1147 : i32
        %add3A_1149 = arith.constant 3 : i32
        %add3A_1150 = arith.addi %mul3A_1148, %add3A_1149 : i32
        %add3A_1151 = vector.broadcast %add3A_1150 : i32 to vector<16xi32>
        %add3A_1152 = arith.addi %mul3A_738, %add3A_1151 : vector<16xi32>
        %broadcast_in_dim3A_1153 = arith.constant 3 : i32
        %broadcast_in_dim3A_1154 = vector.broadcast %broadcast_in_dim3A_1153 : i32 to vector<16xi32>
        %gather3A_1155 = tpu.vector_load_idx %arg16[%add3A_1152, %broadcast_in_dim3A_1154] : memref<512x16xf32, #tpu.memory_space<vmem>>[vector<16xi32>, vector<16xi32>], vector<16xf32>,
        %neg3A_1156 = arith.constant 0.000000e+00 : f32
        %neg3A_1157 = vector.broadcast %neg3A_1156 : f32 to vector<16xf32>
        %neg3A_1158 = arith.subf %neg3A_1157, %gather3A_1155 : vector<16xf32>
        %exp3A_1159 = math.exp %neg3A_1158 : vector<16xf32>
        %add3A_1160 = arith.constant 1.000000e+00 : f32
        %add3A_1161 = vector.broadcast %add3A_1160 : f32 to vector<16xf32>
        %add3A_1162 = arith.addf %add3A_1161, %exp3A_1159 : vector<16xf32>
        %div3A_1163 = arith.constant 1.000000e+00 : f32
        %div3A_1164 = vector.broadcast %div3A_1163 : f32 to vector<16xf32>
        %div3A_1165 = arith.divf %div3A_1164, %add3A_1162 : vector<16xf32>
        %gt3A_1166 = vector.broadcast %add3A_1150 : i32 to vector<16xi32>
        %gt3A_1167 = arith.cmpi sgt, %get3A_735, %gt3A_1166 : vector<16xi32>
        %jit3A_1168 = arith.constant 0.000000e+00 : f32
        %broadcast_in_dim3A_1169 = vector.broadcast %jit3A_1168 : f32 to vector<16xf32>
        %select_n3A_1170 = arith.select %gt3A_1167, %div3A_1165, %broadcast_in_dim3A_1169 : vector<16xi1>, vector<16xf32>
        %mul3A_1171 = arith.mulf %select_n3A_1170, %mul3A_1130 : vector<16xf32>
        %sub3A_1172 = arith.constant 1.000000e+00 : f32
        %sub3A_1173 = vector.broadcast %sub3A_1172 : f32 to vector<16xf32>
        %sub3A_1174 = arith.subf %sub3A_1173, %select_n3A_1170 : vector<16xf32>
        %add3A_1175 = arith.constant 1.000000e-10 : f32
        %add3A_1176 = vector.broadcast %add3A_1175 : f32 to vector<16xf32>
        %add3A_1177 = arith.addf %sub3A_1174, %add3A_1176 : vector<16xf32>
        %mul3A_1178 = arith.mulf %mul3A_1130, %add3A_1177 : vector<16xf32>
        %broadcast_in_dim3A_1179 = arith.constant 0 : i32
        %broadcast_in_dim3A_1180 = vector.broadcast %broadcast_in_dim3A_1179 : i32 to vector<16xi32>
        %gather3A_1181 = tpu.vector_load_idx %arg16[%add3A_1152, %broadcast_in_dim3A_1180] : memref<512x16xf32, #tpu.memory_space<vmem>>[vector<16xi32>, vector<16xi32>], vector<16xf32>,
        %broadcast_in_dim3A_1182 = arith.constant 1 : i32
        %broadcast_in_dim3A_1183 = vector.broadcast %broadcast_in_dim3A_1182 : i32 to vector<16xi32>
        %gather3A_1184 = tpu.vector_load_idx %arg16[%add3A_1152, %broadcast_in_dim3A_1183] : memref<512x16xf32, #tpu.memory_space<vmem>>[vector<16xi32>, vector<16xi32>], vector<16xf32>,
        %broadcast_in_dim3A_1185 = arith.constant 2 : i32
        %broadcast_in_dim3A_1186 = vector.broadcast %broadcast_in_dim3A_1185 : i32 to vector<16xi32>
        %gather3A_1187 = tpu.vector_load_idx %arg16[%add3A_1152, %broadcast_in_dim3A_1186] : memref<512x16xf32, #tpu.memory_space<vmem>>[vector<16xi32>, vector<16xi32>], vector<16xf32>,
        %mul3A_1188 = arith.mulf %mul3A_1171, %gather3A_1181 : vector<16xf32>
        %add3A_1189 = arith.addf %add3A_1141, %mul3A_1188 : vector<16xf32>
        %mul3A_1190 = arith.mulf %mul3A_1171, %gather3A_1184 : vector<16xf32>
        %add3A_1191 = arith.addf %add3A_1143, %mul3A_1190 : vector<16xf32>
        %mul3A_1192 = arith.mulf %mul3A_1171, %gather3A_1187 : vector<16xf32>
        %add3A_1193 = arith.addf %add3A_1145, %mul3A_1192 : vector<16xf32>
        %add3A_1194 = arith.addf %add3A_1146, %mul3A_1171 : vector<16xf32>
        scf.yield %add3A_1189, %add3A_1191, %add3A_1193, %add3A_1194, %mul3A_1178 : vector<16xf32>, vector<16xf32>, vector<16xf32>, vector<16xf32>, vector<16xf32>
      }
      %scan3A_748 = arith.constant 8 : i32
      %mul3A_749 = arith.constant 64 : i32
      %mul3A_750 = arith.muli %mul3A_639, %mul3A_749 : i32
      %add3A_751 = arith.constant 16 : i32
      %add3A_752 = arith.addi %mul3A_750, %add3A_751 : i32
      %add3A_753 = arith.constant 0 : i32
      %add3A_754 = arith.addi %add3A_753, %add3A_752 : i32
      %swap3A_755 = arith.index_cast %add3A_754 : i32 to index
      %swap3A_756 = tpu.vector_load %arg25[%swap3A_755] {strides = array<i32>} : memref<32768xf32, #tpu.memory_space<vmem>>, vector<16xf32>,
      tpu.vector_store %arg25[%swap3A_755], %scan3A_747#0 {strides = array<i32>} : memref<32768xf32, #tpu.memory_space<vmem>>, vector<16xf32>,
      %add3A_757 = arith.constant 8192 : i32
      %add3A_758 = arith.addi %add3A_757, %add3A_752 : i32
      %swap3A_759 = arith.index_cast %add3A_758 : i32 to index
      %swap3A_760 = tpu.vector_load %arg25[%swap3A_759] {strides = array<i32>} : memref<32768xf32, #tpu.memory_space<vmem>>, vector<16xf32>,
      tpu.vector_store %arg25[%swap3A_759], %scan3A_747#1 {strides = array<i32>} : memref<32768xf32, #tpu.memory_space<vmem>>, vector<16xf32>,
      %add3A_761 = arith.constant 16384 : i32
      %add3A_762 = arith.addi %add3A_761, %add3A_752 : i32
      %swap3A_763 = arith.index_cast %add3A_762 : i32 to index
      %swap3A_764 = tpu.vector_load %arg25[%swap3A_763] {strides = array<i32>} : memref<32768xf32, #tpu.memory_space<vmem>>, vector<16xf32>,
      tpu.vector_store %arg25[%swap3A_763], %scan3A_747#2 {strides = array<i32>} : memref<32768xf32, #tpu.memory_space<vmem>>, vector<16xf32>,
      %add3A_765 = arith.constant 24576 : i32
      %add3A_766 = arith.addi %add3A_765, %add3A_752 : i32
      %swap3A_767 = arith.index_cast %add3A_766 : i32 to index
      %swap3A_768 = tpu.vector_load %arg25[%swap3A_767] {strides = array<i32>} : memref<32768xf32, #tpu.memory_space<vmem>>, vector<16xf32>,
      tpu.vector_store %arg25[%swap3A_767], %scan3A_747#3 {strides = array<i32>} : memref<32768xf32, #tpu.memory_space<vmem>>, vector<16xf32>,
      %get3A_769 = arith.constant 32 : index
      %get3A_770 = tpu.vector_load %arg23[%get3A_769] {strides = array<i32>} : memref<64xi32, #tpu.memory_space<vmem>>, vector<16xi32>,
      %mul3A_771 = arith.constant 32 : i32
      %mul3A_772 = vector.broadcast %mul3A_771 : i32 to vector<16xi32>
      %mul3A_773 = arith.muli %iota3A, %mul3A_772 : vector<16xi32>
      %broadcast_in_dim3A_774 = arith.constant 0.000000e+00 : f32
      %broadcast_in_dim3A_775 = vector.broadcast %broadcast_in_dim3A_774 : f32 to vector<16xf32>
      %broadcast_in_dim3A_776 = arith.constant 1.000000e+00 : f32
      %broadcast_in_dim3A_777 = vector.broadcast %broadcast_in_dim3A_776 : f32 to vector<16xf32>
      %scan3A_778 = arith.constant 0 : i32
      %scan3A_779 = arith.constant 8 : i32
      %scan3A_780 = arith.addi %scan3A_778, %scan3A_779 : i32
      %scan3A_781 = arith.constant 1 : i32
      %scan3A_782:5 = scf.for %scan3A_1005 = %scan3A_778 to %scan3A_780 step %scan3A_781 iter_args(%scan3A_1006 = %broadcast_in_dim3A_775, %scan3A_1007 = %broadcast_in_dim3A_775, %scan3A_1008 = %broadcast_in_dim3A_775, %scan3A_1009 = %broadcast_in_dim3A_775, %scan3A_1010 = %broadcast_in_dim3A_777) -> (vector<16xf32>, vector<16xf32>, vector<16xf32>, vector<16xf32>, vector<16xf32>)  : i32 {
        %mul3A_1011 = arith.constant 4 : i32
        %mul3A_1012 = arith.muli %scan3A_1005, %mul3A_1011 : i32
        %add3A_1013 = arith.constant 0 : i32
        %add3A_1014 = arith.addi %mul3A_1012, %add3A_1013 : i32
        %add3A_1015 = vector.broadcast %add3A_1014 : i32 to vector<16xi32>
        %add3A_1016 = arith.addi %mul3A_773, %add3A_1015 : vector<16xi32>
        %broadcast_in_dim3A_1017 = arith.constant 3 : i32
        %broadcast_in_dim3A_1018 = vector.broadcast %broadcast_in_dim3A_1017 : i32 to vector<16xi32>
        %gather3A = tpu.vector_load_idx %arg17[%add3A_1016, %broadcast_in_dim3A_1018] : memref<512x16xf32, #tpu.memory_space<vmem>>[vector<16xi32>, vector<16xi32>], vector<16xf32>,
        %neg3A = arith.constant 0.000000e+00 : f32
        %neg3A_1019 = vector.broadcast %neg3A : f32 to vector<16xf32>
        %neg3A_1020 = arith.subf %neg3A_1019, %gather3A : vector<16xf32>
        %exp3A = math.exp %neg3A_1020 : vector<16xf32>
        %add3A_1021 = arith.constant 1.000000e+00 : f32
        %add3A_1022 = vector.broadcast %add3A_1021 : f32 to vector<16xf32>
        %add3A_1023 = arith.addf %add3A_1022, %exp3A : vector<16xf32>
        %div3A = arith.constant 1.000000e+00 : f32
        %div3A_1024 = vector.broadcast %div3A : f32 to vector<16xf32>
        %div3A_1025 = arith.divf %div3A_1024, %add3A_1023 : vector<16xf32>
        %gt3A = vector.broadcast %add3A_1014 : i32 to vector<16xi32>
        %gt3A_1026 = arith.cmpi sgt, %get3A_770, %gt3A : vector<16xi32>
        %jit3A = arith.constant 0.000000e+00 : f32
        %broadcast_in_dim3A_1027 = vector.broadcast %jit3A : f32 to vector<16xf32>
        %select_n3A = arith.select %gt3A_1026, %div3A_1025, %broadcast_in_dim3A_1027 : vector<16xi1>, vector<16xf32>
        %mul3A_1028 = arith.mulf %select_n3A, %scan3A_1010 : vector<16xf32>
        %sub3A = arith.constant 1.000000e+00 : f32
        %sub3A_1029 = vector.broadcast %sub3A : f32 to vector<16xf32>
        %sub3A_1030 = arith.subf %sub3A_1029, %select_n3A : vector<16xf32>
        %add3A_1031 = arith.constant 1.000000e-10 : f32
        %add3A_1032 = vector.broadcast %add3A_1031 : f32 to vector<16xf32>
        %add3A_1033 = arith.addf %sub3A_1030, %add3A_1032 : vector<16xf32>
        %mul3A_1034 = arith.mulf %scan3A_1010, %add3A_1033 : vector<16xf32>
        %broadcast_in_dim3A_1035 = arith.constant 0 : i32
        %broadcast_in_dim3A_1036 = vector.broadcast %broadcast_in_dim3A_1035 : i32 to vector<16xi32>
        %gather3A_1037 = tpu.vector_load_idx %arg17[%add3A_1016, %broadcast_in_dim3A_1036] : memref<512x16xf32, #tpu.memory_space<vmem>>[vector<16xi32>, vector<16xi32>], vector<16xf32>,
        %broadcast_in_dim3A_1038 = arith.constant 1 : i32
        %broadcast_in_dim3A_1039 = vector.broadcast %broadcast_in_dim3A_1038 : i32 to vector<16xi32>
        %gather3A_1040 = tpu.vector_load_idx %arg17[%add3A_1016, %broadcast_in_dim3A_1039] : memref<512x16xf32, #tpu.memory_space<vmem>>[vector<16xi32>, vector<16xi32>], vector<16xf32>,
        %broadcast_in_dim3A_1041 = arith.constant 2 : i32
        %broadcast_in_dim3A_1042 = vector.broadcast %broadcast_in_dim3A_1041 : i32 to vector<16xi32>
        %gather3A_1043 = tpu.vector_load_idx %arg17[%add3A_1016, %broadcast_in_dim3A_1042] : memref<512x16xf32, #tpu.memory_space<vmem>>[vector<16xi32>, vector<16xi32>], vector<16xf32>,
        %mul3A_1044 = arith.mulf %mul3A_1028, %gather3A_1037 : vector<16xf32>
        %add3A_1045 = arith.addf %scan3A_1006, %mul3A_1044 : vector<16xf32>
        %mul3A_1046 = arith.mulf %mul3A_1028, %gather3A_1040 : vector<16xf32>
        %add3A_1047 = arith.addf %scan3A_1007, %mul3A_1046 : vector<16xf32>
        %mul3A_1048 = arith.mulf %mul3A_1028, %gather3A_1043 : vector<16xf32>
        %add3A_1049 = arith.addf %scan3A_1008, %mul3A_1048 : vector<16xf32>
        %add3A_1050 = arith.addf %scan3A_1009, %mul3A_1028 : vector<16xf32>
        %mul3A_1051 = arith.constant 4 : i32
        %mul3A_1052 = arith.muli %scan3A_1005, %mul3A_1051 : i32
        %add3A_1053 = arith.constant 1 : i32
        %add3A_1054 = arith.addi %mul3A_1052, %add3A_1053 : i32
        %add3A_1055 = vector.broadcast %add3A_1054 : i32 to vector<16xi32>
        %add3A_1056 = arith.addi %mul3A_773, %add3A_1055 : vector<16xi32>
        %broadcast_in_dim3A_1057 = arith.constant 3 : i32
        %broadcast_in_dim3A_1058 = vector.broadcast %broadcast_in_dim3A_1057 : i32 to vector<16xi32>
        %gather3A_1059 = tpu.vector_load_idx %arg17[%add3A_1056, %broadcast_in_dim3A_1058] : memref<512x16xf32, #tpu.memory_space<vmem>>[vector<16xi32>, vector<16xi32>], vector<16xf32>,
        %neg3A_1060 = arith.constant 0.000000e+00 : f32
        %neg3A_1061 = vector.broadcast %neg3A_1060 : f32 to vector<16xf32>
        %neg3A_1062 = arith.subf %neg3A_1061, %gather3A_1059 : vector<16xf32>
        %exp3A_1063 = math.exp %neg3A_1062 : vector<16xf32>
        %add3A_1064 = arith.constant 1.000000e+00 : f32
        %add3A_1065 = vector.broadcast %add3A_1064 : f32 to vector<16xf32>
        %add3A_1066 = arith.addf %add3A_1065, %exp3A_1063 : vector<16xf32>
        %div3A_1067 = arith.constant 1.000000e+00 : f32
        %div3A_1068 = vector.broadcast %div3A_1067 : f32 to vector<16xf32>
        %div3A_1069 = arith.divf %div3A_1068, %add3A_1066 : vector<16xf32>
        %gt3A_1070 = vector.broadcast %add3A_1054 : i32 to vector<16xi32>
        %gt3A_1071 = arith.cmpi sgt, %get3A_770, %gt3A_1070 : vector<16xi32>
        %jit3A_1072 = arith.constant 0.000000e+00 : f32
        %broadcast_in_dim3A_1073 = vector.broadcast %jit3A_1072 : f32 to vector<16xf32>
        %select_n3A_1074 = arith.select %gt3A_1071, %div3A_1069, %broadcast_in_dim3A_1073 : vector<16xi1>, vector<16xf32>
        %mul3A_1075 = arith.mulf %select_n3A_1074, %mul3A_1034 : vector<16xf32>
        %sub3A_1076 = arith.constant 1.000000e+00 : f32
        %sub3A_1077 = vector.broadcast %sub3A_1076 : f32 to vector<16xf32>
        %sub3A_1078 = arith.subf %sub3A_1077, %select_n3A_1074 : vector<16xf32>
        %add3A_1079 = arith.constant 1.000000e-10 : f32
        %add3A_1080 = vector.broadcast %add3A_1079 : f32 to vector<16xf32>
        %add3A_1081 = arith.addf %sub3A_1078, %add3A_1080 : vector<16xf32>
        %mul3A_1082 = arith.mulf %mul3A_1034, %add3A_1081 : vector<16xf32>
        %broadcast_in_dim3A_1083 = arith.constant 0 : i32
        %broadcast_in_dim3A_1084 = vector.broadcast %broadcast_in_dim3A_1083 : i32 to vector<16xi32>
        %gather3A_1085 = tpu.vector_load_idx %arg17[%add3A_1056, %broadcast_in_dim3A_1084] : memref<512x16xf32, #tpu.memory_space<vmem>>[vector<16xi32>, vector<16xi32>], vector<16xf32>,
        %broadcast_in_dim3A_1086 = arith.constant 1 : i32
        %broadcast_in_dim3A_1087 = vector.broadcast %broadcast_in_dim3A_1086 : i32 to vector<16xi32>
        %gather3A_1088 = tpu.vector_load_idx %arg17[%add3A_1056, %broadcast_in_dim3A_1087] : memref<512x16xf32, #tpu.memory_space<vmem>>[vector<16xi32>, vector<16xi32>], vector<16xf32>,
        %broadcast_in_dim3A_1089 = arith.constant 2 : i32
        %broadcast_in_dim3A_1090 = vector.broadcast %broadcast_in_dim3A_1089 : i32 to vector<16xi32>
        %gather3A_1091 = tpu.vector_load_idx %arg17[%add3A_1056, %broadcast_in_dim3A_1090] : memref<512x16xf32, #tpu.memory_space<vmem>>[vector<16xi32>, vector<16xi32>], vector<16xf32>,
        %mul3A_1092 = arith.mulf %mul3A_1075, %gather3A_1085 : vector<16xf32>
        %add3A_1093 = arith.addf %add3A_1045, %mul3A_1092 : vector<16xf32>
        %mul3A_1094 = arith.mulf %mul3A_1075, %gather3A_1088 : vector<16xf32>
        %add3A_1095 = arith.addf %add3A_1047, %mul3A_1094 : vector<16xf32>
        %mul3A_1096 = arith.mulf %mul3A_1075, %gather3A_1091 : vector<16xf32>
        %add3A_1097 = arith.addf %add3A_1049, %mul3A_1096 : vector<16xf32>
        %add3A_1098 = arith.addf %add3A_1050, %mul3A_1075 : vector<16xf32>
        %mul3A_1099 = arith.constant 4 : i32
        %mul3A_1100 = arith.muli %scan3A_1005, %mul3A_1099 : i32
        %add3A_1101 = arith.constant 2 : i32
        %add3A_1102 = arith.addi %mul3A_1100, %add3A_1101 : i32
        %add3A_1103 = vector.broadcast %add3A_1102 : i32 to vector<16xi32>
        %add3A_1104 = arith.addi %mul3A_773, %add3A_1103 : vector<16xi32>
        %broadcast_in_dim3A_1105 = arith.constant 3 : i32
        %broadcast_in_dim3A_1106 = vector.broadcast %broadcast_in_dim3A_1105 : i32 to vector<16xi32>
        %gather3A_1107 = tpu.vector_load_idx %arg17[%add3A_1104, %broadcast_in_dim3A_1106] : memref<512x16xf32, #tpu.memory_space<vmem>>[vector<16xi32>, vector<16xi32>], vector<16xf32>,
        %neg3A_1108 = arith.constant 0.000000e+00 : f32
        %neg3A_1109 = vector.broadcast %neg3A_1108 : f32 to vector<16xf32>
        %neg3A_1110 = arith.subf %neg3A_1109, %gather3A_1107 : vector<16xf32>
        %exp3A_1111 = math.exp %neg3A_1110 : vector<16xf32>
        %add3A_1112 = arith.constant 1.000000e+00 : f32
        %add3A_1113 = vector.broadcast %add3A_1112 : f32 to vector<16xf32>
        %add3A_1114 = arith.addf %add3A_1113, %exp3A_1111 : vector<16xf32>
        %div3A_1115 = arith.constant 1.000000e+00 : f32
        %div3A_1116 = vector.broadcast %div3A_1115 : f32 to vector<16xf32>
        %div3A_1117 = arith.divf %div3A_1116, %add3A_1114 : vector<16xf32>
        %gt3A_1118 = vector.broadcast %add3A_1102 : i32 to vector<16xi32>
        %gt3A_1119 = arith.cmpi sgt, %get3A_770, %gt3A_1118 : vector<16xi32>
        %jit3A_1120 = arith.constant 0.000000e+00 : f32
        %broadcast_in_dim3A_1121 = vector.broadcast %jit3A_1120 : f32 to vector<16xf32>
        %select_n3A_1122 = arith.select %gt3A_1119, %div3A_1117, %broadcast_in_dim3A_1121 : vector<16xi1>, vector<16xf32>
        %mul3A_1123 = arith.mulf %select_n3A_1122, %mul3A_1082 : vector<16xf32>
        %sub3A_1124 = arith.constant 1.000000e+00 : f32
        %sub3A_1125 = vector.broadcast %sub3A_1124 : f32 to vector<16xf32>
        %sub3A_1126 = arith.subf %sub3A_1125, %select_n3A_1122 : vector<16xf32>
        %add3A_1127 = arith.constant 1.000000e-10 : f32
        %add3A_1128 = vector.broadcast %add3A_1127 : f32 to vector<16xf32>
        %add3A_1129 = arith.addf %sub3A_1126, %add3A_1128 : vector<16xf32>
        %mul3A_1130 = arith.mulf %mul3A_1082, %add3A_1129 : vector<16xf32>
        %broadcast_in_dim3A_1131 = arith.constant 0 : i32
        %broadcast_in_dim3A_1132 = vector.broadcast %broadcast_in_dim3A_1131 : i32 to vector<16xi32>
        %gather3A_1133 = tpu.vector_load_idx %arg17[%add3A_1104, %broadcast_in_dim3A_1132] : memref<512x16xf32, #tpu.memory_space<vmem>>[vector<16xi32>, vector<16xi32>], vector<16xf32>,
        %broadcast_in_dim3A_1134 = arith.constant 1 : i32
        %broadcast_in_dim3A_1135 = vector.broadcast %broadcast_in_dim3A_1134 : i32 to vector<16xi32>
        %gather3A_1136 = tpu.vector_load_idx %arg17[%add3A_1104, %broadcast_in_dim3A_1135] : memref<512x16xf32, #tpu.memory_space<vmem>>[vector<16xi32>, vector<16xi32>], vector<16xf32>,
        %broadcast_in_dim3A_1137 = arith.constant 2 : i32
        %broadcast_in_dim3A_1138 = vector.broadcast %broadcast_in_dim3A_1137 : i32 to vector<16xi32>
        %gather3A_1139 = tpu.vector_load_idx %arg17[%add3A_1104, %broadcast_in_dim3A_1138] : memref<512x16xf32, #tpu.memory_space<vmem>>[vector<16xi32>, vector<16xi32>], vector<16xf32>,
        %mul3A_1140 = arith.mulf %mul3A_1123, %gather3A_1133 : vector<16xf32>
        %add3A_1141 = arith.addf %add3A_1093, %mul3A_1140 : vector<16xf32>
        %mul3A_1142 = arith.mulf %mul3A_1123, %gather3A_1136 : vector<16xf32>
        %add3A_1143 = arith.addf %add3A_1095, %mul3A_1142 : vector<16xf32>
        %mul3A_1144 = arith.mulf %mul3A_1123, %gather3A_1139 : vector<16xf32>
        %add3A_1145 = arith.addf %add3A_1097, %mul3A_1144 : vector<16xf32>
        %add3A_1146 = arith.addf %add3A_1098, %mul3A_1123 : vector<16xf32>
        %mul3A_1147 = arith.constant 4 : i32
        %mul3A_1148 = arith.muli %scan3A_1005, %mul3A_1147 : i32
        %add3A_1149 = arith.constant 3 : i32
        %add3A_1150 = arith.addi %mul3A_1148, %add3A_1149 : i32
        %add3A_1151 = vector.broadcast %add3A_1150 : i32 to vector<16xi32>
        %add3A_1152 = arith.addi %mul3A_773, %add3A_1151 : vector<16xi32>
        %broadcast_in_dim3A_1153 = arith.constant 3 : i32
        %broadcast_in_dim3A_1154 = vector.broadcast %broadcast_in_dim3A_1153 : i32 to vector<16xi32>
        %gather3A_1155 = tpu.vector_load_idx %arg17[%add3A_1152, %broadcast_in_dim3A_1154] : memref<512x16xf32, #tpu.memory_space<vmem>>[vector<16xi32>, vector<16xi32>], vector<16xf32>,
        %neg3A_1156 = arith.constant 0.000000e+00 : f32
        %neg3A_1157 = vector.broadcast %neg3A_1156 : f32 to vector<16xf32>
        %neg3A_1158 = arith.subf %neg3A_1157, %gather3A_1155 : vector<16xf32>
        %exp3A_1159 = math.exp %neg3A_1158 : vector<16xf32>
        %add3A_1160 = arith.constant 1.000000e+00 : f32
        %add3A_1161 = vector.broadcast %add3A_1160 : f32 to vector<16xf32>
        %add3A_1162 = arith.addf %add3A_1161, %exp3A_1159 : vector<16xf32>
        %div3A_1163 = arith.constant 1.000000e+00 : f32
        %div3A_1164 = vector.broadcast %div3A_1163 : f32 to vector<16xf32>
        %div3A_1165 = arith.divf %div3A_1164, %add3A_1162 : vector<16xf32>
        %gt3A_1166 = vector.broadcast %add3A_1150 : i32 to vector<16xi32>
        %gt3A_1167 = arith.cmpi sgt, %get3A_770, %gt3A_1166 : vector<16xi32>
        %jit3A_1168 = arith.constant 0.000000e+00 : f32
        %broadcast_in_dim3A_1169 = vector.broadcast %jit3A_1168 : f32 to vector<16xf32>
        %select_n3A_1170 = arith.select %gt3A_1167, %div3A_1165, %broadcast_in_dim3A_1169 : vector<16xi1>, vector<16xf32>
        %mul3A_1171 = arith.mulf %select_n3A_1170, %mul3A_1130 : vector<16xf32>
        %sub3A_1172 = arith.constant 1.000000e+00 : f32
        %sub3A_1173 = vector.broadcast %sub3A_1172 : f32 to vector<16xf32>
        %sub3A_1174 = arith.subf %sub3A_1173, %select_n3A_1170 : vector<16xf32>
        %add3A_1175 = arith.constant 1.000000e-10 : f32
        %add3A_1176 = vector.broadcast %add3A_1175 : f32 to vector<16xf32>
        %add3A_1177 = arith.addf %sub3A_1174, %add3A_1176 : vector<16xf32>
        %mul3A_1178 = arith.mulf %mul3A_1130, %add3A_1177 : vector<16xf32>
        %broadcast_in_dim3A_1179 = arith.constant 0 : i32
        %broadcast_in_dim3A_1180 = vector.broadcast %broadcast_in_dim3A_1179 : i32 to vector<16xi32>
        %gather3A_1181 = tpu.vector_load_idx %arg17[%add3A_1152, %broadcast_in_dim3A_1180] : memref<512x16xf32, #tpu.memory_space<vmem>>[vector<16xi32>, vector<16xi32>], vector<16xf32>,
        %broadcast_in_dim3A_1182 = arith.constant 1 : i32
        %broadcast_in_dim3A_1183 = vector.broadcast %broadcast_in_dim3A_1182 : i32 to vector<16xi32>
        %gather3A_1184 = tpu.vector_load_idx %arg17[%add3A_1152, %broadcast_in_dim3A_1183] : memref<512x16xf32, #tpu.memory_space<vmem>>[vector<16xi32>, vector<16xi32>], vector<16xf32>,
        %broadcast_in_dim3A_1185 = arith.constant 2 : i32
        %broadcast_in_dim3A_1186 = vector.broadcast %broadcast_in_dim3A_1185 : i32 to vector<16xi32>
        %gather3A_1187 = tpu.vector_load_idx %arg17[%add3A_1152, %broadcast_in_dim3A_1186] : memref<512x16xf32, #tpu.memory_space<vmem>>[vector<16xi32>, vector<16xi32>], vector<16xf32>,
        %mul3A_1188 = arith.mulf %mul3A_1171, %gather3A_1181 : vector<16xf32>
        %add3A_1189 = arith.addf %add3A_1141, %mul3A_1188 : vector<16xf32>
        %mul3A_1190 = arith.mulf %mul3A_1171, %gather3A_1184 : vector<16xf32>
        %add3A_1191 = arith.addf %add3A_1143, %mul3A_1190 : vector<16xf32>
        %mul3A_1192 = arith.mulf %mul3A_1171, %gather3A_1187 : vector<16xf32>
        %add3A_1193 = arith.addf %add3A_1145, %mul3A_1192 : vector<16xf32>
        %add3A_1194 = arith.addf %add3A_1146, %mul3A_1171 : vector<16xf32>
        scf.yield %add3A_1189, %add3A_1191, %add3A_1193, %add3A_1194, %mul3A_1178 : vector<16xf32>, vector<16xf32>, vector<16xf32>, vector<16xf32>, vector<16xf32>
      }
      %scan3A_783 = arith.constant 8 : i32
      %mul3A_784 = arith.constant 64 : i32
      %mul3A_785 = arith.muli %mul3A_639, %mul3A_784 : i32
      %add3A_786 = arith.constant 32 : i32
      %add3A_787 = arith.addi %mul3A_785, %add3A_786 : i32
      %add3A_788 = arith.constant 0 : i32
      %add3A_789 = arith.addi %add3A_788, %add3A_787 : i32
      %swap3A_790 = arith.index_cast %add3A_789 : i32 to index
      %swap3A_791 = tpu.vector_load %arg25[%swap3A_790] {strides = array<i32>} : memref<32768xf32, #tpu.memory_space<vmem>>, vector<16xf32>,
      tpu.vector_store %arg25[%swap3A_790], %scan3A_782#0 {strides = array<i32>} : memref<32768xf32, #tpu.memory_space<vmem>>, vector<16xf32>,
      %add3A_792 = arith.constant 8192 : i32
      %add3A_793 = arith.addi %add3A_792, %add3A_787 : i32
      %swap3A_794 = arith.index_cast %add3A_793 : i32 to index
      %swap3A_795 = tpu.vector_load %arg25[%swap3A_794] {strides = array<i32>} : memref<32768xf32, #tpu.memory_space<vmem>>, vector<16xf32>,
      tpu.vector_store %arg25[%swap3A_794], %scan3A_782#1 {strides = array<i32>} : memref<32768xf32, #tpu.memory_space<vmem>>, vector<16xf32>,
      %add3A_796 = arith.constant 16384 : i32
      %add3A_797 = arith.addi %add3A_796, %add3A_787 : i32
      %swap3A_798 = arith.index_cast %add3A_797 : i32 to index
      %swap3A_799 = tpu.vector_load %arg25[%swap3A_798] {strides = array<i32>} : memref<32768xf32, #tpu.memory_space<vmem>>, vector<16xf32>,
      tpu.vector_store %arg25[%swap3A_798], %scan3A_782#2 {strides = array<i32>} : memref<32768xf32, #tpu.memory_space<vmem>>, vector<16xf32>,
      %add3A_800 = arith.constant 24576 : i32
      %add3A_801 = arith.addi %add3A_800, %add3A_787 : i32
      %swap3A_802 = arith.index_cast %add3A_801 : i32 to index
      %swap3A_803 = tpu.vector_load %arg25[%swap3A_802] {strides = array<i32>} : memref<32768xf32, #tpu.memory_space<vmem>>, vector<16xf32>,
      tpu.vector_store %arg25[%swap3A_802], %scan3A_782#3 {strides = array<i32>} : memref<32768xf32, #tpu.memory_space<vmem>>, vector<16xf32>,
      %get3A_804 = arith.constant 48 : index
      %get3A_805 = tpu.vector_load %arg23[%get3A_804] {strides = array<i32>} : memref<64xi32, #tpu.memory_space<vmem>>, vector<16xi32>,
      %mul3A_806 = arith.constant 32 : i32
      %mul3A_807 = vector.broadcast %mul3A_806 : i32 to vector<16xi32>
      %mul3A_808 = arith.muli %iota3A, %mul3A_807 : vector<16xi32>
      %broadcast_in_dim3A_809 = arith.constant 0.000000e+00 : f32
      %broadcast_in_dim3A_810 = vector.broadcast %broadcast_in_dim3A_809 : f32 to vector<16xf32>
      %broadcast_in_dim3A_811 = arith.constant 1.000000e+00 : f32
      %broadcast_in_dim3A_812 = vector.broadcast %broadcast_in_dim3A_811 : f32 to vector<16xf32>
      %scan3A_813 = arith.constant 0 : i32
      %scan3A_814 = arith.constant 8 : i32
      %scan3A_815 = arith.addi %scan3A_813, %scan3A_814 : i32
      %scan3A_816 = arith.constant 1 : i32
      %scan3A_817:5 = scf.for %scan3A_1005 = %scan3A_813 to %scan3A_815 step %scan3A_816 iter_args(%scan3A_1006 = %broadcast_in_dim3A_810, %scan3A_1007 = %broadcast_in_dim3A_810, %scan3A_1008 = %broadcast_in_dim3A_810, %scan3A_1009 = %broadcast_in_dim3A_810, %scan3A_1010 = %broadcast_in_dim3A_812) -> (vector<16xf32>, vector<16xf32>, vector<16xf32>, vector<16xf32>, vector<16xf32>)  : i32 {
        %mul3A_1011 = arith.constant 4 : i32
        %mul3A_1012 = arith.muli %scan3A_1005, %mul3A_1011 : i32
        %add3A_1013 = arith.constant 0 : i32
        %add3A_1014 = arith.addi %mul3A_1012, %add3A_1013 : i32
        %add3A_1015 = vector.broadcast %add3A_1014 : i32 to vector<16xi32>
        %add3A_1016 = arith.addi %mul3A_808, %add3A_1015 : vector<16xi32>
        %broadcast_in_dim3A_1017 = arith.constant 3 : i32
        %broadcast_in_dim3A_1018 = vector.broadcast %broadcast_in_dim3A_1017 : i32 to vector<16xi32>
        %gather3A = tpu.vector_load_idx %arg18[%add3A_1016, %broadcast_in_dim3A_1018] : memref<512x16xf32, #tpu.memory_space<vmem>>[vector<16xi32>, vector<16xi32>], vector<16xf32>,
        %neg3A = arith.constant 0.000000e+00 : f32
        %neg3A_1019 = vector.broadcast %neg3A : f32 to vector<16xf32>
        %neg3A_1020 = arith.subf %neg3A_1019, %gather3A : vector<16xf32>
        %exp3A = math.exp %neg3A_1020 : vector<16xf32>
        %add3A_1021 = arith.constant 1.000000e+00 : f32
        %add3A_1022 = vector.broadcast %add3A_1021 : f32 to vector<16xf32>
        %add3A_1023 = arith.addf %add3A_1022, %exp3A : vector<16xf32>
        %div3A = arith.constant 1.000000e+00 : f32
        %div3A_1024 = vector.broadcast %div3A : f32 to vector<16xf32>
        %div3A_1025 = arith.divf %div3A_1024, %add3A_1023 : vector<16xf32>
        %gt3A = vector.broadcast %add3A_1014 : i32 to vector<16xi32>
        %gt3A_1026 = arith.cmpi sgt, %get3A_805, %gt3A : vector<16xi32>
        %jit3A = arith.constant 0.000000e+00 : f32
        %broadcast_in_dim3A_1027 = vector.broadcast %jit3A : f32 to vector<16xf32>
        %select_n3A = arith.select %gt3A_1026, %div3A_1025, %broadcast_in_dim3A_1027 : vector<16xi1>, vector<16xf32>
        %mul3A_1028 = arith.mulf %select_n3A, %scan3A_1010 : vector<16xf32>
        %sub3A = arith.constant 1.000000e+00 : f32
        %sub3A_1029 = vector.broadcast %sub3A : f32 to vector<16xf32>
        %sub3A_1030 = arith.subf %sub3A_1029, %select_n3A : vector<16xf32>
        %add3A_1031 = arith.constant 1.000000e-10 : f32
        %add3A_1032 = vector.broadcast %add3A_1031 : f32 to vector<16xf32>
        %add3A_1033 = arith.addf %sub3A_1030, %add3A_1032 : vector<16xf32>
        %mul3A_1034 = arith.mulf %scan3A_1010, %add3A_1033 : vector<16xf32>
        %broadcast_in_dim3A_1035 = arith.constant 0 : i32
        %broadcast_in_dim3A_1036 = vector.broadcast %broadcast_in_dim3A_1035 : i32 to vector<16xi32>
        %gather3A_1037 = tpu.vector_load_idx %arg18[%add3A_1016, %broadcast_in_dim3A_1036] : memref<512x16xf32, #tpu.memory_space<vmem>>[vector<16xi32>, vector<16xi32>], vector<16xf32>,
        %broadcast_in_dim3A_1038 = arith.constant 1 : i32
        %broadcast_in_dim3A_1039 = vector.broadcast %broadcast_in_dim3A_1038 : i32 to vector<16xi32>
        %gather3A_1040 = tpu.vector_load_idx %arg18[%add3A_1016, %broadcast_in_dim3A_1039] : memref<512x16xf32, #tpu.memory_space<vmem>>[vector<16xi32>, vector<16xi32>], vector<16xf32>,
        %broadcast_in_dim3A_1041 = arith.constant 2 : i32
        %broadcast_in_dim3A_1042 = vector.broadcast %broadcast_in_dim3A_1041 : i32 to vector<16xi32>
        %gather3A_1043 = tpu.vector_load_idx %arg18[%add3A_1016, %broadcast_in_dim3A_1042] : memref<512x16xf32, #tpu.memory_space<vmem>>[vector<16xi32>, vector<16xi32>], vector<16xf32>,
        %mul3A_1044 = arith.mulf %mul3A_1028, %gather3A_1037 : vector<16xf32>
        %add3A_1045 = arith.addf %scan3A_1006, %mul3A_1044 : vector<16xf32>
        %mul3A_1046 = arith.mulf %mul3A_1028, %gather3A_1040 : vector<16xf32>
        %add3A_1047 = arith.addf %scan3A_1007, %mul3A_1046 : vector<16xf32>
        %mul3A_1048 = arith.mulf %mul3A_1028, %gather3A_1043 : vector<16xf32>
        %add3A_1049 = arith.addf %scan3A_1008, %mul3A_1048 : vector<16xf32>
        %add3A_1050 = arith.addf %scan3A_1009, %mul3A_1028 : vector<16xf32>
        %mul3A_1051 = arith.constant 4 : i32
        %mul3A_1052 = arith.muli %scan3A_1005, %mul3A_1051 : i32
        %add3A_1053 = arith.constant 1 : i32
        %add3A_1054 = arith.addi %mul3A_1052, %add3A_1053 : i32
        %add3A_1055 = vector.broadcast %add3A_1054 : i32 to vector<16xi32>
        %add3A_1056 = arith.addi %mul3A_808, %add3A_1055 : vector<16xi32>
        %broadcast_in_dim3A_1057 = arith.constant 3 : i32
        %broadcast_in_dim3A_1058 = vector.broadcast %broadcast_in_dim3A_1057 : i32 to vector<16xi32>
        %gather3A_1059 = tpu.vector_load_idx %arg18[%add3A_1056, %broadcast_in_dim3A_1058] : memref<512x16xf32, #tpu.memory_space<vmem>>[vector<16xi32>, vector<16xi32>], vector<16xf32>,
        %neg3A_1060 = arith.constant 0.000000e+00 : f32
        %neg3A_1061 = vector.broadcast %neg3A_1060 : f32 to vector<16xf32>
        %neg3A_1062 = arith.subf %neg3A_1061, %gather3A_1059 : vector<16xf32>
        %exp3A_1063 = math.exp %neg3A_1062 : vector<16xf32>
        %add3A_1064 = arith.constant 1.000000e+00 : f32
        %add3A_1065 = vector.broadcast %add3A_1064 : f32 to vector<16xf32>
        %add3A_1066 = arith.addf %add3A_1065, %exp3A_1063 : vector<16xf32>
        %div3A_1067 = arith.constant 1.000000e+00 : f32
        %div3A_1068 = vector.broadcast %div3A_1067 : f32 to vector<16xf32>
        %div3A_1069 = arith.divf %div3A_1068, %add3A_1066 : vector<16xf32>
        %gt3A_1070 = vector.broadcast %add3A_1054 : i32 to vector<16xi32>
        %gt3A_1071 = arith.cmpi sgt, %get3A_805, %gt3A_1070 : vector<16xi32>
        %jit3A_1072 = arith.constant 0.000000e+00 : f32
        %broadcast_in_dim3A_1073 = vector.broadcast %jit3A_1072 : f32 to vector<16xf32>
        %select_n3A_1074 = arith.select %gt3A_1071, %div3A_1069, %broadcast_in_dim3A_1073 : vector<16xi1>, vector<16xf32>
        %mul3A_1075 = arith.mulf %select_n3A_1074, %mul3A_1034 : vector<16xf32>
        %sub3A_1076 = arith.constant 1.000000e+00 : f32
        %sub3A_1077 = vector.broadcast %sub3A_1076 : f32 to vector<16xf32>
        %sub3A_1078 = arith.subf %sub3A_1077, %select_n3A_1074 : vector<16xf32>
        %add3A_1079 = arith.constant 1.000000e-10 : f32
        %add3A_1080 = vector.broadcast %add3A_1079 : f32 to vector<16xf32>
        %add3A_1081 = arith.addf %sub3A_1078, %add3A_1080 : vector<16xf32>
        %mul3A_1082 = arith.mulf %mul3A_1034, %add3A_1081 : vector<16xf32>
        %broadcast_in_dim3A_1083 = arith.constant 0 : i32
        %broadcast_in_dim3A_1084 = vector.broadcast %broadcast_in_dim3A_1083 : i32 to vector<16xi32>
        %gather3A_1085 = tpu.vector_load_idx %arg18[%add3A_1056, %broadcast_in_dim3A_1084] : memref<512x16xf32, #tpu.memory_space<vmem>>[vector<16xi32>, vector<16xi32>], vector<16xf32>,
        %broadcast_in_dim3A_1086 = arith.constant 1 : i32
        %broadcast_in_dim3A_1087 = vector.broadcast %broadcast_in_dim3A_1086 : i32 to vector<16xi32>
        %gather3A_1088 = tpu.vector_load_idx %arg18[%add3A_1056, %broadcast_in_dim3A_1087] : memref<512x16xf32, #tpu.memory_space<vmem>>[vector<16xi32>, vector<16xi32>], vector<16xf32>,
        %broadcast_in_dim3A_1089 = arith.constant 2 : i32
        %broadcast_in_dim3A_1090 = vector.broadcast %broadcast_in_dim3A_1089 : i32 to vector<16xi32>
        %gather3A_1091 = tpu.vector_load_idx %arg18[%add3A_1056, %broadcast_in_dim3A_1090] : memref<512x16xf32, #tpu.memory_space<vmem>>[vector<16xi32>, vector<16xi32>], vector<16xf32>,
        %mul3A_1092 = arith.mulf %mul3A_1075, %gather3A_1085 : vector<16xf32>
        %add3A_1093 = arith.addf %add3A_1045, %mul3A_1092 : vector<16xf32>
        %mul3A_1094 = arith.mulf %mul3A_1075, %gather3A_1088 : vector<16xf32>
        %add3A_1095 = arith.addf %add3A_1047, %mul3A_1094 : vector<16xf32>
        %mul3A_1096 = arith.mulf %mul3A_1075, %gather3A_1091 : vector<16xf32>
        %add3A_1097 = arith.addf %add3A_1049, %mul3A_1096 : vector<16xf32>
        %add3A_1098 = arith.addf %add3A_1050, %mul3A_1075 : vector<16xf32>
        %mul3A_1099 = arith.constant 4 : i32
        %mul3A_1100 = arith.muli %scan3A_1005, %mul3A_1099 : i32
        %add3A_1101 = arith.constant 2 : i32
        %add3A_1102 = arith.addi %mul3A_1100, %add3A_1101 : i32
        %add3A_1103 = vector.broadcast %add3A_1102 : i32 to vector<16xi32>
        %add3A_1104 = arith.addi %mul3A_808, %add3A_1103 : vector<16xi32>
        %broadcast_in_dim3A_1105 = arith.constant 3 : i32
        %broadcast_in_dim3A_1106 = vector.broadcast %broadcast_in_dim3A_1105 : i32 to vector<16xi32>
        %gather3A_1107 = tpu.vector_load_idx %arg18[%add3A_1104, %broadcast_in_dim3A_1106] : memref<512x16xf32, #tpu.memory_space<vmem>>[vector<16xi32>, vector<16xi32>], vector<16xf32>,
        %neg3A_1108 = arith.constant 0.000000e+00 : f32
        %neg3A_1109 = vector.broadcast %neg3A_1108 : f32 to vector<16xf32>
        %neg3A_1110 = arith.subf %neg3A_1109, %gather3A_1107 : vector<16xf32>
        %exp3A_1111 = math.exp %neg3A_1110 : vector<16xf32>
        %add3A_1112 = arith.constant 1.000000e+00 : f32
        %add3A_1113 = vector.broadcast %add3A_1112 : f32 to vector<16xf32>
        %add3A_1114 = arith.addf %add3A_1113, %exp3A_1111 : vector<16xf32>
        %div3A_1115 = arith.constant 1.000000e+00 : f32
        %div3A_1116 = vector.broadcast %div3A_1115 : f32 to vector<16xf32>
        %div3A_1117 = arith.divf %div3A_1116, %add3A_1114 : vector<16xf32>
        %gt3A_1118 = vector.broadcast %add3A_1102 : i32 to vector<16xi32>
        %gt3A_1119 = arith.cmpi sgt, %get3A_805, %gt3A_1118 : vector<16xi32>
        %jit3A_1120 = arith.constant 0.000000e+00 : f32
        %broadcast_in_dim3A_1121 = vector.broadcast %jit3A_1120 : f32 to vector<16xf32>
        %select_n3A_1122 = arith.select %gt3A_1119, %div3A_1117, %broadcast_in_dim3A_1121 : vector<16xi1>, vector<16xf32>
        %mul3A_1123 = arith.mulf %select_n3A_1122, %mul3A_1082 : vector<16xf32>
        %sub3A_1124 = arith.constant 1.000000e+00 : f32
        %sub3A_1125 = vector.broadcast %sub3A_1124 : f32 to vector<16xf32>
        %sub3A_1126 = arith.subf %sub3A_1125, %select_n3A_1122 : vector<16xf32>
        %add3A_1127 = arith.constant 1.000000e-10 : f32
        %add3A_1128 = vector.broadcast %add3A_1127 : f32 to vector<16xf32>
        %add3A_1129 = arith.addf %sub3A_1126, %add3A_1128 : vector<16xf32>
        %mul3A_1130 = arith.mulf %mul3A_1082, %add3A_1129 : vector<16xf32>
        %broadcast_in_dim3A_1131 = arith.constant 0 : i32
        %broadcast_in_dim3A_1132 = vector.broadcast %broadcast_in_dim3A_1131 : i32 to vector<16xi32>
        %gather3A_1133 = tpu.vector_load_idx %arg18[%add3A_1104, %broadcast_in_dim3A_1132] : memref<512x16xf32, #tpu.memory_space<vmem>>[vector<16xi32>, vector<16xi32>], vector<16xf32>,
        %broadcast_in_dim3A_1134 = arith.constant 1 : i32
        %broadcast_in_dim3A_1135 = vector.broadcast %broadcast_in_dim3A_1134 : i32 to vector<16xi32>
        %gather3A_1136 = tpu.vector_load_idx %arg18[%add3A_1104, %broadcast_in_dim3A_1135] : memref<512x16xf32, #tpu.memory_space<vmem>>[vector<16xi32>, vector<16xi32>], vector<16xf32>,
        %broadcast_in_dim3A_1137 = arith.constant 2 : i32
        %broadcast_in_dim3A_1138 = vector.broadcast %broadcast_in_dim3A_1137 : i32 to vector<16xi32>
        %gather3A_1139 = tpu.vector_load_idx %arg18[%add3A_1104, %broadcast_in_dim3A_1138] : memref<512x16xf32, #tpu.memory_space<vmem>>[vector<16xi32>, vector<16xi32>], vector<16xf32>,
        %mul3A_1140 = arith.mulf %mul3A_1123, %gather3A_1133 : vector<16xf32>
        %add3A_1141 = arith.addf %add3A_1093, %mul3A_1140 : vector<16xf32>
        %mul3A_1142 = arith.mulf %mul3A_1123, %gather3A_1136 : vector<16xf32>
        %add3A_1143 = arith.addf %add3A_1095, %mul3A_1142 : vector<16xf32>
        %mul3A_1144 = arith.mulf %mul3A_1123, %gather3A_1139 : vector<16xf32>
        %add3A_1145 = arith.addf %add3A_1097, %mul3A_1144 : vector<16xf32>
        %add3A_1146 = arith.addf %add3A_1098, %mul3A_1123 : vector<16xf32>
        %mul3A_1147 = arith.constant 4 : i32
        %mul3A_1148 = arith.muli %scan3A_1005, %mul3A_1147 : i32
        %add3A_1149 = arith.constant 3 : i32
        %add3A_1150 = arith.addi %mul3A_1148, %add3A_1149 : i32
        %add3A_1151 = vector.broadcast %add3A_1150 : i32 to vector<16xi32>
        %add3A_1152 = arith.addi %mul3A_808, %add3A_1151 : vector<16xi32>
        %broadcast_in_dim3A_1153 = arith.constant 3 : i32
        %broadcast_in_dim3A_1154 = vector.broadcast %broadcast_in_dim3A_1153 : i32 to vector<16xi32>
        %gather3A_1155 = tpu.vector_load_idx %arg18[%add3A_1152, %broadcast_in_dim3A_1154] : memref<512x16xf32, #tpu.memory_space<vmem>>[vector<16xi32>, vector<16xi32>], vector<16xf32>,
        %neg3A_1156 = arith.constant 0.000000e+00 : f32
        %neg3A_1157 = vector.broadcast %neg3A_1156 : f32 to vector<16xf32>
        %neg3A_1158 = arith.subf %neg3A_1157, %gather3A_1155 : vector<16xf32>
        %exp3A_1159 = math.exp %neg3A_1158 : vector<16xf32>
        %add3A_1160 = arith.constant 1.000000e+00 : f32
        %add3A_1161 = vector.broadcast %add3A_1160 : f32 to vector<16xf32>
        %add3A_1162 = arith.addf %add3A_1161, %exp3A_1159 : vector<16xf32>
        %div3A_1163 = arith.constant 1.000000e+00 : f32
        %div3A_1164 = vector.broadcast %div3A_1163 : f32 to vector<16xf32>
        %div3A_1165 = arith.divf %div3A_1164, %add3A_1162 : vector<16xf32>
        %gt3A_1166 = vector.broadcast %add3A_1150 : i32 to vector<16xi32>
        %gt3A_1167 = arith.cmpi sgt, %get3A_805, %gt3A_1166 : vector<16xi32>
        %jit3A_1168 = arith.constant 0.000000e+00 : f32
        %broadcast_in_dim3A_1169 = vector.broadcast %jit3A_1168 : f32 to vector<16xf32>
        %select_n3A_1170 = arith.select %gt3A_1167, %div3A_1165, %broadcast_in_dim3A_1169 : vector<16xi1>, vector<16xf32>
        %mul3A_1171 = arith.mulf %select_n3A_1170, %mul3A_1130 : vector<16xf32>
        %sub3A_1172 = arith.constant 1.000000e+00 : f32
        %sub3A_1173 = vector.broadcast %sub3A_1172 : f32 to vector<16xf32>
        %sub3A_1174 = arith.subf %sub3A_1173, %select_n3A_1170 : vector<16xf32>
        %add3A_1175 = arith.constant 1.000000e-10 : f32
        %add3A_1176 = vector.broadcast %add3A_1175 : f32 to vector<16xf32>
        %add3A_1177 = arith.addf %sub3A_1174, %add3A_1176 : vector<16xf32>
        %mul3A_1178 = arith.mulf %mul3A_1130, %add3A_1177 : vector<16xf32>
        %broadcast_in_dim3A_1179 = arith.constant 0 : i32
        %broadcast_in_dim3A_1180 = vector.broadcast %broadcast_in_dim3A_1179 : i32 to vector<16xi32>
        %gather3A_1181 = tpu.vector_load_idx %arg18[%add3A_1152, %broadcast_in_dim3A_1180] : memref<512x16xf32, #tpu.memory_space<vmem>>[vector<16xi32>, vector<16xi32>], vector<16xf32>,
        %broadcast_in_dim3A_1182 = arith.constant 1 : i32
        %broadcast_in_dim3A_1183 = vector.broadcast %broadcast_in_dim3A_1182 : i32 to vector<16xi32>
        %gather3A_1184 = tpu.vector_load_idx %arg18[%add3A_1152, %broadcast_in_dim3A_1183] : memref<512x16xf32, #tpu.memory_space<vmem>>[vector<16xi32>, vector<16xi32>], vector<16xf32>,
        %broadcast_in_dim3A_1185 = arith.constant 2 : i32
        %broadcast_in_dim3A_1186 = vector.broadcast %broadcast_in_dim3A_1185 : i32 to vector<16xi32>
        %gather3A_1187 = tpu.vector_load_idx %arg18[%add3A_1152, %broadcast_in_dim3A_1186] : memref<512x16xf32, #tpu.memory_space<vmem>>[vector<16xi32>, vector<16xi32>], vector<16xf32>,
        %mul3A_1188 = arith.mulf %mul3A_1171, %gather3A_1181 : vector<16xf32>
        %add3A_1189 = arith.addf %add3A_1141, %mul3A_1188 : vector<16xf32>
        %mul3A_1190 = arith.mulf %mul3A_1171, %gather3A_1184 : vector<16xf32>
        %add3A_1191 = arith.addf %add3A_1143, %mul3A_1190 : vector<16xf32>
        %mul3A_1192 = arith.mulf %mul3A_1171, %gather3A_1187 : vector<16xf32>
        %add3A_1193 = arith.addf %add3A_1145, %mul3A_1192 : vector<16xf32>
        %add3A_1194 = arith.addf %add3A_1146, %mul3A_1171 : vector<16xf32>
        scf.yield %add3A_1189, %add3A_1191, %add3A_1193, %add3A_1194, %mul3A_1178 : vector<16xf32>, vector<16xf32>, vector<16xf32>, vector<16xf32>, vector<16xf32>
      }
      %scan3A_818 = arith.constant 8 : i32
      %mul3A_819 = arith.constant 64 : i32
      %mul3A_820 = arith.muli %mul3A_639, %mul3A_819 : i32
      %add3A_821 = arith.constant 48 : i32
      %add3A_822 = arith.addi %mul3A_820, %add3A_821 : i32
      %add3A_823 = arith.constant 0 : i32
      %add3A_824 = arith.addi %add3A_823, %add3A_822 : i32
      %swap3A_825 = arith.index_cast %add3A_824 : i32 to index
      %swap3A_826 = tpu.vector_load %arg25[%swap3A_825] {strides = array<i32>} : memref<32768xf32, #tpu.memory_space<vmem>>, vector<16xf32>,
      tpu.vector_store %arg25[%swap3A_825], %scan3A_817#0 {strides = array<i32>} : memref<32768xf32, #tpu.memory_space<vmem>>, vector<16xf32>,
      %add3A_827 = arith.constant 8192 : i32
      %add3A_828 = arith.addi %add3A_827, %add3A_822 : i32
      %swap3A_829 = arith.index_cast %add3A_828 : i32 to index
      %swap3A_830 = tpu.vector_load %arg25[%swap3A_829] {strides = array<i32>} : memref<32768xf32, #tpu.memory_space<vmem>>, vector<16xf32>,
      tpu.vector_store %arg25[%swap3A_829], %scan3A_817#1 {strides = array<i32>} : memref<32768xf32, #tpu.memory_space<vmem>>, vector<16xf32>,
      %add3A_831 = arith.constant 16384 : i32
      %add3A_832 = arith.addi %add3A_831, %add3A_822 : i32
      %swap3A_833 = arith.index_cast %add3A_832 : i32 to index
      %swap3A_834 = tpu.vector_load %arg25[%swap3A_833] {strides = array<i32>} : memref<32768xf32, #tpu.memory_space<vmem>>, vector<16xf32>,
      tpu.vector_store %arg25[%swap3A_833], %scan3A_817#2 {strides = array<i32>} : memref<32768xf32, #tpu.memory_space<vmem>>, vector<16xf32>,
      %add3A_835 = arith.constant 24576 : i32
      %add3A_836 = arith.addi %add3A_835, %add3A_822 : i32
      %swap3A_837 = arith.index_cast %add3A_836 : i32 to index
      %swap3A_838 = tpu.vector_load %arg25[%swap3A_837] {strides = array<i32>} : memref<32768xf32, #tpu.memory_space<vmem>>, vector<16xf32>,
      tpu.vector_store %arg25[%swap3A_837], %scan3A_817#3 {strides = array<i32>} : memref<32768xf32, #tpu.memory_space<vmem>>, vector<16xf32>,
      %lt3A = arith.constant 63 : i32
      %lt3A_839 = arith.cmpi slt, %scan3A_637, %lt3A : i32
      %convert_element_type3A = arith.extui %lt3A_839 : i1 to i32
      %cond3A = arith.constant 0 : i32
      %cond3A_840 = arith.cmpi ne, %convert_element_type3A, %cond3A : i32
      scf.if %cond3A_840 {
        %add3A_1005 = arith.constant 2 : i32
        %add3A_1006 = arith.addi %mul3A_639, %add3A_1005 : i32
        %mul3A_1007 = arith.constant 64 : i32
        %mul3A_1008 = arith.muli %add3A_1006, %mul3A_1007 : i32
        %add3A_1009 = arith.addi %mul3A_2, %mul3A_1008 : i32
        %multiple_of3A_1010 = tpu.assume_multiple %add3A_1009, 64 : i32
        %mul3A_1011 = arith.constant 32 : i32
        %mul3A_1012 = arith.muli %multiple_of3A_1010, %mul3A_1011 : i32
        %add3A_1013 = arith.constant 0 : i32
        %add3A_1014 = arith.addi %mul3A_1012, %add3A_1013 : i32
        %multiple_of3A_1015 = tpu.assume_multiple %add3A_1014, 512 : i32
        %mul3A_1016 = arith.constant 32 : i32
        %mul3A_1017 = arith.muli %multiple_of3A_1010, %mul3A_1016 : i32
        %add3A_1018 = arith.constant 512 : i32
        %add3A_1019 = arith.addi %mul3A_1017, %add3A_1018 : i32
        %multiple_of3A_1020 = tpu.assume_multiple %add3A_1019, 512 : i32
        %mul3A_1021 = arith.constant 32 : i32
        %mul3A_1022 = arith.muli %multiple_of3A_1010, %mul3A_1021 : i32
        %add3A_1023 = arith.constant 1024 : i32
        %add3A_1024 = arith.addi %mul3A_1022, %add3A_1023 : i32
        %multiple_of3A_1025 = tpu.assume_multiple %add3A_1024, 512 : i32
        %mul3A_1026 = arith.constant 32 : i32
        %mul3A_1027 = arith.muli %multiple_of3A_1010, %mul3A_1026 : i32
        %add3A_1028 = arith.constant 1536 : i32
        %add3A_1029 = arith.addi %mul3A_1027, %add3A_1028 : i32
        %multiple_of3A_1030 = tpu.assume_multiple %add3A_1029, 512 : i32
        %dma_start3A_1031 = tpu.memref_slice %arg3[%multiple_of3A_1015] : memref<8388608xi32, #tpu.memory_space<hbm>> -> memref<512xi32, #tpu.memory_space<hbm>>
        %dma_start3A_1032 = tpu.memref_slice %arg3[%multiple_of3A_1015] : memref<8388608xi32, #tpu.memory_space<hbm>> -> memref<512xi32, #tpu.memory_space<hbm>>
        tpu.enqueue_dma source(%dma_start3A_1032 : memref<512xi32, #tpu.memory_space<hbm>>) target(%arg7 : memref<512xi32, #tpu.memory_space<vmem>>) target_semaphore(%arg29 : memref<!tpu.dma_semaphore, #tpu.memory_space<semaphore_mem>>)
        %dma_start3A_1033 = tpu.memref_slice %arg3[%multiple_of3A_1020] : memref<8388608xi32, #tpu.memory_space<hbm>> -> memref<512xi32, #tpu.memory_space<hbm>>
        %dma_start3A_1034 = tpu.memref_slice %arg3[%multiple_of3A_1020] : memref<8388608xi32, #tpu.memory_space<hbm>> -> memref<512xi32, #tpu.memory_space<hbm>>
        tpu.enqueue_dma source(%dma_start3A_1034 : memref<512xi32, #tpu.memory_space<hbm>>) target(%arg8 : memref<512xi32, #tpu.memory_space<vmem>>) target_semaphore(%arg29 : memref<!tpu.dma_semaphore, #tpu.memory_space<semaphore_mem>>)
        %dma_start3A_1035 = tpu.memref_slice %arg3[%multiple_of3A_1025] : memref<8388608xi32, #tpu.memory_space<hbm>> -> memref<512xi32, #tpu.memory_space<hbm>>
        %dma_start3A_1036 = tpu.memref_slice %arg3[%multiple_of3A_1025] : memref<8388608xi32, #tpu.memory_space<hbm>> -> memref<512xi32, #tpu.memory_space<hbm>>
        tpu.enqueue_dma source(%dma_start3A_1036 : memref<512xi32, #tpu.memory_space<hbm>>) target(%arg9 : memref<512xi32, #tpu.memory_space<vmem>>) target_semaphore(%arg29 : memref<!tpu.dma_semaphore, #tpu.memory_space<semaphore_mem>>)
        %dma_start3A_1037 = tpu.memref_slice %arg3[%multiple_of3A_1030] : memref<8388608xi32, #tpu.memory_space<hbm>> -> memref<512xi32, #tpu.memory_space<hbm>>
        %dma_start3A_1038 = tpu.memref_slice %arg3[%multiple_of3A_1030] : memref<8388608xi32, #tpu.memory_space<hbm>> -> memref<512xi32, #tpu.memory_space<hbm>>
        tpu.enqueue_dma source(%dma_start3A_1038 : memref<512xi32, #tpu.memory_space<hbm>>) target(%arg10 : memref<512xi32, #tpu.memory_space<vmem>>) target_semaphore(%arg29 : memref<!tpu.dma_semaphore, #tpu.memory_space<semaphore_mem>>)
        %dma_start3A_1039 = tpu.memref_slice %arg4[%multiple_of3A_1010] : memref<262144xi32, #tpu.memory_space<hbm>> -> memref<64xi32, #tpu.memory_space<hbm>>
        %dma_start3A_1040 = tpu.memref_slice %arg4[%multiple_of3A_1010] : memref<262144xi32, #tpu.memory_space<hbm>> -> memref<64xi32, #tpu.memory_space<hbm>>
        tpu.enqueue_dma source(%dma_start3A_1040 : memref<64xi32, #tpu.memory_space<hbm>>) target(%arg23 : memref<64xi32, #tpu.memory_space<vmem>>) target_semaphore(%arg29 : memref<!tpu.dma_semaphore, #tpu.memory_space<semaphore_mem>>)
      } else {
      }
      %dma_wait3A_841 = arith.constant 0 : i32
      %dma_wait3A_842 = arith.constant 0 : i32
      %dma_wait3A_843 = tpu.memref_slice %arg2[%dma_wait3A_841, %dma_wait3A_842] : memref<1048576x16xf32, #tpu.memory_space<hbm>> -> memref<1048576x16xf32, #tpu.memory_space<hbm>>
      tpu.wait_indirect_dma semaphore(%arg28 : memref<!tpu.dma_semaphore, #tpu.memory_space<semaphore_mem>>) src(%dma_wait3A_843 : memref<1048576x16xf32, #tpu.memory_space<hbm>>) dst(%arg19 : memref<512x16xf32, #tpu.memory_space<vmem>>)
      %dma_wait3A_844 = arith.constant 0 : i32
      %dma_wait3A_845 = arith.constant 0 : i32
      %dma_wait3A_846 = tpu.memref_slice %arg2[%dma_wait3A_844, %dma_wait3A_845] : memref<1048576x16xf32, #tpu.memory_space<hbm>> -> memref<1048576x16xf32, #tpu.memory_space<hbm>>
      tpu.wait_indirect_dma semaphore(%arg28 : memref<!tpu.dma_semaphore, #tpu.memory_space<semaphore_mem>>) src(%dma_wait3A_846 : memref<1048576x16xf32, #tpu.memory_space<hbm>>) dst(%arg20 : memref<512x16xf32, #tpu.memory_space<vmem>>)
      %dma_wait3A_847 = arith.constant 0 : i32
      %dma_wait3A_848 = arith.constant 0 : i32
      %dma_wait3A_849 = tpu.memref_slice %arg2[%dma_wait3A_847, %dma_wait3A_848] : memref<1048576x16xf32, #tpu.memory_space<hbm>> -> memref<1048576x16xf32, #tpu.memory_space<hbm>>
      tpu.wait_indirect_dma semaphore(%arg28 : memref<!tpu.dma_semaphore, #tpu.memory_space<semaphore_mem>>) src(%dma_wait3A_849 : memref<1048576x16xf32, #tpu.memory_space<hbm>>) dst(%arg21 : memref<512x16xf32, #tpu.memory_space<vmem>>)
      %dma_wait3A_850 = arith.constant 0 : i32
      %dma_wait3A_851 = arith.constant 0 : i32
      %dma_wait3A_852 = tpu.memref_slice %arg2[%dma_wait3A_850, %dma_wait3A_851] : memref<1048576x16xf32, #tpu.memory_space<hbm>> -> memref<1048576x16xf32, #tpu.memory_space<hbm>>
      tpu.wait_indirect_dma semaphore(%arg28 : memref<!tpu.dma_semaphore, #tpu.memory_space<semaphore_mem>>) src(%dma_wait3A_852 : memref<1048576x16xf32, #tpu.memory_space<hbm>>) dst(%arg22 : memref<512x16xf32, #tpu.memory_space<vmem>>)
      %lt3A_853 = arith.constant 63 : i32
      %lt3A_854 = arith.cmpi slt, %scan3A_637, %lt3A_853 : i32
      %convert_element_type3A_855 = arith.extui %lt3A_854 : i1 to i32
      %cond3A_856 = arith.constant 0 : i32
      %cond3A_857 = arith.cmpi ne, %convert_element_type3A_855, %cond3A_856 : i32
      scf.if %cond3A_857 {
        %add3A_1005 = arith.constant 2 : i32
        %add3A_1006 = arith.addi %mul3A_639, %add3A_1005 : i32
        %mul3A_1007 = arith.constant 64 : i32
        %mul3A_1008 = arith.muli %add3A_1006, %mul3A_1007 : i32
        %add3A_1009 = arith.addi %mul3A_2, %mul3A_1008 : i32
        %multiple_of3A_1010 = tpu.assume_multiple %add3A_1009, 64 : i32
        %mul3A_1011 = arith.constant 32 : i32
        %mul3A_1012 = arith.muli %multiple_of3A_1010, %mul3A_1011 : i32
        %add3A_1013 = arith.constant 0 : i32
        %add3A_1014 = arith.addi %mul3A_1012, %add3A_1013 : i32
        %multiple_of3A_1015 = tpu.assume_multiple %add3A_1014, 512 : i32
        %mul3A_1016 = arith.constant 32 : i32
        %mul3A_1017 = arith.muli %multiple_of3A_1010, %mul3A_1016 : i32
        %add3A_1018 = arith.constant 512 : i32
        %add3A_1019 = arith.addi %mul3A_1017, %add3A_1018 : i32
        %multiple_of3A_1020 = tpu.assume_multiple %add3A_1019, 512 : i32
        %mul3A_1021 = arith.constant 32 : i32
        %mul3A_1022 = arith.muli %multiple_of3A_1010, %mul3A_1021 : i32
        %add3A_1023 = arith.constant 1024 : i32
        %add3A_1024 = arith.addi %mul3A_1022, %add3A_1023 : i32
        %multiple_of3A_1025 = tpu.assume_multiple %add3A_1024, 512 : i32
        %mul3A_1026 = arith.constant 32 : i32
        %mul3A_1027 = arith.muli %multiple_of3A_1010, %mul3A_1026 : i32
        %add3A_1028 = arith.constant 1536 : i32
        %add3A_1029 = arith.addi %mul3A_1027, %add3A_1028 : i32
        %multiple_of3A_1030 = tpu.assume_multiple %add3A_1029, 512 : i32
        %dma_wait3A_1031 = tpu.memref_slice %arg3[%multiple_of3A_1015] : memref<8388608xi32, #tpu.memory_space<hbm>> -> memref<512xi32, #tpu.memory_space<hbm>>
        %dma_wait3A_1032 = tpu.memref_slice %arg3[%multiple_of3A_1015] : memref<8388608xi32, #tpu.memory_space<hbm>> -> memref<512xi32, #tpu.memory_space<hbm>>
        tpu.wait_dma2 semaphore(%arg29 : memref<!tpu.dma_semaphore, #tpu.memory_space<semaphore_mem>>) src(%dma_wait3A_1032 : memref<512xi32, #tpu.memory_space<hbm>>) dst(%arg7 : memref<512xi32, #tpu.memory_space<vmem>>)
        %dma_wait3A_1033 = tpu.memref_slice %arg3[%multiple_of3A_1020] : memref<8388608xi32, #tpu.memory_space<hbm>> -> memref<512xi32, #tpu.memory_space<hbm>>
        %dma_wait3A_1034 = tpu.memref_slice %arg3[%multiple_of3A_1020] : memref<8388608xi32, #tpu.memory_space<hbm>> -> memref<512xi32, #tpu.memory_space<hbm>>
        tpu.wait_dma2 semaphore(%arg29 : memref<!tpu.dma_semaphore, #tpu.memory_space<semaphore_mem>>) src(%dma_wait3A_1034 : memref<512xi32, #tpu.memory_space<hbm>>) dst(%arg8 : memref<512xi32, #tpu.memory_space<vmem>>)
        %dma_wait3A_1035 = tpu.memref_slice %arg3[%multiple_of3A_1025] : memref<8388608xi32, #tpu.memory_space<hbm>> -> memref<512xi32, #tpu.memory_space<hbm>>
        %dma_wait3A_1036 = tpu.memref_slice %arg3[%multiple_of3A_1025] : memref<8388608xi32, #tpu.memory_space<hbm>> -> memref<512xi32, #tpu.memory_space<hbm>>
        tpu.wait_dma2 semaphore(%arg29 : memref<!tpu.dma_semaphore, #tpu.memory_space<semaphore_mem>>) src(%dma_wait3A_1036 : memref<512xi32, #tpu.memory_space<hbm>>) dst(%arg9 : memref<512xi32, #tpu.memory_space<vmem>>)
        %dma_wait3A_1037 = tpu.memref_slice %arg3[%multiple_of3A_1030] : memref<8388608xi32, #tpu.memory_space<hbm>> -> memref<512xi32, #tpu.memory_space<hbm>>
        %dma_wait3A_1038 = tpu.memref_slice %arg3[%multiple_of3A_1030] : memref<8388608xi32, #tpu.memory_space<hbm>> -> memref<512xi32, #tpu.memory_space<hbm>>
        tpu.wait_dma2 semaphore(%arg29 : memref<!tpu.dma_semaphore, #tpu.memory_space<semaphore_mem>>) src(%dma_wait3A_1038 : memref<512xi32, #tpu.memory_space<hbm>>) dst(%arg10 : memref<512xi32, #tpu.memory_space<vmem>>)
        %dma_wait3A_1039 = tpu.memref_slice %arg4[%multiple_of3A_1010] : memref<262144xi32, #tpu.memory_space<hbm>> -> memref<64xi32, #tpu.memory_space<hbm>>
        %dma_wait3A_1040 = tpu.memref_slice %arg4[%multiple_of3A_1010] : memref<262144xi32, #tpu.memory_space<hbm>> -> memref<64xi32, #tpu.memory_space<hbm>>
        tpu.wait_dma2 semaphore(%arg29 : memref<!tpu.dma_semaphore, #tpu.memory_space<semaphore_mem>>) src(%dma_wait3A_1040 : memref<64xi32, #tpu.memory_space<hbm>>) dst(%arg23 : memref<64xi32, #tpu.memory_space<vmem>>)
        %dma_start3A_1041 = arith.constant 0 : i32
        %dma_start3A_1042 = arith.constant 0 : i32
        %dma_start3A_1043 = tpu.memref_slice %arg2[%dma_start3A_1041, %dma_start3A_1042] : memref<1048576x16xf32, #tpu.memory_space<hbm>> -> memref<1048576x16xf32, #tpu.memory_space<hbm>>
        tpu.enqueue_indirect_dma source(%dma_start3A_1043 : memref<1048576x16xf32, #tpu.memory_space<hbm>>) target(%arg15 : memref<512x16xf32, #tpu.memory_space<vmem>>) offsets(%arg7 : memref<512xi32, #tpu.memory_space<vmem>>) semaphore(%arg27 : memref<!tpu.dma_semaphore, #tpu.memory_space<semaphore_mem>>)
        %dma_start3A_1044 = arith.constant 0 : i32
        %dma_start3A_1045 = arith.constant 0 : i32
        %dma_start3A_1046 = tpu.memref_slice %arg2[%dma_start3A_1044, %dma_start3A_1045] : memref<1048576x16xf32, #tpu.memory_space<hbm>> -> memref<1048576x16xf32, #tpu.memory_space<hbm>>
        tpu.enqueue_indirect_dma source(%dma_start3A_1046 : memref<1048576x16xf32, #tpu.memory_space<hbm>>) target(%arg16 : memref<512x16xf32, #tpu.memory_space<vmem>>) offsets(%arg8 : memref<512xi32, #tpu.memory_space<vmem>>) semaphore(%arg27 : memref<!tpu.dma_semaphore, #tpu.memory_space<semaphore_mem>>)
        %dma_start3A_1047 = arith.constant 0 : i32
        %dma_start3A_1048 = arith.constant 0 : i32
        %dma_start3A_1049 = tpu.memref_slice %arg2[%dma_start3A_1047, %dma_start3A_1048] : memref<1048576x16xf32, #tpu.memory_space<hbm>> -> memref<1048576x16xf32, #tpu.memory_space<hbm>>
        tpu.enqueue_indirect_dma source(%dma_start3A_1049 : memref<1048576x16xf32, #tpu.memory_space<hbm>>) target(%arg17 : memref<512x16xf32, #tpu.memory_space<vmem>>) offsets(%arg9 : memref<512xi32, #tpu.memory_space<vmem>>) semaphore(%arg27 : memref<!tpu.dma_semaphore, #tpu.memory_space<semaphore_mem>>)
        %dma_start3A_1050 = arith.constant 0 : i32
        %dma_start3A_1051 = arith.constant 0 : i32
        %dma_start3A_1052 = tpu.memref_slice %arg2[%dma_start3A_1050, %dma_start3A_1051] : memref<1048576x16xf32, #tpu.memory_space<hbm>> -> memref<1048576x16xf32, #tpu.memory_space<hbm>>
        tpu.enqueue_indirect_dma source(%dma_start3A_1052 : memref<1048576x16xf32, #tpu.memory_space<hbm>>) target(%arg18 : memref<512x16xf32, #tpu.memory_space<vmem>>) offsets(%arg10 : memref<512xi32, #tpu.memory_space<vmem>>) semaphore(%arg27 : memref<!tpu.dma_semaphore, #tpu.memory_space<semaphore_mem>>)
      } else {
      }
      %add3A_858 = arith.constant 1 : i32
      %add3A_859 = arith.addi %mul3A_639, %add3A_858 : i32
      %get3A_860 = arith.constant 0 : index
      %get3A_861 = tpu.vector_load %arg24[%get3A_860] {strides = array<i32>} : memref<64xi32, #tpu.memory_space<vmem>>, vector<16xi32>,
      %mul3A_862 = arith.constant 32 : i32
      %mul3A_863 = vector.broadcast %mul3A_862 : i32 to vector<16xi32>
      %mul3A_864 = arith.muli %iota3A, %mul3A_863 : vector<16xi32>
      %broadcast_in_dim3A_865 = arith.constant 0.000000e+00 : f32
      %broadcast_in_dim3A_866 = vector.broadcast %broadcast_in_dim3A_865 : f32 to vector<16xf32>
      %broadcast_in_dim3A_867 = arith.constant 1.000000e+00 : f32
      %broadcast_in_dim3A_868 = vector.broadcast %broadcast_in_dim3A_867 : f32 to vector<16xf32>
      %scan3A_869 = arith.constant 0 : i32
      %scan3A_870 = arith.constant 8 : i32
      %scan3A_871 = arith.addi %scan3A_869, %scan3A_870 : i32
      %scan3A_872 = arith.constant 1 : i32
      %scan3A_873:5 = scf.for %scan3A_1005 = %scan3A_869 to %scan3A_871 step %scan3A_872 iter_args(%scan3A_1006 = %broadcast_in_dim3A_866, %scan3A_1007 = %broadcast_in_dim3A_866, %scan3A_1008 = %broadcast_in_dim3A_866, %scan3A_1009 = %broadcast_in_dim3A_866, %scan3A_1010 = %broadcast_in_dim3A_868) -> (vector<16xf32>, vector<16xf32>, vector<16xf32>, vector<16xf32>, vector<16xf32>)  : i32 {
        %mul3A_1011 = arith.constant 4 : i32
        %mul3A_1012 = arith.muli %scan3A_1005, %mul3A_1011 : i32
        %add3A_1013 = arith.constant 0 : i32
        %add3A_1014 = arith.addi %mul3A_1012, %add3A_1013 : i32
        %add3A_1015 = vector.broadcast %add3A_1014 : i32 to vector<16xi32>
        %add3A_1016 = arith.addi %mul3A_864, %add3A_1015 : vector<16xi32>
        %broadcast_in_dim3A_1017 = arith.constant 3 : i32
        %broadcast_in_dim3A_1018 = vector.broadcast %broadcast_in_dim3A_1017 : i32 to vector<16xi32>
        %gather3A = tpu.vector_load_idx %arg19[%add3A_1016, %broadcast_in_dim3A_1018] : memref<512x16xf32, #tpu.memory_space<vmem>>[vector<16xi32>, vector<16xi32>], vector<16xf32>,
        %neg3A = arith.constant 0.000000e+00 : f32
        %neg3A_1019 = vector.broadcast %neg3A : f32 to vector<16xf32>
        %neg3A_1020 = arith.subf %neg3A_1019, %gather3A : vector<16xf32>
        %exp3A = math.exp %neg3A_1020 : vector<16xf32>
        %add3A_1021 = arith.constant 1.000000e+00 : f32
        %add3A_1022 = vector.broadcast %add3A_1021 : f32 to vector<16xf32>
        %add3A_1023 = arith.addf %add3A_1022, %exp3A : vector<16xf32>
        %div3A = arith.constant 1.000000e+00 : f32
        %div3A_1024 = vector.broadcast %div3A : f32 to vector<16xf32>
        %div3A_1025 = arith.divf %div3A_1024, %add3A_1023 : vector<16xf32>
        %gt3A = vector.broadcast %add3A_1014 : i32 to vector<16xi32>
        %gt3A_1026 = arith.cmpi sgt, %get3A_861, %gt3A : vector<16xi32>
        %jit3A = arith.constant 0.000000e+00 : f32
        %broadcast_in_dim3A_1027 = vector.broadcast %jit3A : f32 to vector<16xf32>
        %select_n3A = arith.select %gt3A_1026, %div3A_1025, %broadcast_in_dim3A_1027 : vector<16xi1>, vector<16xf32>
        %mul3A_1028 = arith.mulf %select_n3A, %scan3A_1010 : vector<16xf32>
        %sub3A = arith.constant 1.000000e+00 : f32
        %sub3A_1029 = vector.broadcast %sub3A : f32 to vector<16xf32>
        %sub3A_1030 = arith.subf %sub3A_1029, %select_n3A : vector<16xf32>
        %add3A_1031 = arith.constant 1.000000e-10 : f32
        %add3A_1032 = vector.broadcast %add3A_1031 : f32 to vector<16xf32>
        %add3A_1033 = arith.addf %sub3A_1030, %add3A_1032 : vector<16xf32>
        %mul3A_1034 = arith.mulf %scan3A_1010, %add3A_1033 : vector<16xf32>
        %broadcast_in_dim3A_1035 = arith.constant 0 : i32
        %broadcast_in_dim3A_1036 = vector.broadcast %broadcast_in_dim3A_1035 : i32 to vector<16xi32>
        %gather3A_1037 = tpu.vector_load_idx %arg19[%add3A_1016, %broadcast_in_dim3A_1036] : memref<512x16xf32, #tpu.memory_space<vmem>>[vector<16xi32>, vector<16xi32>], vector<16xf32>,
        %broadcast_in_dim3A_1038 = arith.constant 1 : i32
        %broadcast_in_dim3A_1039 = vector.broadcast %broadcast_in_dim3A_1038 : i32 to vector<16xi32>
        %gather3A_1040 = tpu.vector_load_idx %arg19[%add3A_1016, %broadcast_in_dim3A_1039] : memref<512x16xf32, #tpu.memory_space<vmem>>[vector<16xi32>, vector<16xi32>], vector<16xf32>,
        %broadcast_in_dim3A_1041 = arith.constant 2 : i32
        %broadcast_in_dim3A_1042 = vector.broadcast %broadcast_in_dim3A_1041 : i32 to vector<16xi32>
        %gather3A_1043 = tpu.vector_load_idx %arg19[%add3A_1016, %broadcast_in_dim3A_1042] : memref<512x16xf32, #tpu.memory_space<vmem>>[vector<16xi32>, vector<16xi32>], vector<16xf32>,
        %mul3A_1044 = arith.mulf %mul3A_1028, %gather3A_1037 : vector<16xf32>
        %add3A_1045 = arith.addf %scan3A_1006, %mul3A_1044 : vector<16xf32>
        %mul3A_1046 = arith.mulf %mul3A_1028, %gather3A_1040 : vector<16xf32>
        %add3A_1047 = arith.addf %scan3A_1007, %mul3A_1046 : vector<16xf32>
        %mul3A_1048 = arith.mulf %mul3A_1028, %gather3A_1043 : vector<16xf32>
        %add3A_1049 = arith.addf %scan3A_1008, %mul3A_1048 : vector<16xf32>
        %add3A_1050 = arith.addf %scan3A_1009, %mul3A_1028 : vector<16xf32>
        %mul3A_1051 = arith.constant 4 : i32
        %mul3A_1052 = arith.muli %scan3A_1005, %mul3A_1051 : i32
        %add3A_1053 = arith.constant 1 : i32
        %add3A_1054 = arith.addi %mul3A_1052, %add3A_1053 : i32
        %add3A_1055 = vector.broadcast %add3A_1054 : i32 to vector<16xi32>
        %add3A_1056 = arith.addi %mul3A_864, %add3A_1055 : vector<16xi32>
        %broadcast_in_dim3A_1057 = arith.constant 3 : i32
        %broadcast_in_dim3A_1058 = vector.broadcast %broadcast_in_dim3A_1057 : i32 to vector<16xi32>
        %gather3A_1059 = tpu.vector_load_idx %arg19[%add3A_1056, %broadcast_in_dim3A_1058] : memref<512x16xf32, #tpu.memory_space<vmem>>[vector<16xi32>, vector<16xi32>], vector<16xf32>,
        %neg3A_1060 = arith.constant 0.000000e+00 : f32
        %neg3A_1061 = vector.broadcast %neg3A_1060 : f32 to vector<16xf32>
        %neg3A_1062 = arith.subf %neg3A_1061, %gather3A_1059 : vector<16xf32>
        %exp3A_1063 = math.exp %neg3A_1062 : vector<16xf32>
        %add3A_1064 = arith.constant 1.000000e+00 : f32
        %add3A_1065 = vector.broadcast %add3A_1064 : f32 to vector<16xf32>
        %add3A_1066 = arith.addf %add3A_1065, %exp3A_1063 : vector<16xf32>
        %div3A_1067 = arith.constant 1.000000e+00 : f32
        %div3A_1068 = vector.broadcast %div3A_1067 : f32 to vector<16xf32>
        %div3A_1069 = arith.divf %div3A_1068, %add3A_1066 : vector<16xf32>
        %gt3A_1070 = vector.broadcast %add3A_1054 : i32 to vector<16xi32>
        %gt3A_1071 = arith.cmpi sgt, %get3A_861, %gt3A_1070 : vector<16xi32>
        %jit3A_1072 = arith.constant 0.000000e+00 : f32
        %broadcast_in_dim3A_1073 = vector.broadcast %jit3A_1072 : f32 to vector<16xf32>
        %select_n3A_1074 = arith.select %gt3A_1071, %div3A_1069, %broadcast_in_dim3A_1073 : vector<16xi1>, vector<16xf32>
        %mul3A_1075 = arith.mulf %select_n3A_1074, %mul3A_1034 : vector<16xf32>
        %sub3A_1076 = arith.constant 1.000000e+00 : f32
        %sub3A_1077 = vector.broadcast %sub3A_1076 : f32 to vector<16xf32>
        %sub3A_1078 = arith.subf %sub3A_1077, %select_n3A_1074 : vector<16xf32>
        %add3A_1079 = arith.constant 1.000000e-10 : f32
        %add3A_1080 = vector.broadcast %add3A_1079 : f32 to vector<16xf32>
        %add3A_1081 = arith.addf %sub3A_1078, %add3A_1080 : vector<16xf32>
        %mul3A_1082 = arith.mulf %mul3A_1034, %add3A_1081 : vector<16xf32>
        %broadcast_in_dim3A_1083 = arith.constant 0 : i32
        %broadcast_in_dim3A_1084 = vector.broadcast %broadcast_in_dim3A_1083 : i32 to vector<16xi32>
        %gather3A_1085 = tpu.vector_load_idx %arg19[%add3A_1056, %broadcast_in_dim3A_1084] : memref<512x16xf32, #tpu.memory_space<vmem>>[vector<16xi32>, vector<16xi32>], vector<16xf32>,
        %broadcast_in_dim3A_1086 = arith.constant 1 : i32
        %broadcast_in_dim3A_1087 = vector.broadcast %broadcast_in_dim3A_1086 : i32 to vector<16xi32>
        %gather3A_1088 = tpu.vector_load_idx %arg19[%add3A_1056, %broadcast_in_dim3A_1087] : memref<512x16xf32, #tpu.memory_space<vmem>>[vector<16xi32>, vector<16xi32>], vector<16xf32>,
        %broadcast_in_dim3A_1089 = arith.constant 2 : i32
        %broadcast_in_dim3A_1090 = vector.broadcast %broadcast_in_dim3A_1089 : i32 to vector<16xi32>
        %gather3A_1091 = tpu.vector_load_idx %arg19[%add3A_1056, %broadcast_in_dim3A_1090] : memref<512x16xf32, #tpu.memory_space<vmem>>[vector<16xi32>, vector<16xi32>], vector<16xf32>,
        %mul3A_1092 = arith.mulf %mul3A_1075, %gather3A_1085 : vector<16xf32>
        %add3A_1093 = arith.addf %add3A_1045, %mul3A_1092 : vector<16xf32>
        %mul3A_1094 = arith.mulf %mul3A_1075, %gather3A_1088 : vector<16xf32>
        %add3A_1095 = arith.addf %add3A_1047, %mul3A_1094 : vector<16xf32>
        %mul3A_1096 = arith.mulf %mul3A_1075, %gather3A_1091 : vector<16xf32>
        %add3A_1097 = arith.addf %add3A_1049, %mul3A_1096 : vector<16xf32>
        %add3A_1098 = arith.addf %add3A_1050, %mul3A_1075 : vector<16xf32>
        %mul3A_1099 = arith.constant 4 : i32
        %mul3A_1100 = arith.muli %scan3A_1005, %mul3A_1099 : i32
        %add3A_1101 = arith.constant 2 : i32
        %add3A_1102 = arith.addi %mul3A_1100, %add3A_1101 : i32
        %add3A_1103 = vector.broadcast %add3A_1102 : i32 to vector<16xi32>
        %add3A_1104 = arith.addi %mul3A_864, %add3A_1103 : vector<16xi32>
        %broadcast_in_dim3A_1105 = arith.constant 3 : i32
        %broadcast_in_dim3A_1106 = vector.broadcast %broadcast_in_dim3A_1105 : i32 to vector<16xi32>
        %gather3A_1107 = tpu.vector_load_idx %arg19[%add3A_1104, %broadcast_in_dim3A_1106] : memref<512x16xf32, #tpu.memory_space<vmem>>[vector<16xi32>, vector<16xi32>], vector<16xf32>,
        %neg3A_1108 = arith.constant 0.000000e+00 : f32
        %neg3A_1109 = vector.broadcast %neg3A_1108 : f32 to vector<16xf32>
        %neg3A_1110 = arith.subf %neg3A_1109, %gather3A_1107 : vector<16xf32>
        %exp3A_1111 = math.exp %neg3A_1110 : vector<16xf32>
        %add3A_1112 = arith.constant 1.000000e+00 : f32
        %add3A_1113 = vector.broadcast %add3A_1112 : f32 to vector<16xf32>
        %add3A_1114 = arith.addf %add3A_1113, %exp3A_1111 : vector<16xf32>
        %div3A_1115 = arith.constant 1.000000e+00 : f32
        %div3A_1116 = vector.broadcast %div3A_1115 : f32 to vector<16xf32>
        %div3A_1117 = arith.divf %div3A_1116, %add3A_1114 : vector<16xf32>
        %gt3A_1118 = vector.broadcast %add3A_1102 : i32 to vector<16xi32>
        %gt3A_1119 = arith.cmpi sgt, %get3A_861, %gt3A_1118 : vector<16xi32>
        %jit3A_1120 = arith.constant 0.000000e+00 : f32
        %broadcast_in_dim3A_1121 = vector.broadcast %jit3A_1120 : f32 to vector<16xf32>
        %select_n3A_1122 = arith.select %gt3A_1119, %div3A_1117, %broadcast_in_dim3A_1121 : vector<16xi1>, vector<16xf32>
        %mul3A_1123 = arith.mulf %select_n3A_1122, %mul3A_1082 : vector<16xf32>
        %sub3A_1124 = arith.constant 1.000000e+00 : f32
        %sub3A_1125 = vector.broadcast %sub3A_1124 : f32 to vector<16xf32>
        %sub3A_1126 = arith.subf %sub3A_1125, %select_n3A_1122 : vector<16xf32>
        %add3A_1127 = arith.constant 1.000000e-10 : f32
        %add3A_1128 = vector.broadcast %add3A_1127 : f32 to vector<16xf32>
        %add3A_1129 = arith.addf %sub3A_1126, %add3A_1128 : vector<16xf32>
        %mul3A_1130 = arith.mulf %mul3A_1082, %add3A_1129 : vector<16xf32>
        %broadcast_in_dim3A_1131 = arith.constant 0 : i32
        %broadcast_in_dim3A_1132 = vector.broadcast %broadcast_in_dim3A_1131 : i32 to vector<16xi32>
        %gather3A_1133 = tpu.vector_load_idx %arg19[%add3A_1104, %broadcast_in_dim3A_1132] : memref<512x16xf32, #tpu.memory_space<vmem>>[vector<16xi32>, vector<16xi32>], vector<16xf32>,
        %broadcast_in_dim3A_1134 = arith.constant 1 : i32
        %broadcast_in_dim3A_1135 = vector.broadcast %broadcast_in_dim3A_1134 : i32 to vector<16xi32>
        %gather3A_1136 = tpu.vector_load_idx %arg19[%add3A_1104, %broadcast_in_dim3A_1135] : memref<512x16xf32, #tpu.memory_space<vmem>>[vector<16xi32>, vector<16xi32>], vector<16xf32>,
        %broadcast_in_dim3A_1137 = arith.constant 2 : i32
        %broadcast_in_dim3A_1138 = vector.broadcast %broadcast_in_dim3A_1137 : i32 to vector<16xi32>
        %gather3A_1139 = tpu.vector_load_idx %arg19[%add3A_1104, %broadcast_in_dim3A_1138] : memref<512x16xf32, #tpu.memory_space<vmem>>[vector<16xi32>, vector<16xi32>], vector<16xf32>,
        %mul3A_1140 = arith.mulf %mul3A_1123, %gather3A_1133 : vector<16xf32>
        %add3A_1141 = arith.addf %add3A_1093, %mul3A_1140 : vector<16xf32>
        %mul3A_1142 = arith.mulf %mul3A_1123, %gather3A_1136 : vector<16xf32>
        %add3A_1143 = arith.addf %add3A_1095, %mul3A_1142 : vector<16xf32>
        %mul3A_1144 = arith.mulf %mul3A_1123, %gather3A_1139 : vector<16xf32>
        %add3A_1145 = arith.addf %add3A_1097, %mul3A_1144 : vector<16xf32>
        %add3A_1146 = arith.addf %add3A_1098, %mul3A_1123 : vector<16xf32>
        %mul3A_1147 = arith.constant 4 : i32
        %mul3A_1148 = arith.muli %scan3A_1005, %mul3A_1147 : i32
        %add3A_1149 = arith.constant 3 : i32
        %add3A_1150 = arith.addi %mul3A_1148, %add3A_1149 : i32
        %add3A_1151 = vector.broadcast %add3A_1150 : i32 to vector<16xi32>
        %add3A_1152 = arith.addi %mul3A_864, %add3A_1151 : vector<16xi32>
        %broadcast_in_dim3A_1153 = arith.constant 3 : i32
        %broadcast_in_dim3A_1154 = vector.broadcast %broadcast_in_dim3A_1153 : i32 to vector<16xi32>
        %gather3A_1155 = tpu.vector_load_idx %arg19[%add3A_1152, %broadcast_in_dim3A_1154] : memref<512x16xf32, #tpu.memory_space<vmem>>[vector<16xi32>, vector<16xi32>], vector<16xf32>,
        %neg3A_1156 = arith.constant 0.000000e+00 : f32
        %neg3A_1157 = vector.broadcast %neg3A_1156 : f32 to vector<16xf32>
        %neg3A_1158 = arith.subf %neg3A_1157, %gather3A_1155 : vector<16xf32>
        %exp3A_1159 = math.exp %neg3A_1158 : vector<16xf32>
        %add3A_1160 = arith.constant 1.000000e+00 : f32
        %add3A_1161 = vector.broadcast %add3A_1160 : f32 to vector<16xf32>
        %add3A_1162 = arith.addf %add3A_1161, %exp3A_1159 : vector<16xf32>
        %div3A_1163 = arith.constant 1.000000e+00 : f32
        %div3A_1164 = vector.broadcast %div3A_1163 : f32 to vector<16xf32>
        %div3A_1165 = arith.divf %div3A_1164, %add3A_1162 : vector<16xf32>
        %gt3A_1166 = vector.broadcast %add3A_1150 : i32 to vector<16xi32>
        %gt3A_1167 = arith.cmpi sgt, %get3A_861, %gt3A_1166 : vector<16xi32>
        %jit3A_1168 = arith.constant 0.000000e+00 : f32
        %broadcast_in_dim3A_1169 = vector.broadcast %jit3A_1168 : f32 to vector<16xf32>
        %select_n3A_1170 = arith.select %gt3A_1167, %div3A_1165, %broadcast_in_dim3A_1169 : vector<16xi1>, vector<16xf32>
        %mul3A_1171 = arith.mulf %select_n3A_1170, %mul3A_1130 : vector<16xf32>
        %sub3A_1172 = arith.constant 1.000000e+00 : f32
        %sub3A_1173 = vector.broadcast %sub3A_1172 : f32 to vector<16xf32>
        %sub3A_1174 = arith.subf %sub3A_1173, %select_n3A_1170 : vector<16xf32>
        %add3A_1175 = arith.constant 1.000000e-10 : f32
        %add3A_1176 = vector.broadcast %add3A_1175 : f32 to vector<16xf32>
        %add3A_1177 = arith.addf %sub3A_1174, %add3A_1176 : vector<16xf32>
        %mul3A_1178 = arith.mulf %mul3A_1130, %add3A_1177 : vector<16xf32>
        %broadcast_in_dim3A_1179 = arith.constant 0 : i32
        %broadcast_in_dim3A_1180 = vector.broadcast %broadcast_in_dim3A_1179 : i32 to vector<16xi32>
        %gather3A_1181 = tpu.vector_load_idx %arg19[%add3A_1152, %broadcast_in_dim3A_1180] : memref<512x16xf32, #tpu.memory_space<vmem>>[vector<16xi32>, vector<16xi32>], vector<16xf32>,
        %broadcast_in_dim3A_1182 = arith.constant 1 : i32
        %broadcast_in_dim3A_1183 = vector.broadcast %broadcast_in_dim3A_1182 : i32 to vector<16xi32>
        %gather3A_1184 = tpu.vector_load_idx %arg19[%add3A_1152, %broadcast_in_dim3A_1183] : memref<512x16xf32, #tpu.memory_space<vmem>>[vector<16xi32>, vector<16xi32>], vector<16xf32>,
        %broadcast_in_dim3A_1185 = arith.constant 2 : i32
        %broadcast_in_dim3A_1186 = vector.broadcast %broadcast_in_dim3A_1185 : i32 to vector<16xi32>
        %gather3A_1187 = tpu.vector_load_idx %arg19[%add3A_1152, %broadcast_in_dim3A_1186] : memref<512x16xf32, #tpu.memory_space<vmem>>[vector<16xi32>, vector<16xi32>], vector<16xf32>,
        %mul3A_1188 = arith.mulf %mul3A_1171, %gather3A_1181 : vector<16xf32>
        %add3A_1189 = arith.addf %add3A_1141, %mul3A_1188 : vector<16xf32>
        %mul3A_1190 = arith.mulf %mul3A_1171, %gather3A_1184 : vector<16xf32>
        %add3A_1191 = arith.addf %add3A_1143, %mul3A_1190 : vector<16xf32>
        %mul3A_1192 = arith.mulf %mul3A_1171, %gather3A_1187 : vector<16xf32>
        %add3A_1193 = arith.addf %add3A_1145, %mul3A_1192 : vector<16xf32>
        %add3A_1194 = arith.addf %add3A_1146, %mul3A_1171 : vector<16xf32>
        scf.yield %add3A_1189, %add3A_1191, %add3A_1193, %add3A_1194, %mul3A_1178 : vector<16xf32>, vector<16xf32>, vector<16xf32>, vector<16xf32>, vector<16xf32>
      }
      %scan3A_874 = arith.constant 8 : i32
      %mul3A_875 = arith.constant 64 : i32
      %mul3A_876 = arith.muli %add3A_859, %mul3A_875 : i32
      %add3A_877 = arith.constant 0 : i32
      %add3A_878 = arith.addi %mul3A_876, %add3A_877 : i32
      %add3A_879 = arith.constant 0 : i32
      %add3A_880 = arith.addi %add3A_879, %add3A_878 : i32
      %swap3A_881 = arith.index_cast %add3A_880 : i32 to index
      %swap3A_882 = tpu.vector_load %arg25[%swap3A_881] {strides = array<i32>} : memref<32768xf32, #tpu.memory_space<vmem>>, vector<16xf32>,
      tpu.vector_store %arg25[%swap3A_881], %scan3A_873#0 {strides = array<i32>} : memref<32768xf32, #tpu.memory_space<vmem>>, vector<16xf32>,
      %add3A_883 = arith.constant 8192 : i32
      %add3A_884 = arith.addi %add3A_883, %add3A_878 : i32
      %swap3A_885 = arith.index_cast %add3A_884 : i32 to index
      %swap3A_886 = tpu.vector_load %arg25[%swap3A_885] {strides = array<i32>} : memref<32768xf32, #tpu.memory_space<vmem>>, vector<16xf32>,
      tpu.vector_store %arg25[%swap3A_885], %scan3A_873#1 {strides = array<i32>} : memref<32768xf32, #tpu.memory_space<vmem>>, vector<16xf32>,
      %add3A_887 = arith.constant 16384 : i32
      %add3A_888 = arith.addi %add3A_887, %add3A_878 : i32
      %swap3A_889 = arith.index_cast %add3A_888 : i32 to index
      %swap3A_890 = tpu.vector_load %arg25[%swap3A_889] {strides = array<i32>} : memref<32768xf32, #tpu.memory_space<vmem>>, vector<16xf32>,
      tpu.vector_store %arg25[%swap3A_889], %scan3A_873#2 {strides = array<i32>} : memref<32768xf32, #tpu.memory_space<vmem>>, vector<16xf32>,
      %add3A_891 = arith.constant 24576 : i32
      %add3A_892 = arith.addi %add3A_891, %add3A_878 : i32
      %swap3A_893 = arith.index_cast %add3A_892 : i32 to index
      %swap3A_894 = tpu.vector_load %arg25[%swap3A_893] {strides = array<i32>} : memref<32768xf32, #tpu.memory_space<vmem>>, vector<16xf32>,
      tpu.vector_store %arg25[%swap3A_893], %scan3A_873#3 {strides = array<i32>} : memref<32768xf32, #tpu.memory_space<vmem>>, vector<16xf32>,
      %get3A_895 = arith.constant 16 : index
      %get3A_896 = tpu.vector_load %arg24[%get3A_895] {strides = array<i32>} : memref<64xi32, #tpu.memory_space<vmem>>, vector<16xi32>,
      %mul3A_897 = arith.constant 32 : i32
      %mul3A_898 = vector.broadcast %mul3A_897 : i32 to vector<16xi32>
      %mul3A_899 = arith.muli %iota3A, %mul3A_898 : vector<16xi32>
      %broadcast_in_dim3A_900 = arith.constant 0.000000e+00 : f32
      %broadcast_in_dim3A_901 = vector.broadcast %broadcast_in_dim3A_900 : f32 to vector<16xf32>
      %broadcast_in_dim3A_902 = arith.constant 1.000000e+00 : f32
      %broadcast_in_dim3A_903 = vector.broadcast %broadcast_in_dim3A_902 : f32 to vector<16xf32>
      %scan3A_904 = arith.constant 0 : i32
      %scan3A_905 = arith.constant 8 : i32
      %scan3A_906 = arith.addi %scan3A_904, %scan3A_905 : i32
      %scan3A_907 = arith.constant 1 : i32
      %scan3A_908:5 = scf.for %scan3A_1005 = %scan3A_904 to %scan3A_906 step %scan3A_907 iter_args(%scan3A_1006 = %broadcast_in_dim3A_901, %scan3A_1007 = %broadcast_in_dim3A_901, %scan3A_1008 = %broadcast_in_dim3A_901, %scan3A_1009 = %broadcast_in_dim3A_901, %scan3A_1010 = %broadcast_in_dim3A_903) -> (vector<16xf32>, vector<16xf32>, vector<16xf32>, vector<16xf32>, vector<16xf32>)  : i32 {
        %mul3A_1011 = arith.constant 4 : i32
        %mul3A_1012 = arith.muli %scan3A_1005, %mul3A_1011 : i32
        %add3A_1013 = arith.constant 0 : i32
        %add3A_1014 = arith.addi %mul3A_1012, %add3A_1013 : i32
        %add3A_1015 = vector.broadcast %add3A_1014 : i32 to vector<16xi32>
        %add3A_1016 = arith.addi %mul3A_899, %add3A_1015 : vector<16xi32>
        %broadcast_in_dim3A_1017 = arith.constant 3 : i32
        %broadcast_in_dim3A_1018 = vector.broadcast %broadcast_in_dim3A_1017 : i32 to vector<16xi32>
        %gather3A = tpu.vector_load_idx %arg20[%add3A_1016, %broadcast_in_dim3A_1018] : memref<512x16xf32, #tpu.memory_space<vmem>>[vector<16xi32>, vector<16xi32>], vector<16xf32>,
        %neg3A = arith.constant 0.000000e+00 : f32
        %neg3A_1019 = vector.broadcast %neg3A : f32 to vector<16xf32>
        %neg3A_1020 = arith.subf %neg3A_1019, %gather3A : vector<16xf32>
        %exp3A = math.exp %neg3A_1020 : vector<16xf32>
        %add3A_1021 = arith.constant 1.000000e+00 : f32
        %add3A_1022 = vector.broadcast %add3A_1021 : f32 to vector<16xf32>
        %add3A_1023 = arith.addf %add3A_1022, %exp3A : vector<16xf32>
        %div3A = arith.constant 1.000000e+00 : f32
        %div3A_1024 = vector.broadcast %div3A : f32 to vector<16xf32>
        %div3A_1025 = arith.divf %div3A_1024, %add3A_1023 : vector<16xf32>
        %gt3A = vector.broadcast %add3A_1014 : i32 to vector<16xi32>
        %gt3A_1026 = arith.cmpi sgt, %get3A_896, %gt3A : vector<16xi32>
        %jit3A = arith.constant 0.000000e+00 : f32
        %broadcast_in_dim3A_1027 = vector.broadcast %jit3A : f32 to vector<16xf32>
        %select_n3A = arith.select %gt3A_1026, %div3A_1025, %broadcast_in_dim3A_1027 : vector<16xi1>, vector<16xf32>
        %mul3A_1028 = arith.mulf %select_n3A, %scan3A_1010 : vector<16xf32>
        %sub3A = arith.constant 1.000000e+00 : f32
        %sub3A_1029 = vector.broadcast %sub3A : f32 to vector<16xf32>
        %sub3A_1030 = arith.subf %sub3A_1029, %select_n3A : vector<16xf32>
        %add3A_1031 = arith.constant 1.000000e-10 : f32
        %add3A_1032 = vector.broadcast %add3A_1031 : f32 to vector<16xf32>
        %add3A_1033 = arith.addf %sub3A_1030, %add3A_1032 : vector<16xf32>
        %mul3A_1034 = arith.mulf %scan3A_1010, %add3A_1033 : vector<16xf32>
        %broadcast_in_dim3A_1035 = arith.constant 0 : i32
        %broadcast_in_dim3A_1036 = vector.broadcast %broadcast_in_dim3A_1035 : i32 to vector<16xi32>
        %gather3A_1037 = tpu.vector_load_idx %arg20[%add3A_1016, %broadcast_in_dim3A_1036] : memref<512x16xf32, #tpu.memory_space<vmem>>[vector<16xi32>, vector<16xi32>], vector<16xf32>,
        %broadcast_in_dim3A_1038 = arith.constant 1 : i32
        %broadcast_in_dim3A_1039 = vector.broadcast %broadcast_in_dim3A_1038 : i32 to vector<16xi32>
        %gather3A_1040 = tpu.vector_load_idx %arg20[%add3A_1016, %broadcast_in_dim3A_1039] : memref<512x16xf32, #tpu.memory_space<vmem>>[vector<16xi32>, vector<16xi32>], vector<16xf32>,
        %broadcast_in_dim3A_1041 = arith.constant 2 : i32
        %broadcast_in_dim3A_1042 = vector.broadcast %broadcast_in_dim3A_1041 : i32 to vector<16xi32>
        %gather3A_1043 = tpu.vector_load_idx %arg20[%add3A_1016, %broadcast_in_dim3A_1042] : memref<512x16xf32, #tpu.memory_space<vmem>>[vector<16xi32>, vector<16xi32>], vector<16xf32>,
        %mul3A_1044 = arith.mulf %mul3A_1028, %gather3A_1037 : vector<16xf32>
        %add3A_1045 = arith.addf %scan3A_1006, %mul3A_1044 : vector<16xf32>
        %mul3A_1046 = arith.mulf %mul3A_1028, %gather3A_1040 : vector<16xf32>
        %add3A_1047 = arith.addf %scan3A_1007, %mul3A_1046 : vector<16xf32>
        %mul3A_1048 = arith.mulf %mul3A_1028, %gather3A_1043 : vector<16xf32>
        %add3A_1049 = arith.addf %scan3A_1008, %mul3A_1048 : vector<16xf32>
        %add3A_1050 = arith.addf %scan3A_1009, %mul3A_1028 : vector<16xf32>
        %mul3A_1051 = arith.constant 4 : i32
        %mul3A_1052 = arith.muli %scan3A_1005, %mul3A_1051 : i32
        %add3A_1053 = arith.constant 1 : i32
        %add3A_1054 = arith.addi %mul3A_1052, %add3A_1053 : i32
        %add3A_1055 = vector.broadcast %add3A_1054 : i32 to vector<16xi32>
        %add3A_1056 = arith.addi %mul3A_899, %add3A_1055 : vector<16xi32>
        %broadcast_in_dim3A_1057 = arith.constant 3 : i32
        %broadcast_in_dim3A_1058 = vector.broadcast %broadcast_in_dim3A_1057 : i32 to vector<16xi32>
        %gather3A_1059 = tpu.vector_load_idx %arg20[%add3A_1056, %broadcast_in_dim3A_1058] : memref<512x16xf32, #tpu.memory_space<vmem>>[vector<16xi32>, vector<16xi32>], vector<16xf32>,
        %neg3A_1060 = arith.constant 0.000000e+00 : f32
        %neg3A_1061 = vector.broadcast %neg3A_1060 : f32 to vector<16xf32>
        %neg3A_1062 = arith.subf %neg3A_1061, %gather3A_1059 : vector<16xf32>
        %exp3A_1063 = math.exp %neg3A_1062 : vector<16xf32>
        %add3A_1064 = arith.constant 1.000000e+00 : f32
        %add3A_1065 = vector.broadcast %add3A_1064 : f32 to vector<16xf32>
        %add3A_1066 = arith.addf %add3A_1065, %exp3A_1063 : vector<16xf32>
        %div3A_1067 = arith.constant 1.000000e+00 : f32
        %div3A_1068 = vector.broadcast %div3A_1067 : f32 to vector<16xf32>
        %div3A_1069 = arith.divf %div3A_1068, %add3A_1066 : vector<16xf32>
        %gt3A_1070 = vector.broadcast %add3A_1054 : i32 to vector<16xi32>
        %gt3A_1071 = arith.cmpi sgt, %get3A_896, %gt3A_1070 : vector<16xi32>
        %jit3A_1072 = arith.constant 0.000000e+00 : f32
        %broadcast_in_dim3A_1073 = vector.broadcast %jit3A_1072 : f32 to vector<16xf32>
        %select_n3A_1074 = arith.select %gt3A_1071, %div3A_1069, %broadcast_in_dim3A_1073 : vector<16xi1>, vector<16xf32>
        %mul3A_1075 = arith.mulf %select_n3A_1074, %mul3A_1034 : vector<16xf32>
        %sub3A_1076 = arith.constant 1.000000e+00 : f32
        %sub3A_1077 = vector.broadcast %sub3A_1076 : f32 to vector<16xf32>
        %sub3A_1078 = arith.subf %sub3A_1077, %select_n3A_1074 : vector<16xf32>
        %add3A_1079 = arith.constant 1.000000e-10 : f32
        %add3A_1080 = vector.broadcast %add3A_1079 : f32 to vector<16xf32>
        %add3A_1081 = arith.addf %sub3A_1078, %add3A_1080 : vector<16xf32>
        %mul3A_1082 = arith.mulf %mul3A_1034, %add3A_1081 : vector<16xf32>
        %broadcast_in_dim3A_1083 = arith.constant 0 : i32
        %broadcast_in_dim3A_1084 = vector.broadcast %broadcast_in_dim3A_1083 : i32 to vector<16xi32>
        %gather3A_1085 = tpu.vector_load_idx %arg20[%add3A_1056, %broadcast_in_dim3A_1084] : memref<512x16xf32, #tpu.memory_space<vmem>>[vector<16xi32>, vector<16xi32>], vector<16xf32>,
        %broadcast_in_dim3A_1086 = arith.constant 1 : i32
        %broadcast_in_dim3A_1087 = vector.broadcast %broadcast_in_dim3A_1086 : i32 to vector<16xi32>
        %gather3A_1088 = tpu.vector_load_idx %arg20[%add3A_1056, %broadcast_in_dim3A_1087] : memref<512x16xf32, #tpu.memory_space<vmem>>[vector<16xi32>, vector<16xi32>], vector<16xf32>,
        %broadcast_in_dim3A_1089 = arith.constant 2 : i32
        %broadcast_in_dim3A_1090 = vector.broadcast %broadcast_in_dim3A_1089 : i32 to vector<16xi32>
        %gather3A_1091 = tpu.vector_load_idx %arg20[%add3A_1056, %broadcast_in_dim3A_1090] : memref<512x16xf32, #tpu.memory_space<vmem>>[vector<16xi32>, vector<16xi32>], vector<16xf32>,
        %mul3A_1092 = arith.mulf %mul3A_1075, %gather3A_1085 : vector<16xf32>
        %add3A_1093 = arith.addf %add3A_1045, %mul3A_1092 : vector<16xf32>
        %mul3A_1094 = arith.mulf %mul3A_1075, %gather3A_1088 : vector<16xf32>
        %add3A_1095 = arith.addf %add3A_1047, %mul3A_1094 : vector<16xf32>
        %mul3A_1096 = arith.mulf %mul3A_1075, %gather3A_1091 : vector<16xf32>
        %add3A_1097 = arith.addf %add3A_1049, %mul3A_1096 : vector<16xf32>
        %add3A_1098 = arith.addf %add3A_1050, %mul3A_1075 : vector<16xf32>
        %mul3A_1099 = arith.constant 4 : i32
        %mul3A_1100 = arith.muli %scan3A_1005, %mul3A_1099 : i32
        %add3A_1101 = arith.constant 2 : i32
        %add3A_1102 = arith.addi %mul3A_1100, %add3A_1101 : i32
        %add3A_1103 = vector.broadcast %add3A_1102 : i32 to vector<16xi32>
        %add3A_1104 = arith.addi %mul3A_899, %add3A_1103 : vector<16xi32>
        %broadcast_in_dim3A_1105 = arith.constant 3 : i32
        %broadcast_in_dim3A_1106 = vector.broadcast %broadcast_in_dim3A_1105 : i32 to vector<16xi32>
        %gather3A_1107 = tpu.vector_load_idx %arg20[%add3A_1104, %broadcast_in_dim3A_1106] : memref<512x16xf32, #tpu.memory_space<vmem>>[vector<16xi32>, vector<16xi32>], vector<16xf32>,
        %neg3A_1108 = arith.constant 0.000000e+00 : f32
        %neg3A_1109 = vector.broadcast %neg3A_1108 : f32 to vector<16xf32>
        %neg3A_1110 = arith.subf %neg3A_1109, %gather3A_1107 : vector<16xf32>
        %exp3A_1111 = math.exp %neg3A_1110 : vector<16xf32>
        %add3A_1112 = arith.constant 1.000000e+00 : f32
        %add3A_1113 = vector.broadcast %add3A_1112 : f32 to vector<16xf32>
        %add3A_1114 = arith.addf %add3A_1113, %exp3A_1111 : vector<16xf32>
        %div3A_1115 = arith.constant 1.000000e+00 : f32
        %div3A_1116 = vector.broadcast %div3A_1115 : f32 to vector<16xf32>
        %div3A_1117 = arith.divf %div3A_1116, %add3A_1114 : vector<16xf32>
        %gt3A_1118 = vector.broadcast %add3A_1102 : i32 to vector<16xi32>
        %gt3A_1119 = arith.cmpi sgt, %get3A_896, %gt3A_1118 : vector<16xi32>
        %jit3A_1120 = arith.constant 0.000000e+00 : f32
        %broadcast_in_dim3A_1121 = vector.broadcast %jit3A_1120 : f32 to vector<16xf32>
        %select_n3A_1122 = arith.select %gt3A_1119, %div3A_1117, %broadcast_in_dim3A_1121 : vector<16xi1>, vector<16xf32>
        %mul3A_1123 = arith.mulf %select_n3A_1122, %mul3A_1082 : vector<16xf32>
        %sub3A_1124 = arith.constant 1.000000e+00 : f32
        %sub3A_1125 = vector.broadcast %sub3A_1124 : f32 to vector<16xf32>
        %sub3A_1126 = arith.subf %sub3A_1125, %select_n3A_1122 : vector<16xf32>
        %add3A_1127 = arith.constant 1.000000e-10 : f32
        %add3A_1128 = vector.broadcast %add3A_1127 : f32 to vector<16xf32>
        %add3A_1129 = arith.addf %sub3A_1126, %add3A_1128 : vector<16xf32>
        %mul3A_1130 = arith.mulf %mul3A_1082, %add3A_1129 : vector<16xf32>
        %broadcast_in_dim3A_1131 = arith.constant 0 : i32
        %broadcast_in_dim3A_1132 = vector.broadcast %broadcast_in_dim3A_1131 : i32 to vector<16xi32>
        %gather3A_1133 = tpu.vector_load_idx %arg20[%add3A_1104, %broadcast_in_dim3A_1132] : memref<512x16xf32, #tpu.memory_space<vmem>>[vector<16xi32>, vector<16xi32>], vector<16xf32>,
        %broadcast_in_dim3A_1134 = arith.constant 1 : i32
        %broadcast_in_dim3A_1135 = vector.broadcast %broadcast_in_dim3A_1134 : i32 to vector<16xi32>
        %gather3A_1136 = tpu.vector_load_idx %arg20[%add3A_1104, %broadcast_in_dim3A_1135] : memref<512x16xf32, #tpu.memory_space<vmem>>[vector<16xi32>, vector<16xi32>], vector<16xf32>,
        %broadcast_in_dim3A_1137 = arith.constant 2 : i32
        %broadcast_in_dim3A_1138 = vector.broadcast %broadcast_in_dim3A_1137 : i32 to vector<16xi32>
        %gather3A_1139 = tpu.vector_load_idx %arg20[%add3A_1104, %broadcast_in_dim3A_1138] : memref<512x16xf32, #tpu.memory_space<vmem>>[vector<16xi32>, vector<16xi32>], vector<16xf32>,
        %mul3A_1140 = arith.mulf %mul3A_1123, %gather3A_1133 : vector<16xf32>
        %add3A_1141 = arith.addf %add3A_1093, %mul3A_1140 : vector<16xf32>
        %mul3A_1142 = arith.mulf %mul3A_1123, %gather3A_1136 : vector<16xf32>
        %add3A_1143 = arith.addf %add3A_1095, %mul3A_1142 : vector<16xf32>
        %mul3A_1144 = arith.mulf %mul3A_1123, %gather3A_1139 : vector<16xf32>
        %add3A_1145 = arith.addf %add3A_1097, %mul3A_1144 : vector<16xf32>
        %add3A_1146 = arith.addf %add3A_1098, %mul3A_1123 : vector<16xf32>
        %mul3A_1147 = arith.constant 4 : i32
        %mul3A_1148 = arith.muli %scan3A_1005, %mul3A_1147 : i32
        %add3A_1149 = arith.constant 3 : i32
        %add3A_1150 = arith.addi %mul3A_1148, %add3A_1149 : i32
        %add3A_1151 = vector.broadcast %add3A_1150 : i32 to vector<16xi32>
        %add3A_1152 = arith.addi %mul3A_899, %add3A_1151 : vector<16xi32>
        %broadcast_in_dim3A_1153 = arith.constant 3 : i32
        %broadcast_in_dim3A_1154 = vector.broadcast %broadcast_in_dim3A_1153 : i32 to vector<16xi32>
        %gather3A_1155 = tpu.vector_load_idx %arg20[%add3A_1152, %broadcast_in_dim3A_1154] : memref<512x16xf32, #tpu.memory_space<vmem>>[vector<16xi32>, vector<16xi32>], vector<16xf32>,
        %neg3A_1156 = arith.constant 0.000000e+00 : f32
        %neg3A_1157 = vector.broadcast %neg3A_1156 : f32 to vector<16xf32>
        %neg3A_1158 = arith.subf %neg3A_1157, %gather3A_1155 : vector<16xf32>
        %exp3A_1159 = math.exp %neg3A_1158 : vector<16xf32>
        %add3A_1160 = arith.constant 1.000000e+00 : f32
        %add3A_1161 = vector.broadcast %add3A_1160 : f32 to vector<16xf32>
        %add3A_1162 = arith.addf %add3A_1161, %exp3A_1159 : vector<16xf32>
        %div3A_1163 = arith.constant 1.000000e+00 : f32
        %div3A_1164 = vector.broadcast %div3A_1163 : f32 to vector<16xf32>
        %div3A_1165 = arith.divf %div3A_1164, %add3A_1162 : vector<16xf32>
        %gt3A_1166 = vector.broadcast %add3A_1150 : i32 to vector<16xi32>
        %gt3A_1167 = arith.cmpi sgt, %get3A_896, %gt3A_1166 : vector<16xi32>
        %jit3A_1168 = arith.constant 0.000000e+00 : f32
        %broadcast_in_dim3A_1169 = vector.broadcast %jit3A_1168 : f32 to vector<16xf32>
        %select_n3A_1170 = arith.select %gt3A_1167, %div3A_1165, %broadcast_in_dim3A_1169 : vector<16xi1>, vector<16xf32>
        %mul3A_1171 = arith.mulf %select_n3A_1170, %mul3A_1130 : vector<16xf32>
        %sub3A_1172 = arith.constant 1.000000e+00 : f32
        %sub3A_1173 = vector.broadcast %sub3A_1172 : f32 to vector<16xf32>
        %sub3A_1174 = arith.subf %sub3A_1173, %select_n3A_1170 : vector<16xf32>
        %add3A_1175 = arith.constant 1.000000e-10 : f32
        %add3A_1176 = vector.broadcast %add3A_1175 : f32 to vector<16xf32>
        %add3A_1177 = arith.addf %sub3A_1174, %add3A_1176 : vector<16xf32>
        %mul3A_1178 = arith.mulf %mul3A_1130, %add3A_1177 : vector<16xf32>
        %broadcast_in_dim3A_1179 = arith.constant 0 : i32
        %broadcast_in_dim3A_1180 = vector.broadcast %broadcast_in_dim3A_1179 : i32 to vector<16xi32>
        %gather3A_1181 = tpu.vector_load_idx %arg20[%add3A_1152, %broadcast_in_dim3A_1180] : memref<512x16xf32, #tpu.memory_space<vmem>>[vector<16xi32>, vector<16xi32>], vector<16xf32>,
        %broadcast_in_dim3A_1182 = arith.constant 1 : i32
        %broadcast_in_dim3A_1183 = vector.broadcast %broadcast_in_dim3A_1182 : i32 to vector<16xi32>
        %gather3A_1184 = tpu.vector_load_idx %arg20[%add3A_1152, %broadcast_in_dim3A_1183] : memref<512x16xf32, #tpu.memory_space<vmem>>[vector<16xi32>, vector<16xi32>], vector<16xf32>,
        %broadcast_in_dim3A_1185 = arith.constant 2 : i32
        %broadcast_in_dim3A_1186 = vector.broadcast %broadcast_in_dim3A_1185 : i32 to vector<16xi32>
        %gather3A_1187 = tpu.vector_load_idx %arg20[%add3A_1152, %broadcast_in_dim3A_1186] : memref<512x16xf32, #tpu.memory_space<vmem>>[vector<16xi32>, vector<16xi32>], vector<16xf32>,
        %mul3A_1188 = arith.mulf %mul3A_1171, %gather3A_1181 : vector<16xf32>
        %add3A_1189 = arith.addf %add3A_1141, %mul3A_1188 : vector<16xf32>
        %mul3A_1190 = arith.mulf %mul3A_1171, %gather3A_1184 : vector<16xf32>
        %add3A_1191 = arith.addf %add3A_1143, %mul3A_1190 : vector<16xf32>
        %mul3A_1192 = arith.mulf %mul3A_1171, %gather3A_1187 : vector<16xf32>
        %add3A_1193 = arith.addf %add3A_1145, %mul3A_1192 : vector<16xf32>
        %add3A_1194 = arith.addf %add3A_1146, %mul3A_1171 : vector<16xf32>
        scf.yield %add3A_1189, %add3A_1191, %add3A_1193, %add3A_1194, %mul3A_1178 : vector<16xf32>, vector<16xf32>, vector<16xf32>, vector<16xf32>, vector<16xf32>
      }
      %scan3A_909 = arith.constant 8 : i32
      %mul3A_910 = arith.constant 64 : i32
      %mul3A_911 = arith.muli %add3A_859, %mul3A_910 : i32
      %add3A_912 = arith.constant 16 : i32
      %add3A_913 = arith.addi %mul3A_911, %add3A_912 : i32
      %add3A_914 = arith.constant 0 : i32
      %add3A_915 = arith.addi %add3A_914, %add3A_913 : i32
      %swap3A_916 = arith.index_cast %add3A_915 : i32 to index
      %swap3A_917 = tpu.vector_load %arg25[%swap3A_916] {strides = array<i32>} : memref<32768xf32, #tpu.memory_space<vmem>>, vector<16xf32>,
      tpu.vector_store %arg25[%swap3A_916], %scan3A_908#0 {strides = array<i32>} : memref<32768xf32, #tpu.memory_space<vmem>>, vector<16xf32>,
      %add3A_918 = arith.constant 8192 : i32
      %add3A_919 = arith.addi %add3A_918, %add3A_913 : i32
      %swap3A_920 = arith.index_cast %add3A_919 : i32 to index
      %swap3A_921 = tpu.vector_load %arg25[%swap3A_920] {strides = array<i32>} : memref<32768xf32, #tpu.memory_space<vmem>>, vector<16xf32>,
      tpu.vector_store %arg25[%swap3A_920], %scan3A_908#1 {strides = array<i32>} : memref<32768xf32, #tpu.memory_space<vmem>>, vector<16xf32>,
      %add3A_922 = arith.constant 16384 : i32
      %add3A_923 = arith.addi %add3A_922, %add3A_913 : i32
      %swap3A_924 = arith.index_cast %add3A_923 : i32 to index
      %swap3A_925 = tpu.vector_load %arg25[%swap3A_924] {strides = array<i32>} : memref<32768xf32, #tpu.memory_space<vmem>>, vector<16xf32>,
      tpu.vector_store %arg25[%swap3A_924], %scan3A_908#2 {strides = array<i32>} : memref<32768xf32, #tpu.memory_space<vmem>>, vector<16xf32>,
      %add3A_926 = arith.constant 24576 : i32
      %add3A_927 = arith.addi %add3A_926, %add3A_913 : i32
      %swap3A_928 = arith.index_cast %add3A_927 : i32 to index
      %swap3A_929 = tpu.vector_load %arg25[%swap3A_928] {strides = array<i32>} : memref<32768xf32, #tpu.memory_space<vmem>>, vector<16xf32>,
      tpu.vector_store %arg25[%swap3A_928], %scan3A_908#3 {strides = array<i32>} : memref<32768xf32, #tpu.memory_space<vmem>>, vector<16xf32>,
      %get3A_930 = arith.constant 32 : index
      %get3A_931 = tpu.vector_load %arg24[%get3A_930] {strides = array<i32>} : memref<64xi32, #tpu.memory_space<vmem>>, vector<16xi32>,
      %mul3A_932 = arith.constant 32 : i32
      %mul3A_933 = vector.broadcast %mul3A_932 : i32 to vector<16xi32>
      %mul3A_934 = arith.muli %iota3A, %mul3A_933 : vector<16xi32>
      %broadcast_in_dim3A_935 = arith.constant 0.000000e+00 : f32
      %broadcast_in_dim3A_936 = vector.broadcast %broadcast_in_dim3A_935 : f32 to vector<16xf32>
      %broadcast_in_dim3A_937 = arith.constant 1.000000e+00 : f32
      %broadcast_in_dim3A_938 = vector.broadcast %broadcast_in_dim3A_937 : f32 to vector<16xf32>
      %scan3A_939 = arith.constant 0 : i32
      %scan3A_940 = arith.constant 8 : i32
      %scan3A_941 = arith.addi %scan3A_939, %scan3A_940 : i32
      %scan3A_942 = arith.constant 1 : i32
      %scan3A_943:5 = scf.for %scan3A_1005 = %scan3A_939 to %scan3A_941 step %scan3A_942 iter_args(%scan3A_1006 = %broadcast_in_dim3A_936, %scan3A_1007 = %broadcast_in_dim3A_936, %scan3A_1008 = %broadcast_in_dim3A_936, %scan3A_1009 = %broadcast_in_dim3A_936, %scan3A_1010 = %broadcast_in_dim3A_938) -> (vector<16xf32>, vector<16xf32>, vector<16xf32>, vector<16xf32>, vector<16xf32>)  : i32 {
        %mul3A_1011 = arith.constant 4 : i32
        %mul3A_1012 = arith.muli %scan3A_1005, %mul3A_1011 : i32
        %add3A_1013 = arith.constant 0 : i32
        %add3A_1014 = arith.addi %mul3A_1012, %add3A_1013 : i32
        %add3A_1015 = vector.broadcast %add3A_1014 : i32 to vector<16xi32>
        %add3A_1016 = arith.addi %mul3A_934, %add3A_1015 : vector<16xi32>
        %broadcast_in_dim3A_1017 = arith.constant 3 : i32
        %broadcast_in_dim3A_1018 = vector.broadcast %broadcast_in_dim3A_1017 : i32 to vector<16xi32>
        %gather3A = tpu.vector_load_idx %arg21[%add3A_1016, %broadcast_in_dim3A_1018] : memref<512x16xf32, #tpu.memory_space<vmem>>[vector<16xi32>, vector<16xi32>], vector<16xf32>,
        %neg3A = arith.constant 0.000000e+00 : f32
        %neg3A_1019 = vector.broadcast %neg3A : f32 to vector<16xf32>
        %neg3A_1020 = arith.subf %neg3A_1019, %gather3A : vector<16xf32>
        %exp3A = math.exp %neg3A_1020 : vector<16xf32>
        %add3A_1021 = arith.constant 1.000000e+00 : f32
        %add3A_1022 = vector.broadcast %add3A_1021 : f32 to vector<16xf32>
        %add3A_1023 = arith.addf %add3A_1022, %exp3A : vector<16xf32>
        %div3A = arith.constant 1.000000e+00 : f32
        %div3A_1024 = vector.broadcast %div3A : f32 to vector<16xf32>
        %div3A_1025 = arith.divf %div3A_1024, %add3A_1023 : vector<16xf32>
        %gt3A = vector.broadcast %add3A_1014 : i32 to vector<16xi32>
        %gt3A_1026 = arith.cmpi sgt, %get3A_931, %gt3A : vector<16xi32>
        %jit3A = arith.constant 0.000000e+00 : f32
        %broadcast_in_dim3A_1027 = vector.broadcast %jit3A : f32 to vector<16xf32>
        %select_n3A = arith.select %gt3A_1026, %div3A_1025, %broadcast_in_dim3A_1027 : vector<16xi1>, vector<16xf32>
        %mul3A_1028 = arith.mulf %select_n3A, %scan3A_1010 : vector<16xf32>
        %sub3A = arith.constant 1.000000e+00 : f32
        %sub3A_1029 = vector.broadcast %sub3A : f32 to vector<16xf32>
        %sub3A_1030 = arith.subf %sub3A_1029, %select_n3A : vector<16xf32>
        %add3A_1031 = arith.constant 1.000000e-10 : f32
        %add3A_1032 = vector.broadcast %add3A_1031 : f32 to vector<16xf32>
        %add3A_1033 = arith.addf %sub3A_1030, %add3A_1032 : vector<16xf32>
        %mul3A_1034 = arith.mulf %scan3A_1010, %add3A_1033 : vector<16xf32>
        %broadcast_in_dim3A_1035 = arith.constant 0 : i32
        %broadcast_in_dim3A_1036 = vector.broadcast %broadcast_in_dim3A_1035 : i32 to vector<16xi32>
        %gather3A_1037 = tpu.vector_load_idx %arg21[%add3A_1016, %broadcast_in_dim3A_1036] : memref<512x16xf32, #tpu.memory_space<vmem>>[vector<16xi32>, vector<16xi32>], vector<16xf32>,
        %broadcast_in_dim3A_1038 = arith.constant 1 : i32
        %broadcast_in_dim3A_1039 = vector.broadcast %broadcast_in_dim3A_1038 : i32 to vector<16xi32>
        %gather3A_1040 = tpu.vector_load_idx %arg21[%add3A_1016, %broadcast_in_dim3A_1039] : memref<512x16xf32, #tpu.memory_space<vmem>>[vector<16xi32>, vector<16xi32>], vector<16xf32>,
        %broadcast_in_dim3A_1041 = arith.constant 2 : i32
        %broadcast_in_dim3A_1042 = vector.broadcast %broadcast_in_dim3A_1041 : i32 to vector<16xi32>
        %gather3A_1043 = tpu.vector_load_idx %arg21[%add3A_1016, %broadcast_in_dim3A_1042] : memref<512x16xf32, #tpu.memory_space<vmem>>[vector<16xi32>, vector<16xi32>], vector<16xf32>,
        %mul3A_1044 = arith.mulf %mul3A_1028, %gather3A_1037 : vector<16xf32>
        %add3A_1045 = arith.addf %scan3A_1006, %mul3A_1044 : vector<16xf32>
        %mul3A_1046 = arith.mulf %mul3A_1028, %gather3A_1040 : vector<16xf32>
        %add3A_1047 = arith.addf %scan3A_1007, %mul3A_1046 : vector<16xf32>
        %mul3A_1048 = arith.mulf %mul3A_1028, %gather3A_1043 : vector<16xf32>
        %add3A_1049 = arith.addf %scan3A_1008, %mul3A_1048 : vector<16xf32>
        %add3A_1050 = arith.addf %scan3A_1009, %mul3A_1028 : vector<16xf32>
        %mul3A_1051 = arith.constant 4 : i32
        %mul3A_1052 = arith.muli %scan3A_1005, %mul3A_1051 : i32
        %add3A_1053 = arith.constant 1 : i32
        %add3A_1054 = arith.addi %mul3A_1052, %add3A_1053 : i32
        %add3A_1055 = vector.broadcast %add3A_1054 : i32 to vector<16xi32>
        %add3A_1056 = arith.addi %mul3A_934, %add3A_1055 : vector<16xi32>
        %broadcast_in_dim3A_1057 = arith.constant 3 : i32
        %broadcast_in_dim3A_1058 = vector.broadcast %broadcast_in_dim3A_1057 : i32 to vector<16xi32>
        %gather3A_1059 = tpu.vector_load_idx %arg21[%add3A_1056, %broadcast_in_dim3A_1058] : memref<512x16xf32, #tpu.memory_space<vmem>>[vector<16xi32>, vector<16xi32>], vector<16xf32>,
        %neg3A_1060 = arith.constant 0.000000e+00 : f32
        %neg3A_1061 = vector.broadcast %neg3A_1060 : f32 to vector<16xf32>
        %neg3A_1062 = arith.subf %neg3A_1061, %gather3A_1059 : vector<16xf32>
        %exp3A_1063 = math.exp %neg3A_1062 : vector<16xf32>
        %add3A_1064 = arith.constant 1.000000e+00 : f32
        %add3A_1065 = vector.broadcast %add3A_1064 : f32 to vector<16xf32>
        %add3A_1066 = arith.addf %add3A_1065, %exp3A_1063 : vector<16xf32>
        %div3A_1067 = arith.constant 1.000000e+00 : f32
        %div3A_1068 = vector.broadcast %div3A_1067 : f32 to vector<16xf32>
        %div3A_1069 = arith.divf %div3A_1068, %add3A_1066 : vector<16xf32>
        %gt3A_1070 = vector.broadcast %add3A_1054 : i32 to vector<16xi32>
        %gt3A_1071 = arith.cmpi sgt, %get3A_931, %gt3A_1070 : vector<16xi32>
        %jit3A_1072 = arith.constant 0.000000e+00 : f32
        %broadcast_in_dim3A_1073 = vector.broadcast %jit3A_1072 : f32 to vector<16xf32>
        %select_n3A_1074 = arith.select %gt3A_1071, %div3A_1069, %broadcast_in_dim3A_1073 : vector<16xi1>, vector<16xf32>
        %mul3A_1075 = arith.mulf %select_n3A_1074, %mul3A_1034 : vector<16xf32>
        %sub3A_1076 = arith.constant 1.000000e+00 : f32
        %sub3A_1077 = vector.broadcast %sub3A_1076 : f32 to vector<16xf32>
        %sub3A_1078 = arith.subf %sub3A_1077, %select_n3A_1074 : vector<16xf32>
        %add3A_1079 = arith.constant 1.000000e-10 : f32
        %add3A_1080 = vector.broadcast %add3A_1079 : f32 to vector<16xf32>
        %add3A_1081 = arith.addf %sub3A_1078, %add3A_1080 : vector<16xf32>
        %mul3A_1082 = arith.mulf %mul3A_1034, %add3A_1081 : vector<16xf32>
        %broadcast_in_dim3A_1083 = arith.constant 0 : i32
        %broadcast_in_dim3A_1084 = vector.broadcast %broadcast_in_dim3A_1083 : i32 to vector<16xi32>
        %gather3A_1085 = tpu.vector_load_idx %arg21[%add3A_1056, %broadcast_in_dim3A_1084] : memref<512x16xf32, #tpu.memory_space<vmem>>[vector<16xi32>, vector<16xi32>], vector<16xf32>,
        %broadcast_in_dim3A_1086 = arith.constant 1 : i32
        %broadcast_in_dim3A_1087 = vector.broadcast %broadcast_in_dim3A_1086 : i32 to vector<16xi32>
        %gather3A_1088 = tpu.vector_load_idx %arg21[%add3A_1056, %broadcast_in_dim3A_1087] : memref<512x16xf32, #tpu.memory_space<vmem>>[vector<16xi32>, vector<16xi32>], vector<16xf32>,
        %broadcast_in_dim3A_1089 = arith.constant 2 : i32
        %broadcast_in_dim3A_1090 = vector.broadcast %broadcast_in_dim3A_1089 : i32 to vector<16xi32>
        %gather3A_1091 = tpu.vector_load_idx %arg21[%add3A_1056, %broadcast_in_dim3A_1090] : memref<512x16xf32, #tpu.memory_space<vmem>>[vector<16xi32>, vector<16xi32>], vector<16xf32>,
        %mul3A_1092 = arith.mulf %mul3A_1075, %gather3A_1085 : vector<16xf32>
        %add3A_1093 = arith.addf %add3A_1045, %mul3A_1092 : vector<16xf32>
        %mul3A_1094 = arith.mulf %mul3A_1075, %gather3A_1088 : vector<16xf32>
        %add3A_1095 = arith.addf %add3A_1047, %mul3A_1094 : vector<16xf32>
        %mul3A_1096 = arith.mulf %mul3A_1075, %gather3A_1091 : vector<16xf32>
        %add3A_1097 = arith.addf %add3A_1049, %mul3A_1096 : vector<16xf32>
        %add3A_1098 = arith.addf %add3A_1050, %mul3A_1075 : vector<16xf32>
        %mul3A_1099 = arith.constant 4 : i32
        %mul3A_1100 = arith.muli %scan3A_1005, %mul3A_1099 : i32
        %add3A_1101 = arith.constant 2 : i32
        %add3A_1102 = arith.addi %mul3A_1100, %add3A_1101 : i32
        %add3A_1103 = vector.broadcast %add3A_1102 : i32 to vector<16xi32>
        %add3A_1104 = arith.addi %mul3A_934, %add3A_1103 : vector<16xi32>
        %broadcast_in_dim3A_1105 = arith.constant 3 : i32
        %broadcast_in_dim3A_1106 = vector.broadcast %broadcast_in_dim3A_1105 : i32 to vector<16xi32>
        %gather3A_1107 = tpu.vector_load_idx %arg21[%add3A_1104, %broadcast_in_dim3A_1106] : memref<512x16xf32, #tpu.memory_space<vmem>>[vector<16xi32>, vector<16xi32>], vector<16xf32>,
        %neg3A_1108 = arith.constant 0.000000e+00 : f32
        %neg3A_1109 = vector.broadcast %neg3A_1108 : f32 to vector<16xf32>
        %neg3A_1110 = arith.subf %neg3A_1109, %gather3A_1107 : vector<16xf32>
        %exp3A_1111 = math.exp %neg3A_1110 : vector<16xf32>
        %add3A_1112 = arith.constant 1.000000e+00 : f32
        %add3A_1113 = vector.broadcast %add3A_1112 : f32 to vector<16xf32>
        %add3A_1114 = arith.addf %add3A_1113, %exp3A_1111 : vector<16xf32>
        %div3A_1115 = arith.constant 1.000000e+00 : f32
        %div3A_1116 = vector.broadcast %div3A_1115 : f32 to vector<16xf32>
        %div3A_1117 = arith.divf %div3A_1116, %add3A_1114 : vector<16xf32>
        %gt3A_1118 = vector.broadcast %add3A_1102 : i32 to vector<16xi32>
        %gt3A_1119 = arith.cmpi sgt, %get3A_931, %gt3A_1118 : vector<16xi32>
        %jit3A_1120 = arith.constant 0.000000e+00 : f32
        %broadcast_in_dim3A_1121 = vector.broadcast %jit3A_1120 : f32 to vector<16xf32>
        %select_n3A_1122 = arith.select %gt3A_1119, %div3A_1117, %broadcast_in_dim3A_1121 : vector<16xi1>, vector<16xf32>
        %mul3A_1123 = arith.mulf %select_n3A_1122, %mul3A_1082 : vector<16xf32>
        %sub3A_1124 = arith.constant 1.000000e+00 : f32
        %sub3A_1125 = vector.broadcast %sub3A_1124 : f32 to vector<16xf32>
        %sub3A_1126 = arith.subf %sub3A_1125, %select_n3A_1122 : vector<16xf32>
        %add3A_1127 = arith.constant 1.000000e-10 : f32
        %add3A_1128 = vector.broadcast %add3A_1127 : f32 to vector<16xf32>
        %add3A_1129 = arith.addf %sub3A_1126, %add3A_1128 : vector<16xf32>
        %mul3A_1130 = arith.mulf %mul3A_1082, %add3A_1129 : vector<16xf32>
        %broadcast_in_dim3A_1131 = arith.constant 0 : i32
        %broadcast_in_dim3A_1132 = vector.broadcast %broadcast_in_dim3A_1131 : i32 to vector<16xi32>
        %gather3A_1133 = tpu.vector_load_idx %arg21[%add3A_1104, %broadcast_in_dim3A_1132] : memref<512x16xf32, #tpu.memory_space<vmem>>[vector<16xi32>, vector<16xi32>], vector<16xf32>,
        %broadcast_in_dim3A_1134 = arith.constant 1 : i32
        %broadcast_in_dim3A_1135 = vector.broadcast %broadcast_in_dim3A_1134 : i32 to vector<16xi32>
        %gather3A_1136 = tpu.vector_load_idx %arg21[%add3A_1104, %broadcast_in_dim3A_1135] : memref<512x16xf32, #tpu.memory_space<vmem>>[vector<16xi32>, vector<16xi32>], vector<16xf32>,
        %broadcast_in_dim3A_1137 = arith.constant 2 : i32
        %broadcast_in_dim3A_1138 = vector.broadcast %broadcast_in_dim3A_1137 : i32 to vector<16xi32>
        %gather3A_1139 = tpu.vector_load_idx %arg21[%add3A_1104, %broadcast_in_dim3A_1138] : memref<512x16xf32, #tpu.memory_space<vmem>>[vector<16xi32>, vector<16xi32>], vector<16xf32>,
        %mul3A_1140 = arith.mulf %mul3A_1123, %gather3A_1133 : vector<16xf32>
        %add3A_1141 = arith.addf %add3A_1093, %mul3A_1140 : vector<16xf32>
        %mul3A_1142 = arith.mulf %mul3A_1123, %gather3A_1136 : vector<16xf32>
        %add3A_1143 = arith.addf %add3A_1095, %mul3A_1142 : vector<16xf32>
        %mul3A_1144 = arith.mulf %mul3A_1123, %gather3A_1139 : vector<16xf32>
        %add3A_1145 = arith.addf %add3A_1097, %mul3A_1144 : vector<16xf32>
        %add3A_1146 = arith.addf %add3A_1098, %mul3A_1123 : vector<16xf32>
        %mul3A_1147 = arith.constant 4 : i32
        %mul3A_1148 = arith.muli %scan3A_1005, %mul3A_1147 : i32
        %add3A_1149 = arith.constant 3 : i32
        %add3A_1150 = arith.addi %mul3A_1148, %add3A_1149 : i32
        %add3A_1151 = vector.broadcast %add3A_1150 : i32 to vector<16xi32>
        %add3A_1152 = arith.addi %mul3A_934, %add3A_1151 : vector<16xi32>
        %broadcast_in_dim3A_1153 = arith.constant 3 : i32
        %broadcast_in_dim3A_1154 = vector.broadcast %broadcast_in_dim3A_1153 : i32 to vector<16xi32>
        %gather3A_1155 = tpu.vector_load_idx %arg21[%add3A_1152, %broadcast_in_dim3A_1154] : memref<512x16xf32, #tpu.memory_space<vmem>>[vector<16xi32>, vector<16xi32>], vector<16xf32>,
        %neg3A_1156 = arith.constant 0.000000e+00 : f32
        %neg3A_1157 = vector.broadcast %neg3A_1156 : f32 to vector<16xf32>
        %neg3A_1158 = arith.subf %neg3A_1157, %gather3A_1155 : vector<16xf32>
        %exp3A_1159 = math.exp %neg3A_1158 : vector<16xf32>
        %add3A_1160 = arith.constant 1.000000e+00 : f32
        %add3A_1161 = vector.broadcast %add3A_1160 : f32 to vector<16xf32>
        %add3A_1162 = arith.addf %add3A_1161, %exp3A_1159 : vector<16xf32>
        %div3A_1163 = arith.constant 1.000000e+00 : f32
        %div3A_1164 = vector.broadcast %div3A_1163 : f32 to vector<16xf32>
        %div3A_1165 = arith.divf %div3A_1164, %add3A_1162 : vector<16xf32>
        %gt3A_1166 = vector.broadcast %add3A_1150 : i32 to vector<16xi32>
        %gt3A_1167 = arith.cmpi sgt, %get3A_931, %gt3A_1166 : vector<16xi32>
        %jit3A_1168 = arith.constant 0.000000e+00 : f32
        %broadcast_in_dim3A_1169 = vector.broadcast %jit3A_1168 : f32 to vector<16xf32>
        %select_n3A_1170 = arith.select %gt3A_1167, %div3A_1165, %broadcast_in_dim3A_1169 : vector<16xi1>, vector<16xf32>
        %mul3A_1171 = arith.mulf %select_n3A_1170, %mul3A_1130 : vector<16xf32>
        %sub3A_1172 = arith.constant 1.000000e+00 : f32
        %sub3A_1173 = vector.broadcast %sub3A_1172 : f32 to vector<16xf32>
        %sub3A_1174 = arith.subf %sub3A_1173, %select_n3A_1170 : vector<16xf32>
        %add3A_1175 = arith.constant 1.000000e-10 : f32
        %add3A_1176 = vector.broadcast %add3A_1175 : f32 to vector<16xf32>
        %add3A_1177 = arith.addf %sub3A_1174, %add3A_1176 : vector<16xf32>
        %mul3A_1178 = arith.mulf %mul3A_1130, %add3A_1177 : vector<16xf32>
        %broadcast_in_dim3A_1179 = arith.constant 0 : i32
        %broadcast_in_dim3A_1180 = vector.broadcast %broadcast_in_dim3A_1179 : i32 to vector<16xi32>
        %gather3A_1181 = tpu.vector_load_idx %arg21[%add3A_1152, %broadcast_in_dim3A_1180] : memref<512x16xf32, #tpu.memory_space<vmem>>[vector<16xi32>, vector<16xi32>], vector<16xf32>,
        %broadcast_in_dim3A_1182 = arith.constant 1 : i32
        %broadcast_in_dim3A_1183 = vector.broadcast %broadcast_in_dim3A_1182 : i32 to vector<16xi32>
        %gather3A_1184 = tpu.vector_load_idx %arg21[%add3A_1152, %broadcast_in_dim3A_1183] : memref<512x16xf32, #tpu.memory_space<vmem>>[vector<16xi32>, vector<16xi32>], vector<16xf32>,
        %broadcast_in_dim3A_1185 = arith.constant 2 : i32
        %broadcast_in_dim3A_1186 = vector.broadcast %broadcast_in_dim3A_1185 : i32 to vector<16xi32>
        %gather3A_1187 = tpu.vector_load_idx %arg21[%add3A_1152, %broadcast_in_dim3A_1186] : memref<512x16xf32, #tpu.memory_space<vmem>>[vector<16xi32>, vector<16xi32>], vector<16xf32>,
        %mul3A_1188 = arith.mulf %mul3A_1171, %gather3A_1181 : vector<16xf32>
        %add3A_1189 = arith.addf %add3A_1141, %mul3A_1188 : vector<16xf32>
        %mul3A_1190 = arith.mulf %mul3A_1171, %gather3A_1184 : vector<16xf32>
        %add3A_1191 = arith.addf %add3A_1143, %mul3A_1190 : vector<16xf32>
        %mul3A_1192 = arith.mulf %mul3A_1171, %gather3A_1187 : vector<16xf32>
        %add3A_1193 = arith.addf %add3A_1145, %mul3A_1192 : vector<16xf32>
        %add3A_1194 = arith.addf %add3A_1146, %mul3A_1171 : vector<16xf32>
        scf.yield %add3A_1189, %add3A_1191, %add3A_1193, %add3A_1194, %mul3A_1178 : vector<16xf32>, vector<16xf32>, vector<16xf32>, vector<16xf32>, vector<16xf32>
      }
      %scan3A_944 = arith.constant 8 : i32
      %mul3A_945 = arith.constant 64 : i32
      %mul3A_946 = arith.muli %add3A_859, %mul3A_945 : i32
      %add3A_947 = arith.constant 32 : i32
      %add3A_948 = arith.addi %mul3A_946, %add3A_947 : i32
      %add3A_949 = arith.constant 0 : i32
      %add3A_950 = arith.addi %add3A_949, %add3A_948 : i32
      %swap3A_951 = arith.index_cast %add3A_950 : i32 to index
      %swap3A_952 = tpu.vector_load %arg25[%swap3A_951] {strides = array<i32>} : memref<32768xf32, #tpu.memory_space<vmem>>, vector<16xf32>,
      tpu.vector_store %arg25[%swap3A_951], %scan3A_943#0 {strides = array<i32>} : memref<32768xf32, #tpu.memory_space<vmem>>, vector<16xf32>,
      %add3A_953 = arith.constant 8192 : i32
      %add3A_954 = arith.addi %add3A_953, %add3A_948 : i32
      %swap3A_955 = arith.index_cast %add3A_954 : i32 to index
      %swap3A_956 = tpu.vector_load %arg25[%swap3A_955] {strides = array<i32>} : memref<32768xf32, #tpu.memory_space<vmem>>, vector<16xf32>,
      tpu.vector_store %arg25[%swap3A_955], %scan3A_943#1 {strides = array<i32>} : memref<32768xf32, #tpu.memory_space<vmem>>, vector<16xf32>,
      %add3A_957 = arith.constant 16384 : i32
      %add3A_958 = arith.addi %add3A_957, %add3A_948 : i32
      %swap3A_959 = arith.index_cast %add3A_958 : i32 to index
      %swap3A_960 = tpu.vector_load %arg25[%swap3A_959] {strides = array<i32>} : memref<32768xf32, #tpu.memory_space<vmem>>, vector<16xf32>,
      tpu.vector_store %arg25[%swap3A_959], %scan3A_943#2 {strides = array<i32>} : memref<32768xf32, #tpu.memory_space<vmem>>, vector<16xf32>,
      %add3A_961 = arith.constant 24576 : i32
      %add3A_962 = arith.addi %add3A_961, %add3A_948 : i32
      %swap3A_963 = arith.index_cast %add3A_962 : i32 to index
      %swap3A_964 = tpu.vector_load %arg25[%swap3A_963] {strides = array<i32>} : memref<32768xf32, #tpu.memory_space<vmem>>, vector<16xf32>,
      tpu.vector_store %arg25[%swap3A_963], %scan3A_943#3 {strides = array<i32>} : memref<32768xf32, #tpu.memory_space<vmem>>, vector<16xf32>,
      %get3A_965 = arith.constant 48 : index
      %get3A_966 = tpu.vector_load %arg24[%get3A_965] {strides = array<i32>} : memref<64xi32, #tpu.memory_space<vmem>>, vector<16xi32>,
      %mul3A_967 = arith.constant 32 : i32
      %mul3A_968 = vector.broadcast %mul3A_967 : i32 to vector<16xi32>
      %mul3A_969 = arith.muli %iota3A, %mul3A_968 : vector<16xi32>
      %broadcast_in_dim3A_970 = arith.constant 0.000000e+00 : f32
      %broadcast_in_dim3A_971 = vector.broadcast %broadcast_in_dim3A_970 : f32 to vector<16xf32>
      %broadcast_in_dim3A_972 = arith.constant 1.000000e+00 : f32
      %broadcast_in_dim3A_973 = vector.broadcast %broadcast_in_dim3A_972 : f32 to vector<16xf32>
      %scan3A_974 = arith.constant 0 : i32
      %scan3A_975 = arith.constant 8 : i32
      %scan3A_976 = arith.addi %scan3A_974, %scan3A_975 : i32
      %scan3A_977 = arith.constant 1 : i32
      %scan3A_978:5 = scf.for %scan3A_1005 = %scan3A_974 to %scan3A_976 step %scan3A_977 iter_args(%scan3A_1006 = %broadcast_in_dim3A_971, %scan3A_1007 = %broadcast_in_dim3A_971, %scan3A_1008 = %broadcast_in_dim3A_971, %scan3A_1009 = %broadcast_in_dim3A_971, %scan3A_1010 = %broadcast_in_dim3A_973) -> (vector<16xf32>, vector<16xf32>, vector<16xf32>, vector<16xf32>, vector<16xf32>)  : i32 {
        %mul3A_1011 = arith.constant 4 : i32
        %mul3A_1012 = arith.muli %scan3A_1005, %mul3A_1011 : i32
        %add3A_1013 = arith.constant 0 : i32
        %add3A_1014 = arith.addi %mul3A_1012, %add3A_1013 : i32
        %add3A_1015 = vector.broadcast %add3A_1014 : i32 to vector<16xi32>
        %add3A_1016 = arith.addi %mul3A_969, %add3A_1015 : vector<16xi32>
        %broadcast_in_dim3A_1017 = arith.constant 3 : i32
        %broadcast_in_dim3A_1018 = vector.broadcast %broadcast_in_dim3A_1017 : i32 to vector<16xi32>
        %gather3A = tpu.vector_load_idx %arg22[%add3A_1016, %broadcast_in_dim3A_1018] : memref<512x16xf32, #tpu.memory_space<vmem>>[vector<16xi32>, vector<16xi32>], vector<16xf32>,
        %neg3A = arith.constant 0.000000e+00 : f32
        %neg3A_1019 = vector.broadcast %neg3A : f32 to vector<16xf32>
        %neg3A_1020 = arith.subf %neg3A_1019, %gather3A : vector<16xf32>
        %exp3A = math.exp %neg3A_1020 : vector<16xf32>
        %add3A_1021 = arith.constant 1.000000e+00 : f32
        %add3A_1022 = vector.broadcast %add3A_1021 : f32 to vector<16xf32>
        %add3A_1023 = arith.addf %add3A_1022, %exp3A : vector<16xf32>
        %div3A = arith.constant 1.000000e+00 : f32
        %div3A_1024 = vector.broadcast %div3A : f32 to vector<16xf32>
        %div3A_1025 = arith.divf %div3A_1024, %add3A_1023 : vector<16xf32>
        %gt3A = vector.broadcast %add3A_1014 : i32 to vector<16xi32>
        %gt3A_1026 = arith.cmpi sgt, %get3A_966, %gt3A : vector<16xi32>
        %jit3A = arith.constant 0.000000e+00 : f32
        %broadcast_in_dim3A_1027 = vector.broadcast %jit3A : f32 to vector<16xf32>
        %select_n3A = arith.select %gt3A_1026, %div3A_1025, %broadcast_in_dim3A_1027 : vector<16xi1>, vector<16xf32>
        %mul3A_1028 = arith.mulf %select_n3A, %scan3A_1010 : vector<16xf32>
        %sub3A = arith.constant 1.000000e+00 : f32
        %sub3A_1029 = vector.broadcast %sub3A : f32 to vector<16xf32>
        %sub3A_1030 = arith.subf %sub3A_1029, %select_n3A : vector<16xf32>
        %add3A_1031 = arith.constant 1.000000e-10 : f32
        %add3A_1032 = vector.broadcast %add3A_1031 : f32 to vector<16xf32>
        %add3A_1033 = arith.addf %sub3A_1030, %add3A_1032 : vector<16xf32>
        %mul3A_1034 = arith.mulf %scan3A_1010, %add3A_1033 : vector<16xf32>
        %broadcast_in_dim3A_1035 = arith.constant 0 : i32
        %broadcast_in_dim3A_1036 = vector.broadcast %broadcast_in_dim3A_1035 : i32 to vector<16xi32>
        %gather3A_1037 = tpu.vector_load_idx %arg22[%add3A_1016, %broadcast_in_dim3A_1036] : memref<512x16xf32, #tpu.memory_space<vmem>>[vector<16xi32>, vector<16xi32>], vector<16xf32>,
        %broadcast_in_dim3A_1038 = arith.constant 1 : i32
        %broadcast_in_dim3A_1039 = vector.broadcast %broadcast_in_dim3A_1038 : i32 to vector<16xi32>
        %gather3A_1040 = tpu.vector_load_idx %arg22[%add3A_1016, %broadcast_in_dim3A_1039] : memref<512x16xf32, #tpu.memory_space<vmem>>[vector<16xi32>, vector<16xi32>], vector<16xf32>,
        %broadcast_in_dim3A_1041 = arith.constant 2 : i32
        %broadcast_in_dim3A_1042 = vector.broadcast %broadcast_in_dim3A_1041 : i32 to vector<16xi32>
        %gather3A_1043 = tpu.vector_load_idx %arg22[%add3A_1016, %broadcast_in_dim3A_1042] : memref<512x16xf32, #tpu.memory_space<vmem>>[vector<16xi32>, vector<16xi32>], vector<16xf32>,
        %mul3A_1044 = arith.mulf %mul3A_1028, %gather3A_1037 : vector<16xf32>
        %add3A_1045 = arith.addf %scan3A_1006, %mul3A_1044 : vector<16xf32>
        %mul3A_1046 = arith.mulf %mul3A_1028, %gather3A_1040 : vector<16xf32>
        %add3A_1047 = arith.addf %scan3A_1007, %mul3A_1046 : vector<16xf32>
        %mul3A_1048 = arith.mulf %mul3A_1028, %gather3A_1043 : vector<16xf32>
        %add3A_1049 = arith.addf %scan3A_1008, %mul3A_1048 : vector<16xf32>
        %add3A_1050 = arith.addf %scan3A_1009, %mul3A_1028 : vector<16xf32>
        %mul3A_1051 = arith.constant 4 : i32
        %mul3A_1052 = arith.muli %scan3A_1005, %mul3A_1051 : i32
        %add3A_1053 = arith.constant 1 : i32
        %add3A_1054 = arith.addi %mul3A_1052, %add3A_1053 : i32
        %add3A_1055 = vector.broadcast %add3A_1054 : i32 to vector<16xi32>
        %add3A_1056 = arith.addi %mul3A_969, %add3A_1055 : vector<16xi32>
        %broadcast_in_dim3A_1057 = arith.constant 3 : i32
        %broadcast_in_dim3A_1058 = vector.broadcast %broadcast_in_dim3A_1057 : i32 to vector<16xi32>
        %gather3A_1059 = tpu.vector_load_idx %arg22[%add3A_1056, %broadcast_in_dim3A_1058] : memref<512x16xf32, #tpu.memory_space<vmem>>[vector<16xi32>, vector<16xi32>], vector<16xf32>,
        %neg3A_1060 = arith.constant 0.000000e+00 : f32
        %neg3A_1061 = vector.broadcast %neg3A_1060 : f32 to vector<16xf32>
        %neg3A_1062 = arith.subf %neg3A_1061, %gather3A_1059 : vector<16xf32>
        %exp3A_1063 = math.exp %neg3A_1062 : vector<16xf32>
        %add3A_1064 = arith.constant 1.000000e+00 : f32
        %add3A_1065 = vector.broadcast %add3A_1064 : f32 to vector<16xf32>
        %add3A_1066 = arith.addf %add3A_1065, %exp3A_1063 : vector<16xf32>
        %div3A_1067 = arith.constant 1.000000e+00 : f32
        %div3A_1068 = vector.broadcast %div3A_1067 : f32 to vector<16xf32>
        %div3A_1069 = arith.divf %div3A_1068, %add3A_1066 : vector<16xf32>
        %gt3A_1070 = vector.broadcast %add3A_1054 : i32 to vector<16xi32>
        %gt3A_1071 = arith.cmpi sgt, %get3A_966, %gt3A_1070 : vector<16xi32>
        %jit3A_1072 = arith.constant 0.000000e+00 : f32
        %broadcast_in_dim3A_1073 = vector.broadcast %jit3A_1072 : f32 to vector<16xf32>
        %select_n3A_1074 = arith.select %gt3A_1071, %div3A_1069, %broadcast_in_dim3A_1073 : vector<16xi1>, vector<16xf32>
        %mul3A_1075 = arith.mulf %select_n3A_1074, %mul3A_1034 : vector<16xf32>
        %sub3A_1076 = arith.constant 1.000000e+00 : f32
        %sub3A_1077 = vector.broadcast %sub3A_1076 : f32 to vector<16xf32>
        %sub3A_1078 = arith.subf %sub3A_1077, %select_n3A_1074 : vector<16xf32>
        %add3A_1079 = arith.constant 1.000000e-10 : f32
        %add3A_1080 = vector.broadcast %add3A_1079 : f32 to vector<16xf32>
        %add3A_1081 = arith.addf %sub3A_1078, %add3A_1080 : vector<16xf32>
        %mul3A_1082 = arith.mulf %mul3A_1034, %add3A_1081 : vector<16xf32>
        %broadcast_in_dim3A_1083 = arith.constant 0 : i32
        %broadcast_in_dim3A_1084 = vector.broadcast %broadcast_in_dim3A_1083 : i32 to vector<16xi32>
        %gather3A_1085 = tpu.vector_load_idx %arg22[%add3A_1056, %broadcast_in_dim3A_1084] : memref<512x16xf32, #tpu.memory_space<vmem>>[vector<16xi32>, vector<16xi32>], vector<16xf32>,
        %broadcast_in_dim3A_1086 = arith.constant 1 : i32
        %broadcast_in_dim3A_1087 = vector.broadcast %broadcast_in_dim3A_1086 : i32 to vector<16xi32>
        %gather3A_1088 = tpu.vector_load_idx %arg22[%add3A_1056, %broadcast_in_dim3A_1087] : memref<512x16xf32, #tpu.memory_space<vmem>>[vector<16xi32>, vector<16xi32>], vector<16xf32>,
        %broadcast_in_dim3A_1089 = arith.constant 2 : i32
        %broadcast_in_dim3A_1090 = vector.broadcast %broadcast_in_dim3A_1089 : i32 to vector<16xi32>
        %gather3A_1091 = tpu.vector_load_idx %arg22[%add3A_1056, %broadcast_in_dim3A_1090] : memref<512x16xf32, #tpu.memory_space<vmem>>[vector<16xi32>, vector<16xi32>], vector<16xf32>,
        %mul3A_1092 = arith.mulf %mul3A_1075, %gather3A_1085 : vector<16xf32>
        %add3A_1093 = arith.addf %add3A_1045, %mul3A_1092 : vector<16xf32>
        %mul3A_1094 = arith.mulf %mul3A_1075, %gather3A_1088 : vector<16xf32>
        %add3A_1095 = arith.addf %add3A_1047, %mul3A_1094 : vector<16xf32>
        %mul3A_1096 = arith.mulf %mul3A_1075, %gather3A_1091 : vector<16xf32>
        %add3A_1097 = arith.addf %add3A_1049, %mul3A_1096 : vector<16xf32>
        %add3A_1098 = arith.addf %add3A_1050, %mul3A_1075 : vector<16xf32>
        %mul3A_1099 = arith.constant 4 : i32
        %mul3A_1100 = arith.muli %scan3A_1005, %mul3A_1099 : i32
        %add3A_1101 = arith.constant 2 : i32
        %add3A_1102 = arith.addi %mul3A_1100, %add3A_1101 : i32
        %add3A_1103 = vector.broadcast %add3A_1102 : i32 to vector<16xi32>
        %add3A_1104 = arith.addi %mul3A_969, %add3A_1103 : vector<16xi32>
        %broadcast_in_dim3A_1105 = arith.constant 3 : i32
        %broadcast_in_dim3A_1106 = vector.broadcast %broadcast_in_dim3A_1105 : i32 to vector<16xi32>
        %gather3A_1107 = tpu.vector_load_idx %arg22[%add3A_1104, %broadcast_in_dim3A_1106] : memref<512x16xf32, #tpu.memory_space<vmem>>[vector<16xi32>, vector<16xi32>], vector<16xf32>,
        %neg3A_1108 = arith.constant 0.000000e+00 : f32
        %neg3A_1109 = vector.broadcast %neg3A_1108 : f32 to vector<16xf32>
        %neg3A_1110 = arith.subf %neg3A_1109, %gather3A_1107 : vector<16xf32>
        %exp3A_1111 = math.exp %neg3A_1110 : vector<16xf32>
        %add3A_1112 = arith.constant 1.000000e+00 : f32
        %add3A_1113 = vector.broadcast %add3A_1112 : f32 to vector<16xf32>
        %add3A_1114 = arith.addf %add3A_1113, %exp3A_1111 : vector<16xf32>
        %div3A_1115 = arith.constant 1.000000e+00 : f32
        %div3A_1116 = vector.broadcast %div3A_1115 : f32 to vector<16xf32>
        %div3A_1117 = arith.divf %div3A_1116, %add3A_1114 : vector<16xf32>
        %gt3A_1118 = vector.broadcast %add3A_1102 : i32 to vector<16xi32>
        %gt3A_1119 = arith.cmpi sgt, %get3A_966, %gt3A_1118 : vector<16xi32>
        %jit3A_1120 = arith.constant 0.000000e+00 : f32
        %broadcast_in_dim3A_1121 = vector.broadcast %jit3A_1120 : f32 to vector<16xf32>
        %select_n3A_1122 = arith.select %gt3A_1119, %div3A_1117, %broadcast_in_dim3A_1121 : vector<16xi1>, vector<16xf32>
        %mul3A_1123 = arith.mulf %select_n3A_1122, %mul3A_1082 : vector<16xf32>
        %sub3A_1124 = arith.constant 1.000000e+00 : f32
        %sub3A_1125 = vector.broadcast %sub3A_1124 : f32 to vector<16xf32>
        %sub3A_1126 = arith.subf %sub3A_1125, %select_n3A_1122 : vector<16xf32>
        %add3A_1127 = arith.constant 1.000000e-10 : f32
        %add3A_1128 = vector.broadcast %add3A_1127 : f32 to vector<16xf32>
        %add3A_1129 = arith.addf %sub3A_1126, %add3A_1128 : vector<16xf32>
        %mul3A_1130 = arith.mulf %mul3A_1082, %add3A_1129 : vector<16xf32>
        %broadcast_in_dim3A_1131 = arith.constant 0 : i32
        %broadcast_in_dim3A_1132 = vector.broadcast %broadcast_in_dim3A_1131 : i32 to vector<16xi32>
        %gather3A_1133 = tpu.vector_load_idx %arg22[%add3A_1104, %broadcast_in_dim3A_1132] : memref<512x16xf32, #tpu.memory_space<vmem>>[vector<16xi32>, vector<16xi32>], vector<16xf32>,
        %broadcast_in_dim3A_1134 = arith.constant 1 : i32
        %broadcast_in_dim3A_1135 = vector.broadcast %broadcast_in_dim3A_1134 : i32 to vector<16xi32>
        %gather3A_1136 = tpu.vector_load_idx %arg22[%add3A_1104, %broadcast_in_dim3A_1135] : memref<512x16xf32, #tpu.memory_space<vmem>>[vector<16xi32>, vector<16xi32>], vector<16xf32>,
        %broadcast_in_dim3A_1137 = arith.constant 2 : i32
        %broadcast_in_dim3A_1138 = vector.broadcast %broadcast_in_dim3A_1137 : i32 to vector<16xi32>
        %gather3A_1139 = tpu.vector_load_idx %arg22[%add3A_1104, %broadcast_in_dim3A_1138] : memref<512x16xf32, #tpu.memory_space<vmem>>[vector<16xi32>, vector<16xi32>], vector<16xf32>,
        %mul3A_1140 = arith.mulf %mul3A_1123, %gather3A_1133 : vector<16xf32>
        %add3A_1141 = arith.addf %add3A_1093, %mul3A_1140 : vector<16xf32>
        %mul3A_1142 = arith.mulf %mul3A_1123, %gather3A_1136 : vector<16xf32>
        %add3A_1143 = arith.addf %add3A_1095, %mul3A_1142 : vector<16xf32>
        %mul3A_1144 = arith.mulf %mul3A_1123, %gather3A_1139 : vector<16xf32>
        %add3A_1145 = arith.addf %add3A_1097, %mul3A_1144 : vector<16xf32>
        %add3A_1146 = arith.addf %add3A_1098, %mul3A_1123 : vector<16xf32>
        %mul3A_1147 = arith.constant 4 : i32
        %mul3A_1148 = arith.muli %scan3A_1005, %mul3A_1147 : i32
        %add3A_1149 = arith.constant 3 : i32
        %add3A_1150 = arith.addi %mul3A_1148, %add3A_1149 : i32
        %add3A_1151 = vector.broadcast %add3A_1150 : i32 to vector<16xi32>
        %add3A_1152 = arith.addi %mul3A_969, %add3A_1151 : vector<16xi32>
        %broadcast_in_dim3A_1153 = arith.constant 3 : i32
        %broadcast_in_dim3A_1154 = vector.broadcast %broadcast_in_dim3A_1153 : i32 to vector<16xi32>
        %gather3A_1155 = tpu.vector_load_idx %arg22[%add3A_1152, %broadcast_in_dim3A_1154] : memref<512x16xf32, #tpu.memory_space<vmem>>[vector<16xi32>, vector<16xi32>], vector<16xf32>,
        %neg3A_1156 = arith.constant 0.000000e+00 : f32
        %neg3A_1157 = vector.broadcast %neg3A_1156 : f32 to vector<16xf32>
        %neg3A_1158 = arith.subf %neg3A_1157, %gather3A_1155 : vector<16xf32>
        %exp3A_1159 = math.exp %neg3A_1158 : vector<16xf32>
        %add3A_1160 = arith.constant 1.000000e+00 : f32
        %add3A_1161 = vector.broadcast %add3A_1160 : f32 to vector<16xf32>
        %add3A_1162 = arith.addf %add3A_1161, %exp3A_1159 : vector<16xf32>
        %div3A_1163 = arith.constant 1.000000e+00 : f32
        %div3A_1164 = vector.broadcast %div3A_1163 : f32 to vector<16xf32>
        %div3A_1165 = arith.divf %div3A_1164, %add3A_1162 : vector<16xf32>
        %gt3A_1166 = vector.broadcast %add3A_1150 : i32 to vector<16xi32>
        %gt3A_1167 = arith.cmpi sgt, %get3A_966, %gt3A_1166 : vector<16xi32>
        %jit3A_1168 = arith.constant 0.000000e+00 : f32
        %broadcast_in_dim3A_1169 = vector.broadcast %jit3A_1168 : f32 to vector<16xf32>
        %select_n3A_1170 = arith.select %gt3A_1167, %div3A_1165, %broadcast_in_dim3A_1169 : vector<16xi1>, vector<16xf32>
        %mul3A_1171 = arith.mulf %select_n3A_1170, %mul3A_1130 : vector<16xf32>
        %sub3A_1172 = arith.constant 1.000000e+00 : f32
        %sub3A_1173 = vector.broadcast %sub3A_1172 : f32 to vector<16xf32>
        %sub3A_1174 = arith.subf %sub3A_1173, %select_n3A_1170 : vector<16xf32>
        %add3A_1175 = arith.constant 1.000000e-10 : f32
        %add3A_1176 = vector.broadcast %add3A_1175 : f32 to vector<16xf32>
        %add3A_1177 = arith.addf %sub3A_1174, %add3A_1176 : vector<16xf32>
        %mul3A_1178 = arith.mulf %mul3A_1130, %add3A_1177 : vector<16xf32>
        %broadcast_in_dim3A_1179 = arith.constant 0 : i32
        %broadcast_in_dim3A_1180 = vector.broadcast %broadcast_in_dim3A_1179 : i32 to vector<16xi32>
        %gather3A_1181 = tpu.vector_load_idx %arg22[%add3A_1152, %broadcast_in_dim3A_1180] : memref<512x16xf32, #tpu.memory_space<vmem>>[vector<16xi32>, vector<16xi32>], vector<16xf32>,
        %broadcast_in_dim3A_1182 = arith.constant 1 : i32
        %broadcast_in_dim3A_1183 = vector.broadcast %broadcast_in_dim3A_1182 : i32 to vector<16xi32>
        %gather3A_1184 = tpu.vector_load_idx %arg22[%add3A_1152, %broadcast_in_dim3A_1183] : memref<512x16xf32, #tpu.memory_space<vmem>>[vector<16xi32>, vector<16xi32>], vector<16xf32>,
        %broadcast_in_dim3A_1185 = arith.constant 2 : i32
        %broadcast_in_dim3A_1186 = vector.broadcast %broadcast_in_dim3A_1185 : i32 to vector<16xi32>
        %gather3A_1187 = tpu.vector_load_idx %arg22[%add3A_1152, %broadcast_in_dim3A_1186] : memref<512x16xf32, #tpu.memory_space<vmem>>[vector<16xi32>, vector<16xi32>], vector<16xf32>,
        %mul3A_1188 = arith.mulf %mul3A_1171, %gather3A_1181 : vector<16xf32>
        %add3A_1189 = arith.addf %add3A_1141, %mul3A_1188 : vector<16xf32>
        %mul3A_1190 = arith.mulf %mul3A_1171, %gather3A_1184 : vector<16xf32>
        %add3A_1191 = arith.addf %add3A_1143, %mul3A_1190 : vector<16xf32>
        %mul3A_1192 = arith.mulf %mul3A_1171, %gather3A_1187 : vector<16xf32>
        %add3A_1193 = arith.addf %add3A_1145, %mul3A_1192 : vector<16xf32>
        %add3A_1194 = arith.addf %add3A_1146, %mul3A_1171 : vector<16xf32>
        scf.yield %add3A_1189, %add3A_1191, %add3A_1193, %add3A_1194, %mul3A_1178 : vector<16xf32>, vector<16xf32>, vector<16xf32>, vector<16xf32>, vector<16xf32>
      }
      %scan3A_979 = arith.constant 8 : i32
      %mul3A_980 = arith.constant 64 : i32
      %mul3A_981 = arith.muli %add3A_859, %mul3A_980 : i32
      %add3A_982 = arith.constant 48 : i32
      %add3A_983 = arith.addi %mul3A_981, %add3A_982 : i32
      %add3A_984 = arith.constant 0 : i32
      %add3A_985 = arith.addi %add3A_984, %add3A_983 : i32
      %swap3A_986 = arith.index_cast %add3A_985 : i32 to index
      %swap3A_987 = tpu.vector_load %arg25[%swap3A_986] {strides = array<i32>} : memref<32768xf32, #tpu.memory_space<vmem>>, vector<16xf32>,
      tpu.vector_store %arg25[%swap3A_986], %scan3A_978#0 {strides = array<i32>} : memref<32768xf32, #tpu.memory_space<vmem>>, vector<16xf32>,
      %add3A_988 = arith.constant 8192 : i32
      %add3A_989 = arith.addi %add3A_988, %add3A_983 : i32
      %swap3A_990 = arith.index_cast %add3A_989 : i32 to index
      %swap3A_991 = tpu.vector_load %arg25[%swap3A_990] {strides = array<i32>} : memref<32768xf32, #tpu.memory_space<vmem>>, vector<16xf32>,
      tpu.vector_store %arg25[%swap3A_990], %scan3A_978#1 {strides = array<i32>} : memref<32768xf32, #tpu.memory_space<vmem>>, vector<16xf32>,
      %add3A_992 = arith.constant 16384 : i32
      %add3A_993 = arith.addi %add3A_992, %add3A_983 : i32
      %swap3A_994 = arith.index_cast %add3A_993 : i32 to index
      %swap3A_995 = tpu.vector_load %arg25[%swap3A_994] {strides = array<i32>} : memref<32768xf32, #tpu.memory_space<vmem>>, vector<16xf32>,
      tpu.vector_store %arg25[%swap3A_994], %scan3A_978#2 {strides = array<i32>} : memref<32768xf32, #tpu.memory_space<vmem>>, vector<16xf32>,
      %add3A_996 = arith.constant 24576 : i32
      %add3A_997 = arith.addi %add3A_996, %add3A_983 : i32
      %swap3A_998 = arith.index_cast %add3A_997 : i32 to index
      %swap3A_999 = tpu.vector_load %arg25[%swap3A_998] {strides = array<i32>} : memref<32768xf32, #tpu.memory_space<vmem>>, vector<16xf32>,
      tpu.vector_store %arg25[%swap3A_998], %scan3A_978#3 {strides = array<i32>} : memref<32768xf32, #tpu.memory_space<vmem>>, vector<16xf32>,
      %lt3A_1000 = arith.constant 63 : i32
      %lt3A_1001 = arith.cmpi slt, %scan3A_637, %lt3A_1000 : i32
      %convert_element_type3A_1002 = arith.extui %lt3A_1001 : i1 to i32
      %cond3A_1003 = arith.constant 0 : i32
      %cond3A_1004 = arith.cmpi ne, %convert_element_type3A_1002, %cond3A_1003 : i32
      scf.if %cond3A_1004 {
        %add3A_1005 = arith.constant 3 : i32
        %add3A_1006 = arith.addi %mul3A_639, %add3A_1005 : i32
        %mul3A_1007 = arith.constant 64 : i32
        %mul3A_1008 = arith.muli %add3A_1006, %mul3A_1007 : i32
        %add3A_1009 = arith.addi %mul3A_2, %mul3A_1008 : i32
        %multiple_of3A_1010 = tpu.assume_multiple %add3A_1009, 64 : i32
        %mul3A_1011 = arith.constant 32 : i32
        %mul3A_1012 = arith.muli %multiple_of3A_1010, %mul3A_1011 : i32
        %add3A_1013 = arith.constant 0 : i32
        %add3A_1014 = arith.addi %mul3A_1012, %add3A_1013 : i32
        %multiple_of3A_1015 = tpu.assume_multiple %add3A_1014, 512 : i32
        %mul3A_1016 = arith.constant 32 : i32
        %mul3A_1017 = arith.muli %multiple_of3A_1010, %mul3A_1016 : i32
        %add3A_1018 = arith.constant 512 : i32
        %add3A_1019 = arith.addi %mul3A_1017, %add3A_1018 : i32
        %multiple_of3A_1020 = tpu.assume_multiple %add3A_1019, 512 : i32
        %mul3A_1021 = arith.constant 32 : i32
        %mul3A_1022 = arith.muli %multiple_of3A_1010, %mul3A_1021 : i32
        %add3A_1023 = arith.constant 1024 : i32
        %add3A_1024 = arith.addi %mul3A_1022, %add3A_1023 : i32
        %multiple_of3A_1025 = tpu.assume_multiple %add3A_1024, 512 : i32
        %mul3A_1026 = arith.constant 32 : i32
        %mul3A_1027 = arith.muli %multiple_of3A_1010, %mul3A_1026 : i32
        %add3A_1028 = arith.constant 1536 : i32
        %add3A_1029 = arith.addi %mul3A_1027, %add3A_1028 : i32
        %multiple_of3A_1030 = tpu.assume_multiple %add3A_1029, 512 : i32
        %dma_start3A_1031 = tpu.memref_slice %arg3[%multiple_of3A_1015] : memref<8388608xi32, #tpu.memory_space<hbm>> -> memref<512xi32, #tpu.memory_space<hbm>>
        %dma_start3A_1032 = tpu.memref_slice %arg3[%multiple_of3A_1015] : memref<8388608xi32, #tpu.memory_space<hbm>> -> memref<512xi32, #tpu.memory_space<hbm>>
        tpu.enqueue_dma source(%dma_start3A_1032 : memref<512xi32, #tpu.memory_space<hbm>>) target(%arg11 : memref<512xi32, #tpu.memory_space<vmem>>) target_semaphore(%arg30 : memref<!tpu.dma_semaphore, #tpu.memory_space<semaphore_mem>>)
        %dma_start3A_1033 = tpu.memref_slice %arg3[%multiple_of3A_1020] : memref<8388608xi32, #tpu.memory_space<hbm>> -> memref<512xi32, #tpu.memory_space<hbm>>
        %dma_start3A_1034 = tpu.memref_slice %arg3[%multiple_of3A_1020] : memref<8388608xi32, #tpu.memory_space<hbm>> -> memref<512xi32, #tpu.memory_space<hbm>>
        tpu.enqueue_dma source(%dma_start3A_1034 : memref<512xi32, #tpu.memory_space<hbm>>) target(%arg12 : memref<512xi32, #tpu.memory_space<vmem>>) target_semaphore(%arg30 : memref<!tpu.dma_semaphore, #tpu.memory_space<semaphore_mem>>)
        %dma_start3A_1035 = tpu.memref_slice %arg3[%multiple_of3A_1025] : memref<8388608xi32, #tpu.memory_space<hbm>> -> memref<512xi32, #tpu.memory_space<hbm>>
        %dma_start3A_1036 = tpu.memref_slice %arg3[%multiple_of3A_1025] : memref<8388608xi32, #tpu.memory_space<hbm>> -> memref<512xi32, #tpu.memory_space<hbm>>
        tpu.enqueue_dma source(%dma_start3A_1036 : memref<512xi32, #tpu.memory_space<hbm>>) target(%arg13 : memref<512xi32, #tpu.memory_space<vmem>>) target_semaphore(%arg30 : memref<!tpu.dma_semaphore, #tpu.memory_space<semaphore_mem>>)
        %dma_start3A_1037 = tpu.memref_slice %arg3[%multiple_of3A_1030] : memref<8388608xi32, #tpu.memory_space<hbm>> -> memref<512xi32, #tpu.memory_space<hbm>>
        %dma_start3A_1038 = tpu.memref_slice %arg3[%multiple_of3A_1030] : memref<8388608xi32, #tpu.memory_space<hbm>> -> memref<512xi32, #tpu.memory_space<hbm>>
        tpu.enqueue_dma source(%dma_start3A_1038 : memref<512xi32, #tpu.memory_space<hbm>>) target(%arg14 : memref<512xi32, #tpu.memory_space<vmem>>) target_semaphore(%arg30 : memref<!tpu.dma_semaphore, #tpu.memory_space<semaphore_mem>>)
        %dma_start3A_1039 = tpu.memref_slice %arg4[%multiple_of3A_1010] : memref<262144xi32, #tpu.memory_space<hbm>> -> memref<64xi32, #tpu.memory_space<hbm>>
        %dma_start3A_1040 = tpu.memref_slice %arg4[%multiple_of3A_1010] : memref<262144xi32, #tpu.memory_space<hbm>> -> memref<64xi32, #tpu.memory_space<hbm>>
        tpu.enqueue_dma source(%dma_start3A_1040 : memref<64xi32, #tpu.memory_space<hbm>>) target(%arg24 : memref<64xi32, #tpu.memory_space<vmem>>) target_semaphore(%arg30 : memref<!tpu.dma_semaphore, #tpu.memory_space<semaphore_mem>>)
      } else {
      }
    }
    %scan3A_625 = arith.constant 64 : i32
    %run_scoped3A = arith.constant 0 : i32
    "tpu.region"() ({
      %run_scoped3A_637 = tpu.sem_alloc : memref<!tpu.dma_semaphore, #tpu.memory_space<semaphore_mem>>
      %dma_start3A_638 = arith.constant 0 : i32
      %dma_start3A_639 = tpu.memref_slice %arg25[%dma_start3A_638] : memref<32768xf32, #tpu.memory_space<vmem>> -> memref<8192xf32, #tpu.memory_space<vmem>>
      %dma_start3A_640 = tpu.memref_slice %arg5[%run_scoped3A, %mul3A_2] : memref<4x262144xf32, #tpu.memory_space<hbm>> -> memref<1x8192xf32, #tpu.memory_space<hbm>>
      %dma_start3A_641 = tpu.memref_squeeze %dma_start3A_640 : memref<1x8192xf32, #tpu.memory_space<hbm>> -> memref<8192xf32, #tpu.memory_space<hbm>>
      %dma_start3A_642 = tpu.memref_slice %arg5[%run_scoped3A, %mul3A_2] : memref<4x262144xf32, #tpu.memory_space<hbm>> -> memref<1x8192xf32, #tpu.memory_space<hbm>>
      %dma_start3A_643 = tpu.memref_squeeze %dma_start3A_642 : memref<1x8192xf32, #tpu.memory_space<hbm>> -> memref<8192xf32, #tpu.memory_space<hbm>>
      %dma_start3A_644 = arith.constant 0 : i32
      %dma_start3A_645 = tpu.memref_slice %arg25[%dma_start3A_644] : memref<32768xf32, #tpu.memory_space<vmem>> -> memref<8192xf32, #tpu.memory_space<vmem>>
      tpu.enqueue_dma source(%dma_start3A_645 : memref<8192xf32, #tpu.memory_space<vmem>>) target(%dma_start3A_643 : memref<8192xf32, #tpu.memory_space<hbm>>) target_semaphore(%run_scoped3A_637 : memref<!tpu.dma_semaphore, #tpu.memory_space<semaphore_mem>>)
      %dma_wait3A_646 = arith.constant 0 : i32
      %dma_wait3A_647 = tpu.memref_slice %arg25[%dma_wait3A_646] : memref<32768xf32, #tpu.memory_space<vmem>> -> memref<8192xf32, #tpu.memory_space<vmem>>
      %dma_wait3A_648 = tpu.memref_slice %arg5[%run_scoped3A, %mul3A_2] : memref<4x262144xf32, #tpu.memory_space<hbm>> -> memref<1x8192xf32, #tpu.memory_space<hbm>>
      %dma_wait3A_649 = tpu.memref_squeeze %dma_wait3A_648 : memref<1x8192xf32, #tpu.memory_space<hbm>> -> memref<8192xf32, #tpu.memory_space<hbm>>
      %dma_wait3A_650 = tpu.memref_slice %arg5[%run_scoped3A, %mul3A_2] : memref<4x262144xf32, #tpu.memory_space<hbm>> -> memref<1x8192xf32, #tpu.memory_space<hbm>>
      %dma_wait3A_651 = tpu.memref_squeeze %dma_wait3A_650 : memref<1x8192xf32, #tpu.memory_space<hbm>> -> memref<8192xf32, #tpu.memory_space<hbm>>
      %dma_wait3A_652 = arith.constant 0 : i32
      %dma_wait3A_653 = tpu.memref_slice %arg25[%dma_wait3A_652] : memref<32768xf32, #tpu.memory_space<vmem>> -> memref<8192xf32, #tpu.memory_space<vmem>>
      tpu.wait_dma2 semaphore(%run_scoped3A_637 : memref<!tpu.dma_semaphore, #tpu.memory_space<semaphore_mem>>) src(%dma_wait3A_653 : memref<8192xf32, #tpu.memory_space<vmem>>) dst(%dma_wait3A_651 : memref<8192xf32, #tpu.memory_space<hbm>>)
      tpu.yield
    }) : () -> ()
    %run_scoped3A_626 = arith.constant 1 : i32
    "tpu.region"() ({
      %run_scoped3A_637 = tpu.sem_alloc : memref<!tpu.dma_semaphore, #tpu.memory_space<semaphore_mem>>
      %dma_start3A_638 = arith.constant 8192 : i32
      %dma_start3A_639 = tpu.memref_slice %arg25[%dma_start3A_638] : memref<32768xf32, #tpu.memory_space<vmem>> -> memref<8192xf32, #tpu.memory_space<vmem>>
      %dma_start3A_640 = tpu.memref_slice %arg5[%run_scoped3A_626, %mul3A_2] : memref<4x262144xf32, #tpu.memory_space<hbm>> -> memref<1x8192xf32, #tpu.memory_space<hbm>>
      %dma_start3A_641 = tpu.memref_squeeze %dma_start3A_640 : memref<1x8192xf32, #tpu.memory_space<hbm>> -> memref<8192xf32, #tpu.memory_space<hbm>>
      %dma_start3A_642 = tpu.memref_slice %arg5[%run_scoped3A_626, %mul3A_2] : memref<4x262144xf32, #tpu.memory_space<hbm>> -> memref<1x8192xf32, #tpu.memory_space<hbm>>
      %dma_start3A_643 = tpu.memref_squeeze %dma_start3A_642 : memref<1x8192xf32, #tpu.memory_space<hbm>> -> memref<8192xf32, #tpu.memory_space<hbm>>
      %dma_start3A_644 = arith.constant 8192 : i32
      %dma_start3A_645 = tpu.memref_slice %arg25[%dma_start3A_644] : memref<32768xf32, #tpu.memory_space<vmem>> -> memref<8192xf32, #tpu.memory_space<vmem>>
      tpu.enqueue_dma source(%dma_start3A_645 : memref<8192xf32, #tpu.memory_space<vmem>>) target(%dma_start3A_643 : memref<8192xf32, #tpu.memory_space<hbm>>) target_semaphore(%run_scoped3A_637 : memref<!tpu.dma_semaphore, #tpu.memory_space<semaphore_mem>>)
      %dma_wait3A_646 = arith.constant 8192 : i32
      %dma_wait3A_647 = tpu.memref_slice %arg25[%dma_wait3A_646] : memref<32768xf32, #tpu.memory_space<vmem>> -> memref<8192xf32, #tpu.memory_space<vmem>>
      %dma_wait3A_648 = tpu.memref_slice %arg5[%run_scoped3A_626, %mul3A_2] : memref<4x262144xf32, #tpu.memory_space<hbm>> -> memref<1x8192xf32, #tpu.memory_space<hbm>>
      %dma_wait3A_649 = tpu.memref_squeeze %dma_wait3A_648 : memref<1x8192xf32, #tpu.memory_space<hbm>> -> memref<8192xf32, #tpu.memory_space<hbm>>
      %dma_wait3A_650 = tpu.memref_slice %arg5[%run_scoped3A_626, %mul3A_2] : memref<4x262144xf32, #tpu.memory_space<hbm>> -> memref<1x8192xf32, #tpu.memory_space<hbm>>
      %dma_wait3A_651 = tpu.memref_squeeze %dma_wait3A_650 : memref<1x8192xf32, #tpu.memory_space<hbm>> -> memref<8192xf32, #tpu.memory_space<hbm>>
      %dma_wait3A_652 = arith.constant 8192 : i32
      %dma_wait3A_653 = tpu.memref_slice %arg25[%dma_wait3A_652] : memref<32768xf32, #tpu.memory_space<vmem>> -> memref<8192xf32, #tpu.memory_space<vmem>>
      tpu.wait_dma2 semaphore(%run_scoped3A_637 : memref<!tpu.dma_semaphore, #tpu.memory_space<semaphore_mem>>) src(%dma_wait3A_653 : memref<8192xf32, #tpu.memory_space<vmem>>) dst(%dma_wait3A_651 : memref<8192xf32, #tpu.memory_space<hbm>>)
      tpu.yield
    }) : () -> ()
    %run_scoped3A_627 = arith.constant 2 : i32
    "tpu.region"() ({
      %run_scoped3A_637 = tpu.sem_alloc : memref<!tpu.dma_semaphore, #tpu.memory_space<semaphore_mem>>
      %dma_start3A_638 = arith.constant 16384 : i32
      %dma_start3A_639 = tpu.memref_slice %arg25[%dma_start3A_638] : memref<32768xf32, #tpu.memory_space<vmem>> -> memref<8192xf32, #tpu.memory_space<vmem>>
      %dma_start3A_640 = tpu.memref_slice %arg5[%run_scoped3A_627, %mul3A_2] : memref<4x262144xf32, #tpu.memory_space<hbm>> -> memref<1x8192xf32, #tpu.memory_space<hbm>>
      %dma_start3A_641 = tpu.memref_squeeze %dma_start3A_640 : memref<1x8192xf32, #tpu.memory_space<hbm>> -> memref<8192xf32, #tpu.memory_space<hbm>>
      %dma_start3A_642 = tpu.memref_slice %arg5[%run_scoped3A_627, %mul3A_2] : memref<4x262144xf32, #tpu.memory_space<hbm>> -> memref<1x8192xf32, #tpu.memory_space<hbm>>
      %dma_start3A_643 = tpu.memref_squeeze %dma_start3A_642 : memref<1x8192xf32, #tpu.memory_space<hbm>> -> memref<8192xf32, #tpu.memory_space<hbm>>
      %dma_start3A_644 = arith.constant 16384 : i32
      %dma_start3A_645 = tpu.memref_slice %arg25[%dma_start3A_644] : memref<32768xf32, #tpu.memory_space<vmem>> -> memref<8192xf32, #tpu.memory_space<vmem>>
      tpu.enqueue_dma source(%dma_start3A_645 : memref<8192xf32, #tpu.memory_space<vmem>>) target(%dma_start3A_643 : memref<8192xf32, #tpu.memory_space<hbm>>) target_semaphore(%run_scoped3A_637 : memref<!tpu.dma_semaphore, #tpu.memory_space<semaphore_mem>>)
      %dma_wait3A_646 = arith.constant 16384 : i32
      %dma_wait3A_647 = tpu.memref_slice %arg25[%dma_wait3A_646] : memref<32768xf32, #tpu.memory_space<vmem>> -> memref<8192xf32, #tpu.memory_space<vmem>>
      %dma_wait3A_648 = tpu.memref_slice %arg5[%run_scoped3A_627, %mul3A_2] : memref<4x262144xf32, #tpu.memory_space<hbm>> -> memref<1x8192xf32, #tpu.memory_space<hbm>>
      %dma_wait3A_649 = tpu.memref_squeeze %dma_wait3A_648 : memref<1x8192xf32, #tpu.memory_space<hbm>> -> memref<8192xf32, #tpu.memory_space<hbm>>
      %dma_wait3A_650 = tpu.memref_slice %arg5[%run_scoped3A_627, %mul3A_2] : memref<4x262144xf32, #tpu.memory_space<hbm>> -> memref<1x8192xf32, #tpu.memory_space<hbm>>
      %dma_wait3A_651 = tpu.memref_squeeze %dma_wait3A_650 : memref<1x8192xf32, #tpu.memory_space<hbm>> -> memref<8192xf32, #tpu.memory_space<hbm>>
      %dma_wait3A_652 = arith.constant 16384 : i32
      %dma_wait3A_653 = tpu.memref_slice %arg25[%dma_wait3A_652] : memref<32768xf32, #tpu.memory_space<vmem>> -> memref<8192xf32, #tpu.memory_space<vmem>>
      tpu.wait_dma2 semaphore(%run_scoped3A_637 : memref<!tpu.dma_semaphore, #tpu.memory_space<semaphore_mem>>) src(%dma_wait3A_653 : memref<8192xf32, #tpu.memory_space<vmem>>) dst(%dma_wait3A_651 : memref<8192xf32, #tpu.memory_space<hbm>>)
      tpu.yield
    }) : () -> ()
    %run_scoped3A_628 = arith.constant 3 : i32
    "tpu.region"() ({
      %run_scoped3A_637 = tpu.sem_alloc : memref<!tpu.dma_semaphore, #tpu.memory_space<semaphore_mem>>
      %dma_start3A_638 = arith.constant 24576 : i32
      %dma_start3A_639 = tpu.memref_slice %arg25[%dma_start3A_638] : memref<32768xf32, #tpu.memory_space<vmem>> -> memref<8192xf32, #tpu.memory_space<vmem>>
      %dma_start3A_640 = tpu.memref_slice %arg5[%run_scoped3A_628, %mul3A_2] : memref<4x262144xf32, #tpu.memory_space<hbm>> -> memref<1x8192xf32, #tpu.memory_space<hbm>>
      %dma_start3A_641 = tpu.memref_squeeze %dma_start3A_640 : memref<1x8192xf32, #tpu.memory_space<hbm>> -> memref<8192xf32, #tpu.memory_space<hbm>>
      %dma_start3A_642 = tpu.memref_slice %arg5[%run_scoped3A_628, %mul3A_2] : memref<4x262144xf32, #tpu.memory_space<hbm>> -> memref<1x8192xf32, #tpu.memory_space<hbm>>
      %dma_start3A_643 = tpu.memref_squeeze %dma_start3A_642 : memref<1x8192xf32, #tpu.memory_space<hbm>> -> memref<8192xf32, #tpu.memory_space<hbm>>
      %dma_start3A_644 = arith.constant 24576 : i32
      %dma_start3A_645 = tpu.memref_slice %arg25[%dma_start3A_644] : memref<32768xf32, #tpu.memory_space<vmem>> -> memref<8192xf32, #tpu.memory_space<vmem>>
      tpu.enqueue_dma source(%dma_start3A_645 : memref<8192xf32, #tpu.memory_space<vmem>>) target(%dma_start3A_643 : memref<8192xf32, #tpu.memory_space<hbm>>) target_semaphore(%run_scoped3A_637 : memref<!tpu.dma_semaphore, #tpu.memory_space<semaphore_mem>>)
      %dma_wait3A_646 = arith.constant 24576 : i32
      %dma_wait3A_647 = tpu.memref_slice %arg25[%dma_wait3A_646] : memref<32768xf32, #tpu.memory_space<vmem>> -> memref<8192xf32, #tpu.memory_space<vmem>>
      %dma_wait3A_648 = tpu.memref_slice %arg5[%run_scoped3A_628, %mul3A_2] : memref<4x262144xf32, #tpu.memory_space<hbm>> -> memref<1x8192xf32, #tpu.memory_space<hbm>>
      %dma_wait3A_649 = tpu.memref_squeeze %dma_wait3A_648 : memref<1x8192xf32, #tpu.memory_space<hbm>> -> memref<8192xf32, #tpu.memory_space<hbm>>
      %dma_wait3A_650 = tpu.memref_slice %arg5[%run_scoped3A_628, %mul3A_2] : memref<4x262144xf32, #tpu.memory_space<hbm>> -> memref<1x8192xf32, #tpu.memory_space<hbm>>
      %dma_wait3A_651 = tpu.memref_squeeze %dma_wait3A_650 : memref<1x8192xf32, #tpu.memory_space<hbm>> -> memref<8192xf32, #tpu.memory_space<hbm>>
      %dma_wait3A_652 = arith.constant 24576 : i32
      %dma_wait3A_653 = tpu.memref_slice %arg25[%dma_wait3A_652] : memref<32768xf32, #tpu.memory_space<vmem>> -> memref<8192xf32, #tpu.memory_space<vmem>>
      tpu.wait_dma2 semaphore(%run_scoped3A_637 : memref<!tpu.dma_semaphore, #tpu.memory_space<semaphore_mem>>) src(%dma_wait3A_653 : memref<8192xf32, #tpu.memory_space<vmem>>) dst(%dma_wait3A_651 : memref<8192xf32, #tpu.memory_space<hbm>>)
      tpu.yield
    }) : () -> ()
    %add3A_629 = arith.constant 0 : i32
    %add3A_630 = arith.addi %mul3A_2, %add3A_629 : i32
    "tpu.region"() ({
      %run_scoped3A_637 = tpu.sem_alloc : memref<!tpu.dma_semaphore, #tpu.memory_space<semaphore_mem>>
      %dma_start3A_638 = tpu.memref_slice %arg6[%add3A_630] : memref<262144xf32, #tpu.memory_space<hbm>> -> memref<2048xf32, #tpu.memory_space<hbm>>
      %dma_start3A_639 = tpu.memref_slice %arg6[%add3A_630] : memref<262144xf32, #tpu.memory_space<hbm>> -> memref<2048xf32, #tpu.memory_space<hbm>>
      tpu.enqueue_dma source(%arg26 : memref<2048xf32, #tpu.memory_space<vmem>>) target(%dma_start3A_639 : memref<2048xf32, #tpu.memory_space<hbm>>) target_semaphore(%run_scoped3A_637 : memref<!tpu.dma_semaphore, #tpu.memory_space<semaphore_mem>>)
      %dma_wait3A_640 = tpu.memref_slice %arg6[%add3A_630] : memref<262144xf32, #tpu.memory_space<hbm>> -> memref<2048xf32, #tpu.memory_space<hbm>>
      %dma_wait3A_641 = tpu.memref_slice %arg6[%add3A_630] : memref<262144xf32, #tpu.memory_space<hbm>> -> memref<2048xf32, #tpu.memory_space<hbm>>
      tpu.wait_dma2 semaphore(%run_scoped3A_637 : memref<!tpu.dma_semaphore, #tpu.memory_space<semaphore_mem>>) src(%arg26 : memref<2048xf32, #tpu.memory_space<vmem>>) dst(%dma_wait3A_641 : memref<2048xf32, #tpu.memory_space<hbm>>)
      tpu.yield
    }) : () -> ()
    %add3A_631 = arith.constant 2048 : i32
    %add3A_632 = arith.addi %mul3A_2, %add3A_631 : i32
    "tpu.region"() ({
      %run_scoped3A_637 = tpu.sem_alloc : memref<!tpu.dma_semaphore, #tpu.memory_space<semaphore_mem>>
      %dma_start3A_638 = tpu.memref_slice %arg6[%add3A_632] : memref<262144xf32, #tpu.memory_space<hbm>> -> memref<2048xf32, #tpu.memory_space<hbm>>
      %dma_start3A_639 = tpu.memref_slice %arg6[%add3A_632] : memref<262144xf32, #tpu.memory_space<hbm>> -> memref<2048xf32, #tpu.memory_space<hbm>>
      tpu.enqueue_dma source(%arg26 : memref<2048xf32, #tpu.memory_space<vmem>>) target(%dma_start3A_639 : memref<2048xf32, #tpu.memory_space<hbm>>) target_semaphore(%run_scoped3A_637 : memref<!tpu.dma_semaphore, #tpu.memory_space<semaphore_mem>>)
      %dma_wait3A_640 = tpu.memref_slice %arg6[%add3A_632] : memref<262144xf32, #tpu.memory_space<hbm>> -> memref<2048xf32, #tpu.memory_space<hbm>>
      %dma_wait3A_641 = tpu.memref_slice %arg6[%add3A_632] : memref<262144xf32, #tpu.memory_space<hbm>> -> memref<2048xf32, #tpu.memory_space<hbm>>
      tpu.wait_dma2 semaphore(%run_scoped3A_637 : memref<!tpu.dma_semaphore, #tpu.memory_space<semaphore_mem>>) src(%arg26 : memref<2048xf32, #tpu.memory_space<vmem>>) dst(%dma_wait3A_641 : memref<2048xf32, #tpu.memory_space<hbm>>)
      tpu.yield
    }) : () -> ()
    %add3A_633 = arith.constant 4096 : i32
    %add3A_634 = arith.addi %mul3A_2, %add3A_633 : i32
    "tpu.region"() ({
      %run_scoped3A_637 = tpu.sem_alloc : memref<!tpu.dma_semaphore, #tpu.memory_space<semaphore_mem>>
      %dma_start3A_638 = tpu.memref_slice %arg6[%add3A_634] : memref<262144xf32, #tpu.memory_space<hbm>> -> memref<2048xf32, #tpu.memory_space<hbm>>
      %dma_start3A_639 = tpu.memref_slice %arg6[%add3A_634] : memref<262144xf32, #tpu.memory_space<hbm>> -> memref<2048xf32, #tpu.memory_space<hbm>>
      tpu.enqueue_dma source(%arg26 : memref<2048xf32, #tpu.memory_space<vmem>>) target(%dma_start3A_639 : memref<2048xf32, #tpu.memory_space<hbm>>) target_semaphore(%run_scoped3A_637 : memref<!tpu.dma_semaphore, #tpu.memory_space<semaphore_mem>>)
      %dma_wait3A_640 = tpu.memref_slice %arg6[%add3A_634] : memref<262144xf32, #tpu.memory_space<hbm>> -> memref<2048xf32, #tpu.memory_space<hbm>>
      %dma_wait3A_641 = tpu.memref_slice %arg6[%add3A_634] : memref<262144xf32, #tpu.memory_space<hbm>> -> memref<2048xf32, #tpu.memory_space<hbm>>
      tpu.wait_dma2 semaphore(%run_scoped3A_637 : memref<!tpu.dma_semaphore, #tpu.memory_space<semaphore_mem>>) src(%arg26 : memref<2048xf32, #tpu.memory_space<vmem>>) dst(%dma_wait3A_641 : memref<2048xf32, #tpu.memory_space<hbm>>)
      tpu.yield
    }) : () -> ()
    %add3A_635 = arith.constant 6144 : i32
    %add3A_636 = arith.addi %mul3A_2, %add3A_635 : i32
    "tpu.region"() ({
      %run_scoped3A_637 = tpu.sem_alloc : memref<!tpu.dma_semaphore, #tpu.memory_space<semaphore_mem>>
      %dma_start3A_638 = tpu.memref_slice %arg6[%add3A_636] : memref<262144xf32, #tpu.memory_space<hbm>> -> memref<2048xf32, #tpu.memory_space<hbm>>
      %dma_start3A_639 = tpu.memref_slice %arg6[%add3A_636] : memref<262144xf32, #tpu.memory_space<hbm>> -> memref<2048xf32, #tpu.memory_space<hbm>>
      tpu.enqueue_dma source(%arg26 : memref<2048xf32, #tpu.memory_space<vmem>>) target(%dma_start3A_639 : memref<2048xf32, #tpu.memory_space<hbm>>) target_semaphore(%run_scoped3A_637 : memref<!tpu.dma_semaphore, #tpu.memory_space<semaphore_mem>>)
      %dma_wait3A_640 = tpu.memref_slice %arg6[%add3A_636] : memref<262144xf32, #tpu.memory_space<hbm>> -> memref<2048xf32, #tpu.memory_space<hbm>>
      %dma_wait3A_641 = tpu.memref_slice %arg6[%add3A_636] : memref<262144xf32, #tpu.memory_space<hbm>> -> memref<2048xf32, #tpu.memory_space<hbm>>
      tpu.wait_dma2 semaphore(%run_scoped3A_637 : memref<!tpu.dma_semaphore, #tpu.memory_space<semaphore_mem>>) src(%arg26 : memref<2048xf32, #tpu.memory_space<vmem>>) dst(%dma_wait3A_641 : memref<2048xf32, #tpu.memory_space<hbm>>)
      tpu.yield
    }) : () -> ()
    return
  }
}

</mosaic_0001>

<sc_bundles>
// kernel: _render.3.cloned.1.call-start
scs
__scs_entry_jumppad:
0x0: {  	(pc) =	sbr.rel $0x88, $3  }
0x1: {  	(tag) =	ssettag $0x0;
	lr =	simm.s32 $0x1  }
0x2: {  	[smem:$0x3F9E] =	sst lr;
	_ =	strace $0xD0000000  }
0x3: {  	_ = 	snop  }
0x4: {  	_ = 	snop  }
0x5: {  	_ = 	snop  }
0x6: {  	_ = 	snop  }
0x7: {  	_ = 	snop  }
__scs_overlays_trampoline_lowered:
0x8: {  	[smem:$0x3FAD] =	sst s0  }
0x9: {  	[smem:$0x3FAE] =	sst s1  }
0xa: {  	[smem:$0x3FAF] =	sst s2  }
0xb: {  	[smem:$0x3FB0] =	sst s3  }
0xc: {  	[smem:$0x3FB1] =	sst s4  }
0xd: {  	[smem:$0x3FB2] =	sst s5  }
0xe: {  	[smem:$0x3FB3] =	sst s6  }
0xf: {  	[smem:$0x3FB4] =	sst s7  }
0x10: {  	[smem:$0x3FB5] =	sst s8  }
0x11: {  	[smem:$0x3FB6] =	sst s9;
	s0 =	simm.s32 @!p0 $0x0  }
0x12: {  	s1 =	sld [smem:$0x3F9C];
	s0 =	simm.s32 @p0 $0x1  }
0x13: {  	[smem:$0x3FB7] =	sst s0;
	s0 =	simm.s32 @!p1 $0x0  }
0x14: {  	s2 =	sld [smem:$0x3F9B];
	s0 =	simm.s32 @p1 $0x1  }
0x15: {  	[smem:$0x3FB8] =	sst s0;
	s0 =	simm.s32 @!p2 $0x0  }
0x16: {  	s3 =	sld [smem:$0x3FDB];
	s0 =	simm.s32 @p2 $0x1  }
0x17: {  	s4 =	simm.s32 $0x1BF5;
	[smem:$0x3FBA] =	sst s0  }
0x18: {  	s0 =	sld [smem:$0x3F9D];
	_ =	swait.ge [sflag:s4], $0x0  }
0x19: {  	s7 =	sld [smem:$0x3F9E]  }
0x1a: {  	s8 =	sadd.s32 $0xFFFFE003, lr  }
0x1b: {  	s9 =	sadd.s32 $0xFFFFFEF7, lr;
	s5 =	simm.s32 $0xFFFFFFFF;
	p2 =	slt.u32 s8, $0xFFFFF086  }
0x1c: {  	p1 =	slt.u32 s9, $0xF7A;
	s5 =	simm.s32 @!p2 $0x0  }
0x1d: {  	s5 =	simm.s32 @p1 $0x1;
	p0 =	seq.s32 s7, s2  }
0x1e: {  	s7 =	smul.u32 @!p0 $0xF7A, s2;
	p2 =	seq.s32 @!p0 s5, $0x0  }
0x1f: {  	s9 =	smul.u32 $0xF7A, s1;
	s8 =	simm.s32 @!p0 $0x1BF5;
	p2 =	por !p2, p0  }
0x20: {  	[sflag:s8] =	ssyncset.s32 @!p0 $0xFFFFF086;
	s6 =	sadd.s32 @!p0 s3, s7;
	s7 =	simm.s32 @!p0 $0x108  }
0x21: {  	s3 =	sadd.s32 s3, s9;
	s6 =	sadd.s32 @!p0 $0x88, s6;
	s7 =	simm.s32 @p2 $0x1082  }
0x22: {  	[simem:s7], [sflag:s8] =	dma.local @!p0 [hbm:s6], $0xF7A  }
0x23: {  	s9 =	sor.u32 $0xD0000000, s2;
	s6 =	simm.s32 $0x108;
	_ =	swait.ge @!p0 [sflag:s8], $0x0  }
0x24: {  	s3 =	sadd.s32 $0x88, s3;
	s6 =	simm.s32 @!p1 $0x1082;
	[sflag:s4] =	ssyncset.s32 $0xFFFFF086  }
0x25: {  	[simem:s6], [sflag:s4] =	dma.local [hbm:s3], $0xF7A  }
0x26: {  	[smem:$0x3F9E] =	sst s1;
	(tag) =	ssettag s2;
	_ =	strace s9  }
0x27: {  	s1 =	sld [smem:$0x3FAE]  }
0x28: {  	s2 =	sld [smem:$0x3FAF]  }
0x29: {  	s4 =	sld [smem:$0x3FB1]  }
0x2a: {  	p0 =	seq.s32 s5, $0x0;
	s5 =	sld [smem:$0x3FB2]  }
0x2b: {  	s6 =	sld [smem:$0x3FB3]  }
0x2c: {  	s7 =	sld [smem:$0x3FB4]  }
0x2d: {  	s3 =	simm.s32 $0x108;
	s8 =	sld [smem:$0x3FB5]  }
0x2e: {  	s3 =	simm.s32 @!p0 $0x1082;
	s9 =	sld [smem:$0x3FB6]  }
0x2f: {  	lr =	sadd.s32 s0, s3;
	s0 =	sld [smem:$0x3FAD]  }
0x30: {  	s3 =	sld [smem:$0x3FB0]  }
0x31: {  	[smem:$0x3FB9] =	sst s10  }
0x32: {  	s10 =	sld [smem:$0x3FB7];
	_ =	sdelay $0x3  }
0x33: {  	p0 =	seq.s32 s10, $0x1;
	s10 =	sld [smem:$0x3FB9];
	_ =	sdelay $0x3  }
0x34: {  	[smem:$0x3FB9] =	sst s10  }
0x35: {  	s10 =	sld [smem:$0x3FB8];
	_ =	sdelay $0x3  }
0x36: {  	p1 =	seq.s32 s10, $0x1;
	s10 =	sld [smem:$0x3FB9];
	_ =	sdelay $0x3  }
0x37: {  	[smem:$0x3FB9] =	sst s10  }
0x38: {  	s10 =	sld [smem:$0x3FBA]  }
0x39: {  	_ = 	snop;
	(pc) =	sbr.ind lr, $3  }
0x3a: {  	_ = 	snop  }
0x3b: {  	_ = 	snop  }
0x3c: {  	p2 =	seq.s32 s10, $0x1;
	s10 =	sld [smem:$0x3FB9]  }
0x3d: {  	_ =	shalt  }
0x3e: {  	_ =	shalt  }
0x3f: {  	_ =	shalt  }
0x40: {  	_ =	shalt  }
0x41: {  	_ =	shalt  }
0x42: {  	_ =	shalt  }
0x43: {  	_ =	shalt  }
0x44: {  	_ =	shalt  }
0x45: {  	_ =	shalt  }
0x46: {  	_ =	shalt  }
0x47: {  	_ =	shalt  }
0x48: {  	_ =	shalt  }
0x49: {  	_ =	shalt  }
0x4a: {  	_ =	shalt  }
0x4b: {  	_ =	shalt  }
0x4c: {  	_ =	shalt  }
0x4d: {  	_ =	shalt  }
0x4e: {  	_ =	shalt  }
0x4f: {  	_ =	shalt  }
0x50: {  	_ =	shalt  }
0x51: {  	_ =	shalt  }
0x52: {  	_ =	shalt  }
0x53: {  	_ =	shalt  }
0x54: {  	_ =	shalt  }
0x55: {  	_ =	shalt  }
0x56: {  	_ =	shalt  }
0x57: {  	_ =	shalt  }
0x58: {  	_ =	shalt  }
0x59: {  	_ =	shalt  }
0x5a: {  	_ =	shalt  }
0x5b: {  	_ =	shalt  }
0x5c: {  	_ =	shalt  }
0x5d: {  	_ =	shalt  }
0x5e: {  	_ =	shalt  }
0x5f: {  	_ =	shalt  }
0x60: {  	_ =	shalt  }
0x61: {  	_ =	shalt  }
0x62: {  	_ =	shalt  }
0x63: {  	_ =	shalt  }
0x64: {  	_ =	shalt  }
0x65: {  	_ =	shalt  }
0x66: {  	_ =	shalt  }
0x67: {  	_ =	shalt  }
0x68: {  	_ =	shalt  }
0x69: {  	_ =	shalt  }
0x6a: {  	_ =	shalt  }
0x6b: {  	_ =	shalt  }
0x6c: {  	_ =	shalt  }
0x6d: {  	_ =	shalt  }
0x6e: {  	_ =	shalt  }
0x6f: {  	_ =	shalt  }
0x70: {  	_ =	shalt  }
0x71: {  	_ =	shalt  }
0x72: {  	_ =	shalt  }
0x73: {  	_ =	shalt  }
0x74: {  	_ =	shalt  }
0x75: {  	_ =	shalt  }
0x76: {  	_ =	shalt  }
0x77: {  	_ =	shalt  }
0x78: {  	_ =	shalt  }
0x79: {  	_ =	shalt  }
0x7a: {  	_ =	shalt  }
0x7b: {  	_ =	shalt  }
0x7c: {  	_ =	shalt  }
0x7d: {  	_ =	shalt  }
0x7e: {  	_ =	shalt  }
0x7f: {  	_ =	shalt  }
0x80: {  	_ =	shalt  }
0x81: {  	_ =	shalt  }
0x82: {  	_ =	shalt  }
0x83: {  	_ =	shalt  }
0x84: {  	_ =	shalt  }
0x85: {  	_ =	shalt  }
0x86: {  	_ =	shalt  }
0x87: {  	_ =	shalt  }
.Lfunc_end0:
.L_simem_size_0:
called_computation_lowered:
.L_overlay_start_0:
0x88: {  	s2 =	sld [smem:$0x3FD9]  }
0x89: {  	s3 =	sld [smem:$0x3FFE];
	_ =	sdelay $0x1  }
0x8a: {  	s1 =	srdreg.scid  }
0x8b: {  	s0 =	sand.u32 $0x1, s1  }
0x8c: {  	s14 =	sshll.u32 s0, $0xA;
	s2 =	sadd.s32 s3, s2  }
0x8d: {  	s2 =	sadd.s32 s2, s14  }
0x8e: {  	[smem:$0x3FC5] =	sst s2  }
0x8f: {  	_ = 	snop  }
0x90: {  	s2 =	sld [smem:$0x3FD0];
	_ =	sdelay $0x1  }
0x91: {  	s15 =	sld [smem:$0x3FC8]  }
0x92: {  	s5 =	simm.s32 $0xA;
	s6 =	simm.s32 $0x10;
	s4 =	sld [smem:$0x3FC7]  }
0x93: {  	[smem:s6], [sflag:s5] =	dma.local [hbm:s2], $0x1  }
0x94: {  	_ =	swait.eq [sflag:s5], $0x1  }
0x95: {  	[sflag:s5] =	ssyncset.done $0x0  }
0x96: {  	[sflag:s5] =	ssyncadd.s32 $0xFFFFFFFF  }
0x97: {  	s16 =	sld [smem:$0x11];
	(tm) =	ssettm $0x1  }
0x98: {  	s17 =	sld [smem:$0x3FFB];
	_ =	sdelay $0x3  }
0x99: {  	_ =	strace s17  }
0x9a: {  	s5 =	sld [smem:$0x3FFC];
	_ =	sdelay $0x3  }
0x9b: {  	_ =	strace s5  }
0x9c: {  	s5 =	sld [smem:$0x3FFD];
	_ =	sdelay $0x3  }
0x9d: {  	_ =	strace s5  }
0x9e: {  	_ =	strace $0x8FFFFFFF  }
0x9f: {  	s18 =	sld [smem:$0x3FDB];
	_ =	sdelay $0x1  }
0xa0: {  	s19 =	simm.s32 $_scs_section_size  }
0xa1: {  	s7 =	simm.s32 $_size__tile_overlayer_lowered;
	s8 =	simm.s32 $_tile_overlayer_lowered  }
0xa2: {  	s22 =	simm.s32 $0x1BFF;
	s21 =	sshll.u32 s8, $0x1;
	s5 =	sadd.s32 s19, s18  }
0xa3: {  	s9 =	simm.s32 $0x0;
	s20 =	sshll.u32 s7, $0x1;
	s7 =	sadd.s32 s21, s5  }
0xa4: {  	[timem:s9], [sflag:s22] =	dma.local [hbm:s7], s20  }
0xa5: {  	_ =	swait.ge [sflag:s22], s20  }
0xa6: {  	s6 =	ssub.s32 $0x0, s20;
	[sflag:s22] =	ssyncset.done $0x0  }
0xa7: {  	[sflag:s22] =	ssyncadd.s32 s6;
	_ =	sdelay $0x1  }
0xa8: {  	s23 =	simm.s32 $0x1B8B  }
0xa9: {  	_ =	swait.ge [sflag:s23], $0x1  }
0xaa: {  	[sflag:s23] =	ssyncset.done $0x0  }
0xab: {  	s25 =	simm.s32 $0x1B8E;
	s24 =	sld [smem:$0x3FFE];
	[sflag:s23] =	ssyncadd.s32 $0xFFFFFFFF  }
0xac: {  	s26 =	simm.s32 $execute0_lowered;
	[smem:$0x3FD2] =	sst s25  }
0xad: {  	s7 =	sshll.u32 s26, $0x1;
	_ =	strace $0x80000046;
	[dreg:$0x1] =	wrdreg $0xFFFFFFFF  }
0xae: {  	s28 =	simm.s32 $_size_execute0_lowered;
	s5 =	sadd.s32 s5, s7;
	[dreg:$0x0] =	wrdreg $0x0  }
0xaf: {  	s7 =	sshll.u32 s28, $0x1;
	[dreg:$0x2] =	wrdreg s5  }
0xb0: {  	[dreg:$0x3] =	wrdreg s7  }
0xb1: {  	[dreg:$0x4] =	wrdreg $0xC0  }
0xb2: {  	_ =	task [dreg:s9], $0x5FFFF  }
0xb3: {  	[dreg:$0x1] =	wrdreg $0xFFFFFFFF  }
0xb4: {  	[dreg:$0x0] =	wrdreg $0x60  }
0xb5: {  	[dreg:$0x2] =	wrdreg s24  }
0xb6: {  	[dreg:$0x3] =	wrdreg s15  }
0xb7: {  	[dreg:$0x4] =	wrdreg s4  }
0xb8: {  	[dreg:$0x5] =	wrdreg s16  }
0xb9: {  	[dreg:$0x6] =	wrdreg $0x9  }
0xba: {  	_ =	task.clear_ibuf [dreg:s9], $0x7FFFF;
	_ =	strace $0x90000046  }
0xbb: {  	s29 =	simm.s32 $0x9;
	_ =	strace $0x80000048  }
0xbc: {  	_ =	swait.ge [sflag:s29], $0x1  }
0xbd: {  	[sflag:s29] =	ssyncadd.s32 $0xFFFFFFFF  }
0xbe: {  	_ =	strace $0x90000048  }
0xbf: {  	_ =	sfence  }
0xc0: {  	s30 =	sld [smem:$0x0];
	_ =	sdelay $0x2  }
0xc1: {  	s31 =	sshll.u32 s1, $0xD;
	s1 =	sshrl.u32 s1, $0x2  }
0xc2: {  	s3 =	sand.u32 $0x4000, s31;
	s1 =	sadd.s32 s1, s30  }
0xc3: {  	s0 =	sor.u32 s3, s0;
	s1 =	sshll.u32 s1, $0x11  }
0xc4: {  	s0 =	sor.u32 s1, s0  }
0xc5: {  	s0 =	sadd.s32 $0x8F2B, s0  }
0xc6: {  	[sflag:s0] =	ssyncadd.remote.s32 $0x1  }
0xc7: {  	_ =	sfence.sel $0xFFFF  }
0xc8: {  	[dreg:$0x0] =	wrdreg $0xFFFFFFFF;
	(pc) =	sbr.abs _section_cstart, $3  }
0xc9: {  	[dreg:$0x1] =	wrdreg $0xFFFFFFFF  }
0xca: {  	_ =	task.clear_ibuf [dreg:s9], $0x2FFFF;
	_ =	strace $0x9FFFFFFF  }
0xcb: {  	(tm) =	ssettm $0x7FFFFFFF  }
tec
execute0_lowered:
.L_overlay_start_1:
0x0: {  	(tag) =	ssettag $0x1  }
0x1: {  	s0 =	rddreg [dreg:$0x0]  }
0x2: {  	s12 =	rddreg [dreg:$0x1]  }
0x3: {  	s13 =	rddreg [dreg:$0x2]  }
0x4: {  	s1 =	rddreg [dreg:$0x3];
	s2 =	srdreg.scid  }
0x5: {  	s3 =	stileid.u32;
	s4 =	simm.s32 $0x0;
	s2 =	sand.u32 $0x1, s2  }
0x6: {  	s31 =	simm.s32 $0x200;
	s3 =	sshll.u32 s3, $0xE;
	s5 =	sshll.u32 s2, $0xD  }
0x7: {  	[smem:$0x7FF] =	sst s4;
	s2 =	ssub.s32 $0x2, s2;
	s3 =	sor.u32 s5, s3  }
0x8: {  	_ =	strace $0x80000047;
	s6 =	sshrl.u32 s2, $0x1;
	s7 =	sshrl.u32 s3, $0x3  }
0x9: {  	s2 =	ssub.s32 s2, s6;
	s8 =	sshll.u32 s3, $0x2;
	s22 =	sor.u32 $0x80, s3  }
0xa: {  	s16 =	sor.u32 $0x40, s3;
	s3 =	sor.u32 $0xC0, s3;
	[dreg:$0xf] =	wrdreg s22  }
0xb: {  	s6 =	sadd.s32 $0x40, s12;
	s9 =	sadd.s32 s12, s8;
	[dreg:$0x10] =	wrdreg s3  }
0xc: {  	s14 =	simm.s32 $0xC00;
	s15 =	sadd.s32 s8, s6;
	[dreg:$0x5] =	wrdreg s9  }
0xd: {  	s11 =	sadd.s32 $0xC0, s12;
	s17 =	sadd.s32 s13, s7;
	[dreg:$0x6] =	wrdreg s15  }
0xe: {  	s5 =	sadd.s32 $0x1000800, s0;
	s26 =	smax.u32 s2, $0x1;
	[dreg:$0x9] =	wrdreg s17  }
0xf: {  	s18 =	sshll.u32 s16, $0x2;
	s1 =	sadd.s32 s1, s7;
	[dreg:$0x16] =	wrdreg s26  }
0x10: {  	s9 =	sadd.s32 $0x80, s12;
	s12 =	sadd.s32 s12, s18;
	[dreg:$0x12] =	wrdreg s1  }
0x11: {  	s0 =	sadd.s32 s7, s0;
	s19 =	sadd.s32 s18, s6;
	[dreg:$0xa] =	wrdreg s12  }
0x12: {  	s2 =	simm.s32 $0x1000;
	s23 =	sadd.s32 $0x800, s0;
	[dreg:$0xb] =	wrdreg s19  }
0x13: {  	s7 =	simm.s32 $0x3000;
	s24 =	sadd.s32 $0x8800, s0;
	[dreg:$0x11] =	wrdreg s23  }
0x14: {  	s3 =	simm.s32 $0x0;
	s25 =	sadd.s32 $0x10800, s0;
	[dreg:$0x13] =	wrdreg s24  }
0x15: {  	s0 =	sadd.s32 $0x18800, s0;
	s28 =	sadd.s32 $0x100, s1;
	[dreg:$0x14] =	wrdreg s25  }
0x16: {  	s29 =	sadd.s32 $0x200, s1;
	s30 =	sadd.s32 $0x300, s1;
	[dreg:$0x15] =	wrdreg s0  }
0x17: {  	s15 =	simm.s32 $0xE00;
	s17 =	simm.s32 $0x1;
	[dreg:$0x17] =	wrdreg s28  }
0x18: {  	s26 =	simm.s32 $0x2;
	s10 =	sadd.s32 s8, s9;
	[dreg:$0x18] =	wrdreg s29  }
0x19: {  	s8 =	sadd.s32 s8, s11;
	s20 =	sadd.s32 s18, s9;
	[dreg:$0x19] =	wrdreg s30  }
0x1a: {  	s23 =	simm.s32 $0xB000;
	s24 =	simm.s32 $0xD000;
	[dreg:$0x7] =	wrdreg s10  }
.Ltmp0:
0x1b: {  	s25 =	simm.s32 $0xF000;
	[dreg:$0x8] =	wrdreg s8;
	(pc) =	sbr.rel .LBB2_1-.Ltmp0, $4  }
0x1c: {  	s10 =	sshrl.u32 s16, $0x3;
	[dreg:$0xc] =	wrdreg s20;
	s8 =	sadd.s32 s18, s11  }
0x1d: {  	s16 =	simm.s32 $0x800;
	s18 =	simm.s32 $0x4;
	[dreg:$0xd] =	wrdreg s8  }
0x1e: {  	v1 =	vlaneseq.u32;
	s21 =	sadd.s32 s13, s10;
	s8 =	simm.s32 $0x5000;
	s10 =	simm.s32 $0x7000  }
0x1f: {  	v0 =	vimm.f32 $1.000000000e+00;
	v1 =	vmul.u32 $0x200, v1;
	s13 =	simm.s32 $0xA00;
	[dreg:$0xe] =	wrdreg s21;
	s21 =	simm.s32 $0x9000  }
.LBB2_20:
0x20: {  	s0 =	rddreg [dreg:$0x11];
	s1 =	simm.s32 $0x11080  }
0x21: {  	[hbm4b:s0+s4] =	stream.linear.scatter [tilespmem:s1], [sflag:$0x5], $0x2000, $0x38;
	[tilespmem:$0x19880] =	vst v63  }
0x22: {  	s1 =	simm.s32 $0x5  }
0x23: {  	_ =	swait.ge [sflag:s1], $0x2000  }
0x24: {  	[sflag:s1] =	ssyncset.done $0x0  }
0x25: {  	s3 =	simm.s32 $0x13080;
	s28 =	rddreg [dreg:$0x13];
	[sflag:s1] =	ssyncadd.s32 $0xFFFFE000  }
0x26: {  	[hbm4b:s28+s4] =	stream.linear.scatter [tilespmem:s3], [sflag:$0x5], $0x2000, $0x38;
	[tilespmem:$0x19880] =	vst v63  }
0x27: {  	_ =	swait.ge [sflag:s1], $0x2000  }
0x28: {  	[sflag:s1] =	ssyncset.done $0x0  }
0x29: {  	s30 =	simm.s32 $0x15080;
	s29 =	rddreg [dreg:$0x14];
	[sflag:s1] =	ssyncadd.s32 $0xFFFFE000  }
0x2a: {  	[hbm4b:s29+s4] =	stream.linear.scatter [tilespmem:s30], [sflag:$0x5], $0x2000, $0x38;
	[tilespmem:$0x19880] =	vst v63  }
0x2b: {  	_ =	swait.ge [sflag:s1], $0x2000  }
0x2c: {  	[sflag:s1] =	ssyncset.done $0x0  }
0x2d: {  	s12 =	simm.s32 $0x17080;
	s3 =	rddreg [dreg:$0x15];
	[sflag:s1] =	ssyncadd.s32 $0xFFFFE000  }
0x2e: {  	[hbm4b:s3+s4] =	stream.linear.scatter [tilespmem:s12], [sflag:$0x5], $0x2000, $0x38;
	[tilespmem:$0x19880] =	vst v63  }
0x2f: {  	_ =	swait.ge [sflag:s1], $0x2000  }
0x30: {  	[sflag:s1] =	ssyncset.done $0x0  }
0x31: {  	s19 =	simm.s32 $0x19080;
	s16 =	rddreg [dreg:$0x12];
	[sflag:s1] =	ssyncadd.s32 $0xFFFFE000  }
0x32: {  	[hbm4b:s16+s4] =	stream.linear.scatter [tilespmem:s19], [sflag:$0x5], $0x800, $0x38;
	[tilespmem:$0x19880] =	vst v63  }
0x33: {  	_ =	swait.ge [sflag:s1], $0x800  }
0x34: {  	[sflag:s1] =	ssyncset.done $0x0  }
0x35: {  	s20 =	rddreg [dreg:$0x17];
	[sflag:s1] =	ssyncadd.s32 $0xFFFFF800  }
0x36: {  	[hbm4b:s20+s4] =	stream.linear.scatter [tilespmem:s19], [sflag:$0x5], $0x800, $0x38;
	[tilespmem:$0x19880] =	vst v63  }
0x37: {  	_ =	swait.ge [sflag:s1], $0x800  }
0x38: {  	[sflag:s1] =	ssyncset.done $0x0  }
0x39: {  	s22 =	rddreg [dreg:$0x18];
	[sflag:s1] =	ssyncadd.s32 $0xFFFFF800  }
0x3a: {  	[hbm4b:s22+s4] =	stream.linear.scatter [tilespmem:s19], [sflag:$0x5], $0x800, $0x38;
	[tilespmem:$0x19880] =	vst v63  }
0x3b: {  	_ =	swait.ge [sflag:s1], $0x800  }
0x3c: {  	[sflag:s1] =	ssyncset.done $0x0  }
0x3d: {  	s28 =	rddreg [dreg:$0x19];
	[sflag:s1] =	ssyncadd.s32 $0xFFFFF800  }
0x3e: {  	[hbm4b:s28+s4] =	stream.linear.scatter [tilespmem:s19], [sflag:$0x5], $0x800, $0x38;
	[tilespmem:$0x19880] =	vst v63  }
0x3f: {  	_ =	swait.ge [sflag:s1], $0x800  }
0x40: {  	s29 =	rddreg [dreg:$0x1a]  }
0x41: {  	s30 =	rddreg [dreg:$0x16];
	s3 =	sadd.s32 $0x1, s29  }
0x42: {  	p0 =	sne.s32 s3, s30  }
.Ltmp1:
0x43: {  	_ = 	snop;
	(pc) =	sbr.rel @!p0 .LBB2_21-.Ltmp1, $3  }
0x44: {  	_ =	sdelay $0x1  }
0x45: {  	[sflag:s1] =	ssyncset.done $0x0  }
0x46: {  	s16 =	simm.s32 $0x800;
	[sflag:s1] =	ssyncadd.s32 $0xFFFFF800  }
.LBB2_1:
0x47: {  	[tilespmem:$0x19080] =	vst v0  }
0x48: {  	[tilespmem:$0x19090] =	vst v0  }
0x49: {  	[tilespmem:$0x190A0] =	vst v0  }
0x4a: {  	[tilespmem:$0x190B0] =	vst v0  }
0x4b: {  	[tilespmem:$0x190C0] =	vst v0  }
0x4c: {  	[tilespmem:$0x190D0] =	vst v0  }
0x4d: {  	[tilespmem:$0x190E0] =	vst v0  }
0x4e: {  	[tilespmem:$0x190F0] =	vst v0  }
0x4f: {  	[tilespmem:$0x19100] =	vst v0  }
0x50: {  	[tilespmem:$0x19110] =	vst v0  }
0x51: {  	[tilespmem:$0x19120] =	vst v0  }
0x52: {  	[tilespmem:$0x19130] =	vst v0  }
0x53: {  	[tilespmem:$0x19140] =	vst v0  }
0x54: {  	[tilespmem:$0x19150] =	vst v0  }
0x55: {  	[tilespmem:$0x19160] =	vst v0  }
0x56: {  	[tilespmem:$0x19170] =	vst v0  }
0x57: {  	[tilespmem:$0x19180] =	vst v0  }
0x58: {  	[tilespmem:$0x19190] =	vst v0  }
0x59: {  	[tilespmem:$0x191A0] =	vst v0  }
0x5a: {  	[tilespmem:$0x191B0] =	vst v0  }
0x5b: {  	[tilespmem:$0x191C0] =	vst v0  }
0x5c: {  	[tilespmem:$0x191D0] =	vst v0  }
0x5d: {  	[tilespmem:$0x191E0] =	vst v0  }
0x5e: {  	[tilespmem:$0x191F0] =	vst v0  }
0x5f: {  	[tilespmem:$0x19200] =	vst v0  }
0x60: {  	[tilespmem:$0x19210] =	vst v0  }
0x61: {  	[tilespmem:$0x19220] =	vst v0  }
0x62: {  	[tilespmem:$0x19230] =	vst v0  }
0x63: {  	[tilespmem:$0x19240] =	vst v0  }
0x64: {  	[tilespmem:$0x19250] =	vst v0  }
0x65: {  	[tilespmem:$0x19260] =	vst v0  }
0x66: {  	[tilespmem:$0x19270] =	vst v0  }
0x67: {  	[tilespmem:$0x19280] =	vst v0  }
0x68: {  	[tilespmem:$0x19290] =	vst v0  }
0x69: {  	[tilespmem:$0x192A0] =	vst v0  }
0x6a: {  	[tilespmem:$0x192B0] =	vst v0  }
0x6b: {  	[tilespmem:$0x192C0] =	vst v0  }
0x6c: {  	[tilespmem:$0x192D0] =	vst v0  }
0x6d: {  	[tilespmem:$0x192E0] =	vst v0  }
0x6e: {  	[tilespmem:$0x192F0] =	vst v0  }
0x6f: {  	[tilespmem:$0x19300] =	vst v0  }
0x70: {  	[tilespmem:$0x19310] =	vst v0  }
0x71: {  	[tilespmem:$0x19320] =	vst v0  }
0x72: {  	[tilespmem:$0x19330] =	vst v0  }
0x73: {  	[tilespmem:$0x19340] =	vst v0  }
0x74: {  	[tilespmem:$0x19350] =	vst v0  }
0x75: {  	[tilespmem:$0x19360] =	vst v0  }
0x76: {  	[tilespmem:$0x19370] =	vst v0  }
0x77: {  	[tilespmem:$0x19380] =	vst v0  }
0x78: {  	[tilespmem:$0x19390] =	vst v0  }
0x79: {  	[tilespmem:$0x193A0] =	vst v0  }
0x7a: {  	[tilespmem:$0x193B0] =	vst v0  }
0x7b: {  	[tilespmem:$0x193C0] =	vst v0  }
0x7c: {  	[tilespmem:$0x193D0] =	vst v0  }
0x7d: {  	[tilespmem:$0x193E0] =	vst v0  }
0x7e: {  	[tilespmem:$0x193F0] =	vst v0  }
0x7f: {  	[tilespmem:$0x19400] =	vst v0  }
0x80: {  	[tilespmem:$0x19410] =	vst v0  }
0x81: {  	[tilespmem:$0x19420] =	vst v0  }
0x82: {  	[tilespmem:$0x19430] =	vst v0  }
0x83: {  	[tilespmem:$0x19440] =	vst v0  }
0x84: {  	[tilespmem:$0x19450] =	vst v0  }
0x85: {  	[tilespmem:$0x19460] =	vst v0  }
0x86: {  	[tilespmem:$0x19470] =	vst v0  }
0x87: {  	[tilespmem:$0x19480] =	vst v0  }
0x88: {  	[tilespmem:$0x19490] =	vst v0  }
0x89: {  	[tilespmem:$0x194A0] =	vst v0  }
0x8a: {  	[tilespmem:$0x194B0] =	vst v0  }
0x8b: {  	[tilespmem:$0x194C0] =	vst v0  }
0x8c: {  	[tilespmem:$0x194D0] =	vst v0  }
0x8d: {  	[tilespmem:$0x194E0] =	vst v0  }
0x8e: {  	[tilespmem:$0x194F0] =	vst v0  }
0x8f: {  	[tilespmem:$0x19500] =	vst v0  }
0x90: {  	[tilespmem:$0x19510] =	vst v0  }
0x91: {  	[tilespmem:$0x19520] =	vst v0  }
0x92: {  	[tilespmem:$0x19530] =	vst v0  }
0x93: {  	[tilespmem:$0x19540] =	vst v0  }
0x94: {  	[tilespmem:$0x19550] =	vst v0  }
0x95: {  	[tilespmem:$0x19560] =	vst v0  }
0x96: {  	[tilespmem:$0x19570] =	vst v0  }
0x97: {  	[tilespmem:$0x19580] =	vst v0  }
0x98: {  	[tilespmem:$0x19590] =	vst v0  }
0x99: {  	[tilespmem:$0x195A0] =	vst v0  }
0x9a: {  	[tilespmem:$0x195B0] =	vst v0  }
0x9b: {  	[tilespmem:$0x195C0] =	vst v0  }
0x9c: {  	[tilespmem:$0x195D0] =	vst v0  }
0x9d: {  	[tilespmem:$0x195E0] =	vst v0  }
0x9e: {  	[tilespmem:$0x195F0] =	vst v0  }
0x9f: {  	[tilespmem:$0x19600] =	vst v0  }
0xa0: {  	[tilespmem:$0x19610] =	vst v0  }
0xa1: {  	[tilespmem:$0x19620] =	vst v0  }
0xa2: {  	[tilespmem:$0x19630] =	vst v0  }
0xa3: {  	[tilespmem:$0x19640] =	vst v0  }
0xa4: {  	[tilespmem:$0x19650] =	vst v0  }
0xa5: {  	[tilespmem:$0x19660] =	vst v0  }
0xa6: {  	[tilespmem:$0x19670] =	vst v0  }
0xa7: {  	[tilespmem:$0x19680] =	vst v0  }
0xa8: {  	[tilespmem:$0x19690] =	vst v0  }
0xa9: {  	[tilespmem:$0x196A0] =	vst v0  }
0xaa: {  	[tilespmem:$0x196B0] =	vst v0  }
0xab: {  	[tilespmem:$0x196C0] =	vst v0  }
0xac: {  	[tilespmem:$0x196D0] =	vst v0  }
0xad: {  	[tilespmem:$0x196E0] =	vst v0  }
0xae: {  	[tilespmem:$0x196F0] =	vst v0  }
0xaf: {  	[tilespmem:$0x19700] =	vst v0  }
0xb0: {  	[tilespmem:$0x19710] =	vst v0  }
0xb1: {  	[tilespmem:$0x19720] =	vst v0  }
0xb2: {  	[tilespmem:$0x19730] =	vst v0  }
0xb3: {  	[tilespmem:$0x19740] =	vst v0  }
0xb4: {  	[tilespmem:$0x19750] =	vst v0  }
0xb5: {  	[tilespmem:$0x19760] =	vst v0  }
0xb6: {  	[tilespmem:$0x19770] =	vst v0  }
0xb7: {  	[tilespmem:$0x19780] =	vst v0  }
0xb8: {  	[tilespmem:$0x19790] =	vst v0  }
0xb9: {  	[tilespmem:$0x197A0] =	vst v0  }
0xba: {  	[tilespmem:$0x197B0] =	vst v0  }
0xbb: {  	[tilespmem:$0x197C0] =	vst v0  }
0xbc: {  	[tilespmem:$0x197D0] =	vst v0  }
0xbd: {  	[tilespmem:$0x197E0] =	vst v0  }
0xbe: {  	[tilespmem:$0x197F0] =	vst v0  }
0xbf: {  	[tilespmem:$0x19800] =	vst v0  }
0xc0: {  	[tilespmem:$0x19810] =	vst v0  }
0xc1: {  	[tilespmem:$0x19820] =	vst v0  }
0xc2: {  	[tilespmem:$0x19830] =	vst v0  }
0xc3: {  	[tilespmem:$0x19840] =	vst v0  }
0xc4: {  	[tilespmem:$0x19850] =	vst v0  }
0xc5: {  	[tilespmem:$0x19860] =	vst v0  }
0xc6: {  	[tilespmem:$0x19870] =	vst v0;
	s0 =	rddreg [dreg:$0x5]  }
0xc7: {  	[tilespmem:s4], [sflag:$0x3] =	stream.linear.gather [hbm4b:s0+s4], $0x200, $0x38;
	[tilespmem:$0x19880] =	vst v63  }
0xc8: {  	s20 =	rddreg [dreg:$0x6]  }
0xc9: {  	[tilespmem:s31], [sflag:$0x3] =	stream.linear.gather [hbm4b:s20+s4], $0x200, $0x38;
	[tilespmem:$0x19880] =	vst v63  }
0xca: {  	s22 =	rddreg [dreg:$0x7];
	s1 =	simm.s32 $0x400  }
0xcb: {  	[tilespmem:s1], [sflag:$0x3] =	stream.linear.gather [hbm4b:s22+s4], $0x200, $0x38;
	[tilespmem:$0x19880] =	vst v63  }
0xcc: {  	s28 =	rddreg [dreg:$0x8];
	s29 =	simm.s32 $0x600  }
0xcd: {  	[tilespmem:s29], [sflag:$0x3] =	stream.linear.gather [hbm4b:s28+s4], $0x200, $0x38;
	[tilespmem:$0x19880] =	vst v63  }
0xce: {  	s30 =	rddreg [dreg:$0x9];
	s12 =	simm.s32 $0x11000  }
0xcf: {  	[tilespmem:s12], [sflag:$0x3] =	stream.linear.gather [hbm4b:s30+s4], $0x40, $0x38;
	[tilespmem:$0x19880] =	vst v63  }
0xd0: {  	[dreg:$0x1a] =	wrdreg s3;
	s12 =	simm.s32 $0x3  }
0xd1: {  	_ =	swait.ge [sflag:s12], $0x200  }
0xd2: {  	[sflag:s12] =	ssyncset.done $0x0  }
0xd3: {  	[sflag:s12] =	ssyncadd.s32 $0xFFFFFE00  }
0xd4: {  	_ =	swait.ge [sflag:s12], $0x200  }
0xd5: {  	[sflag:s12] =	ssyncset.done $0x0  }
0xd6: {  	[sflag:s12] =	ssyncadd.s32 $0xFFFFFE00  }
0xd7: {  	_ =	swait.ge [sflag:s12], $0x200  }
0xd8: {  	[sflag:s12] =	ssyncset.done $0x0  }
0xd9: {  	[sflag:s12] =	ssyncadd.s32 $0xFFFFFE00  }
0xda: {  	_ =	swait.ge [sflag:s12], $0x200  }
0xdb: {  	[sflag:s12] =	ssyncset.done $0x0  }
0xdc: {  	[sflag:s12] =	ssyncadd.s32 $0xFFFFFE00  }
0xdd: {  	_ =	swait.ge [sflag:s12], $0x40  }
0xde: {  	[sflag:s12] =	ssyncset.done $0x0  }
0xdf: {  	[sflag:s12] =	ssyncadd.s32 $0xFFFFFFC0  }
0xe0: {  	[tilespmem:s2], [sflag:$0x1] =	stream.indirect.gather [hbm4b:s5+s31], $0x10, s4, s31, $0xb8;
	[tilespmem:$0x19880] =	vst v63  }
0xe1: {  	_ = 	snop  }
0xe2: {  	[tilespmem:s7], [sflag:$0x1] =	stream.indirect.gather [hbm4b:s5+s31], $0x10, s31, s31, $0xb8;
	[tilespmem:$0x19880] =	vst v63  }
0xe3: {  	_ = 	snop  }
0xe4: {  	[tilespmem:s8], [sflag:$0x1] =	stream.indirect.gather [hbm4b:s5+s31], $0x10, s1, s31, $0xb8;
	[tilespmem:$0x19880] =	vst v63  }
0xe5: {  	_ = 	snop  }
0xe6: {  	[tilespmem:s10], [sflag:$0x1] =	stream.indirect.gather [hbm4b:s5+s31], $0x10, s29, s31, $0xb8;
	[tilespmem:$0x19880] =	vst v63  }
0xe7: {  	s19 =	rddreg [dreg:$0xa]  }
0xe8: {  	[tilespmem:s16], [sflag:$0x4] =	stream.linear.gather [hbm4b:s19+s4], $0x200, $0x38;
	[tilespmem:$0x19880] =	vst v63  }
0xe9: {  	s20 =	rddreg [dreg:$0xb]  }
0xea: {  	[tilespmem:s13], [sflag:$0x4] =	stream.linear.gather [hbm4b:s20+s4], $0x200, $0x38;
	[tilespmem:$0x19880] =	vst v63  }
0xeb: {  	s22 =	rddreg [dreg:$0xc]  }
0xec: {  	[tilespmem:s14], [sflag:$0x4] =	stream.linear.gather [hbm4b:s22+s4], $0x200, $0x38;
	[tilespmem:$0x19880] =	vst v63  }
0xed: {  	s28 =	rddreg [dreg:$0xd]  }
0xee: {  	[tilespmem:s15], [sflag:$0x4] =	stream.linear.gather [hbm4b:s28+s4], $0x200, $0x38;
	[tilespmem:$0x19880] =	vst v63  }
0xef: {  	s30 =	simm.s32 $0x11040;
	s29 =	rddreg [dreg:$0xe];
	s22 =	simm.s32 $0x0  }
0xf0: {  	[tilespmem:s30], [sflag:$0x4] =	stream.linear.gather [hbm4b:s29+s4], $0x40, $0x38;
	[tilespmem:$0x19880] =	vst v63  }
.LBB2_2:
0xf1: {  	_ =	swait.ge [sflag:s17], $0x2000  }
0xf2: {  	[sflag:s17] =	ssyncset.done $0x0  }
0xf3: {  	[sflag:s17] =	ssyncadd.s32 $0xFFFFE000  }
0xf4: {  	_ =	swait.ge [sflag:s17], $0x2000  }
0xf5: {  	[sflag:s17] =	ssyncset.done $0x0  }
0xf6: {  	[sflag:s17] =	ssyncadd.s32 $0xFFFFE000  }
0xf7: {  	_ =	swait.ge [sflag:s17], $0x2000  }
0xf8: {  	[sflag:s17] =	ssyncset.done $0x0  }
0xf9: {  	[sflag:s17] =	ssyncadd.s32 $0xFFFFE000  }
0xfa: {  	_ =	swait.ge [sflag:s17], $0x2000  }
0xfb: {  	[sflag:s17] =	ssyncset.done $0x0  }
0xfc: {  	[sflag:s17] =	ssyncadd.s32 $0xFFFFE000  }
0xfd: {  	_ =	swait.ge [sflag:s18], $0x200  }
0xfe: {  	[sflag:s18] =	ssyncset.done $0x0  }
0xff: {  	[sflag:s18] =	ssyncadd.s32 $0xFFFFFE00  }
0x100: {  	_ =	swait.ge [sflag:s18], $0x200  }
0x101: {  	[sflag:s18] =	ssyncset.done $0x0  }
0x102: {  	[sflag:s18] =	ssyncadd.s32 $0xFFFFFE00  }
0x103: {  	_ =	swait.ge [sflag:s18], $0x200  }
0x104: {  	[sflag:s18] =	ssyncset.done $0x0  }
0x105: {  	[sflag:s18] =	ssyncadd.s32 $0xFFFFFE00  }
0x106: {  	_ =	swait.ge [sflag:s18], $0x200  }
0x107: {  	[sflag:s18] =	ssyncset.done $0x0  }
0x108: {  	[sflag:s18] =	ssyncadd.s32 $0xFFFFFE00  }
0x109: {  	_ =	swait.ge [sflag:s18], $0x40  }
0x10a: {  	s19 =	simm.s32 $0x1;
	[sflag:s18] =	ssyncset.done $0x0  }
0x10b: {  	s20 =	simm.s32 $0x2;
	s1 =	simm.s32 $0x0;
	v2 =	vmov s19;
	[sflag:s18] =	ssyncadd.s32 $0xFFFFFFC0  }
0x10c: {  	v3 =	vmov s20;
	v2 =	vshll.u32 v2, $0x4;
	[tilespmem:s21], [sflag:$0x2] =	stream.indirect.gather [hbm4b:s5+s31], $0x10, s16, s31, $0xb8;
	[tilespmem:$0x19880] =	vst v63  }
0x10d: {  	v18 =	vor.u32 v1, v2;
	v2 =	vshll.u32 v3, $0x4;
	v3 =	vmov s1  }
0x10e: {  	v4 =	vor.u32 $0x3, v18;
	v22 =	vor.u32 v1, v2;
	v2 =	vshll.u32 v3, $0x4;
	[tilespmem:s23], [sflag:$0x2] =	stream.indirect.gather [hbm4b:s5+s31], $0x10, s13, s31, $0xb8;
	[tilespmem:$0x19880] =	vst v63  }
0x10f: {  	s3 =	simm.s32 $0x3;
	v3 =	vor.u32 $0x3, v22;
	v19 =	vor.u32 v1, v2  }
0x110: {  	v2 =	vor.u32 $0x3, v19;
	[tilespmem:s24], [sflag:$0x2] =	stream.indirect.gather [hbm4b:s5+s31], $0x10, s14, s31, $0xb8;
	[tilespmem:$0x19880] =	vst v63  }
0x111: {  	v5 =	vmov s3  }
0x112: {  	v5 =	vshll.u32 v5, $0x4;
	[tilespmem:s25], [sflag:$0x2] =	stream.indirect.gather [hbm4b:s5+s31], $0x10, s15, s31, $0xb8;
	[tilespmem:$0x19880] =	vst v63  }
0x113: {  	v5 =	vor.u32 v1, v5;
	v4 =	vld.idx.msk [tilespmem:v4+s2+$0x0], $0xffff  }
0x114: {  	v6 =	vor.u32 $0x3, v5;
	v3 =	vld.idx.msk [tilespmem:v3+s2+$0x0], $0xffff  }
0x115: {  	v2 =	vld.idx.msk [tilespmem:v2+s2+$0x0], $0xffff;
	_ =	sdelay $0x2  }
0x116: {  	v4 =	vsub.f32 $0.0e+00, v4  }
0x117: {  	v6 =	vld.idx.msk [tilespmem:v6+s2+$0x0], $0xffff;
	v3 =	vsub.f32 $0.0e+00, v3  }
0x118: {  	v2 =	vsub.f32 $0.0e+00, v2;
	v4 =	vmul.f32 $1.442695020e+00, v4  }
0x119: {  	v3 =	vmul.f32 $1.442695020e+00, v3  }
0x11a: {  	v2 =	vmul.f32 $1.442695020e+00, v2;
	(erf) = vpow2.f32 v4  }
0x11b: {  	(erf) = vpow2.f32 v3  }
0x11c: {  	v3 =	vsub.f32 $0.0e+00, v6;
	(erf) = vpow2.f32 v2;
	_ =	sdelay $0x1  }
0x11d: {  	v2 =	vmul.f32 $1.442695020e+00, v3  }
0x11e: {  	s0 =	simm.s32 $0x5  }
0x11f: {  	(erf) = vpow2.f32 v2;
	v2 =	vmov s0  }
0x120: {  	s29 =	simm.s32 $0x6;
	v2 =	vshll.u32 v2, $0x4  }
0x121: {  	v31 =	vimm.f32 $0.0e+00;
	v3 =	vor.u32 v1, v2;
	v2 =	vmov s29  }
0x122: {  	v23 =	vimm.f32 $1.000000000e+00;
	v7 =	vor.u32 $0x3, v3;
	v2 =	vshll.u32 v2, $0x4;
	v4 =	vpop (erf)  }
0x123: {  	v21 =	vor.u32 $0x1, v18;
	v2 =	vor.u32 v1, v2;
	v6 =	vpop (erf);
	v4 =	vadd.f32 $1.000000000e+00, v4  }
0x124: {  	s30 =	simm.s32 $0x4;
	v24 =	vor.u32 $0x2, v18;
	v10 =	vor.u32 $0x1, v5;
	v9 =	vor.u32 $0x3, v2;
	v8 =	vpop (erf)  }
0x125: {  	v8 =	vadd.f32 $1.000000000e+00, v8;
	(erf) = vrcp.f32 v4;
	v4 =	vmov s30  }
0x126: {  	v14 =	vor.u32 $0x2, v5;
	v16 =	vor.u32 $0x2, v19;
	v4 =	vshll.u32 v4, $0x4  }
0x127: {  	s28 =	simm.s32 $0x7;
	v6 =	vadd.f32 $1.000000000e+00, v6;
	v17 =	vld.idx.msk [tilespmem:v7+s2+$0x0], $0xffff;
	(erf) = vrcp.f32 v8;
	v11 =	vor.u32 v1, v4  }
0x128: {  	v32 =	vor.u32 $0x2, v22;
	v7 =	vmov s28;
	v4 =	vld [tilespmem:$0x11000];
	v25 =	vor.u32 $0x3, v11  }
0x129: {  	v15 =	vor.u32 $0x1, v22;
	v7 =	vshll.u32 v7, $0x4;
	(erf) = vrcp.f32 v6;
	v26 =	vld.idx.msk [tilespmem:v9+s2+$0x0], $0xffff  }
0x12a: {  	v20 =	vor.u32 $0x1, v19;
	v13 =	vor.u32 v1, v7;
	v7 =	vor.u32 $0x1, v3;
	v8 =	vpop (erf)  }
0x12b: {  	v9 =	vor.u32 $0x1, v11;
	v27 =	vor.u32 $0x3, v13;
	v8 =	vadd.f32 $1.000000000e+00, v8  }
0x12c: {  	v29 =	vld.idx.msk [tilespmem:v16+s2+$0x0], $0xffff;
	v12 =	vor.u32 $0x2, v11;
	v6 =	vor.u32 $0x2, v2;
	v16 =	vor.u32 $0x2, v13  }
0x12d: {  	v28 =	vsub.f32 $0.0e+00, v17;
	v17 =	vor.u32 $0x1, v13;
	(erf) = vrcp.f32 v8;
	v25 =	vld.idx.msk [tilespmem:v25+s2+$0x0], $0xffff  }
0x12e: {  	v8 =	vor.u32 $0x2, v3;
	vm0 =	vgt.s32 v4, s19;
	v26 =	vsub.f32 $0.0e+00, v26  }
0x12f: {  	v19 =	vld.idx.msk [tilespmem:v19+s2+$0x0], $0xffff;
	vm1 =	vgt.s32 v4, s1;
	vm14 =	vgt.s32 v4, s20;
	v28 =	vmul.f32 $1.442695020e+00, v28;
	v30 =	vpop (erf)  }
0x130: {  	vm15 =	vgt.s32 v4, s3;
	v27 =	vld.idx.msk [tilespmem:v27+s2+$0x0], $0xffff;
	v30 =	vnsel vm0, $0x0, v30;
	v26 =	vmul.f32 $1.442695020e+00, v26;
	v33 =	vpop (erf)  }
0x131: {  	v35 =	vld.idx.msk [tilespmem:v20+s2+$0x0], $0xffff;
	v34 =	vsub.f32 $1.000000000e+00, v30;
	(erf) = vpow2.f32 v28;
	v33 =	vnsel vm1, $0x0, v33  }
0x132: {  	v20 =	vpop (erf);
	(erf) = vpow2.f32 v26;
	v28 =	vmul.f32 v33, v23;
	v25 =	vsub.f32 $0.0e+00, v25  }
0x133: {  	v33 =	vsub.f32 $1.000000000e+00, v33;
	v34 =	vadd.f32 $1.000000010e-10, v34;
	v20 =	vnsel vm14, $0x0, v20  }
0x134: {  	v36 =	vmul.f32 v28, v29;
	v29 =	vsub.f32 $1.000000000e+00, v20;
	v25 =	vmul.f32 $1.442695020e+00, v25  }
0x135: {  	v62 =	vld.idx.msk [tilespmem:v18+s2+$0x0], $0xffff;
	v27 =	vsub.f32 $0.0e+00, v27;
	v26 =	vadd.f32 $1.000000010e-10, v33;
	v37 =	vmul.f32 v28, v19  }
0x136: {  	v38 =	vld.idx.msk [tilespmem:v21+s2+$0x0], $0xffff;
	v35 =	vmul.f32 v28, v35;
	v21 =	vadd.f32 $1.000000010e-10, v29;
	(erf) = vpow2.f32 v25  }
0x137: {  	v18 =	vpop (erf);
	v23 =	vmul.f32 v26, v23;
	v26 =	vadd.f32 v28, v31;
	v28 =	vmul.f32 $1.442695020e+00, v27;
	v27 =	vld.idx.msk [tilespmem:v24+s2+$0x0], $0xffff  }
0x138: {  	v19 =	vnsel vm15, $0x0, v18;
	v25 =	vadd.f32 v37, v31;
	v18 =	vor.u32 $0x1, v2  }
0x139: {  	v24 =	vld.idx.msk [tilespmem:v32+s2+$0x0], $0xffff;
	v63 =	vsub.f32 $1.000000000e+00, v19;
	v30 =	vmul.f32 v30, v23;
	v29 =	vmul.f32 v34, v23  }
0x13a: {  	v23 =	vld.idx.msk [tilespmem:v22+s2+$0x0], $0xffff;
	(erf) = vpow2.f32 v28;
	v28 =	vadd.f32 v36, v31;
	v31 =	vadd.f32 v35, v31  }
0x13b: {  	s16 =	simm.s32 $0x8;
	v22 =	vadd.f32 $1.000000010e-10, v63;
	v32 =	vpop (erf);
	v34 =	vmul.f32 v30, v62;
	v33 =	vmul.f32 v30, v38  }
.LBB2_3:
0x13c: {  	p0 =	sne.s32 s16, $0x1C;
	v27 =	vmul.f32 v30, v27;
	v26 =	vadd.f32 v30, v26;
	v20 =	vmul.f32 v20, v29;
	s3 =	smov.u32 s16;
	s16 =	sadd.s32 $0x4, s16  }
0x13d: {  	v21 =	vmul.f32 v21, v29;
	s1 =	sadd.s32 $0x1, s3;
	v30 =	vpop (erf);
	v25 =	vadd.f32 v34, v25;
	v31 =	vadd.f32 v33, v31;
	v29 =	vld.idx.msk [tilespmem:v10+s2+$0x0], $0xffff  }
0x13e: {  	v32 =	vadd.f32 $1.000000000e+00, v32;
	v10 =	vmovc v17;
	v33 =	vmov s1;
	v27 =	vadd.f32 v27, v28;
	v28 =	vld.idx.msk [tilespmem:v5+s2+$0x0], $0xffff;
	v5 =	vmovc v13  }
0x13f: {  	s19 =	sadd.s32 $0x2, s3;
	v17 =	vmul.f32 v20, v23;
	v23 =	vmul.f32 v20, v24;
	v13 =	vshll.u32 v33, $0x4;
	v24 =	vld.idx.msk [tilespmem:v14+s2+$0x0], $0xffff;
	v14 =	vmovc v16  }
0x140: {  	v19 =	vmul.f32 v19, v21;
	v33 =	vor.u32 v1, v13;
	v13 =	vmov s19;
	v16 =	vpop (erf);
	v34 =	vld.idx.msk [tilespmem:v15+s2+$0x0], $0xffff  }
0x141: {  	v22 =	vmul.f32 v22, v21;
	v15 =	vmovc v18;
	v35 =	vor.u32 $0x3, v33;
	v13 =	vshll.u32 v13, $0x4  }
0x142: {  	v21 =	vadd.f32 $1.000000000e+00, v30;
	v26 =	vadd.f32 v20, v26;
	v18 =	vor.u32 v1, v13  }
0x143: {  	v16 =	vadd.f32 $1.000000000e+00, v16;
	v29 =	vmul.f32 v19, v29;
	v13 =	vor.u32 $0x3, v18;
	v30 =	vpop (erf)  }
0x144: {  	v23 =	vadd.f32 v23, v27;
	v27 =	vmul.f32 v19, v28;
	v30 =	vadd.f32 $1.000000000e+00, v30  }
0x145: {  	v28 =	vmov s3;
	v24 =	vmul.f32 v19, v24;
	(erf) = vrcp.f32 v32  }
0x146: {  	s20 =	sadd.s32 $0x3, s3;
	v28 =	vshll.u32 v28, $0x4;
	v32 =	vld.idx.msk [tilespmem:v35+s2+$0x0], $0xffff;
	(erf) = vrcp.f32 v16;
	v16 =	vmul.f32 v20, v34  }
0x147: {  	v20 =	vor.u32 v1, v28;
	v28 =	vor.u32 $0x1, v33;
	v34 =	vmov s20  }
0x148: {  	v17 =	vadd.f32 v17, v25;
	v35 =	vor.u32 $0x3, v20;
	v34 =	vshll.u32 v34, $0x4  }
0x149: {  	v16 =	vadd.f32 v16, v31;
	v25 =	vld.idx.msk [tilespmem:v13+s2+$0x0], $0xffff;
	v13 =	vor.u32 v1, v34;
	(erf) = vrcp.f32 v21  }
0x14a: {  	v31 =	vadd.f32 v24, v23;
	v23 =	vadd.f32 v19, v26;
	v21 =	vor.u32 $0x3, v13  }
0x14b: {  	v24 =	vadd.f32 v27, v17;
	v34 =	vadd.f32 v29, v16;
	(erf) = vrcp.f32 v30  }
0x14c: {  	v19 =	vor.u32 $0x1, v20;
	v16 =	vsub.f32 $0.0e+00, v32;
	v26 =	vld.idx.msk [tilespmem:v12+s2+$0x0], $0xffff;
	v12 =	vor.u32 $0x2, v20  }
0x14d: {  	v29 =	vor.u32 $0x2, v33;
	v17 =	vor.u32 $0x1, v13;
	v32 =	vor.u32 $0x2, v18;
	v27 =	vld.idx.msk [tilespmem:v35+s2+$0x0], $0xffff  }
0x14e: {  	vm0 =	vgt.s32 v4, s0;
	s0 =	smov.u32 s1;
	v30 =	vmul.f32 $1.442695020e+00, v16;
	v16 =	vor.u32 $0x2, v13;
	v35 =	vld.idx.msk [tilespmem:v11+s2+$0x0], $0xffff;
	v11 =	vpop (erf)  }
0x14f: {  	vm1 =	vgt.s32 v4, s30;
	s30 =	smov.u32 s3;
	v25 =	vsub.f32 $0.0e+00, v25;
	v21 =	vld.idx.msk [tilespmem:v21+s2+$0x0], $0xffff;
	v36 =	vnsel vm0, $0x0, v11;
	v11 =	vpop (erf)  }
0x150: {  	vm0 =	vgt.s32 v4, s29;
	s29 =	smov.u32 s19;
	v37 =	vnsel vm1, $0x0, v11;
	v38 =	vld.idx.msk [tilespmem:v9+s2+$0x0], $0xffff;
	v39 =	vsub.f32 $1.000000000e+00, v36;
	v11 =	vmovc v20;
	v9 =	vmovc v19  }
0x151: {  	(erf) = vpow2.f32 v30;
	v30 =	vmul.f32 v37, v22;
	v19 =	vsub.f32 $1.000000000e+00, v37  }
0x152: {  	v25 =	vmul.f32 $1.442695020e+00, v25;
	vm1 =	vgt.s32 v4, s28;
	s28 =	smov.u32 s20;
	v37 =	vadd.f32 $1.000000010e-10, v39;
	v20 =	vpop (erf)  }
0x153: {  	v27 =	vsub.f32 $0.0e+00, v27;
	v39 =	vmul.f32 v30, v26;
	v20 =	vnsel vm0, $0x0, v20  }
0x154: {  	(erf) = vpow2.f32 v25;
	v25 =	vadd.f32 $1.000000010e-10, v19;
	v40 =	vld.idx.msk [tilespmem:v3+s2+$0x0], $0xffff;
	v19 =	vsub.f32 $1.000000000e+00, v20;
	v26 =	vpop (erf)  }
0x155: {  	v35 =	vmul.f32 v30, v35;
	v41 =	vmul.f32 $1.442695020e+00, v27;
	v42 =	vsub.f32 $0.0e+00, v21;
	v3 =	vmovc v33;
	v43 =	vld.idx.msk [tilespmem:v7+s2+$0x0], $0xffff;
	v7 =	vmovc v28  }
0x156: {  	v33 =	vmul.f32 v30, v38;
	v27 =	vld.idx.msk [tilespmem:v8+s2+$0x0], $0xffff;
	v21 =	vadd.f32 $1.000000010e-10, v19;
	v19 =	vnsel vm1, $0x0, v26;
	v8 =	vmovc v29  }
.Ltmp2:
0x157: {  	v22 =	vmul.f32 v25, v22;
	v26 =	vadd.f32 v30, v23;
	(erf) = vpow2.f32 v41;
	(pc) =	sbr.rel @p0 .LBB2_3-.Ltmp2, $4  }
0x158: {  	v28 =	vmul.f32 $1.442695020e+00, v42;
	v25 =	vadd.f32 v35, v24;
	v35 =	vsub.f32 $1.000000000e+00, v19;
	v23 =	vld.idx.msk [tilespmem:v2+s2+$0x0], $0xffff;
	v2 =	vmovc v18  }
0x159: {  	v30 =	vmul.f32 v36, v22;
	v29 =	vmul.f32 v37, v22;
	v18 =	vor.u32 $0x1, v2;
	v24 =	vld.idx.msk [tilespmem:v6+s2+$0x0], $0xffff;
	v6 =	vmovc v32  }
0x15a: {  	v22 =	vadd.f32 $1.000000010e-10, v35;
	v32 =	vpop (erf);
	(erf) = vpow2.f32 v28;
	v28 =	vadd.f32 v39, v31  }
0x15b: {  	v31 =	vadd.f32 v33, v34;
	v34 =	vmul.f32 v30, v40;
	v33 =	vmul.f32 v30, v43  }
0x15c: {  	_ =	sdelay $0x2  }
0x15d: {  	v35 =	vpop (erf)  }
0x15e: {  	v32 =	vadd.f32 $1.000000000e+00, v32;
	v36 =	vpop (erf)  }
0x15f: {  	v36 =	vadd.f32 $1.000000000e+00, v36  }
0x160: {  	(erf) = vrcp.f32 v32  }
0x161: {  	(erf) = vrcp.f32 v36;
	_ =	sdelay $0x1  }
0x162: {  	v27 =	vmul.f32 v30, v27;
	v15 =	vld.idx.msk [tilespmem:v15+s2+$0x0], $0xffff;
	v20 =	vmul.f32 v20, v29  }
0x163: {  	v26 =	vadd.f32 v30, v26;
	v14 =	vld.idx.msk [tilespmem:v14+s2+$0x0], $0xffff;
	v21 =	vmul.f32 v21, v29;
	v56 =	vadd.f32 $1.000000000e+00, v35  }
0x164: {  	vm0 =	vgt.s32 v4, s30;
	vm1 =	vgt.s32 v4, s0;
	v24 =	vmul.f32 v20, v24;
	v29 =	vpop (erf)  }
0x165: {  	v25 =	vadd.f32 v34, v25;
	(erf) = vrcp.f32 v56;
	v29 =	vadd.f32 $1.000000000e+00, v29  }
0x166: {  	v5 =	vld.idx.msk [tilespmem:v5+s2+$0x0], $0xffff;
	v23 =	vmul.f32 v20, v23;
	v27 =	vadd.f32 v27, v28;
	v19 =	vmul.f32 v19, v21  }
0x167: {  	v10 =	vld.idx.msk [tilespmem:v10+s2+$0x0], $0xffff;
	v21 =	vmul.f32 v22, v21;
	v22 =	vadd.f32 v20, v26;
	(erf) = vrcp.f32 v29  }
0x168: {  	v15 =	vmul.f32 v20, v15;
	v20 =	vadd.f32 v24, v27;
	v14 =	vmul.f32 v19, v14;
	v24 =	vpop (erf)  }
0x169: {  	v12 =	vld.idx.msk [tilespmem:v12+s2+$0x0], $0xffff;
	vm10 =	vgt.s32 v4, s29;
	v30 =	vadd.f32 v33, v31;
	v23 =	vadd.f32 v23, v25;
	v25 =	vpop (erf)  }
0x16a: {  	v11 =	vld.idx.msk [tilespmem:v11+s2+$0x0], $0xffff;
	v22 =	vadd.f32 v19, v22;
	v14 =	vadd.f32 v14, v20;
	v20 =	vnsel vm0, $0x0, v25  }
0x16b: {  	v9 =	vld.idx.msk [tilespmem:v9+s2+$0x0], $0xffff;
	v5 =	vmul.f32 v19, v5;
	v24 =	vnsel vm1, $0x0, v24;
	v25 =	vsub.f32 $1.000000000e+00, v20  }
0x16c: {  	v10 =	vmul.f32 v19, v10;
	v15 =	vadd.f32 v15, v30;
	v19 =	vsub.f32 $1.000000000e+00, v24  }
0x16d: {  	v3 =	vld.idx.msk [tilespmem:v3+s2+$0x0], $0xffff;
	v5 =	vadd.f32 v5, v23;
	v20 =	vmul.f32 v20, v21;
	v25 =	vadd.f32 $1.000000010e-10, v25  }
0x16e: {  	v7 =	vld.idx.msk [tilespmem:v7+s2+$0x0], $0xffff;
	vm11 =	vgt.s32 v4, s28;
	v10 =	vadd.f32 v10, v15;
	v15 =	vadd.f32 $1.000000010e-10, v19;
	v23 =	vpop (erf)  }
0x16f: {  	v8 =	vld.idx.msk [tilespmem:v8+s2+$0x0], $0xffff;
	v19 =	vnsel vm10, $0x0, v23;
	v12 =	vmul.f32 v20, v12;
	v21 =	vmul.f32 v25, v21  }
0x170: {  	v2 =	vld.idx.msk [tilespmem:v2+s2+$0x0], $0xffff;
	v23 =	vsub.f32 $1.000000000e+00, v19;
	v4 =	vpop (erf);
	v11 =	vmul.f32 v20, v11;
	v9 =	vmul.f32 v20, v9  }
0x171: {  	v6 =	vld.idx.msk [tilespmem:v6+s2+$0x0], $0xffff;
	v4 =	vnsel vm11, $0x0, v4;
	v20 =	vadd.f32 v20, v22;
	v24 =	vmul.f32 v24, v21  }
0x172: {  	v23 =	vadd.f32 $1.000000010e-10, v23;
	v5 =	vadd.f32 v11, v5;
	v11 =	vmul.f32 v15, v21;
	v15 =	vld.idx.msk [tilespmem:v18+s2+$0x0], $0xffff  }
0x173: {  	v13 =	vld.idx.msk [tilespmem:v13+s2+$0x0], $0xffff;
	v12 =	vadd.f32 v12, v14;
	v3 =	vmul.f32 v24, v3;
	v7 =	vmul.f32 v24, v7  }
0x174: {  	v9 =	vadd.f32 v9, v10;
	v14 =	vld.idx.msk [tilespmem:v17+s2+$0x0], $0xffff;
	v10 =	vmul.f32 v19, v11;
	v11 =	vmul.f32 v23, v11  }
0x175: {  	v8 =	vmul.f32 v24, v8;
	v17 =	vadd.f32 v24, v20;
	v3 =	vadd.f32 v3, v5;
	v5 =	vld.idx.msk [tilespmem:v16+s2+$0x0], $0xffff  }
0x176: {  	v7 =	vadd.f32 v7, v9;
	v2 =	vmul.f32 v10, v2;
	v4 =	vmul.f32 v4, v11  }
0x177: {  	v8 =	vadd.f32 v8, v12;
	v6 =	vmul.f32 v10, v6;
	v9 =	vmul.f32 v10, v15  }
0x178: {  	v10 =	vadd.f32 v10, v17;
	v11 =	vmul.f32 v4, v13;
	v2 =	vadd.f32 v2, v3  }
0x179: {  	s3 =	simm.s32 $0x1;
	v3 =	vmul.f32 v4, v14;
	v6 =	vadd.f32 v6, v8;
	v7 =	vadd.f32 v9, v7  }
0x17a: {  	s20 =	simm.s32 $0x2;
	v8 =	vmov s3;
	v2 =	vadd.f32 v11, v2;
	v5 =	vmul.f32 v4, v5  }
0x17b: {  	s1 =	simm.s32 $0x0;
	v3 =	vadd.f32 v3, v7;
	v7 =	vshll.u32 v8, $0x4;
	v8 =	vmov s20  }
0x17c: {  	v18 =	vor.u32 v1, v7;
	v7 =	vshll.u32 v8, $0x4;
	v8 =	vmov s1  }
0x17d: {  	s29 =	sshll.u32 s22, $0x7;
	v9 =	vor.u32 $0x3, v18;
	v19 =	vor.u32 v1, v7;
	v7 =	vshll.u32 v8, $0x4  }
0x17e: {  	[tilespmem:s29+$0x11080] =	vst v2;
	v5 =	vadd.f32 v5, v6;
	v2 =	vor.u32 $0x3, v19;
	v20 =	vor.u32 v1, v7  }
0x17f: {  	s19 =	simm.s32 $0x3;
	v4 =	vadd.f32 v4, v10;
	[tilespmem:s29+$0x13080] =	vst v3;
	v3 =	vor.u32 $0x3, v20  }
0x180: {  	[tilespmem:s29+$0x15080] =	vst v5;
	v5 =	vmov s19  }
0x181: {  	[tilespmem:s29+$0x17080] =	vst v4;
	v4 =	vshll.u32 v5, $0x4  }
0x182: {  	v5 =	vor.u32 v1, v4;
	v6 =	vld.idx.msk [tilespmem:v9+s7+$0x0], $0xffff  }
0x183: {  	v4 =	vor.u32 $0x3, v5;
	v2 =	vld.idx.msk [tilespmem:v2+s7+$0x0], $0xffff  }
0x184: {  	v3 =	vld.idx.msk [tilespmem:v3+s7+$0x0], $0xffff;
	_ =	sdelay $0x2  }
0x185: {  	v6 =	vsub.f32 $0.0e+00, v6  }
0x186: {  	v4 =	vld.idx.msk [tilespmem:v4+s7+$0x0], $0xffff;
	v2 =	vsub.f32 $0.0e+00, v2  }
0x187: {  	v6 =	vmul.f32 $1.442695020e+00, v6;
	v3 =	vsub.f32 $0.0e+00, v3  }
0x188: {  	v2 =	vmul.f32 $1.442695020e+00, v2  }
0x189: {  	(erf) = vpow2.f32 v6;
	v3 =	vmul.f32 $1.442695020e+00, v3  }
0x18a: {  	(erf) = vpow2.f32 v2  }
0x18b: {  	v2 =	vsub.f32 $0.0e+00, v4;
	(erf) = vpow2.f32 v3;
	_ =	sdelay $0x1  }
0x18c: {  	v2 =	vmul.f32 $1.442695020e+00, v2  }
0x18d: {  	s0 =	simm.s32 $0x5  }
0x18e: {  	(erf) = vpow2.f32 v2;
	v2 =	vmov s0  }
0x18f: {  	s30 =	simm.s32 $0x6;
	v2 =	vshll.u32 v2, $0x4  }
0x190: {  	v31 =	vimm.f32 $0.0e+00;
	v3 =	vor.u32 v1, v2;
	v2 =	vmov s30  }
0x191: {  	v23 =	vimm.f32 $1.000000000e+00;
	v7 =	vor.u32 $0x3, v3;
	v2 =	vshll.u32 v2, $0x4;
	v4 =	vpop (erf)  }
0x192: {  	v22 =	vor.u32 $0x1, v18;
	v2 =	vor.u32 v1, v2;
	v6 =	vpop (erf);
	v4 =	vadd.f32 $1.000000000e+00, v4  }
0x193: {  	s16 =	simm.s32 $0x4;
	v24 =	vor.u32 $0x2, v18;
	v57 =	vor.u32 $0x2, v19;
	v9 =	vor.u32 $0x3, v2;
	v8 =	vpop (erf)  }
0x194: {  	v8 =	vadd.f32 $1.000000000e+00, v8;
	(erf) = vrcp.f32 v4;
	v4 =	vmov s16  }
0x195: {  	v15 =	vor.u32 $0x1, v19;
	v16 =	vor.u32 $0x2, v20;
	v4 =	vshll.u32 v4, $0x4  }
0x196: {  	s28 =	simm.s32 $0x7;
	v6 =	vadd.f32 $1.000000000e+00, v6;
	v17 =	vld.idx.msk [tilespmem:v7+s7+$0x0], $0xffff;
	(erf) = vrcp.f32 v8;
	v11 =	vor.u32 v1, v4  }
0x197: {  	v21 =	vor.u32 $0x1, v20;
	v7 =	vmov s28;
	v4 =	vld [tilespmem:$0x11010];
	v25 =	vor.u32 $0x3, v11  }
0x198: {  	v10 =	vor.u32 $0x1, v5;
	v7 =	vshll.u32 v7, $0x4;
	(erf) = vrcp.f32 v6;
	v26 =	vld.idx.msk [tilespmem:v9+s7+$0x0], $0xffff  }
0x199: {  	v14 =	vor.u32 $0x2, v5;
	v13 =	vor.u32 v1, v7;
	v7 =	vor.u32 $0x1, v3;
	v8 =	vpop (erf)  }
0x19a: {  	v9 =	vor.u32 $0x1, v11;
	v27 =	vor.u32 $0x3, v13;
	v8 =	vadd.f32 $1.000000000e+00, v8  }
0x19b: {  	v29 =	vld.idx.msk [tilespmem:v16+s7+$0x0], $0xffff;
	v12 =	vor.u32 $0x2, v11;
	v6 =	vor.u32 $0x2, v2;
	v16 =	vor.u32 $0x2, v13  }
0x19c: {  	v28 =	vsub.f32 $0.0e+00, v17;
	v17 =	vor.u32 $0x1, v13;
	(erf) = vrcp.f32 v8;
	v25 =	vld.idx.msk [tilespmem:v25+s7+$0x0], $0xffff  }
0x19d: {  	v8 =	vor.u32 $0x2, v3;
	vm12 =	vgt.s32 v4, s3;
	v26 =	vsub.f32 $0.0e+00, v26  }
0x19e: {  	v20 =	vld.idx.msk [tilespmem:v20+s7+$0x0], $0xffff;
	vm13 =	vgt.s32 v4, s1;
	vm14 =	vgt.s32 v4, s20;
	v28 =	vmul.f32 $1.442695020e+00, v28;
	v30 =	vpop (erf)  }
0x19f: {  	vm15 =	vgt.s32 v4, s19;
	v27 =	vld.idx.msk [tilespmem:v27+s7+$0x0], $0xffff;
	v30 =	vnsel vm12, $0x0, v30;
	v26 =	vmul.f32 $1.442695020e+00, v26;
	v58 =	vpop (erf)  }
0x1a0: {  	v60 =	vld.idx.msk [tilespmem:v21+s7+$0x0], $0xffff;
	v59 =	vsub.f32 $1.000000000e+00, v30;
	(erf) = vpow2.f32 v28;
	v33 =	vnsel vm13, $0x0, v58  }
0x1a1: {  	v21 =	vpop (erf);
	(erf) = vpow2.f32 v26;
	v28 =	vmul.f32 v33, v23;
	v25 =	vsub.f32 $0.0e+00, v25  }
0x1a2: {  	v33 =	vsub.f32 $1.000000000e+00, v33;
	v34 =	vadd.f32 $1.000000010e-10, v59;
	v21 =	vnsel vm14, $0x0, v21  }
0x1a3: {  	v61 =	vmul.f32 v28, v29;
	v29 =	vsub.f32 $1.000000000e+00, v21;
	v25 =	vmul.f32 $1.442695020e+00, v25  }
0x1a4: {  	v62 =	vld.idx.msk [tilespmem:v18+s7+$0x0], $0xffff;
	v27 =	vsub.f32 $0.0e+00, v27;
	v26 =	vadd.f32 $1.000000010e-10, v33;
	v37 =	vmul.f32 v28, v20  }
0x1a5: {  	v38 =	vld.idx.msk [tilespmem:v22+s7+$0x0], $0xffff;
	v35 =	vmul.f32 v28, v60;
	v22 =	vadd.f32 $1.000000010e-10, v29;
	(erf) = vpow2.f32 v25  }
0x1a6: {  	v18 =	vpop (erf);
	v23 =	vmul.f32 v26, v23;
	v26 =	vadd.f32 v28, v31;
	v28 =	vmul.f32 $1.442695020e+00, v27;
	v27 =	vld.idx.msk [tilespmem:v24+s7+$0x0], $0xffff  }
0x1a7: {  	v20 =	vnsel vm15, $0x0, v18;
	v25 =	vadd.f32 v37, v31;
	v18 =	vor.u32 $0x1, v2  }
0x1a8: {  	v24 =	vld.idx.msk [tilespmem:v57+s7+$0x0], $0xffff;
	v63 =	vsub.f32 $1.000000000e+00, v20;
	v30 =	vmul.f32 v30, v23;
	v29 =	vmul.f32 v34, v23  }
0x1a9: {  	v23 =	vld.idx.msk [tilespmem:v19+s7+$0x0], $0xffff;
	(erf) = vpow2.f32 v28;
	v28 =	vadd.f32 v61, v31;
	v31 =	vadd.f32 v35, v31  }
0x1aa: {  	s20 =	simm.s32 $0x8;
	v19 =	vadd.f32 $1.000000010e-10, v63;
	v32 =	vpop (erf);
	v34 =	vmul.f32 v30, v62;
	v33 =	vmul.f32 v30, v38  }
.LBB2_5:
0x1ab: {  	p0 =	sne.s32 s20, $0x1C;
	v27 =	vmul.f32 v30, v27;
	v26 =	vadd.f32 v30, v26;
	v21 =	vmul.f32 v21, v29;
	s3 =	smov.u32 s20;
	s20 =	sadd.s32 $0x4, s20  }
0x1ac: {  	v22 =	vmul.f32 v22, v29;
	s1 =	sadd.s32 $0x1, s3;
	v30 =	vpop (erf);
	v25 =	vadd.f32 v34, v25;
	v31 =	vadd.f32 v33, v31;
	v29 =	vld.idx.msk [tilespmem:v10+s7+$0x0], $0xffff  }
0x1ad: {  	v32 =	vadd.f32 $1.000000000e+00, v32;
	v10 =	vmovc v17;
	v33 =	vmov s1;
	v27 =	vadd.f32 v27, v28;
	v28 =	vld.idx.msk [tilespmem:v5+s7+$0x0], $0xffff;
	v5 =	vmovc v13  }
0x1ae: {  	s19 =	sadd.s32 $0x2, s3;
	v17 =	vmul.f32 v21, v23;
	v23 =	vmul.f32 v21, v24;
	v13 =	vshll.u32 v33, $0x4;
	v24 =	vld.idx.msk [tilespmem:v14+s7+$0x0], $0xffff;
	v14 =	vmovc v16  }
0x1af: {  	v20 =	vmul.f32 v20, v22;
	v33 =	vor.u32 v1, v13;
	v13 =	vmov s19;
	v16 =	vpop (erf);
	v34 =	vld.idx.msk [tilespmem:v15+s7+$0x0], $0xffff  }
0x1b0: {  	v19 =	vmul.f32 v19, v22;
	v15 =	vmovc v18;
	v35 =	vor.u32 $0x3, v33;
	v13 =	vshll.u32 v13, $0x4  }
0x1b1: {  	v22 =	vadd.f32 $1.000000000e+00, v30;
	v26 =	vadd.f32 v21, v26;
	v18 =	vor.u32 v1, v13  }
0x1b2: {  	v16 =	vadd.f32 $1.000000000e+00, v16;
	v29 =	vmul.f32 v20, v29;
	v13 =	vor.u32 $0x3, v18;
	v30 =	vpop (erf)  }
0x1b3: {  	v23 =	vadd.f32 v23, v27;
	v27 =	vmul.f32 v20, v28;
	v30 =	vadd.f32 $1.000000000e+00, v30  }
0x1b4: {  	v28 =	vmov s3;
	v24 =	vmul.f32 v20, v24;
	(erf) = vrcp.f32 v32  }
0x1b5: {  	s12 =	sadd.s32 $0x3, s3;
	v28 =	vshll.u32 v28, $0x4;
	v32 =	vld.idx.msk [tilespmem:v35+s7+$0x0], $0xffff;
	(erf) = vrcp.f32 v16;
	v16 =	vmul.f32 v21, v34  }
0x1b6: {  	v21 =	vor.u32 v1, v28;
	v28 =	vor.u32 $0x1, v33;
	v34 =	vmov s12  }
0x1b7: {  	v17 =	vadd.f32 v17, v25;
	v35 =	vor.u32 $0x3, v21;
	v34 =	vshll.u32 v34, $0x4  }
0x1b8: {  	v16 =	vadd.f32 v16, v31;
	v25 =	vld.idx.msk [tilespmem:v13+s7+$0x0], $0xffff;
	v13 =	vor.u32 v1, v34;
	(erf) = vrcp.f32 v22  }
0x1b9: {  	v31 =	vadd.f32 v24, v23;
	v23 =	vadd.f32 v20, v26;
	v22 =	vor.u32 $0x3, v13  }
0x1ba: {  	v24 =	vadd.f32 v27, v17;
	v34 =	vadd.f32 v29, v16;
	(erf) = vrcp.f32 v30  }
0x1bb: {  	v20 =	vor.u32 $0x1, v21;
	v16 =	vsub.f32 $0.0e+00, v32;
	v26 =	vld.idx.msk [tilespmem:v12+s7+$0x0], $0xffff;
	v12 =	vor.u32 $0x2, v21  }
0x1bc: {  	v29 =	vor.u32 $0x2, v33;
	v17 =	vor.u32 $0x1, v13;
	v32 =	vor.u32 $0x2, v18;
	v27 =	vld.idx.msk [tilespmem:v35+s7+$0x0], $0xffff  }
0x1bd: {  	vm0 =	vgt.s32 v4, s0;
	s0 =	smov.u32 s1;
	v30 =	vmul.f32 $1.442695020e+00, v16;
	v16 =	vor.u32 $0x2, v13;
	v35 =	vld.idx.msk [tilespmem:v11+s7+$0x0], $0xffff;
	v11 =	vpop (erf)  }
0x1be: {  	vm1 =	vgt.s32 v4, s16;
	s16 =	smov.u32 s3;
	v25 =	vsub.f32 $0.0e+00, v25;
	v22 =	vld.idx.msk [tilespmem:v22+s7+$0x0], $0xffff;
	v36 =	vnsel vm0, $0x0, v11;
	v11 =	vpop (erf)  }
0x1bf: {  	vm0 =	vgt.s32 v4, s30;
	s30 =	smov.u32 s19;
	v37 =	vnsel vm1, $0x0, v11;
	v38 =	vld.idx.msk [tilespmem:v9+s7+$0x0], $0xffff;
	v39 =	vsub.f32 $1.000000000e+00, v36;
	v11 =	vmovc v21;
	v9 =	vmovc v20  }
0x1c0: {  	(erf) = vpow2.f32 v30;
	v30 =	vmul.f32 v37, v19;
	v20 =	vsub.f32 $1.000000000e+00, v37  }
0x1c1: {  	v25 =	vmul.f32 $1.442695020e+00, v25;
	vm1 =	vgt.s32 v4, s28;
	s28 =	smov.u32 s12;
	v37 =	vadd.f32 $1.000000010e-10, v39;
	v21 =	vpop (erf)  }
0x1c2: {  	v27 =	vsub.f32 $0.0e+00, v27;
	v39 =	vmul.f32 v30, v26;
	v21 =	vnsel vm0, $0x0, v21  }
0x1c3: {  	(erf) = vpow2.f32 v25;
	v25 =	vadd.f32 $1.000000010e-10, v20;
	v40 =	vld.idx.msk [tilespmem:v3+s7+$0x0], $0xffff;
	v20 =	vsub.f32 $1.000000000e+00, v21;
	v26 =	vpop (erf)  }
0x1c4: {  	v35 =	vmul.f32 v30, v35;
	v41 =	vmul.f32 $1.442695020e+00, v27;
	v42 =	vsub.f32 $0.0e+00, v22;
	v3 =	vmovc v33;
	v43 =	vld.idx.msk [tilespmem:v7+s7+$0x0], $0xffff;
	v7 =	vmovc v28  }
0x1c5: {  	v33 =	vmul.f32 v30, v38;
	v27 =	vld.idx.msk [tilespmem:v8+s7+$0x0], $0xffff;
	v22 =	vadd.f32 $1.000000010e-10, v20;
	v20 =	vnsel vm1, $0x0, v26;
	v8 =	vmovc v29  }
.Ltmp3:
0x1c6: {  	v19 =	vmul.f32 v25, v19;
	v26 =	vadd.f32 v30, v23;
	(erf) = vpow2.f32 v41;
	(pc) =	sbr.rel @p0 .LBB2_5-.Ltmp3, $4  }
0x1c7: {  	v28 =	vmul.f32 $1.442695020e+00, v42;
	v25 =	vadd.f32 v35, v24;
	v35 =	vsub.f32 $1.000000000e+00, v20;
	v23 =	vld.idx.msk [tilespmem:v2+s7+$0x0], $0xffff;
	v2 =	vmovc v18  }
0x1c8: {  	v30 =	vmul.f32 v36, v19;
	v29 =	vmul.f32 v37, v19;
	v18 =	vor.u32 $0x1, v2;
	v24 =	vld.idx.msk [tilespmem:v6+s7+$0x0], $0xffff;
	v6 =	vmovc v32  }
0x1c9: {  	v19 =	vadd.f32 $1.000000010e-10, v35;
	v32 =	vpop (erf);
	(erf) = vpow2.f32 v28;
	v28 =	vadd.f32 v39, v31  }
0x1ca: {  	v31 =	vadd.f32 v33, v34;
	v34 =	vmul.f32 v30, v40;
	v33 =	vmul.f32 v30, v43  }
0x1cb: {  	_ =	sdelay $0x2  }
0x1cc: {  	v35 =	vpop (erf)  }
0x1cd: {  	v32 =	vadd.f32 $1.000000000e+00, v32;
	v36 =	vpop (erf)  }
0x1ce: {  	v36 =	vadd.f32 $1.000000000e+00, v36  }
0x1cf: {  	(erf) = vrcp.f32 v32  }
0x1d0: {  	(erf) = vrcp.f32 v36;
	_ =	sdelay $0x1  }
0x1d1: {  	v27 =	vmul.f32 v30, v27;
	v15 =	vld.idx.msk [tilespmem:v15+s7+$0x0], $0xffff;
	v21 =	vmul.f32 v21, v29  }
0x1d2: {  	v26 =	vadd.f32 v30, v26;
	v14 =	vld.idx.msk [tilespmem:v14+s7+$0x0], $0xffff;
	v22 =	vmul.f32 v22, v29;
	v56 =	vadd.f32 $1.000000000e+00, v35  }
0x1d3: {  	vm0 =	vgt.s32 v4, s16;
	vm1 =	vgt.s32 v4, s0;
	v24 =	vmul.f32 v21, v24;
	v29 =	vpop (erf)  }
0x1d4: {  	v25 =	vadd.f32 v34, v25;
	(erf) = vrcp.f32 v56;
	v29 =	vadd.f32 $1.000000000e+00, v29  }
0x1d5: {  	v5 =	vld.idx.msk [tilespmem:v5+s7+$0x0], $0xffff;
	v23 =	vmul.f32 v21, v23;
	v27 =	vadd.f32 v27, v28;
	v20 =	vmul.f32 v20, v22  }
0x1d6: {  	v10 =	vld.idx.msk [tilespmem:v10+s7+$0x0], $0xffff;
	v19 =	vmul.f32 v19, v22;
	v22 =	vadd.f32 v21, v26;
	(erf) = vrcp.f32 v29  }
0x1d7: {  	v15 =	vmul.f32 v21, v15;
	v21 =	vadd.f32 v24, v27;
	v14 =	vmul.f32 v20, v14;
	v24 =	vpop (erf)  }
0x1d8: {  	v12 =	vld.idx.msk [tilespmem:v12+s7+$0x0], $0xffff;
	vm10 =	vgt.s32 v4, s30;
	v30 =	vadd.f32 v33, v31;
	v23 =	vadd.f32 v23, v25;
	v25 =	vpop (erf)  }
0x1d9: {  	v11 =	vld.idx.msk [tilespmem:v11+s7+$0x0], $0xffff;
	v22 =	vadd.f32 v20, v22;
	v14 =	vadd.f32 v14, v21;
	v21 =	vnsel vm0, $0x0, v25  }
0x1da: {  	v9 =	vld.idx.msk [tilespmem:v9+s7+$0x0], $0xffff;
	v5 =	vmul.f32 v20, v5;
	v24 =	vnsel vm1, $0x0, v24;
	v25 =	vsub.f32 $1.000000000e+00, v21  }
0x1db: {  	v10 =	vmul.f32 v20, v10;
	v15 =	vadd.f32 v15, v30;
	v20 =	vsub.f32 $1.000000000e+00, v24  }
0x1dc: {  	v3 =	vld.idx.msk [tilespmem:v3+s7+$0x0], $0xffff;
	v5 =	vadd.f32 v5, v23;
	v21 =	vmul.f32 v21, v19;
	v25 =	vadd.f32 $1.000000010e-10, v25  }
0x1dd: {  	v7 =	vld.idx.msk [tilespmem:v7+s7+$0x0], $0xffff;
	vm11 =	vgt.s32 v4, s28;
	v10 =	vadd.f32 v10, v15;
	v15 =	vadd.f32 $1.000000010e-10, v20;
	v23 =	vpop (erf)  }
0x1de: {  	v8 =	vld.idx.msk [tilespmem:v8+s7+$0x0], $0xffff;
	v20 =	vnsel vm10, $0x0, v23;
	v12 =	vmul.f32 v21, v12;
	v19 =	vmul.f32 v25, v19  }
0x1df: {  	v2 =	vld.idx.msk [tilespmem:v2+s7+$0x0], $0xffff;
	v23 =	vsub.f32 $1.000000000e+00, v20;
	v4 =	vpop (erf);
	v11 =	vmul.f32 v21, v11;
	v9 =	vmul.f32 v21, v9  }
0x1e0: {  	v6 =	vld.idx.msk [tilespmem:v6+s7+$0x0], $0xffff;
	v4 =	vnsel vm11, $0x0, v4;
	v21 =	vadd.f32 v21, v22;
	v24 =	vmul.f32 v24, v19  }
0x1e1: {  	v23 =	vadd.f32 $1.000000010e-10, v23;
	v5 =	vadd.f32 v11, v5;
	v11 =	vmul.f32 v15, v19;
	v15 =	vld.idx.msk [tilespmem:v18+s7+$0x0], $0xffff  }
0x1e2: {  	v13 =	vld.idx.msk [tilespmem:v13+s7+$0x0], $0xffff;
	v12 =	vadd.f32 v12, v14;
	v3 =	vmul.f32 v24, v3;
	v7 =	vmul.f32 v24, v7  }
0x1e3: {  	v9 =	vadd.f32 v9, v10;
	v14 =	vld.idx.msk [tilespmem:v17+s7+$0x0], $0xffff;
	v10 =	vmul.f32 v20, v11;
	v11 =	vmul.f32 v23, v11  }
0x1e4: {  	v8 =	vmul.f32 v24, v8;
	v17 =	vadd.f32 v24, v21;
	v3 =	vadd.f32 v3, v5;
	v5 =	vld.idx.msk [tilespmem:v16+s7+$0x0], $0xffff  }
0x1e5: {  	v7 =	vadd.f32 v7, v9;
	v2 =	vmul.f32 v10, v2;
	v4 =	vmul.f32 v4, v11  }
0x1e6: {  	v8 =	vadd.f32 v8, v12;
	v6 =	vmul.f32 v10, v6;
	v9 =	vmul.f32 v10, v15  }
0x1e7: {  	v10 =	vadd.f32 v10, v17;
	v11 =	vmul.f32 v4, v13;
	v2 =	vadd.f32 v2, v3  }
0x1e8: {  	s3 =	simm.s32 $0x1;
	v3 =	vmul.f32 v4, v14;
	v6 =	vadd.f32 v6, v8;
	v7 =	vadd.f32 v9, v7  }
0x1e9: {  	s20 =	simm.s32 $0x2;
	v8 =	vmov s3;
	v2 =	vadd.f32 v11, v2;
	v5 =	vmul.f32 v4, v5  }
0x1ea: {  	s1 =	simm.s32 $0x0;
	v3 =	vadd.f32 v3, v7;
	v7 =	vshll.u32 v8, $0x4;
	v8 =	vmov s20  }
0x1eb: {  	v18 =	vor.u32 v1, v7;
	v7 =	vshll.u32 v8, $0x4;
	v8 =	vmov s1  }
0x1ec: {  	v9 =	vor.u32 $0x3, v18;
	v19 =	vor.u32 v1, v7;
	v7 =	vshll.u32 v8, $0x4  }
0x1ed: {  	[tilespmem:s29+$0x11090] =	vst v2;
	v5 =	vadd.f32 v5, v6;
	v2 =	vor.u32 $0x3, v19;
	v20 =	vor.u32 v1, v7  }
0x1ee: {  	s19 =	simm.s32 $0x3;
	v4 =	vadd.f32 v4, v10;
	[tilespmem:s29+$0x13090] =	vst v3;
	v3 =	vor.u32 $0x3, v20  }
0x1ef: {  	[tilespmem:s29+$0x15090] =	vst v5;
	v5 =	vmov s19  }
0x1f0: {  	[tilespmem:s29+$0x17090] =	vst v4;
	v4 =	vshll.u32 v5, $0x4  }
0x1f1: {  	v5 =	vor.u32 v1, v4;
	v6 =	vld.idx.msk [tilespmem:v9+s8+$0x0], $0xffff  }
0x1f2: {  	v4 =	vor.u32 $0x3, v5;
	v2 =	vld.idx.msk [tilespmem:v2+s8+$0x0], $0xffff  }
0x1f3: {  	v3 =	vld.idx.msk [tilespmem:v3+s8+$0x0], $0xffff;
	_ =	sdelay $0x2  }
0x1f4: {  	v6 =	vsub.f32 $0.0e+00, v6  }
0x1f5: {  	v4 =	vld.idx.msk [tilespmem:v4+s8+$0x0], $0xffff;
	v2 =	vsub.f32 $0.0e+00, v2  }
0x1f6: {  	v6 =	vmul.f32 $1.442695020e+00, v6;
	v3 =	vsub.f32 $0.0e+00, v3  }
0x1f7: {  	v2 =	vmul.f32 $1.442695020e+00, v2  }
0x1f8: {  	(erf) = vpow2.f32 v6;
	v3 =	vmul.f32 $1.442695020e+00, v3  }
0x1f9: {  	(erf) = vpow2.f32 v2  }
0x1fa: {  	v2 =	vsub.f32 $0.0e+00, v4;
	(erf) = vpow2.f32 v3;
	_ =	sdelay $0x1  }
0x1fb: {  	v2 =	vmul.f32 $1.442695020e+00, v2  }
0x1fc: {  	s0 =	simm.s32 $0x5  }
0x1fd: {  	(erf) = vpow2.f32 v2;
	v2 =	vmov s0  }
0x1fe: {  	s30 =	simm.s32 $0x6;
	v2 =	vshll.u32 v2, $0x4  }
0x1ff: {  	v31 =	vimm.f32 $0.0e+00;
	v3 =	vor.u32 v1, v2;
	v2 =	vmov s30  }
0x200: {  	v23 =	vimm.f32 $1.000000000e+00;
	v7 =	vor.u32 $0x3, v3;
	v2 =	vshll.u32 v2, $0x4;
	v4 =	vpop (erf)  }
0x201: {  	v22 =	vor.u32 $0x1, v18;
	v2 =	vor.u32 v1, v2;
	v6 =	vpop (erf);
	v4 =	vadd.f32 $1.000000000e+00, v4  }
0x202: {  	s16 =	simm.s32 $0x4;
	v24 =	vor.u32 $0x2, v18;
	v57 =	vor.u32 $0x2, v19;
	v9 =	vor.u32 $0x3, v2;
	v8 =	vpop (erf)  }
0x203: {  	v8 =	vadd.f32 $1.000000000e+00, v8;
	(erf) = vrcp.f32 v4;
	v4 =	vmov s16  }
0x204: {  	v15 =	vor.u32 $0x1, v19;
	v16 =	vor.u32 $0x2, v20;
	v4 =	vshll.u32 v4, $0x4  }
0x205: {  	s28 =	simm.s32 $0x7;
	v6 =	vadd.f32 $1.000000000e+00, v6;
	v17 =	vld.idx.msk [tilespmem:v7+s8+$0x0], $0xffff;
	(erf) = vrcp.f32 v8;
	v11 =	vor.u32 v1, v4  }
0x206: {  	v21 =	vor.u32 $0x1, v20;
	v7 =	vmov s28;
	v4 =	vld [tilespmem:$0x11020];
	v25 =	vor.u32 $0x3, v11  }
0x207: {  	v10 =	vor.u32 $0x1, v5;
	v7 =	vshll.u32 v7, $0x4;
	(erf) = vrcp.f32 v6;
	v26 =	vld.idx.msk [tilespmem:v9+s8+$0x0], $0xffff  }
0x208: {  	v14 =	vor.u32 $0x2, v5;
	v13 =	vor.u32 v1, v7;
	v7 =	vor.u32 $0x1, v3;
	v8 =	vpop (erf)  }
0x209: {  	v9 =	vor.u32 $0x1, v11;
	v27 =	vor.u32 $0x3, v13;
	v8 =	vadd.f32 $1.000000000e+00, v8  }
0x20a: {  	v29 =	vld.idx.msk [tilespmem:v16+s8+$0x0], $0xffff;
	v12 =	vor.u32 $0x2, v11;
	v6 =	vor.u32 $0x2, v2;
	v16 =	vor.u32 $0x2, v13  }
0x20b: {  	v28 =	vsub.f32 $0.0e+00, v17;
	v17 =	vor.u32 $0x1, v13;
	(erf) = vrcp.f32 v8;
	v25 =	vld.idx.msk [tilespmem:v25+s8+$0x0], $0xffff  }
0x20c: {  	v8 =	vor.u32 $0x2, v3;
	vm12 =	vgt.s32 v4, s3;
	v26 =	vsub.f32 $0.0e+00, v26  }
0x20d: {  	v20 =	vld.idx.msk [tilespmem:v20+s8+$0x0], $0xffff;
	vm13 =	vgt.s32 v4, s1;
	vm14 =	vgt.s32 v4, s20;
	v28 =	vmul.f32 $1.442695020e+00, v28;
	v30 =	vpop (erf)  }
0x20e: {  	vm15 =	vgt.s32 v4, s19;
	v27 =	vld.idx.msk [tilespmem:v27+s8+$0x0], $0xffff;
	v30 =	vnsel vm12, $0x0, v30;
	v26 =	vmul.f32 $1.442695020e+00, v26;
	v58 =	vpop (erf)  }
0x20f: {  	v60 =	vld.idx.msk [tilespmem:v21+s8+$0x0], $0xffff;
	v59 =	vsub.f32 $1.000000000e+00, v30;
	(erf) = vpow2.f32 v28;
	v33 =	vnsel vm13, $0x0, v58  }
0x210: {  	v21 =	vpop (erf);
	(erf) = vpow2.f32 v26;
	v28 =	vmul.f32 v33, v23;
	v25 =	vsub.f32 $0.0e+00, v25  }
0x211: {  	v33 =	vsub.f32 $1.000000000e+00, v33;
	v34 =	vadd.f32 $1.000000010e-10, v59;
	v21 =	vnsel vm14, $0x0, v21  }
0x212: {  	v61 =	vmul.f32 v28, v29;
	v29 =	vsub.f32 $1.000000000e+00, v21;
	v25 =	vmul.f32 $1.442695020e+00, v25  }
0x213: {  	v62 =	vld.idx.msk [tilespmem:v18+s8+$0x0], $0xffff;
	v27 =	vsub.f32 $0.0e+00, v27;
	v26 =	vadd.f32 $1.000000010e-10, v33;
	v37 =	vmul.f32 v28, v20  }
0x214: {  	v38 =	vld.idx.msk [tilespmem:v22+s8+$0x0], $0xffff;
	v35 =	vmul.f32 v28, v60;
	v22 =	vadd.f32 $1.000000010e-10, v29;
	(erf) = vpow2.f32 v25  }
0x215: {  	v18 =	vpop (erf);
	v23 =	vmul.f32 v26, v23;
	v26 =	vadd.f32 v28, v31;
	v28 =	vmul.f32 $1.442695020e+00, v27;
	v27 =	vld.idx.msk [tilespmem:v24+s8+$0x0], $0xffff  }
0x216: {  	v20 =	vnsel vm15, $0x0, v18;
	v25 =	vadd.f32 v37, v31;
	v18 =	vor.u32 $0x1, v2  }
0x217: {  	v24 =	vld.idx.msk [tilespmem:v57+s8+$0x0], $0xffff;
	v63 =	vsub.f32 $1.000000000e+00, v20;
	v30 =	vmul.f32 v30, v23;
	v29 =	vmul.f32 v34, v23  }
0x218: {  	v23 =	vld.idx.msk [tilespmem:v19+s8+$0x0], $0xffff;
	(erf) = vpow2.f32 v28;
	v28 =	vadd.f32 v61, v31;
	v31 =	vadd.f32 v35, v31  }
0x219: {  	s20 =	simm.s32 $0x8;
	v19 =	vadd.f32 $1.000000010e-10, v63;
	v32 =	vpop (erf);
	v34 =	vmul.f32 v30, v62;
	v33 =	vmul.f32 v30, v38  }
.LBB2_7:
0x21a: {  	p0 =	sne.s32 s20, $0x1C;
	v27 =	vmul.f32 v30, v27;
	v26 =	vadd.f32 v30, v26;
	v21 =	vmul.f32 v21, v29;
	s3 =	smov.u32 s20;
	s20 =	sadd.s32 $0x4, s20  }
0x21b: {  	v22 =	vmul.f32 v22, v29;
	s1 =	sadd.s32 $0x1, s3;
	v30 =	vpop (erf);
	v25 =	vadd.f32 v34, v25;
	v31 =	vadd.f32 v33, v31;
	v29 =	vld.idx.msk [tilespmem:v10+s8+$0x0], $0xffff  }
0x21c: {  	v32 =	vadd.f32 $1.000000000e+00, v32;
	v10 =	vmovc v17;
	v33 =	vmov s1;
	v27 =	vadd.f32 v27, v28;
	v28 =	vld.idx.msk [tilespmem:v5+s8+$0x0], $0xffff;
	v5 =	vmovc v13  }
0x21d: {  	s19 =	sadd.s32 $0x2, s3;
	v17 =	vmul.f32 v21, v23;
	v23 =	vmul.f32 v21, v24;
	v13 =	vshll.u32 v33, $0x4;
	v24 =	vld.idx.msk [tilespmem:v14+s8+$0x0], $0xffff;
	v14 =	vmovc v16  }
0x21e: {  	v20 =	vmul.f32 v20, v22;
	v33 =	vor.u32 v1, v13;
	v13 =	vmov s19;
	v16 =	vpop (erf);
	v34 =	vld.idx.msk [tilespmem:v15+s8+$0x0], $0xffff  }
0x21f: {  	v19 =	vmul.f32 v19, v22;
	v15 =	vmovc v18;
	v35 =	vor.u32 $0x3, v33;
	v13 =	vshll.u32 v13, $0x4  }
0x220: {  	v22 =	vadd.f32 $1.000000000e+00, v30;
	v26 =	vadd.f32 v21, v26;
	v18 =	vor.u32 v1, v13  }
0x221: {  	v16 =	vadd.f32 $1.000000000e+00, v16;
	v29 =	vmul.f32 v20, v29;
	v13 =	vor.u32 $0x3, v18;
	v30 =	vpop (erf)  }
0x222: {  	v23 =	vadd.f32 v23, v27;
	v27 =	vmul.f32 v20, v28;
	v30 =	vadd.f32 $1.000000000e+00, v30  }
0x223: {  	v28 =	vmov s3;
	v24 =	vmul.f32 v20, v24;
	(erf) = vrcp.f32 v32  }
0x224: {  	s12 =	sadd.s32 $0x3, s3;
	v28 =	vshll.u32 v28, $0x4;
	v32 =	vld.idx.msk [tilespmem:v35+s8+$0x0], $0xffff;
	(erf) = vrcp.f32 v16;
	v16 =	vmul.f32 v21, v34  }
0x225: {  	v21 =	vor.u32 v1, v28;
	v28 =	vor.u32 $0x1, v33;
	v34 =	vmov s12  }
0x226: {  	v17 =	vadd.f32 v17, v25;
	v35 =	vor.u32 $0x3, v21;
	v34 =	vshll.u32 v34, $0x4  }
0x227: {  	v16 =	vadd.f32 v16, v31;
	v25 =	vld.idx.msk [tilespmem:v13+s8+$0x0], $0xffff;
	v13 =	vor.u32 v1, v34;
	(erf) = vrcp.f32 v22  }
0x228: {  	v31 =	vadd.f32 v24, v23;
	v23 =	vadd.f32 v20, v26;
	v22 =	vor.u32 $0x3, v13  }
0x229: {  	v24 =	vadd.f32 v27, v17;
	v34 =	vadd.f32 v29, v16;
	(erf) = vrcp.f32 v30  }
0x22a: {  	v20 =	vor.u32 $0x1, v21;
	v16 =	vsub.f32 $0.0e+00, v32;
	v26 =	vld.idx.msk [tilespmem:v12+s8+$0x0], $0xffff;
	v12 =	vor.u32 $0x2, v21  }
0x22b: {  	v29 =	vor.u32 $0x2, v33;
	v17 =	vor.u32 $0x1, v13;
	v32 =	vor.u32 $0x2, v18;
	v27 =	vld.idx.msk [tilespmem:v35+s8+$0x0], $0xffff  }
0x22c: {  	vm0 =	vgt.s32 v4, s0;
	s0 =	smov.u32 s1;
	v30 =	vmul.f32 $1.442695020e+00, v16;
	v16 =	vor.u32 $0x2, v13;
	v35 =	vld.idx.msk [tilespmem:v11+s8+$0x0], $0xffff;
	v11 =	vpop (erf)  }
0x22d: {  	vm1 =	vgt.s32 v4, s16;
	s16 =	smov.u32 s3;
	v25 =	vsub.f32 $0.0e+00, v25;
	v22 =	vld.idx.msk [tilespmem:v22+s8+$0x0], $0xffff;
	v36 =	vnsel vm0, $0x0, v11;
	v11 =	vpop (erf)  }
0x22e: {  	vm0 =	vgt.s32 v4, s30;
	s30 =	smov.u32 s19;
	v37 =	vnsel vm1, $0x0, v11;
	v38 =	vld.idx.msk [tilespmem:v9+s8+$0x0], $0xffff;
	v39 =	vsub.f32 $1.000000000e+00, v36;
	v11 =	vmovc v21;
	v9 =	vmovc v20  }
0x22f: {  	(erf) = vpow2.f32 v30;
	v30 =	vmul.f32 v37, v19;
	v20 =	vsub.f32 $1.000000000e+00, v37  }
0x230: {  	v25 =	vmul.f32 $1.442695020e+00, v25;
	vm1 =	vgt.s32 v4, s28;
	s28 =	smov.u32 s12;
	v37 =	vadd.f32 $1.000000010e-10, v39;
	v21 =	vpop (erf)  }
0x231: {  	v27 =	vsub.f32 $0.0e+00, v27;
	v39 =	vmul.f32 v30, v26;
	v21 =	vnsel vm0, $0x0, v21  }
0x232: {  	(erf) = vpow2.f32 v25;
	v25 =	vadd.f32 $1.000000010e-10, v20;
	v40 =	vld.idx.msk [tilespmem:v3+s8+$0x0], $0xffff;
	v20 =	vsub.f32 $1.000000000e+00, v21;
	v26 =	vpop (erf)  }
0x233: {  	v35 =	vmul.f32 v30, v35;
	v41 =	vmul.f32 $1.442695020e+00, v27;
	v42 =	vsub.f32 $0.0e+00, v22;
	v3 =	vmovc v33;
	v43 =	vld.idx.msk [tilespmem:v7+s8+$0x0], $0xffff;
	v7 =	vmovc v28  }
0x234: {  	v33 =	vmul.f32 v30, v38;
	v27 =	vld.idx.msk [tilespmem:v8+s8+$0x0], $0xffff;
	v22 =	vadd.f32 $1.000000010e-10, v20;
	v20 =	vnsel vm1, $0x0, v26;
	v8 =	vmovc v29  }
.Ltmp4:
0x235: {  	v19 =	vmul.f32 v25, v19;
	v26 =	vadd.f32 v30, v23;
	(erf) = vpow2.f32 v41;
	(pc) =	sbr.rel @p0 .LBB2_7-.Ltmp4, $4  }
0x236: {  	v28 =	vmul.f32 $1.442695020e+00, v42;
	v25 =	vadd.f32 v35, v24;
	v35 =	vsub.f32 $1.000000000e+00, v20;
	v23 =	vld.idx.msk [tilespmem:v2+s8+$0x0], $0xffff;
	v2 =	vmovc v18  }
0x237: {  	v30 =	vmul.f32 v36, v19;
	v29 =	vmul.f32 v37, v19;
	v18 =	vor.u32 $0x1, v2;
	v24 =	vld.idx.msk [tilespmem:v6+s8+$0x0], $0xffff;
	v6 =	vmovc v32  }
0x238: {  	v19 =	vadd.f32 $1.000000010e-10, v35;
	v32 =	vpop (erf);
	(erf) = vpow2.f32 v28;
	v28 =	vadd.f32 v39, v31  }
0x239: {  	v31 =	vadd.f32 v33, v34;
	v34 =	vmul.f32 v30, v40;
	v33 =	vmul.f32 v30, v43  }
0x23a: {  	_ =	sdelay $0x2  }
0x23b: {  	v35 =	vpop (erf)  }
0x23c: {  	v32 =	vadd.f32 $1.000000000e+00, v32;
	v36 =	vpop (erf)  }
0x23d: {  	v36 =	vadd.f32 $1.000000000e+00, v36  }
0x23e: {  	(erf) = vrcp.f32 v32  }
0x23f: {  	(erf) = vrcp.f32 v36;
	_ =	sdelay $0x1  }
0x240: {  	v27 =	vmul.f32 v30, v27;
	v15 =	vld.idx.msk [tilespmem:v15+s8+$0x0], $0xffff;
	v21 =	vmul.f32 v21, v29  }
0x241: {  	v26 =	vadd.f32 v30, v26;
	v14 =	vld.idx.msk [tilespmem:v14+s8+$0x0], $0xffff;
	v22 =	vmul.f32 v22, v29;
	v55 =	vadd.f32 $1.000000000e+00, v35  }
0x242: {  	vm0 =	vgt.s32 v4, s16;
	vm1 =	vgt.s32 v4, s0;
	v24 =	vmul.f32 v21, v24;
	v29 =	vpop (erf)  }
0x243: {  	v25 =	vadd.f32 v34, v25;
	(erf) = vrcp.f32 v55;
	v29 =	vadd.f32 $1.000000000e+00, v29  }
0x244: {  	v5 =	vld.idx.msk [tilespmem:v5+s8+$0x0], $0xffff;
	v23 =	vmul.f32 v21, v23;
	v27 =	vadd.f32 v27, v28;
	v20 =	vmul.f32 v20, v22  }
0x245: {  	v10 =	vld.idx.msk [tilespmem:v10+s8+$0x0], $0xffff;
	v19 =	vmul.f32 v19, v22;
	v22 =	vadd.f32 v21, v26;
	(erf) = vrcp.f32 v29  }
0x246: {  	v15 =	vmul.f32 v21, v15;
	v21 =	vadd.f32 v24, v27;
	v14 =	vmul.f32 v20, v14;
	v24 =	vpop (erf)  }
0x247: {  	v12 =	vld.idx.msk [tilespmem:v12+s8+$0x0], $0xffff;
	vm10 =	vgt.s32 v4, s30;
	v30 =	vadd.f32 v33, v31;
	v23 =	vadd.f32 v23, v25;
	v25 =	vpop (erf)  }
0x248: {  	v11 =	vld.idx.msk [tilespmem:v11+s8+$0x0], $0xffff;
	v22 =	vadd.f32 v20, v22;
	v14 =	vadd.f32 v14, v21;
	v21 =	vnsel vm0, $0x0, v25  }
0x249: {  	v9 =	vld.idx.msk [tilespmem:v9+s8+$0x0], $0xffff;
	v5 =	vmul.f32 v20, v5;
	v24 =	vnsel vm1, $0x0, v24;
	v25 =	vsub.f32 $1.000000000e+00, v21  }
0x24a: {  	v10 =	vmul.f32 v20, v10;
	v15 =	vadd.f32 v15, v30;
	v20 =	vsub.f32 $1.000000000e+00, v24  }
0x24b: {  	v3 =	vld.idx.msk [tilespmem:v3+s8+$0x0], $0xffff;
	v5 =	vadd.f32 v5, v23;
	v21 =	vmul.f32 v21, v19;
	v25 =	vadd.f32 $1.000000010e-10, v25  }
0x24c: {  	v7 =	vld.idx.msk [tilespmem:v7+s8+$0x0], $0xffff;
	vm11 =	vgt.s32 v4, s28;
	v10 =	vadd.f32 v10, v15;
	v15 =	vadd.f32 $1.000000010e-10, v20;
	v23 =	vpop (erf)  }
0x24d: {  	v8 =	vld.idx.msk [tilespmem:v8+s8+$0x0], $0xffff;
	v20 =	vnsel vm10, $0x0, v23;
	v12 =	vmul.f32 v21, v12;
	v19 =	vmul.f32 v25, v19  }
0x24e: {  	v2 =	vld.idx.msk [tilespmem:v2+s8+$0x0], $0xffff;
	v23 =	vsub.f32 $1.000000000e+00, v20;
	v4 =	vpop (erf);
	v11 =	vmul.f32 v21, v11;
	v9 =	vmul.f32 v21, v9  }
0x24f: {  	v6 =	vld.idx.msk [tilespmem:v6+s8+$0x0], $0xffff;
	v4 =	vnsel vm11, $0x0, v4;
	v21 =	vadd.f32 v21, v22;
	v24 =	vmul.f32 v24, v19  }
0x250: {  	v23 =	vadd.f32 $1.000000010e-10, v23;
	v5 =	vadd.f32 v11, v5;
	v11 =	vmul.f32 v15, v19;
	v15 =	vld.idx.msk [tilespmem:v18+s8+$0x0], $0xffff  }
0x251: {  	v13 =	vld.idx.msk [tilespmem:v13+s8+$0x0], $0xffff;
	v12 =	vadd.f32 v12, v14;
	v3 =	vmul.f32 v24, v3;
	v7 =	vmul.f32 v24, v7  }
0x252: {  	v9 =	vadd.f32 v9, v10;
	v14 =	vld.idx.msk [tilespmem:v17+s8+$0x0], $0xffff;
	v10 =	vmul.f32 v20, v11;
	v11 =	vmul.f32 v23, v11  }
0x253: {  	v8 =	vmul.f32 v24, v8;
	v17 =	vadd.f32 v24, v21;
	v3 =	vadd.f32 v3, v5;
	v5 =	vld.idx.msk [tilespmem:v16+s8+$0x0], $0xffff  }
0x254: {  	v7 =	vadd.f32 v7, v9;
	v2 =	vmul.f32 v10, v2;
	v4 =	vmul.f32 v4, v11  }
0x255: {  	v8 =	vadd.f32 v8, v12;
	v6 =	vmul.f32 v10, v6;
	v9 =	vmul.f32 v10, v15  }
0x256: {  	v10 =	vadd.f32 v10, v17;
	v11 =	vmul.f32 v4, v13;
	v2 =	vadd.f32 v2, v3  }
0x257: {  	s3 =	simm.s32 $0x1;
	v3 =	vmul.f32 v4, v14;
	v6 =	vadd.f32 v6, v8;
	v7 =	vadd.f32 v9, v7  }
0x258: {  	s20 =	simm.s32 $0x2;
	v8 =	vmov s3;
	v2 =	vadd.f32 v11, v2;
	v5 =	vmul.f32 v4, v5  }
0x259: {  	s1 =	simm.s32 $0x0;
	v3 =	vadd.f32 v3, v7;
	v7 =	vshll.u32 v8, $0x4;
	v8 =	vmov s20  }
0x25a: {  	v18 =	vor.u32 v1, v7;
	v7 =	vshll.u32 v8, $0x4;
	v8 =	vmov s1  }
0x25b: {  	v9 =	vor.u32 $0x3, v18;
	v19 =	vor.u32 v1, v7;
	v7 =	vshll.u32 v8, $0x4  }
0x25c: {  	[tilespmem:s29+$0x110A0] =	vst v2;
	v5 =	vadd.f32 v5, v6;
	v2 =	vor.u32 $0x3, v19;
	v20 =	vor.u32 v1, v7  }
0x25d: {  	s19 =	simm.s32 $0x3;
	v4 =	vadd.f32 v4, v10;
	[tilespmem:s29+$0x130A0] =	vst v3;
	v3 =	vor.u32 $0x3, v20  }
0x25e: {  	[tilespmem:s29+$0x150A0] =	vst v5;
	v5 =	vmov s19  }
0x25f: {  	[tilespmem:s29+$0x170A0] =	vst v4;
	v4 =	vshll.u32 v5, $0x4  }
0x260: {  	v5 =	vor.u32 v1, v4;
	v6 =	vld.idx.msk [tilespmem:v9+s10+$0x0], $0xffff  }
0x261: {  	v4 =	vor.u32 $0x3, v5;
	v2 =	vld.idx.msk [tilespmem:v2+s10+$0x0], $0xffff  }
0x262: {  	v3 =	vld.idx.msk [tilespmem:v3+s10+$0x0], $0xffff;
	_ =	sdelay $0x2  }
0x263: {  	v6 =	vsub.f32 $0.0e+00, v6  }
0x264: {  	v4 =	vld.idx.msk [tilespmem:v4+s10+$0x0], $0xffff;
	v2 =	vsub.f32 $0.0e+00, v2  }
0x265: {  	v6 =	vmul.f32 $1.442695020e+00, v6;
	v3 =	vsub.f32 $0.0e+00, v3  }
0x266: {  	v2 =	vmul.f32 $1.442695020e+00, v2  }
0x267: {  	(erf) = vpow2.f32 v6;
	v3 =	vmul.f32 $1.442695020e+00, v3  }
0x268: {  	(erf) = vpow2.f32 v2  }
0x269: {  	v2 =	vsub.f32 $0.0e+00, v4;
	(erf) = vpow2.f32 v3;
	_ =	sdelay $0x1  }
0x26a: {  	v2 =	vmul.f32 $1.442695020e+00, v2  }
0x26b: {  	s0 =	simm.s32 $0x5  }
0x26c: {  	(erf) = vpow2.f32 v2;
	v2 =	vmov s0  }
0x26d: {  	s30 =	simm.s32 $0x6;
	v2 =	vshll.u32 v2, $0x4  }
0x26e: {  	v31 =	vimm.f32 $0.0e+00;
	v3 =	vor.u32 v1, v2;
	v2 =	vmov s30  }
0x26f: {  	v22 =	vimm.f32 $1.000000000e+00;
	v7 =	vor.u32 $0x3, v3;
	v2 =	vshll.u32 v2, $0x4;
	v4 =	vpop (erf)  }
0x270: {  	v23 =	vor.u32 $0x1, v18;
	v24 =	vor.u32 $0x2, v18;
	v2 =	vor.u32 v1, v2;
	v6 =	vpop (erf)  }
0x271: {  	v56 =	vor.u32 $0x2, v19;
	v4 =	vadd.f32 $1.000000000e+00, v4;
	v9 =	vor.u32 $0x3, v2;
	v8 =	vpop (erf)  }
0x272: {  	s16 =	simm.s32 $0x4;
	v15 =	vor.u32 $0x1, v19;
	v16 =	vor.u32 $0x2, v20;
	v8 =	vadd.f32 $1.000000000e+00, v8  }
0x273: {  	s28 =	simm.s32 $0x7;
	v6 =	vadd.f32 $1.000000000e+00, v6;
	(erf) = vrcp.f32 v4;
	v4 =	vmov s16  }
0x274: {  	v4 =	vshll.u32 v4, $0x4;
	v17 =	vld.idx.msk [tilespmem:v7+s10+$0x0], $0xffff;
	v7 =	vmov s28;
	(erf) = vrcp.f32 v8  }
0x275: {  	v21 =	vor.u32 $0x1, v20;
	v10 =	vor.u32 v1, v4;
	v4 =	vld [tilespmem:$0x11030];
	v7 =	vshll.u32 v7, $0x4  }
0x276: {  	v25 =	vor.u32 $0x3, v10;
	(erf) = vrcp.f32 v6;
	v26 =	vld.idx.msk [tilespmem:v9+s10+$0x0], $0xffff;
	v12 =	vor.u32 v1, v7  }
0x277: {  	v14 =	vor.u32 $0x1, v5;
	v13 =	vor.u32 $0x2, v5;
	v8 =	vpop (erf);
	v27 =	vor.u32 $0x3, v12  }
0x278: {  	v7 =	vor.u32 $0x1, v3;
	v9 =	vor.u32 $0x1, v10;
	v8 =	vadd.f32 $1.000000000e+00, v8  }
0x279: {  	v29 =	vld.idx.msk [tilespmem:v16+s10+$0x0], $0xffff;
	v11 =	vor.u32 $0x2, v10;
	v6 =	vor.u32 $0x2, v2;
	v16 =	vor.u32 $0x2, v12  }
0x27a: {  	v28 =	vsub.f32 $0.0e+00, v17;
	v17 =	vor.u32 $0x1, v12;
	(erf) = vrcp.f32 v8  }
0x27b: {  	v8 =	vor.u32 $0x2, v3;
	vm12 =	vgt.s32 v4, s3;
	v25 =	vld.idx.msk [tilespmem:v25+s10+$0x0], $0xffff;
	v26 =	vsub.f32 $0.0e+00, v26  }
0x27c: {  	vm13 =	vgt.s32 v4, s1;
	vm14 =	vgt.s32 v4, s20;
	v28 =	vmul.f32 $1.442695020e+00, v28;
	v30 =	vpop (erf);
	v27 =	vld.idx.msk [tilespmem:v27+s10+$0x0], $0xffff  }
0x27d: {  	v20 =	vld.idx.msk [tilespmem:v20+s10+$0x0], $0xffff;
	vm15 =	vgt.s32 v4, s19;
	v30 =	vnsel vm12, $0x0, v30;
	v26 =	vmul.f32 $1.442695020e+00, v26;
	v57 =	vpop (erf)  }
0x27e: {  	v59 =	vld.idx.msk [tilespmem:v21+s10+$0x0], $0xffff;
	v58 =	vsub.f32 $1.000000000e+00, v30;
	(erf) = vpow2.f32 v28;
	v33 =	vnsel vm13, $0x0, v57  }
0x27f: {  	v21 =	vpop (erf);
	(erf) = vpow2.f32 v26;
	v28 =	vmul.f32 v33, v22;
	v33 =	vsub.f32 $1.000000000e+00, v33  }
0x280: {  	v34 =	vadd.f32 $1.000000010e-10, v58;
	v25 =	vsub.f32 $0.0e+00, v25;
	v21 =	vnsel vm14, $0x0, v21  }
0x281: {  	v60 =	vsub.f32 $1.000000000e+00, v21;
	v37 =	vsub.f32 $0.0e+00, v27;
	v29 =	vmul.f32 v28, v29  }
0x282: {  	v61 =	vld.idx.msk [tilespmem:v18+s10+$0x0], $0xffff;
	v26 =	vadd.f32 $1.000000010e-10, v33;
	v25 =	vmul.f32 $1.442695020e+00, v25;
	v38 =	vmul.f32 v28, v20  }
0x283: {  	v39 =	vld.idx.msk [tilespmem:v23+s10+$0x0], $0xffff;
	v35 =	vmul.f32 v28, v59;
	v27 =	vadd.f32 v28, v31;
	v62 =	vmul.f32 $1.442695020e+00, v37  }
0x284: {  	v18 =	vpop (erf);
	v23 =	vadd.f32 $1.000000010e-10, v60;
	(erf) = vpow2.f32 v25;
	v22 =	vmul.f32 v26, v22;
	v26 =	vld.idx.msk [tilespmem:v24+s10+$0x0], $0xffff  }
0x285: {  	v20 =	vnsel vm15, $0x0, v18;
	v25 =	vadd.f32 v38, v31;
	v18 =	vor.u32 $0x1, v2  }
0x286: {  	v19 =	vld.idx.msk [tilespmem:v19+s10+$0x0], $0xffff;
	v29 =	vadd.f32 v29, v31;
	v63 =	vsub.f32 $1.000000000e+00, v20;
	v30 =	vmul.f32 v30, v22  }
0x287: {  	v24 =	vld.idx.msk [tilespmem:v56+s10+$0x0], $0xffff;
	v31 =	vadd.f32 v35, v31;
	(erf) = vpow2.f32 v62;
	v28 =	vmul.f32 v34, v22  }
0x288: {  	s20 =	simm.s32 $0x8;
	v22 =	vadd.f32 $1.000000010e-10, v63;
	v32 =	vpop (erf);
	v33 =	vmul.f32 v30, v61;
	v34 =	vmul.f32 v30, v39  }
.LBB2_9:
0x289: {  	p0 =	sne.s32 s20, $0x1C;
	v26 =	vmul.f32 v30, v26;
	v27 =	vadd.f32 v30, v27;
	v21 =	vmul.f32 v21, v28;
	s3 =	smov.u32 s20;
	s20 =	sadd.s32 $0x4, s20  }
0x28a: {  	v23 =	vmul.f32 v23, v28;
	s1 =	sadd.s32 $0x1, s3;
	v30 =	vpop (erf);
	v25 =	vadd.f32 v33, v25;
	v31 =	vadd.f32 v34, v31;
	v28 =	vld.idx.msk [tilespmem:v14+s10+$0x0], $0xffff  }
0x28b: {  	v32 =	vadd.f32 $1.000000000e+00, v32;
	v14 =	vmovc v17;
	v33 =	vmov s1;
	v26 =	vadd.f32 v26, v29;
	v29 =	vld.idx.msk [tilespmem:v5+s10+$0x0], $0xffff;
	v5 =	vmovc v12  }
0x28c: {  	s19 =	sadd.s32 $0x2, s3;
	v17 =	vmul.f32 v21, v19;
	v19 =	vmul.f32 v21, v24;
	v12 =	vshll.u32 v33, $0x4;
	v24 =	vld.idx.msk [tilespmem:v13+s10+$0x0], $0xffff;
	v13 =	vmovc v16  }
0x28d: {  	v20 =	vmul.f32 v20, v23;
	v33 =	vor.u32 v1, v12;
	v12 =	vmov s19;
	v16 =	vpop (erf);
	v34 =	vld.idx.msk [tilespmem:v15+s10+$0x0], $0xffff  }
0x28e: {  	v22 =	vmul.f32 v22, v23;
	v15 =	vmovc v18;
	v35 =	vor.u32 $0x3, v33;
	v12 =	vshll.u32 v12, $0x4  }
0x28f: {  	v23 =	vadd.f32 $1.000000000e+00, v30;
	v27 =	vadd.f32 v21, v27;
	v18 =	vor.u32 v1, v12  }
0x290: {  	v16 =	vadd.f32 $1.000000000e+00, v16;
	v28 =	vmul.f32 v20, v28;
	v12 =	vor.u32 $0x3, v18;
	v30 =	vpop (erf)  }
0x291: {  	v19 =	vadd.f32 v19, v26;
	v26 =	vmul.f32 v20, v29;
	v30 =	vadd.f32 $1.000000000e+00, v30  }
0x292: {  	v29 =	vmov s3;
	v24 =	vmul.f32 v20, v24;
	(erf) = vrcp.f32 v32  }
0x293: {  	s12 =	sadd.s32 $0x3, s3;
	v29 =	vshll.u32 v29, $0x4;
	v32 =	vld.idx.msk [tilespmem:v35+s10+$0x0], $0xffff;
	(erf) = vrcp.f32 v16;
	v16 =	vmul.f32 v21, v34  }
0x294: {  	v21 =	vor.u32 v1, v29;
	v29 =	vor.u32 $0x1, v33;
	v34 =	vmov s12  }
0x295: {  	v17 =	vadd.f32 v17, v25;
	v35 =	vor.u32 $0x3, v21;
	v34 =	vshll.u32 v34, $0x4  }
0x296: {  	v16 =	vadd.f32 v16, v31;
	v25 =	vld.idx.msk [tilespmem:v12+s10+$0x0], $0xffff;
	v12 =	vor.u32 v1, v34;
	(erf) = vrcp.f32 v23  }
0x297: {  	v31 =	vadd.f32 v24, v19;
	v19 =	vadd.f32 v20, v27;
	v23 =	vor.u32 $0x3, v12  }
0x298: {  	v24 =	vadd.f32 v26, v17;
	v34 =	vadd.f32 v28, v16;
	(erf) = vrcp.f32 v30  }
0x299: {  	v20 =	vor.u32 $0x1, v21;
	v16 =	vsub.f32 $0.0e+00, v32;
	v26 =	vld.idx.msk [tilespmem:v11+s10+$0x0], $0xffff;
	v11 =	vor.u32 $0x2, v21  }
0x29a: {  	v28 =	vor.u32 $0x2, v33;
	v17 =	vor.u32 $0x1, v12;
	v32 =	vor.u32 $0x2, v18;
	v27 =	vld.idx.msk [tilespmem:v35+s10+$0x0], $0xffff  }
0x29b: {  	vm0 =	vgt.s32 v4, s0;
	s0 =	smov.u32 s1;
	v30 =	vmul.f32 $1.442695020e+00, v16;
	v16 =	vor.u32 $0x2, v12;
	v35 =	vld.idx.msk [tilespmem:v10+s10+$0x0], $0xffff;
	v10 =	vpop (erf)  }
0x29c: {  	vm1 =	vgt.s32 v4, s16;
	s16 =	smov.u32 s3;
	v25 =	vsub.f32 $0.0e+00, v25;
	v23 =	vld.idx.msk [tilespmem:v23+s10+$0x0], $0xffff;
	v36 =	vnsel vm0, $0x0, v10;
	v10 =	vpop (erf)  }
0x29d: {  	vm0 =	vgt.s32 v4, s30;
	s30 =	smov.u32 s19;
	v37 =	vnsel vm1, $0x0, v10;
	v38 =	vld.idx.msk [tilespmem:v9+s10+$0x0], $0xffff;
	v39 =	vsub.f32 $1.000000000e+00, v36;
	v10 =	vmovc v21;
	v9 =	vmovc v20  }
0x29e: {  	(erf) = vpow2.f32 v30;
	v30 =	vmul.f32 v37, v22;
	v20 =	vsub.f32 $1.000000000e+00, v37  }
0x29f: {  	v25 =	vmul.f32 $1.442695020e+00, v25;
	vm1 =	vgt.s32 v4, s28;
	s28 =	smov.u32 s12;
	v37 =	vadd.f32 $1.000000010e-10, v39;
	v21 =	vpop (erf)  }
0x2a0: {  	v27 =	vsub.f32 $0.0e+00, v27;
	v39 =	vmul.f32 v30, v26;
	v21 =	vnsel vm0, $0x0, v21  }
0x2a1: {  	(erf) = vpow2.f32 v25;
	v25 =	vadd.f32 $1.000000010e-10, v20;
	v40 =	vld.idx.msk [tilespmem:v3+s10+$0x0], $0xffff;
	v20 =	vsub.f32 $1.000000000e+00, v21;
	v41 =	vpop (erf)  }
0x2a2: {  	v35 =	vmul.f32 v30, v35;
	v27 =	vmul.f32 $1.442695020e+00, v27;
	v42 =	vsub.f32 $0.0e+00, v23;
	v3 =	vmovc v33;
	v43 =	vld.idx.msk [tilespmem:v7+s10+$0x0], $0xffff;
	v7 =	vmovc v29  }
0x2a3: {  	v33 =	vmul.f32 v30, v38;
	v26 =	vld.idx.msk [tilespmem:v8+s10+$0x0], $0xffff;
	v23 =	vadd.f32 $1.000000010e-10, v20;
	v20 =	vnsel vm1, $0x0, v41;
	v8 =	vmovc v28  }
.Ltmp5:
0x2a4: {  	v22 =	vmul.f32 v25, v22;
	(erf) = vpow2.f32 v27;
	v27 =	vadd.f32 v30, v19;
	(pc) =	sbr.rel @p0 .LBB2_9-.Ltmp5, $4  }
0x2a5: {  	v29 =	vmul.f32 $1.442695020e+00, v42;
	v25 =	vadd.f32 v35, v24;
	v35 =	vsub.f32 $1.000000000e+00, v20;
	v19 =	vld.idx.msk [tilespmem:v2+s10+$0x0], $0xffff;
	v2 =	vmovc v18  }
0x2a6: {  	v30 =	vmul.f32 v36, v22;
	v28 =	vmul.f32 v37, v22;
	v18 =	vor.u32 $0x1, v2;
	v24 =	vld.idx.msk [tilespmem:v6+s10+$0x0], $0xffff;
	v6 =	vmovc v32  }
0x2a7: {  	v22 =	vadd.f32 $1.000000010e-10, v35;
	v32 =	vpop (erf);
	(erf) = vpow2.f32 v29;
	v29 =	vadd.f32 v39, v31  }
0x2a8: {  	v31 =	vadd.f32 v33, v34;
	v33 =	vmul.f32 v30, v40;
	v34 =	vmul.f32 v30, v43  }
0x2a9: {  	_ =	sdelay $0x2  }
0x2aa: {  	v35 =	vpop (erf)  }
0x2ab: {  	v32 =	vadd.f32 $1.000000000e+00, v32;
	v36 =	vpop (erf)  }
0x2ac: {  	v36 =	vadd.f32 $1.000000000e+00, v36  }
0x2ad: {  	(erf) = vrcp.f32 v32  }
0x2ae: {  	(erf) = vrcp.f32 v36;
	_ =	sdelay $0x2  }
0x2af: {  	v26 =	vmul.f32 v30, v26;
	v27 =	vadd.f32 v30, v27;
	v15 =	vld.idx.msk [tilespmem:v15+s10+$0x0], $0xffff  }
0x2b0: {  	v23 =	vmul.f32 v23, v28;
	v21 =	vmul.f32 v21, v28;
	v13 =	vld.idx.msk [tilespmem:v13+s10+$0x0], $0xffff;
	v30 =	vadd.f32 $1.000000000e+00, v35  }
0x2b1: {  	vm0 =	vgt.s32 v4, s16;
	v26 =	vadd.f32 v26, v29  }
0x2b2: {  	v5 =	vld.idx.msk [tilespmem:v5+s10+$0x0], $0xffff;
	vm10 =	vgt.s32 v4, s0;
	v20 =	vmul.f32 v20, v23;
	(erf) = vrcp.f32 v30  }
0x2b3: {  	v14 =	vld.idx.msk [tilespmem:v14+s10+$0x0], $0xffff;
	v25 =	vadd.f32 v33, v25;
	v19 =	vmul.f32 v21, v19;
	v24 =	vmul.f32 v21, v24;
	v29 =	vpop (erf)  }
0x2b4: {  	v22 =	vmul.f32 v22, v23;
	v23 =	vadd.f32 v21, v27;
	v15 =	vmul.f32 v21, v15;
	v21 =	vpop (erf)  }
0x2b5: {  	v28 =	vadd.f32 v34, v31;
	v24 =	vadd.f32 v24, v26;
	v13 =	vmul.f32 v20, v13;
	v26 =	vpop (erf)  }
0x2b6: {  	v19 =	vadd.f32 v19, v25;
	v29 =	vadd.f32 $1.000000000e+00, v29;
	v25 =	vnsel vm0, $0x0, v26  }
0x2b7: {  	v11 =	vld.idx.msk [tilespmem:v11+s10+$0x0], $0xffff;
	v5 =	vmul.f32 v20, v5;
	v13 =	vadd.f32 v13, v24;
	v24 =	vsub.f32 $1.000000000e+00, v25  }
0x2b8: {  	v10 =	vld.idx.msk [tilespmem:v10+s10+$0x0], $0xffff;
	v14 =	vmul.f32 v20, v14;
	v20 =	vadd.f32 v20, v23;
	(erf) = vrcp.f32 v29  }
0x2b9: {  	v9 =	vld.idx.msk [tilespmem:v9+s10+$0x0], $0xffff;
	v15 =	vadd.f32 v15, v28;
	v5 =	vadd.f32 v5, v19;
	v19 =	vnsel vm10, $0x0, v21  }
0x2ba: {  	v3 =	vld.idx.msk [tilespmem:v3+s10+$0x0], $0xffff;
	v21 =	vsub.f32 $1.000000000e+00, v19;
	v23 =	vadd.f32 $1.000000010e-10, v24  }
0x2bb: {  	vm11 =	vgt.s32 v4, s30;
	v7 =	vld.idx.msk [tilespmem:v7+s10+$0x0], $0xffff;
	v14 =	vadd.f32 v14, v15;
	v15 =	vmul.f32 v25, v22;
	v24 =	vpop (erf)  }
0x2bc: {  	v8 =	vld.idx.msk [tilespmem:v8+s10+$0x0], $0xffff;
	v21 =	vadd.f32 $1.000000010e-10, v21;
	v22 =	vmul.f32 v23, v22;
	v24 =	vnsel vm11, $0x0, v24  }
0x2bd: {  	v2 =	vld.idx.msk [tilespmem:v2+s10+$0x0], $0xffff;
	v11 =	vmul.f32 v15, v11;
	v10 =	vmul.f32 v15, v10;
	v23 =	vsub.f32 $1.000000000e+00, v24  }
0x2be: {  	vm12 =	vgt.s32 v4, s28;
	v6 =	vld.idx.msk [tilespmem:v6+s10+$0x0], $0xffff;
	v9 =	vmul.f32 v15, v9;
	v19 =	vmul.f32 v19, v22  }
0x2bf: {  	v18 =	vld.idx.msk [tilespmem:v18+s10+$0x0], $0xffff;
	v15 =	vadd.f32 v15, v20;
	v21 =	vmul.f32 v21, v22;
	v23 =	vadd.f32 $1.000000010e-10, v23  }
0x2c0: {  	v5 =	vadd.f32 v10, v5;
	v10 =	vld.idx.msk [tilespmem:v12+s10+$0x0], $0xffff;
	v11 =	vadd.f32 v11, v13;
	v3 =	vmul.f32 v19, v3  }
0x2c1: {  	v17 =	vld.idx.msk [tilespmem:v17+s10+$0x0], $0xffff;
	v9 =	vadd.f32 v9, v14;
	v4 =	vpop (erf);
	v12 =	vmul.f32 v24, v21;
	v13 =	vmul.f32 v23, v21  }
0x2c2: {  	v14 =	vld.idx.msk [tilespmem:v16+s10+$0x0], $0xffff;
	v4 =	vnsel vm12, $0x0, v4;
	v7 =	vmul.f32 v19, v7;
	v8 =	vmul.f32 v19, v8  }
0x2c3: {  	v3 =	vadd.f32 v3, v5;
	v2 =	vmul.f32 v12, v2;
	v4 =	vmul.f32 v4, v13  }
0x2c4: {  	v5 =	vadd.f32 v7, v9;
	v7 =	vadd.f32 v8, v11;
	v8 =	vmul.f32 v12, v18  }
0x2c5: {  	v6 =	vmul.f32 v12, v6;
	v2 =	vadd.f32 v2, v3;
	v9 =	vmul.f32 v4, v10  }
0x2c6: {  	v3 =	vadd.f32 v19, v15;
	v5 =	vadd.f32 v8, v5;
	v10 =	vmul.f32 v4, v17  }
0x2c7: {  	v6 =	vadd.f32 v6, v7;
	v7 =	vmul.f32 v4, v14;
	v2 =	vadd.f32 v9, v2  }
0x2c8: {  	v3 =	vadd.f32 v12, v3;
	v5 =	vadd.f32 v10, v5  }
0x2c9: {  	p0 =	seq.s32 s22, $0x3F;
	s0 =	rddreg [dreg:$0xf];
	v6 =	vadd.f32 v7, v6;
	[tilespmem:s29+$0x110B0] =	vst v2  }
0x2ca: {  	s1 =	sadd.s32 @!p0 s29, s0;
	v2 =	vadd.f32 v4, v3;
	[tilespmem:s29+$0x130B0] =	vst v5  }
0x2cb: {  	s0 =	rddreg [dreg:$0x1];
	s3 =	sshll.u32 @!p0 s1, $0x2;
	[tilespmem:s29+$0x150B0] =	vst v6  }
0x2cc: {  	s12 =	simm.s32 @!p0 $0x0;
	s0 =	sadd.s32 @!p0 s0, s3;
	[tilespmem:s29+$0x170B0] =	vst v2  }
0x2cd: {  	[tilespmem:s12], [sflag:$0x3] =	stream.linear.gather @!p0 [hbm4b:s0+s12], $0x200, $0x38;
	[tilespmem:$0x19880] =	vst v63  }
0x2ce: {  	s16 =	sadd.s32 @!p0 s3, s6;
	s0 =	simm.s32 @!p0 $0x200  }
0x2cf: {  	[tilespmem:s0], [sflag:$0x3] =	stream.linear.gather @!p0 [hbm4b:s16+s12], $0x200, $0x38;
	[tilespmem:$0x19880] =	vst v63  }
0x2d0: {  	s19 =	simm.s32 @!p0 $0x400;
	s16 =	sadd.s32 @!p0 s3, s9  }
0x2d1: {  	[tilespmem:s19], [sflag:$0x3] =	stream.linear.gather @!p0 [hbm4b:s16+s12], $0x200, $0x38;
	[tilespmem:$0x19880] =	vst v63  }
0x2d2: {  	s3 =	sadd.s32 @!p0 s3, s11;
	s16 =	simm.s32 @!p0 $0x600  }
0x2d3: {  	[tilespmem:s16], [sflag:$0x3] =	stream.linear.gather @!p0 [hbm4b:s3+s12], $0x200, $0x38;
	[tilespmem:$0x19880] =	vst v63  }
0x2d4: {  	s1 =	sshrl.u32 @!p0 s1, $0x3;
	s3 =	rddreg [dreg:$0x2]  }
0x2d5: {  	s1 =	sadd.s32 @!p0 s3, s1;
	s3 =	simm.s32 @!p0 $0x11000  }
0x2d6: {  	[tilespmem:s3], [sflag:$0x3] =	stream.linear.gather @!p0 [hbm4b:s1+s12], $0x40, $0x38;
	[tilespmem:$0x19880] =	vst v63  }
0x2d7: {  	_ =	swait.ge [sflag:s26], $0x2000  }
0x2d8: {  	[sflag:s26] =	ssyncset.done $0x0  }
0x2d9: {  	[sflag:s26] =	ssyncadd.s32 $0xFFFFE000  }
0x2da: {  	_ =	swait.ge [sflag:s26], $0x2000  }
0x2db: {  	[sflag:s26] =	ssyncset.done $0x0  }
0x2dc: {  	[sflag:s26] =	ssyncadd.s32 $0xFFFFE000  }
0x2dd: {  	_ =	swait.ge [sflag:s26], $0x2000  }
0x2de: {  	[sflag:s26] =	ssyncset.done $0x0  }
0x2df: {  	[sflag:s26] =	ssyncadd.s32 $0xFFFFE000  }
0x2e0: {  	_ =	swait.ge [sflag:s26], $0x2000  }
0x2e1: {  	[sflag:s26] =	ssyncset.done $0x0  }
0x2e2: {  	s1 =	simm.s32 @!p0 $0x3;
	[sflag:s26] =	ssyncadd.s32 $0xFFFFE000  }
0x2e3: {  	_ =	swait.ge @!p0 [sflag:s1], $0x200  }
0x2e4: {  	[sflag:s1] =	ssyncset.done @!p0 $0x0  }
0x2e5: {  	[sflag:s1] =	ssyncadd.s32 @!p0 $0xFFFFFE00  }
0x2e6: {  	_ =	swait.ge @!p0 [sflag:s1], $0x200  }
0x2e7: {  	[sflag:s1] =	ssyncset.done @!p0 $0x0  }
0x2e8: {  	[sflag:s1] =	ssyncadd.s32 @!p0 $0xFFFFFE00  }
0x2e9: {  	_ =	swait.ge @!p0 [sflag:s1], $0x200  }
0x2ea: {  	[sflag:s1] =	ssyncset.done @!p0 $0x0  }
0x2eb: {  	[sflag:s1] =	ssyncadd.s32 @!p0 $0xFFFFFE00  }
0x2ec: {  	_ =	swait.ge @!p0 [sflag:s1], $0x200  }
0x2ed: {  	[sflag:s1] =	ssyncset.done @!p0 $0x0  }
0x2ee: {  	[sflag:s1] =	ssyncadd.s32 @!p0 $0xFFFFFE00  }
0x2ef: {  	_ =	swait.ge @!p0 [sflag:s1], $0x40  }
0x2f0: {  	s20 =	simm.s32 $0x2;
	[sflag:s1] =	ssyncset.done @!p0 $0x0  }
0x2f1: {  	s3 =	simm.s32 $0x1;
	[sflag:s1] =	ssyncadd.s32 @!p0 $0xFFFFFFC0;
	s1 =	simm.s32 @!p0 $0x1000  }
0x2f2: {  	v2 =	vmov s3;
	[tilespmem:s1], [sflag:$0x1] =	stream.indirect.gather @!p0 [hbm4b:s5+s0], $0x10, s12, s0, $0xb8;
	[tilespmem:$0x19880] =	vst v63  }
0x2f3: {  	v3 =	vmov s20;
	v2 =	vshll.u32 v2, $0x4;
	s12 =	simm.s32 @!p0 $0x3000;
	s1 =	simm.s32 $0x0  }
0x2f4: {  	v18 =	vor.u32 v1, v2;
	v2 =	vshll.u32 v3, $0x4;
	v3 =	vmov s1;
	[tilespmem:s12], [sflag:$0x1] =	stream.indirect.gather @!p0 [hbm4b:s5+s0], $0x10, s0, s0, $0xb8;
	[tilespmem:$0x19880] =	vst v63  }
0x2f5: {  	v4 =	vor.u32 $0x3, v18;
	v19 =	vor.u32 v1, v2;
	s12 =	simm.s32 @!p0 $0x5000;
	v2 =	vshll.u32 v3, $0x4  }
0x2f6: {  	v3 =	vor.u32 $0x3, v19;
	v20 =	vor.u32 v1, v2;
	[tilespmem:s12], [sflag:$0x1] =	stream.indirect.gather @!p0 [hbm4b:s5+s0], $0x10, s19, s0, $0xb8;
	[tilespmem:$0x19880] =	vst v63  }
0x2f7: {  	s19 =	simm.s32 $0x3;
	v2 =	vor.u32 $0x3, v20  }
0x2f8: {  	s12 =	simm.s32 @!p0 $0x7000;
	v5 =	vmov s19  }
0x2f9: {  	[tilespmem:s12], [sflag:$0x1] =	stream.indirect.gather @!p0 [hbm4b:s5+s0], $0x10, s16, s0, $0xb8;
	v5 =	vshll.u32 v5, $0x4;
	[tilespmem:$0x19880] =	vst v63  }
0x2fa: {  	v4 =	vld.idx.msk [tilespmem:v4+s21+$0x0], $0xffff;
	v5 =	vor.u32 v1, v5  }
0x2fb: {  	v3 =	vld.idx.msk [tilespmem:v3+s21+$0x0], $0xffff;
	v6 =	vor.u32 $0x3, v5  }
0x2fc: {  	v2 =	vld.idx.msk [tilespmem:v2+s21+$0x0], $0xffff;
	_ =	sdelay $0x2  }
0x2fd: {  	v4 =	vsub.f32 $0.0e+00, v4  }
0x2fe: {  	v3 =	vsub.f32 $0.0e+00, v3;
	v6 =	vld.idx.msk [tilespmem:v6+s21+$0x0], $0xffff  }
0x2ff: {  	v4 =	vmul.f32 $1.442695020e+00, v4;
	v2 =	vsub.f32 $0.0e+00, v2  }
0x300: {  	v3 =	vmul.f32 $1.442695020e+00, v3  }
0x301: {  	(erf) = vpow2.f32 v4;
	v2 =	vmul.f32 $1.442695020e+00, v2  }
0x302: {  	(erf) = vpow2.f32 v3  }
0x303: {  	v3 =	vsub.f32 $0.0e+00, v6;
	(erf) = vpow2.f32 v2;
	_ =	sdelay $0x1  }
0x304: {  	v2 =	vmul.f32 $1.442695020e+00, v3  }
0x305: {  	s30 =	simm.s32 $0x5  }
0x306: {  	(erf) = vpow2.f32 v2;
	v2 =	vmov s30  }
0x307: {  	s0 =	simm.s32 $0x6;
	v2 =	vshll.u32 v2, $0x4  }
0x308: {  	v31 =	vimm.f32 $0.0e+00;
	v3 =	vor.u32 v1, v2;
	v2 =	vmov s0  }
0x309: {  	v23 =	vimm.f32 $1.000000000e+00;
	v22 =	vor.u32 $0x1, v18;
	v4 =	vpop (erf);
	v2 =	vshll.u32 v2, $0x4  }
0x30a: {  	v7 =	vor.u32 $0x3, v3;
	v6 =	vpop (erf);
	v4 =	vadd.f32 $1.000000000e+00, v4;
	v2 =	vor.u32 v1, v2  }
0x30b: {  	v24 =	vor.u32 $0x2, v18;
	v57 =	vor.u32 $0x2, v19;
	s16 =	simm.s32 $0x4;
	v8 =	vpop (erf);
	v9 =	vor.u32 $0x3, v2  }
0x30c: {  	v8 =	vadd.f32 $1.000000000e+00, v8;
	(erf) = vrcp.f32 v4;
	v4 =	vmov s16  }
0x30d: {  	v15 =	vor.u32 $0x1, v19;
	v16 =	vor.u32 $0x2, v20;
	v4 =	vshll.u32 v4, $0x4  }
0x30e: {  	s28 =	simm.s32 $0x7;
	v6 =	vadd.f32 $1.000000000e+00, v6;
	(erf) = vrcp.f32 v8;
	v11 =	vor.u32 v1, v4  }
0x30f: {  	v21 =	vor.u32 $0x1, v20;
	v17 =	vld.idx.msk [tilespmem:v7+s21+$0x0], $0xffff;
	v7 =	vmov s28;
	v25 =	vor.u32 $0x3, v11  }
0x310: {  	v10 =	vor.u32 $0x1, v5;
	v4 =	vld [tilespmem:$0x11040];
	v7 =	vshll.u32 v7, $0x4;
	(erf) = vrcp.f32 v6  }
0x311: {  	v14 =	vor.u32 $0x2, v5;
	v12 =	vor.u32 $0x2, v11;
	v8 =	vpop (erf);
	v26 =	vld.idx.msk [tilespmem:v9+s21+$0x0], $0xffff;
	v13 =	vor.u32 v1, v7  }
0x312: {  	v6 =	vor.u32 $0x2, v2;
	v8 =	vadd.f32 $1.000000000e+00, v8;
	v27 =	vor.u32 $0x3, v13  }
0x313: {  	v29 =	vld.idx.msk [tilespmem:v16+s21+$0x0], $0xffff;
	v7 =	vor.u32 $0x1, v3;
	v9 =	vor.u32 $0x1, v11;
	v16 =	vor.u32 $0x2, v13  }
0x314: {  	(erf) = vrcp.f32 v8;
	v28 =	vsub.f32 $0.0e+00, v17;
	v8 =	vor.u32 $0x2, v3;
	v25 =	vld.idx.msk [tilespmem:v25+s21+$0x0], $0xffff  }
0x315: {  	v17 =	vor.u32 $0x1, v13;
	vm13 =	vgt.s32 v4, s3;
	vm1 =	vgt.s32 v4, s1;
	v30 =	vpop (erf)  }
0x316: {  	v20 =	vld.idx.msk [tilespmem:v20+s21+$0x0], $0xffff;
	v28 =	vmul.f32 $1.442695020e+00, v28;
	v26 =	vsub.f32 $0.0e+00, v26;
	v30 =	vnsel vm13, $0x0, v30  }
0x317: {  	vm14 =	vgt.s32 v4, s20;
	vm15 =	vgt.s32 v4, s19;
	v27 =	vld.idx.msk [tilespmem:v27+s21+$0x0], $0xffff;
	v58 =	vpop (erf);
	v59 =	vsub.f32 $1.000000000e+00, v30  }
0x318: {  	v60 =	vld.idx.msk [tilespmem:v21+s21+$0x0], $0xffff;
	(erf) = vpow2.f32 v28;
	v26 =	vmul.f32 $1.442695020e+00, v26;
	v33 =	vnsel vm1, $0x0, v58  }
0x319: {  	v21 =	vpop (erf);
	v28 =	vmul.f32 v33, v23;
	v33 =	vsub.f32 $1.000000000e+00, v33;
	v25 =	vsub.f32 $0.0e+00, v25  }
0x31a: {  	v34 =	vadd.f32 $1.000000010e-10, v59;
	v21 =	vnsel vm14, $0x0, v21;
	(erf) = vpow2.f32 v26  }
0x31b: {  	v61 =	vmul.f32 v28, v29;
	v29 =	vsub.f32 $1.000000000e+00, v21;
	v25 =	vmul.f32 $1.442695020e+00, v25  }
0x31c: {  	v62 =	vld.idx.msk [tilespmem:v18+s21+$0x0], $0xffff;
	v26 =	vadd.f32 $1.000000010e-10, v33;
	v27 =	vsub.f32 $0.0e+00, v27;
	v37 =	vmul.f32 v28, v20  }
0x31d: {  	v38 =	vld.idx.msk [tilespmem:v22+s21+$0x0], $0xffff;
	v35 =	vmul.f32 v28, v60;
	v22 =	vadd.f32 $1.000000010e-10, v29;
	(erf) = vpow2.f32 v25  }
0x31e: {  	v18 =	vpop (erf);
	v23 =	vmul.f32 v26, v23;
	v26 =	vadd.f32 v28, v31;
	v28 =	vmul.f32 $1.442695020e+00, v27;
	v27 =	vld.idx.msk [tilespmem:v24+s21+$0x0], $0xffff  }
0x31f: {  	v20 =	vnsel vm15, $0x0, v18;
	v25 =	vadd.f32 v37, v31;
	v18 =	vor.u32 $0x1, v2  }
0x320: {  	v24 =	vld.idx.msk [tilespmem:v57+s21+$0x0], $0xffff;
	v63 =	vsub.f32 $1.000000000e+00, v20;
	v30 =	vmul.f32 v30, v23;
	v29 =	vmul.f32 v34, v23  }
0x321: {  	v23 =	vld.idx.msk [tilespmem:v19+s21+$0x0], $0xffff;
	(erf) = vpow2.f32 v28;
	v28 =	vadd.f32 v61, v31;
	v31 =	vadd.f32 v35, v31  }
0x322: {  	s20 =	simm.s32 $0x8;
	v19 =	vadd.f32 $1.000000010e-10, v63;
	v32 =	vpop (erf);
	v34 =	vmul.f32 v30, v62;
	v33 =	vmul.f32 v30, v38  }
.LBB2_11:
0x323: {  	p1 =	sne.s32 s20, $0x1C;
	v27 =	vmul.f32 v30, v27;
	v26 =	vadd.f32 v30, v26;
	v21 =	vmul.f32 v21, v29;
	s3 =	smov.u32 s20;
	s20 =	sadd.s32 $0x4, s20  }
0x324: {  	v22 =	vmul.f32 v22, v29;
	s1 =	sadd.s32 $0x1, s3;
	v30 =	vpop (erf);
	v25 =	vadd.f32 v34, v25;
	v31 =	vadd.f32 v33, v31;
	v29 =	vld.idx.msk [tilespmem:v10+s21+$0x0], $0xffff  }
0x325: {  	v32 =	vadd.f32 $1.000000000e+00, v32;
	v10 =	vmovc v17;
	v33 =	vmov s1;
	v27 =	vadd.f32 v27, v28;
	v28 =	vld.idx.msk [tilespmem:v5+s21+$0x0], $0xffff;
	v5 =	vmovc v13  }
0x326: {  	s19 =	sadd.s32 $0x2, s3;
	v17 =	vmul.f32 v21, v23;
	v23 =	vmul.f32 v21, v24;
	v13 =	vshll.u32 v33, $0x4;
	v24 =	vld.idx.msk [tilespmem:v14+s21+$0x0], $0xffff;
	v14 =	vmovc v16  }
0x327: {  	v20 =	vmul.f32 v20, v22;
	v33 =	vor.u32 v1, v13;
	v13 =	vmov s19;
	v16 =	vpop (erf);
	v34 =	vld.idx.msk [tilespmem:v15+s21+$0x0], $0xffff  }
0x328: {  	v19 =	vmul.f32 v19, v22;
	v15 =	vmovc v18;
	v35 =	vor.u32 $0x3, v33;
	v13 =	vshll.u32 v13, $0x4  }
0x329: {  	v22 =	vadd.f32 $1.000000000e+00, v30;
	v26 =	vadd.f32 v21, v26;
	v18 =	vor.u32 v1, v13  }
0x32a: {  	v16 =	vadd.f32 $1.000000000e+00, v16;
	v29 =	vmul.f32 v20, v29;
	v13 =	vor.u32 $0x3, v18;
	v30 =	vpop (erf)  }
0x32b: {  	v23 =	vadd.f32 v23, v27;
	v27 =	vmul.f32 v20, v28;
	v30 =	vadd.f32 $1.000000000e+00, v30  }
0x32c: {  	v28 =	vmov s3;
	v24 =	vmul.f32 v20, v24;
	(erf) = vrcp.f32 v32  }
0x32d: {  	s12 =	sadd.s32 $0x3, s3;
	v28 =	vshll.u32 v28, $0x4;
	v32 =	vld.idx.msk [tilespmem:v35+s21+$0x0], $0xffff;
	(erf) = vrcp.f32 v16;
	v16 =	vmul.f32 v21, v34  }
0x32e: {  	v21 =	vor.u32 v1, v28;
	v28 =	vor.u32 $0x1, v33;
	v34 =	vmov s12  }
0x32f: {  	v17 =	vadd.f32 v17, v25;
	v35 =	vor.u32 $0x3, v21;
	v34 =	vshll.u32 v34, $0x4  }
0x330: {  	v16 =	vadd.f32 v16, v31;
	v25 =	vld.idx.msk [tilespmem:v13+s21+$0x0], $0xffff;
	v13 =	vor.u32 v1, v34;
	(erf) = vrcp.f32 v22  }
0x331: {  	v31 =	vadd.f32 v24, v23;
	v23 =	vadd.f32 v20, v26;
	v22 =	vor.u32 $0x3, v13  }
0x332: {  	v24 =	vadd.f32 v27, v17;
	v34 =	vadd.f32 v29, v16;
	(erf) = vrcp.f32 v30  }
0x333: {  	v20 =	vor.u32 $0x1, v21;
	v16 =	vsub.f32 $0.0e+00, v32;
	v26 =	vld.idx.msk [tilespmem:v12+s21+$0x0], $0xffff;
	v12 =	vor.u32 $0x2, v21  }
0x334: {  	v29 =	vor.u32 $0x2, v33;
	v17 =	vor.u32 $0x1, v13;
	v32 =	vor.u32 $0x2, v18;
	v27 =	vld.idx.msk [tilespmem:v35+s21+$0x0], $0xffff  }
0x335: {  	vm0 =	vgt.s32 v4, s30;
	s30 =	smov.u32 s1;
	v30 =	vmul.f32 $1.442695020e+00, v16;
	v16 =	vor.u32 $0x2, v13;
	v35 =	vld.idx.msk [tilespmem:v11+s21+$0x0], $0xffff;
	v11 =	vpop (erf)  }
0x336: {  	vm1 =	vgt.s32 v4, s16;
	s16 =	smov.u32 s3;
	v25 =	vsub.f32 $0.0e+00, v25;
	v22 =	vld.idx.msk [tilespmem:v22+s21+$0x0], $0xffff;
	v36 =	vnsel vm0, $0x0, v11;
	v11 =	vpop (erf)  }
0x337: {  	vm0 =	vgt.s32 v4, s0;
	s0 =	smov.u32 s19;
	v37 =	vnsel vm1, $0x0, v11;
	v38 =	vld.idx.msk [tilespmem:v9+s21+$0x0], $0xffff;
	v39 =	vsub.f32 $1.000000000e+00, v36;
	v11 =	vmovc v21;
	v9 =	vmovc v20  }
0x338: {  	(erf) = vpow2.f32 v30;
	v30 =	vmul.f32 v37, v19;
	v20 =	vsub.f32 $1.000000000e+00, v37  }
0x339: {  	v25 =	vmul.f32 $1.442695020e+00, v25;
	vm1 =	vgt.s32 v4, s28;
	s28 =	smov.u32 s12;
	v37 =	vadd.f32 $1.000000010e-10, v39;
	v21 =	vpop (erf)  }
0x33a: {  	v27 =	vsub.f32 $0.0e+00, v27;
	v39 =	vmul.f32 v30, v26;
	v21 =	vnsel vm0, $0x0, v21  }
0x33b: {  	(erf) = vpow2.f32 v25;
	v25 =	vadd.f32 $1.000000010e-10, v20;
	v40 =	vld.idx.msk [tilespmem:v3+s21+$0x0], $0xffff;
	v20 =	vsub.f32 $1.000000000e+00, v21;
	v26 =	vpop (erf)  }
0x33c: {  	v35 =	vmul.f32 v30, v35;
	v41 =	vmul.f32 $1.442695020e+00, v27;
	v42 =	vsub.f32 $0.0e+00, v22;
	v3 =	vmovc v33;
	v43 =	vld.idx.msk [tilespmem:v7+s21+$0x0], $0xffff;
	v7 =	vmovc v28  }
0x33d: {  	v33 =	vmul.f32 v30, v38;
	v27 =	vld.idx.msk [tilespmem:v8+s21+$0x0], $0xffff;
	v22 =	vadd.f32 $1.000000010e-10, v20;
	v20 =	vnsel vm1, $0x0, v26;
	v8 =	vmovc v29  }
.Ltmp6:
0x33e: {  	v19 =	vmul.f32 v25, v19;
	v26 =	vadd.f32 v30, v23;
	(erf) = vpow2.f32 v41;
	(pc) =	sbr.rel @p1 .LBB2_11-.Ltmp6, $4  }
0x33f: {  	v28 =	vmul.f32 $1.442695020e+00, v42;
	v25 =	vadd.f32 v35, v24;
	v35 =	vsub.f32 $1.000000000e+00, v20;
	v23 =	vld.idx.msk [tilespmem:v2+s21+$0x0], $0xffff;
	v2 =	vmovc v18  }
0x340: {  	v30 =	vmul.f32 v36, v19;
	v29 =	vmul.f32 v37, v19;
	v18 =	vor.u32 $0x1, v2;
	v24 =	vld.idx.msk [tilespmem:v6+s21+$0x0], $0xffff;
	v6 =	vmovc v32  }
0x341: {  	v19 =	vadd.f32 $1.000000010e-10, v35;
	v32 =	vpop (erf);
	(erf) = vpow2.f32 v28;
	v28 =	vadd.f32 v39, v31  }
0x342: {  	v31 =	vadd.f32 v33, v34;
	v34 =	vmul.f32 v30, v40;
	v33 =	vmul.f32 v30, v43  }
0x343: {  	_ =	sdelay $0x2  }
0x344: {  	v35 =	vpop (erf)  }
0x345: {  	v32 =	vadd.f32 $1.000000000e+00, v32;
	v36 =	vpop (erf)  }
0x346: {  	v36 =	vadd.f32 $1.000000000e+00, v36  }
0x347: {  	(erf) = vrcp.f32 v32  }
0x348: {  	(erf) = vrcp.f32 v36;
	_ =	sdelay $0x1  }
0x349: {  	v27 =	vmul.f32 v30, v27;
	v15 =	vld.idx.msk [tilespmem:v15+s21+$0x0], $0xffff;
	v21 =	vmul.f32 v21, v29  }
0x34a: {  	v26 =	vadd.f32 v30, v26;
	v14 =	vld.idx.msk [tilespmem:v14+s21+$0x0], $0xffff;
	v22 =	vmul.f32 v22, v29;
	v56 =	vadd.f32 $1.000000000e+00, v35  }
0x34b: {  	vm0 =	vgt.s32 v4, s16;
	vm1 =	vgt.s32 v4, s30;
	v24 =	vmul.f32 v21, v24;
	v29 =	vpop (erf)  }
0x34c: {  	v25 =	vadd.f32 v34, v25;
	(erf) = vrcp.f32 v56;
	v29 =	vadd.f32 $1.000000000e+00, v29  }
0x34d: {  	v5 =	vld.idx.msk [tilespmem:v5+s21+$0x0], $0xffff;
	v23 =	vmul.f32 v21, v23;
	v27 =	vadd.f32 v27, v28;
	v20 =	vmul.f32 v20, v22  }
0x34e: {  	v10 =	vld.idx.msk [tilespmem:v10+s21+$0x0], $0xffff;
	v19 =	vmul.f32 v19, v22;
	v22 =	vadd.f32 v21, v26;
	(erf) = vrcp.f32 v29  }
0x34f: {  	v15 =	vmul.f32 v21, v15;
	v21 =	vadd.f32 v24, v27;
	v14 =	vmul.f32 v20, v14;
	v24 =	vpop (erf)  }
0x350: {  	v12 =	vld.idx.msk [tilespmem:v12+s21+$0x0], $0xffff;
	vm10 =	vgt.s32 v4, s0;
	v30 =	vadd.f32 v33, v31;
	v23 =	vadd.f32 v23, v25;
	v25 =	vpop (erf)  }
0x351: {  	v11 =	vld.idx.msk [tilespmem:v11+s21+$0x0], $0xffff;
	v22 =	vadd.f32 v20, v22;
	v14 =	vadd.f32 v14, v21;
	v21 =	vnsel vm0, $0x0, v25  }
0x352: {  	v9 =	vld.idx.msk [tilespmem:v9+s21+$0x0], $0xffff;
	v5 =	vmul.f32 v20, v5;
	v24 =	vnsel vm1, $0x0, v24;
	v25 =	vsub.f32 $1.000000000e+00, v21  }
0x353: {  	v10 =	vmul.f32 v20, v10;
	v15 =	vadd.f32 v15, v30;
	v20 =	vsub.f32 $1.000000000e+00, v24  }
0x354: {  	v3 =	vld.idx.msk [tilespmem:v3+s21+$0x0], $0xffff;
	v5 =	vadd.f32 v5, v23;
	v21 =	vmul.f32 v21, v19;
	v25 =	vadd.f32 $1.000000010e-10, v25  }
0x355: {  	v7 =	vld.idx.msk [tilespmem:v7+s21+$0x0], $0xffff;
	vm11 =	vgt.s32 v4, s28;
	v10 =	vadd.f32 v10, v15;
	v15 =	vadd.f32 $1.000000010e-10, v20;
	v23 =	vpop (erf)  }
0x356: {  	v8 =	vld.idx.msk [tilespmem:v8+s21+$0x0], $0xffff;
	v20 =	vnsel vm10, $0x0, v23;
	v12 =	vmul.f32 v21, v12;
	v19 =	vmul.f32 v25, v19  }
0x357: {  	v2 =	vld.idx.msk [tilespmem:v2+s21+$0x0], $0xffff;
	v23 =	vsub.f32 $1.000000000e+00, v20;
	v4 =	vpop (erf);
	v11 =	vmul.f32 v21, v11;
	v9 =	vmul.f32 v21, v9  }
0x358: {  	v6 =	vld.idx.msk [tilespmem:v6+s21+$0x0], $0xffff;
	v4 =	vnsel vm11, $0x0, v4;
	v21 =	vadd.f32 v21, v22;
	v24 =	vmul.f32 v24, v19  }
0x359: {  	v23 =	vadd.f32 $1.000000010e-10, v23;
	v5 =	vadd.f32 v11, v5;
	v11 =	vmul.f32 v15, v19;
	v15 =	vld.idx.msk [tilespmem:v18+s21+$0x0], $0xffff  }
0x35a: {  	v13 =	vld.idx.msk [tilespmem:v13+s21+$0x0], $0xffff;
	v12 =	vadd.f32 v12, v14;
	v3 =	vmul.f32 v24, v3;
	v7 =	vmul.f32 v24, v7  }
0x35b: {  	v9 =	vadd.f32 v9, v10;
	v14 =	vld.idx.msk [tilespmem:v17+s21+$0x0], $0xffff;
	v10 =	vmul.f32 v20, v11;
	v11 =	vmul.f32 v23, v11  }
0x35c: {  	v8 =	vmul.f32 v24, v8;
	v17 =	vadd.f32 v24, v21;
	v3 =	vadd.f32 v3, v5;
	v5 =	vld.idx.msk [tilespmem:v16+s21+$0x0], $0xffff  }
0x35d: {  	v7 =	vadd.f32 v7, v9;
	v2 =	vmul.f32 v10, v2;
	v4 =	vmul.f32 v4, v11  }
0x35e: {  	v8 =	vadd.f32 v8, v12;
	v6 =	vmul.f32 v10, v6;
	v9 =	vmul.f32 v10, v15  }
0x35f: {  	v10 =	vadd.f32 v10, v17;
	v11 =	vmul.f32 v4, v13;
	v2 =	vadd.f32 v2, v3  }
0x360: {  	s3 =	simm.s32 $0x1;
	v3 =	vmul.f32 v4, v14;
	v6 =	vadd.f32 v6, v8;
	v7 =	vadd.f32 v9, v7  }
0x361: {  	s20 =	simm.s32 $0x2;
	v8 =	vmov s3;
	v2 =	vadd.f32 v11, v2;
	v5 =	vmul.f32 v4, v5  }
0x362: {  	s1 =	simm.s32 $0x0;
	v3 =	vadd.f32 v3, v7;
	v7 =	vshll.u32 v8, $0x4;
	v8 =	vmov s20  }
0x363: {  	v18 =	vor.u32 v1, v7;
	v7 =	vshll.u32 v8, $0x4;
	v8 =	vmov s1  }
0x364: {  	v9 =	vor.u32 $0x3, v18;
	v19 =	vor.u32 v1, v7;
	v7 =	vshll.u32 v8, $0x4  }
0x365: {  	[tilespmem:s29+$0x110C0] =	vst v2;
	v5 =	vadd.f32 v5, v6;
	v2 =	vor.u32 $0x3, v19;
	v20 =	vor.u32 v1, v7  }
0x366: {  	s19 =	simm.s32 $0x3;
	v4 =	vadd.f32 v4, v10;
	[tilespmem:s29+$0x130C0] =	vst v3;
	v3 =	vor.u32 $0x3, v20  }
0x367: {  	[tilespmem:s29+$0x150C0] =	vst v5;
	v5 =	vmov s19  }
0x368: {  	[tilespmem:s29+$0x170C0] =	vst v4;
	v4 =	vshll.u32 v5, $0x4  }
0x369: {  	v5 =	vor.u32 v1, v4;
	v6 =	vld.idx.msk [tilespmem:v9+s23+$0x0], $0xffff  }
0x36a: {  	v4 =	vor.u32 $0x3, v5;
	v2 =	vld.idx.msk [tilespmem:v2+s23+$0x0], $0xffff  }
0x36b: {  	v3 =	vld.idx.msk [tilespmem:v3+s23+$0x0], $0xffff;
	_ =	sdelay $0x2  }
0x36c: {  	v6 =	vsub.f32 $0.0e+00, v6  }
0x36d: {  	v4 =	vld.idx.msk [tilespmem:v4+s23+$0x0], $0xffff;
	v2 =	vsub.f32 $0.0e+00, v2  }
0x36e: {  	v6 =	vmul.f32 $1.442695020e+00, v6;
	v3 =	vsub.f32 $0.0e+00, v3  }
0x36f: {  	v2 =	vmul.f32 $1.442695020e+00, v2  }
0x370: {  	(erf) = vpow2.f32 v6;
	v3 =	vmul.f32 $1.442695020e+00, v3  }
0x371: {  	(erf) = vpow2.f32 v2  }
0x372: {  	v2 =	vsub.f32 $0.0e+00, v4;
	(erf) = vpow2.f32 v3;
	_ =	sdelay $0x1  }
0x373: {  	v2 =	vmul.f32 $1.442695020e+00, v2  }
0x374: {  	s30 =	simm.s32 $0x5  }
0x375: {  	(erf) = vpow2.f32 v2;
	v2 =	vmov s30  }
0x376: {  	s0 =	simm.s32 $0x6;
	v2 =	vshll.u32 v2, $0x4  }
0x377: {  	v31 =	vimm.f32 $0.0e+00;
	v3 =	vor.u32 v1, v2;
	v2 =	vmov s0  }
0x378: {  	v23 =	vimm.f32 $1.000000000e+00;
	v7 =	vor.u32 $0x3, v3;
	v2 =	vshll.u32 v2, $0x4;
	v4 =	vpop (erf)  }
0x379: {  	v22 =	vor.u32 $0x1, v18;
	v2 =	vor.u32 v1, v2;
	v6 =	vpop (erf);
	v4 =	vadd.f32 $1.000000000e+00, v4  }
0x37a: {  	s16 =	simm.s32 $0x4;
	v24 =	vor.u32 $0x2, v18;
	v57 =	vor.u32 $0x2, v19;
	v9 =	vor.u32 $0x3, v2;
	v8 =	vpop (erf)  }
0x37b: {  	v8 =	vadd.f32 $1.000000000e+00, v8;
	(erf) = vrcp.f32 v4;
	v4 =	vmov s16  }
0x37c: {  	v15 =	vor.u32 $0x1, v19;
	v16 =	vor.u32 $0x2, v20;
	v4 =	vshll.u32 v4, $0x4  }
0x37d: {  	s28 =	simm.s32 $0x7;
	v6 =	vadd.f32 $1.000000000e+00, v6;
	v17 =	vld.idx.msk [tilespmem:v7+s23+$0x0], $0xffff;
	(erf) = vrcp.f32 v8;
	v11 =	vor.u32 v1, v4  }
0x37e: {  	v21 =	vor.u32 $0x1, v20;
	v7 =	vmov s28;
	v4 =	vld [tilespmem:$0x11050];
	v25 =	vor.u32 $0x3, v11  }
0x37f: {  	v10 =	vor.u32 $0x1, v5;
	v7 =	vshll.u32 v7, $0x4;
	(erf) = vrcp.f32 v6;
	v26 =	vld.idx.msk [tilespmem:v9+s23+$0x0], $0xffff  }
0x380: {  	v14 =	vor.u32 $0x2, v5;
	v13 =	vor.u32 v1, v7;
	v7 =	vor.u32 $0x1, v3;
	v8 =	vpop (erf)  }
0x381: {  	v9 =	vor.u32 $0x1, v11;
	v27 =	vor.u32 $0x3, v13;
	v8 =	vadd.f32 $1.000000000e+00, v8  }
0x382: {  	v29 =	vld.idx.msk [tilespmem:v16+s23+$0x0], $0xffff;
	v12 =	vor.u32 $0x2, v11;
	v6 =	vor.u32 $0x2, v2;
	v16 =	vor.u32 $0x2, v13  }
0x383: {  	v28 =	vsub.f32 $0.0e+00, v17;
	v17 =	vor.u32 $0x1, v13;
	(erf) = vrcp.f32 v8;
	v25 =	vld.idx.msk [tilespmem:v25+s23+$0x0], $0xffff  }
0x384: {  	v8 =	vor.u32 $0x2, v3;
	vm12 =	vgt.s32 v4, s3;
	v26 =	vsub.f32 $0.0e+00, v26  }
0x385: {  	v20 =	vld.idx.msk [tilespmem:v20+s23+$0x0], $0xffff;
	vm13 =	vgt.s32 v4, s1;
	vm14 =	vgt.s32 v4, s20;
	v28 =	vmul.f32 $1.442695020e+00, v28;
	v30 =	vpop (erf)  }
0x386: {  	vm15 =	vgt.s32 v4, s19;
	v27 =	vld.idx.msk [tilespmem:v27+s23+$0x0], $0xffff;
	v30 =	vnsel vm12, $0x0, v30;
	v26 =	vmul.f32 $1.442695020e+00, v26;
	v58 =	vpop (erf)  }
0x387: {  	v60 =	vld.idx.msk [tilespmem:v21+s23+$0x0], $0xffff;
	v59 =	vsub.f32 $1.000000000e+00, v30;
	(erf) = vpow2.f32 v28;
	v33 =	vnsel vm13, $0x0, v58  }
0x388: {  	v21 =	vpop (erf);
	(erf) = vpow2.f32 v26;
	v28 =	vmul.f32 v33, v23;
	v25 =	vsub.f32 $0.0e+00, v25  }
0x389: {  	v33 =	vsub.f32 $1.000000000e+00, v33;
	v34 =	vadd.f32 $1.000000010e-10, v59;
	v21 =	vnsel vm14, $0x0, v21  }
0x38a: {  	v61 =	vmul.f32 v28, v29;
	v29 =	vsub.f32 $1.000000000e+00, v21;
	v25 =	vmul.f32 $1.442695020e+00, v25  }
0x38b: {  	v62 =	vld.idx.msk [tilespmem:v18+s23+$0x0], $0xffff;
	v27 =	vsub.f32 $0.0e+00, v27;
	v26 =	vadd.f32 $1.000000010e-10, v33;
	v37 =	vmul.f32 v28, v20  }
0x38c: {  	v38 =	vld.idx.msk [tilespmem:v22+s23+$0x0], $0xffff;
	v35 =	vmul.f32 v28, v60;
	v22 =	vadd.f32 $1.000000010e-10, v29;
	(erf) = vpow2.f32 v25  }
0x38d: {  	v18 =	vpop (erf);
	v23 =	vmul.f32 v26, v23;
	v26 =	vadd.f32 v28, v31;
	v28 =	vmul.f32 $1.442695020e+00, v27;
	v27 =	vld.idx.msk [tilespmem:v24+s23+$0x0], $0xffff  }
0x38e: {  	v20 =	vnsel vm15, $0x0, v18;
	v25 =	vadd.f32 v37, v31;
	v18 =	vor.u32 $0x1, v2  }
0x38f: {  	v24 =	vld.idx.msk [tilespmem:v57+s23+$0x0], $0xffff;
	v63 =	vsub.f32 $1.000000000e+00, v20;
	v30 =	vmul.f32 v30, v23;
	v29 =	vmul.f32 v34, v23  }
0x390: {  	v23 =	vld.idx.msk [tilespmem:v19+s23+$0x0], $0xffff;
	(erf) = vpow2.f32 v28;
	v28 =	vadd.f32 v61, v31;
	v31 =	vadd.f32 v35, v31  }
0x391: {  	s20 =	simm.s32 $0x8;
	v19 =	vadd.f32 $1.000000010e-10, v63;
	v32 =	vpop (erf);
	v34 =	vmul.f32 v30, v62;
	v33 =	vmul.f32 v30, v38  }
.LBB2_13:
0x392: {  	p1 =	sne.s32 s20, $0x1C;
	v27 =	vmul.f32 v30, v27;
	v26 =	vadd.f32 v30, v26;
	v21 =	vmul.f32 v21, v29;
	s3 =	smov.u32 s20;
	s20 =	sadd.s32 $0x4, s20  }
0x393: {  	v22 =	vmul.f32 v22, v29;
	s1 =	sadd.s32 $0x1, s3;
	v30 =	vpop (erf);
	v25 =	vadd.f32 v34, v25;
	v31 =	vadd.f32 v33, v31;
	v29 =	vld.idx.msk [tilespmem:v10+s23+$0x0], $0xffff  }
0x394: {  	v32 =	vadd.f32 $1.000000000e+00, v32;
	v10 =	vmovc v17;
	v33 =	vmov s1;
	v27 =	vadd.f32 v27, v28;
	v28 =	vld.idx.msk [tilespmem:v5+s23+$0x0], $0xffff;
	v5 =	vmovc v13  }
0x395: {  	s19 =	sadd.s32 $0x2, s3;
	v17 =	vmul.f32 v21, v23;
	v23 =	vmul.f32 v21, v24;
	v13 =	vshll.u32 v33, $0x4;
	v24 =	vld.idx.msk [tilespmem:v14+s23+$0x0], $0xffff;
	v14 =	vmovc v16  }
0x396: {  	v20 =	vmul.f32 v20, v22;
	v33 =	vor.u32 v1, v13;
	v13 =	vmov s19;
	v16 =	vpop (erf);
	v34 =	vld.idx.msk [tilespmem:v15+s23+$0x0], $0xffff  }
0x397: {  	v19 =	vmul.f32 v19, v22;
	v15 =	vmovc v18;
	v35 =	vor.u32 $0x3, v33;
	v13 =	vshll.u32 v13, $0x4  }
0x398: {  	v22 =	vadd.f32 $1.000000000e+00, v30;
	v26 =	vadd.f32 v21, v26;
	v18 =	vor.u32 v1, v13  }
0x399: {  	v16 =	vadd.f32 $1.000000000e+00, v16;
	v29 =	vmul.f32 v20, v29;
	v13 =	vor.u32 $0x3, v18;
	v30 =	vpop (erf)  }
0x39a: {  	v23 =	vadd.f32 v23, v27;
	v27 =	vmul.f32 v20, v28;
	v30 =	vadd.f32 $1.000000000e+00, v30  }
0x39b: {  	v28 =	vmov s3;
	v24 =	vmul.f32 v20, v24;
	(erf) = vrcp.f32 v32  }
0x39c: {  	s12 =	sadd.s32 $0x3, s3;
	v28 =	vshll.u32 v28, $0x4;
	v32 =	vld.idx.msk [tilespmem:v35+s23+$0x0], $0xffff;
	(erf) = vrcp.f32 v16;
	v16 =	vmul.f32 v21, v34  }
0x39d: {  	v21 =	vor.u32 v1, v28;
	v28 =	vor.u32 $0x1, v33;
	v34 =	vmov s12  }
0x39e: {  	v17 =	vadd.f32 v17, v25;
	v35 =	vor.u32 $0x3, v21;
	v34 =	vshll.u32 v34, $0x4  }
0x39f: {  	v16 =	vadd.f32 v16, v31;
	v25 =	vld.idx.msk [tilespmem:v13+s23+$0x0], $0xffff;
	v13 =	vor.u32 v1, v34;
	(erf) = vrcp.f32 v22  }
0x3a0: {  	v31 =	vadd.f32 v24, v23;
	v23 =	vadd.f32 v20, v26;
	v22 =	vor.u32 $0x3, v13  }
0x3a1: {  	v24 =	vadd.f32 v27, v17;
	v34 =	vadd.f32 v29, v16;
	(erf) = vrcp.f32 v30  }
0x3a2: {  	v20 =	vor.u32 $0x1, v21;
	v16 =	vsub.f32 $0.0e+00, v32;
	v26 =	vld.idx.msk [tilespmem:v12+s23+$0x0], $0xffff;
	v12 =	vor.u32 $0x2, v21  }
0x3a3: {  	v29 =	vor.u32 $0x2, v33;
	v17 =	vor.u32 $0x1, v13;
	v32 =	vor.u32 $0x2, v18;
	v27 =	vld.idx.msk [tilespmem:v35+s23+$0x0], $0xffff  }
0x3a4: {  	vm0 =	vgt.s32 v4, s30;
	s30 =	smov.u32 s1;
	v30 =	vmul.f32 $1.442695020e+00, v16;
	v16 =	vor.u32 $0x2, v13;
	v35 =	vld.idx.msk [tilespmem:v11+s23+$0x0], $0xffff;
	v11 =	vpop (erf)  }
0x3a5: {  	vm1 =	vgt.s32 v4, s16;
	s16 =	smov.u32 s3;
	v25 =	vsub.f32 $0.0e+00, v25;
	v22 =	vld.idx.msk [tilespmem:v22+s23+$0x0], $0xffff;
	v36 =	vnsel vm0, $0x0, v11;
	v11 =	vpop (erf)  }
0x3a6: {  	vm0 =	vgt.s32 v4, s0;
	s0 =	smov.u32 s19;
	v37 =	vnsel vm1, $0x0, v11;
	v38 =	vld.idx.msk [tilespmem:v9+s23+$0x0], $0xffff;
	v39 =	vsub.f32 $1.000000000e+00, v36;
	v11 =	vmovc v21;
	v9 =	vmovc v20  }
0x3a7: {  	(erf) = vpow2.f32 v30;
	v30 =	vmul.f32 v37, v19;
	v20 =	vsub.f32 $1.000000000e+00, v37  }
0x3a8: {  	v25 =	vmul.f32 $1.442695020e+00, v25;
	vm1 =	vgt.s32 v4, s28;
	s28 =	smov.u32 s12;
	v37 =	vadd.f32 $1.000000010e-10, v39;
	v21 =	vpop (erf)  }
0x3a9: {  	v27 =	vsub.f32 $0.0e+00, v27;
	v39 =	vmul.f32 v30, v26;
	v21 =	vnsel vm0, $0x0, v21  }
0x3aa: {  	(erf) = vpow2.f32 v25;
	v25 =	vadd.f32 $1.000000010e-10, v20;
	v40 =	vld.idx.msk [tilespmem:v3+s23+$0x0], $0xffff;
	v20 =	vsub.f32 $1.000000000e+00, v21;
	v26 =	vpop (erf)  }
0x3ab: {  	v35 =	vmul.f32 v30, v35;
	v41 =	vmul.f32 $1.442695020e+00, v27;
	v42 =	vsub.f32 $0.0e+00, v22;
	v3 =	vmovc v33;
	v43 =	vld.idx.msk [tilespmem:v7+s23+$0x0], $0xffff;
	v7 =	vmovc v28  }
0x3ac: {  	v33 =	vmul.f32 v30, v38;
	v27 =	vld.idx.msk [tilespmem:v8+s23+$0x0], $0xffff;
	v22 =	vadd.f32 $1.000000010e-10, v20;
	v20 =	vnsel vm1, $0x0, v26;
	v8 =	vmovc v29  }
.Ltmp7:
0x3ad: {  	v19 =	vmul.f32 v25, v19;
	v26 =	vadd.f32 v30, v23;
	(erf) = vpow2.f32 v41;
	(pc) =	sbr.rel @p1 .LBB2_13-.Ltmp7, $4  }
0x3ae: {  	v28 =	vmul.f32 $1.442695020e+00, v42;
	v25 =	vadd.f32 v35, v24;
	v35 =	vsub.f32 $1.000000000e+00, v20;
	v23 =	vld.idx.msk [tilespmem:v2+s23+$0x0], $0xffff;
	v2 =	vmovc v18  }
0x3af: {  	v30 =	vmul.f32 v36, v19;
	v29 =	vmul.f32 v37, v19;
	v18 =	vor.u32 $0x1, v2;
	v24 =	vld.idx.msk [tilespmem:v6+s23+$0x0], $0xffff;
	v6 =	vmovc v32  }
0x3b0: {  	v19 =	vadd.f32 $1.000000010e-10, v35;
	v32 =	vpop (erf);
	(erf) = vpow2.f32 v28;
	v28 =	vadd.f32 v39, v31  }
0x3b1: {  	v31 =	vadd.f32 v33, v34;
	v34 =	vmul.f32 v30, v40;
	v33 =	vmul.f32 v30, v43  }
0x3b2: {  	_ =	sdelay $0x2  }
0x3b3: {  	v35 =	vpop (erf)  }
0x3b4: {  	v32 =	vadd.f32 $1.000000000e+00, v32;
	v36 =	vpop (erf)  }
0x3b5: {  	v36 =	vadd.f32 $1.000000000e+00, v36  }
0x3b6: {  	(erf) = vrcp.f32 v32  }
0x3b7: {  	(erf) = vrcp.f32 v36;
	_ =	sdelay $0x1  }
0x3b8: {  	v27 =	vmul.f32 v30, v27;
	v15 =	vld.idx.msk [tilespmem:v15+s23+$0x0], $0xffff;
	v21 =	vmul.f32 v21, v29  }
0x3b9: {  	v26 =	vadd.f32 v30, v26;
	v14 =	vld.idx.msk [tilespmem:v14+s23+$0x0], $0xffff;
	v22 =	vmul.f32 v22, v29;
	v56 =	vadd.f32 $1.000000000e+00, v35  }
0x3ba: {  	vm0 =	vgt.s32 v4, s16;
	vm1 =	vgt.s32 v4, s30;
	v24 =	vmul.f32 v21, v24;
	v29 =	vpop (erf)  }
0x3bb: {  	v25 =	vadd.f32 v34, v25;
	(erf) = vrcp.f32 v56;
	v29 =	vadd.f32 $1.000000000e+00, v29  }
0x3bc: {  	v5 =	vld.idx.msk [tilespmem:v5+s23+$0x0], $0xffff;
	v23 =	vmul.f32 v21, v23;
	v27 =	vadd.f32 v27, v28;
	v20 =	vmul.f32 v20, v22  }
0x3bd: {  	v10 =	vld.idx.msk [tilespmem:v10+s23+$0x0], $0xffff;
	v19 =	vmul.f32 v19, v22;
	v22 =	vadd.f32 v21, v26;
	(erf) = vrcp.f32 v29  }
0x3be: {  	v15 =	vmul.f32 v21, v15;
	v21 =	vadd.f32 v24, v27;
	v14 =	vmul.f32 v20, v14;
	v24 =	vpop (erf)  }
0x3bf: {  	v12 =	vld.idx.msk [tilespmem:v12+s23+$0x0], $0xffff;
	vm10 =	vgt.s32 v4, s0;
	v30 =	vadd.f32 v33, v31;
	v23 =	vadd.f32 v23, v25;
	v25 =	vpop (erf)  }
0x3c0: {  	v11 =	vld.idx.msk [tilespmem:v11+s23+$0x0], $0xffff;
	v22 =	vadd.f32 v20, v22;
	v14 =	vadd.f32 v14, v21;
	v21 =	vnsel vm0, $0x0, v25  }
0x3c1: {  	v9 =	vld.idx.msk [tilespmem:v9+s23+$0x0], $0xffff;
	v5 =	vmul.f32 v20, v5;
	v24 =	vnsel vm1, $0x0, v24;
	v25 =	vsub.f32 $1.000000000e+00, v21  }
0x3c2: {  	v10 =	vmul.f32 v20, v10;
	v15 =	vadd.f32 v15, v30;
	v20 =	vsub.f32 $1.000000000e+00, v24  }
0x3c3: {  	v3 =	vld.idx.msk [tilespmem:v3+s23+$0x0], $0xffff;
	v5 =	vadd.f32 v5, v23;
	v21 =	vmul.f32 v21, v19;
	v25 =	vadd.f32 $1.000000010e-10, v25  }
0x3c4: {  	v7 =	vld.idx.msk [tilespmem:v7+s23+$0x0], $0xffff;
	vm11 =	vgt.s32 v4, s28;
	v10 =	vadd.f32 v10, v15;
	v15 =	vadd.f32 $1.000000010e-10, v20;
	v23 =	vpop (erf)  }
0x3c5: {  	v8 =	vld.idx.msk [tilespmem:v8+s23+$0x0], $0xffff;
	v20 =	vnsel vm10, $0x0, v23;
	v12 =	vmul.f32 v21, v12;
	v19 =	vmul.f32 v25, v19  }
0x3c6: {  	v2 =	vld.idx.msk [tilespmem:v2+s23+$0x0], $0xffff;
	v23 =	vsub.f32 $1.000000000e+00, v20;
	v4 =	vpop (erf);
	v11 =	vmul.f32 v21, v11;
	v9 =	vmul.f32 v21, v9  }
0x3c7: {  	v6 =	vld.idx.msk [tilespmem:v6+s23+$0x0], $0xffff;
	v4 =	vnsel vm11, $0x0, v4;
	v21 =	vadd.f32 v21, v22;
	v24 =	vmul.f32 v24, v19  }
0x3c8: {  	v23 =	vadd.f32 $1.000000010e-10, v23;
	v5 =	vadd.f32 v11, v5;
	v11 =	vmul.f32 v15, v19;
	v15 =	vld.idx.msk [tilespmem:v18+s23+$0x0], $0xffff  }
0x3c9: {  	v13 =	vld.idx.msk [tilespmem:v13+s23+$0x0], $0xffff;
	v12 =	vadd.f32 v12, v14;
	v3 =	vmul.f32 v24, v3;
	v7 =	vmul.f32 v24, v7  }
0x3ca: {  	v9 =	vadd.f32 v9, v10;
	v14 =	vld.idx.msk [tilespmem:v17+s23+$0x0], $0xffff;
	v10 =	vmul.f32 v20, v11;
	v11 =	vmul.f32 v23, v11  }
0x3cb: {  	v8 =	vmul.f32 v24, v8;
	v17 =	vadd.f32 v24, v21;
	v3 =	vadd.f32 v3, v5;
	v5 =	vld.idx.msk [tilespmem:v16+s23+$0x0], $0xffff  }
0x3cc: {  	v7 =	vadd.f32 v7, v9;
	v2 =	vmul.f32 v10, v2;
	v4 =	vmul.f32 v4, v11  }
0x3cd: {  	v8 =	vadd.f32 v8, v12;
	v6 =	vmul.f32 v10, v6;
	v9 =	vmul.f32 v10, v15  }
0x3ce: {  	v10 =	vadd.f32 v10, v17;
	v11 =	vmul.f32 v4, v13;
	v2 =	vadd.f32 v2, v3  }
0x3cf: {  	s3 =	simm.s32 $0x1;
	v3 =	vmul.f32 v4, v14;
	v6 =	vadd.f32 v6, v8;
	v7 =	vadd.f32 v9, v7  }
0x3d0: {  	s20 =	simm.s32 $0x2;
	v8 =	vmov s3;
	v2 =	vadd.f32 v11, v2;
	v5 =	vmul.f32 v4, v5  }
0x3d1: {  	s1 =	simm.s32 $0x0;
	v3 =	vadd.f32 v3, v7;
	v7 =	vshll.u32 v8, $0x4;
	v8 =	vmov s20  }
0x3d2: {  	v18 =	vor.u32 v1, v7;
	v7 =	vshll.u32 v8, $0x4;
	v8 =	vmov s1  }
0x3d3: {  	v9 =	vor.u32 $0x3, v18;
	v19 =	vor.u32 v1, v7;
	v7 =	vshll.u32 v8, $0x4  }
0x3d4: {  	[tilespmem:s29+$0x110D0] =	vst v2;
	v5 =	vadd.f32 v5, v6;
	v2 =	vor.u32 $0x3, v19;
	v20 =	vor.u32 v1, v7  }
0x3d5: {  	s19 =	simm.s32 $0x3;
	v4 =	vadd.f32 v4, v10;
	[tilespmem:s29+$0x130D0] =	vst v3;
	v3 =	vor.u32 $0x3, v20  }
0x3d6: {  	[tilespmem:s29+$0x150D0] =	vst v5;
	v5 =	vmov s19  }
0x3d7: {  	[tilespmem:s29+$0x170D0] =	vst v4;
	v4 =	vshll.u32 v5, $0x4  }
0x3d8: {  	v5 =	vor.u32 v1, v4;
	v6 =	vld.idx.msk [tilespmem:v9+s24+$0x0], $0xffff  }
0x3d9: {  	v4 =	vor.u32 $0x3, v5;
	v2 =	vld.idx.msk [tilespmem:v2+s24+$0x0], $0xffff  }
0x3da: {  	v3 =	vld.idx.msk [tilespmem:v3+s24+$0x0], $0xffff;
	_ =	sdelay $0x2  }
0x3db: {  	v6 =	vsub.f32 $0.0e+00, v6  }
0x3dc: {  	v4 =	vld.idx.msk [tilespmem:v4+s24+$0x0], $0xffff;
	v2 =	vsub.f32 $0.0e+00, v2  }
0x3dd: {  	v6 =	vmul.f32 $1.442695020e+00, v6;
	v3 =	vsub.f32 $0.0e+00, v3  }
0x3de: {  	v2 =	vmul.f32 $1.442695020e+00, v2  }
0x3df: {  	(erf) = vpow2.f32 v6;
	v3 =	vmul.f32 $1.442695020e+00, v3  }
0x3e0: {  	(erf) = vpow2.f32 v2  }
0x3e1: {  	v2 =	vsub.f32 $0.0e+00, v4;
	(erf) = vpow2.f32 v3;
	_ =	sdelay $0x1  }
0x3e2: {  	v2 =	vmul.f32 $1.442695020e+00, v2  }
0x3e3: {  	s30 =	simm.s32 $0x5  }
0x3e4: {  	(erf) = vpow2.f32 v2;
	v2 =	vmov s30  }
0x3e5: {  	s0 =	simm.s32 $0x6;
	v2 =	vshll.u32 v2, $0x4  }
0x3e6: {  	v31 =	vimm.f32 $0.0e+00;
	v3 =	vor.u32 v1, v2;
	v2 =	vmov s0  }
0x3e7: {  	v23 =	vimm.f32 $1.000000000e+00;
	v7 =	vor.u32 $0x3, v3;
	v2 =	vshll.u32 v2, $0x4;
	v4 =	vpop (erf)  }
0x3e8: {  	v22 =	vor.u32 $0x1, v18;
	v2 =	vor.u32 v1, v2;
	v6 =	vpop (erf);
	v4 =	vadd.f32 $1.000000000e+00, v4  }
0x3e9: {  	s16 =	simm.s32 $0x4;
	v24 =	vor.u32 $0x2, v18;
	v57 =	vor.u32 $0x2, v19;
	v9 =	vor.u32 $0x3, v2;
	v8 =	vpop (erf)  }
0x3ea: {  	v8 =	vadd.f32 $1.000000000e+00, v8;
	(erf) = vrcp.f32 v4;
	v4 =	vmov s16  }
0x3eb: {  	v15 =	vor.u32 $0x1, v19;
	v16 =	vor.u32 $0x2, v20;
	v4 =	vshll.u32 v4, $0x4  }
0x3ec: {  	s28 =	simm.s32 $0x7;
	v6 =	vadd.f32 $1.000000000e+00, v6;
	v17 =	vld.idx.msk [tilespmem:v7+s24+$0x0], $0xffff;
	(erf) = vrcp.f32 v8;
	v11 =	vor.u32 v1, v4  }
0x3ed: {  	v21 =	vor.u32 $0x1, v20;
	v7 =	vmov s28;
	v4 =	vld [tilespmem:$0x11060];
	v25 =	vor.u32 $0x3, v11  }
0x3ee: {  	v10 =	vor.u32 $0x1, v5;
	v7 =	vshll.u32 v7, $0x4;
	(erf) = vrcp.f32 v6;
	v26 =	vld.idx.msk [tilespmem:v9+s24+$0x0], $0xffff  }
0x3ef: {  	v14 =	vor.u32 $0x2, v5;
	v13 =	vor.u32 v1, v7;
	v7 =	vor.u32 $0x1, v3;
	v8 =	vpop (erf)  }
0x3f0: {  	v9 =	vor.u32 $0x1, v11;
	v27 =	vor.u32 $0x3, v13;
	v8 =	vadd.f32 $1.000000000e+00, v8  }
0x3f1: {  	v29 =	vld.idx.msk [tilespmem:v16+s24+$0x0], $0xffff;
	v12 =	vor.u32 $0x2, v11;
	v6 =	vor.u32 $0x2, v2;
	v16 =	vor.u32 $0x2, v13  }
0x3f2: {  	v28 =	vsub.f32 $0.0e+00, v17;
	v17 =	vor.u32 $0x1, v13;
	(erf) = vrcp.f32 v8;
	v25 =	vld.idx.msk [tilespmem:v25+s24+$0x0], $0xffff  }
0x3f3: {  	v8 =	vor.u32 $0x2, v3;
	vm12 =	vgt.s32 v4, s3;
	v26 =	vsub.f32 $0.0e+00, v26  }
0x3f4: {  	v20 =	vld.idx.msk [tilespmem:v20+s24+$0x0], $0xffff;
	vm13 =	vgt.s32 v4, s1;
	vm14 =	vgt.s32 v4, s20;
	v28 =	vmul.f32 $1.442695020e+00, v28;
	v30 =	vpop (erf)  }
0x3f5: {  	vm15 =	vgt.s32 v4, s19;
	v27 =	vld.idx.msk [tilespmem:v27+s24+$0x0], $0xffff;
	v30 =	vnsel vm12, $0x0, v30;
	v26 =	vmul.f32 $1.442695020e+00, v26;
	v58 =	vpop (erf)  }
0x3f6: {  	v60 =	vld.idx.msk [tilespmem:v21+s24+$0x0], $0xffff;
	v59 =	vsub.f32 $1.000000000e+00, v30;
	(erf) = vpow2.f32 v28;
	v33 =	vnsel vm13, $0x0, v58  }
0x3f7: {  	v21 =	vpop (erf);
	(erf) = vpow2.f32 v26;
	v28 =	vmul.f32 v33, v23;
	v25 =	vsub.f32 $0.0e+00, v25  }
0x3f8: {  	v33 =	vsub.f32 $1.000000000e+00, v33;
	v34 =	vadd.f32 $1.000000010e-10, v59;
	v21 =	vnsel vm14, $0x0, v21  }
0x3f9: {  	v61 =	vmul.f32 v28, v29;
	v29 =	vsub.f32 $1.000000000e+00, v21;
	v25 =	vmul.f32 $1.442695020e+00, v25  }
0x3fa: {  	v62 =	vld.idx.msk [tilespmem:v18+s24+$0x0], $0xffff;
	v27 =	vsub.f32 $0.0e+00, v27;
	v26 =	vadd.f32 $1.000000010e-10, v33;
	v37 =	vmul.f32 v28, v20  }
0x3fb: {  	v38 =	vld.idx.msk [tilespmem:v22+s24+$0x0], $0xffff;
	v35 =	vmul.f32 v28, v60;
	v22 =	vadd.f32 $1.000000010e-10, v29;
	(erf) = vpow2.f32 v25  }
0x3fc: {  	v18 =	vpop (erf);
	v23 =	vmul.f32 v26, v23;
	v26 =	vadd.f32 v28, v31;
	v28 =	vmul.f32 $1.442695020e+00, v27;
	v27 =	vld.idx.msk [tilespmem:v24+s24+$0x0], $0xffff  }
0x3fd: {  	v20 =	vnsel vm15, $0x0, v18;
	v25 =	vadd.f32 v37, v31;
	v18 =	vor.u32 $0x1, v2  }
0x3fe: {  	v24 =	vld.idx.msk [tilespmem:v57+s24+$0x0], $0xffff;
	v63 =	vsub.f32 $1.000000000e+00, v20;
	v30 =	vmul.f32 v30, v23;
	v29 =	vmul.f32 v34, v23  }
0x3ff: {  	v23 =	vld.idx.msk [tilespmem:v19+s24+$0x0], $0xffff;
	(erf) = vpow2.f32 v28;
	v28 =	vadd.f32 v61, v31;
	v31 =	vadd.f32 v35, v31  }
0x400: {  	s20 =	simm.s32 $0x8;
	v19 =	vadd.f32 $1.000000010e-10, v63;
	v32 =	vpop (erf);
	v34 =	vmul.f32 v30, v62;
	v33 =	vmul.f32 v30, v38  }
.LBB2_15:
0x401: {  	p1 =	sne.s32 s20, $0x1C;
	v27 =	vmul.f32 v30, v27;
	v26 =	vadd.f32 v30, v26;
	v21 =	vmul.f32 v21, v29;
	s3 =	smov.u32 s20;
	s20 =	sadd.s32 $0x4, s20  }
0x402: {  	v22 =	vmul.f32 v22, v29;
	s1 =	sadd.s32 $0x1, s3;
	v30 =	vpop (erf);
	v25 =	vadd.f32 v34, v25;
	v31 =	vadd.f32 v33, v31;
	v29 =	vld.idx.msk [tilespmem:v10+s24+$0x0], $0xffff  }
0x403: {  	v32 =	vadd.f32 $1.000000000e+00, v32;
	v10 =	vmovc v17;
	v33 =	vmov s1;
	v27 =	vadd.f32 v27, v28;
	v28 =	vld.idx.msk [tilespmem:v5+s24+$0x0], $0xffff;
	v5 =	vmovc v13  }
0x404: {  	s19 =	sadd.s32 $0x2, s3;
	v17 =	vmul.f32 v21, v23;
	v23 =	vmul.f32 v21, v24;
	v13 =	vshll.u32 v33, $0x4;
	v24 =	vld.idx.msk [tilespmem:v14+s24+$0x0], $0xffff;
	v14 =	vmovc v16  }
0x405: {  	v20 =	vmul.f32 v20, v22;
	v33 =	vor.u32 v1, v13;
	v13 =	vmov s19;
	v16 =	vpop (erf);
	v34 =	vld.idx.msk [tilespmem:v15+s24+$0x0], $0xffff  }
0x406: {  	v19 =	vmul.f32 v19, v22;
	v15 =	vmovc v18;
	v35 =	vor.u32 $0x3, v33;
	v13 =	vshll.u32 v13, $0x4  }
0x407: {  	v22 =	vadd.f32 $1.000000000e+00, v30;
	v26 =	vadd.f32 v21, v26;
	v18 =	vor.u32 v1, v13  }
0x408: {  	v16 =	vadd.f32 $1.000000000e+00, v16;
	v29 =	vmul.f32 v20, v29;
	v13 =	vor.u32 $0x3, v18;
	v30 =	vpop (erf)  }
0x409: {  	v23 =	vadd.f32 v23, v27;
	v27 =	vmul.f32 v20, v28;
	v30 =	vadd.f32 $1.000000000e+00, v30  }
0x40a: {  	v28 =	vmov s3;
	v24 =	vmul.f32 v20, v24;
	(erf) = vrcp.f32 v32  }
0x40b: {  	s12 =	sadd.s32 $0x3, s3;
	v28 =	vshll.u32 v28, $0x4;
	v32 =	vld.idx.msk [tilespmem:v35+s24+$0x0], $0xffff;
	(erf) = vrcp.f32 v16;
	v16 =	vmul.f32 v21, v34  }
0x40c: {  	v21 =	vor.u32 v1, v28;
	v28 =	vor.u32 $0x1, v33;
	v34 =	vmov s12  }
0x40d: {  	v17 =	vadd.f32 v17, v25;
	v35 =	vor.u32 $0x3, v21;
	v34 =	vshll.u32 v34, $0x4  }
0x40e: {  	v16 =	vadd.f32 v16, v31;
	v25 =	vld.idx.msk [tilespmem:v13+s24+$0x0], $0xffff;
	v13 =	vor.u32 v1, v34;
	(erf) = vrcp.f32 v22  }
0x40f: {  	v31 =	vadd.f32 v24, v23;
	v23 =	vadd.f32 v20, v26;
	v22 =	vor.u32 $0x3, v13  }
0x410: {  	v24 =	vadd.f32 v27, v17;
	v34 =	vadd.f32 v29, v16;
	(erf) = vrcp.f32 v30  }
0x411: {  	v20 =	vor.u32 $0x1, v21;
	v16 =	vsub.f32 $0.0e+00, v32;
	v26 =	vld.idx.msk [tilespmem:v12+s24+$0x0], $0xffff;
	v12 =	vor.u32 $0x2, v21  }
0x412: {  	v29 =	vor.u32 $0x2, v33;
	v17 =	vor.u32 $0x1, v13;
	v32 =	vor.u32 $0x2, v18;
	v27 =	vld.idx.msk [tilespmem:v35+s24+$0x0], $0xffff  }
0x413: {  	vm0 =	vgt.s32 v4, s30;
	s30 =	smov.u32 s1;
	v30 =	vmul.f32 $1.442695020e+00, v16;
	v16 =	vor.u32 $0x2, v13;
	v35 =	vld.idx.msk [tilespmem:v11+s24+$0x0], $0xffff;
	v11 =	vpop (erf)  }
0x414: {  	vm1 =	vgt.s32 v4, s16;
	s16 =	smov.u32 s3;
	v25 =	vsub.f32 $0.0e+00, v25;
	v22 =	vld.idx.msk [tilespmem:v22+s24+$0x0], $0xffff;
	v36 =	vnsel vm0, $0x0, v11;
	v11 =	vpop (erf)  }
0x415: {  	vm0 =	vgt.s32 v4, s0;
	s0 =	smov.u32 s19;
	v37 =	vnsel vm1, $0x0, v11;
	v38 =	vld.idx.msk [tilespmem:v9+s24+$0x0], $0xffff;
	v39 =	vsub.f32 $1.000000000e+00, v36;
	v11 =	vmovc v21;
	v9 =	vmovc v20  }
0x416: {  	(erf) = vpow2.f32 v30;
	v30 =	vmul.f32 v37, v19;
	v20 =	vsub.f32 $1.000000000e+00, v37  }
0x417: {  	v25 =	vmul.f32 $1.442695020e+00, v25;
	vm1 =	vgt.s32 v4, s28;
	s28 =	smov.u32 s12;
	v37 =	vadd.f32 $1.000000010e-10, v39;
	v21 =	vpop (erf)  }
0x418: {  	v27 =	vsub.f32 $0.0e+00, v27;
	v39 =	vmul.f32 v30, v26;
	v21 =	vnsel vm0, $0x0, v21  }
0x419: {  	(erf) = vpow2.f32 v25;
	v25 =	vadd.f32 $1.000000010e-10, v20;
	v40 =	vld.idx.msk [tilespmem:v3+s24+$0x0], $0xffff;
	v20 =	vsub.f32 $1.000000000e+00, v21;
	v26 =	vpop (erf)  }
0x41a: {  	v35 =	vmul.f32 v30, v35;
	v41 =	vmul.f32 $1.442695020e+00, v27;
	v42 =	vsub.f32 $0.0e+00, v22;
	v3 =	vmovc v33;
	v43 =	vld.idx.msk [tilespmem:v7+s24+$0x0], $0xffff;
	v7 =	vmovc v28  }
0x41b: {  	v33 =	vmul.f32 v30, v38;
	v27 =	vld.idx.msk [tilespmem:v8+s24+$0x0], $0xffff;
	v22 =	vadd.f32 $1.000000010e-10, v20;
	v20 =	vnsel vm1, $0x0, v26;
	v8 =	vmovc v29  }
.Ltmp8:
0x41c: {  	v19 =	vmul.f32 v25, v19;
	v26 =	vadd.f32 v30, v23;
	(erf) = vpow2.f32 v41;
	(pc) =	sbr.rel @p1 .LBB2_15-.Ltmp8, $4  }
0x41d: {  	v28 =	vmul.f32 $1.442695020e+00, v42;
	v25 =	vadd.f32 v35, v24;
	v35 =	vsub.f32 $1.000000000e+00, v20;
	v23 =	vld.idx.msk [tilespmem:v2+s24+$0x0], $0xffff;
	v2 =	vmovc v18  }
0x41e: {  	v30 =	vmul.f32 v36, v19;
	v29 =	vmul.f32 v37, v19;
	v18 =	vor.u32 $0x1, v2;
	v24 =	vld.idx.msk [tilespmem:v6+s24+$0x0], $0xffff;
	v6 =	vmovc v32  }
0x41f: {  	v19 =	vadd.f32 $1.000000010e-10, v35;
	v32 =	vpop (erf);
	(erf) = vpow2.f32 v28;
	v28 =	vadd.f32 v39, v31  }
0x420: {  	v31 =	vadd.f32 v33, v34;
	v34 =	vmul.f32 v30, v40;
	v33 =	vmul.f32 v30, v43  }
0x421: {  	_ =	sdelay $0x2  }
0x422: {  	v35 =	vpop (erf)  }
0x423: {  	v32 =	vadd.f32 $1.000000000e+00, v32;
	v36 =	vpop (erf)  }
0x424: {  	v36 =	vadd.f32 $1.000000000e+00, v36  }
0x425: {  	(erf) = vrcp.f32 v32  }
0x426: {  	(erf) = vrcp.f32 v36;
	_ =	sdelay $0x1  }
0x427: {  	v27 =	vmul.f32 v30, v27;
	v15 =	vld.idx.msk [tilespmem:v15+s24+$0x0], $0xffff;
	v21 =	vmul.f32 v21, v29  }
0x428: {  	v26 =	vadd.f32 v30, v26;
	v14 =	vld.idx.msk [tilespmem:v14+s24+$0x0], $0xffff;
	v22 =	vmul.f32 v22, v29;
	v55 =	vadd.f32 $1.000000000e+00, v35  }
0x429: {  	vm0 =	vgt.s32 v4, s16;
	vm1 =	vgt.s32 v4, s30;
	v24 =	vmul.f32 v21, v24;
	v29 =	vpop (erf)  }
0x42a: {  	v25 =	vadd.f32 v34, v25;
	(erf) = vrcp.f32 v55;
	v29 =	vadd.f32 $1.000000000e+00, v29  }
0x42b: {  	v5 =	vld.idx.msk [tilespmem:v5+s24+$0x0], $0xffff;
	v23 =	vmul.f32 v21, v23;
	v27 =	vadd.f32 v27, v28;
	v20 =	vmul.f32 v20, v22  }
0x42c: {  	v10 =	vld.idx.msk [tilespmem:v10+s24+$0x0], $0xffff;
	v19 =	vmul.f32 v19, v22;
	v22 =	vadd.f32 v21, v26;
	(erf) = vrcp.f32 v29  }
0x42d: {  	v15 =	vmul.f32 v21, v15;
	v21 =	vadd.f32 v24, v27;
	v14 =	vmul.f32 v20, v14;
	v24 =	vpop (erf)  }
0x42e: {  	v12 =	vld.idx.msk [tilespmem:v12+s24+$0x0], $0xffff;
	vm10 =	vgt.s32 v4, s0;
	v30 =	vadd.f32 v33, v31;
	v23 =	vadd.f32 v23, v25;
	v25 =	vpop (erf)  }
0x42f: {  	v11 =	vld.idx.msk [tilespmem:v11+s24+$0x0], $0xffff;
	v22 =	vadd.f32 v20, v22;
	v14 =	vadd.f32 v14, v21;
	v21 =	vnsel vm0, $0x0, v25  }
0x430: {  	v9 =	vld.idx.msk [tilespmem:v9+s24+$0x0], $0xffff;
	v5 =	vmul.f32 v20, v5;
	v24 =	vnsel vm1, $0x0, v24;
	v25 =	vsub.f32 $1.000000000e+00, v21  }
0x431: {  	v10 =	vmul.f32 v20, v10;
	v15 =	vadd.f32 v15, v30;
	v20 =	vsub.f32 $1.000000000e+00, v24  }
0x432: {  	v3 =	vld.idx.msk [tilespmem:v3+s24+$0x0], $0xffff;
	v5 =	vadd.f32 v5, v23;
	v21 =	vmul.f32 v21, v19;
	v25 =	vadd.f32 $1.000000010e-10, v25  }
0x433: {  	v7 =	vld.idx.msk [tilespmem:v7+s24+$0x0], $0xffff;
	vm11 =	vgt.s32 v4, s28;
	v10 =	vadd.f32 v10, v15;
	v15 =	vadd.f32 $1.000000010e-10, v20;
	v23 =	vpop (erf)  }
0x434: {  	v8 =	vld.idx.msk [tilespmem:v8+s24+$0x0], $0xffff;
	v20 =	vnsel vm10, $0x0, v23;
	v12 =	vmul.f32 v21, v12;
	v19 =	vmul.f32 v25, v19  }
0x435: {  	v2 =	vld.idx.msk [tilespmem:v2+s24+$0x0], $0xffff;
	v23 =	vsub.f32 $1.000000000e+00, v20;
	v4 =	vpop (erf);
	v11 =	vmul.f32 v21, v11;
	v9 =	vmul.f32 v21, v9  }
0x436: {  	v6 =	vld.idx.msk [tilespmem:v6+s24+$0x0], $0xffff;
	v4 =	vnsel vm11, $0x0, v4;
	v21 =	vadd.f32 v21, v22;
	v24 =	vmul.f32 v24, v19  }
0x437: {  	v23 =	vadd.f32 $1.000000010e-10, v23;
	v5 =	vadd.f32 v11, v5;
	v11 =	vmul.f32 v15, v19;
	v15 =	vld.idx.msk [tilespmem:v18+s24+$0x0], $0xffff  }
0x438: {  	v13 =	vld.idx.msk [tilespmem:v13+s24+$0x0], $0xffff;
	v12 =	vadd.f32 v12, v14;
	v3 =	vmul.f32 v24, v3;
	v7 =	vmul.f32 v24, v7  }
0x439: {  	v9 =	vadd.f32 v9, v10;
	v14 =	vld.idx.msk [tilespmem:v17+s24+$0x0], $0xffff;
	v10 =	vmul.f32 v20, v11;
	v11 =	vmul.f32 v23, v11  }
0x43a: {  	v8 =	vmul.f32 v24, v8;
	v17 =	vadd.f32 v24, v21;
	v3 =	vadd.f32 v3, v5;
	v5 =	vld.idx.msk [tilespmem:v16+s24+$0x0], $0xffff  }
0x43b: {  	v7 =	vadd.f32 v7, v9;
	v2 =	vmul.f32 v10, v2;
	v4 =	vmul.f32 v4, v11  }
0x43c: {  	v8 =	vadd.f32 v8, v12;
	v6 =	vmul.f32 v10, v6;
	v9 =	vmul.f32 v10, v15  }
0x43d: {  	v10 =	vadd.f32 v10, v17;
	v11 =	vmul.f32 v4, v13;
	v2 =	vadd.f32 v2, v3  }
0x43e: {  	s3 =	simm.s32 $0x1;
	v3 =	vmul.f32 v4, v14;
	v6 =	vadd.f32 v6, v8;
	v7 =	vadd.f32 v9, v7  }
0x43f: {  	s20 =	simm.s32 $0x2;
	v8 =	vmov s3;
	v2 =	vadd.f32 v11, v2;
	v5 =	vmul.f32 v4, v5  }
0x440: {  	s1 =	simm.s32 $0x0;
	v3 =	vadd.f32 v3, v7;
	v7 =	vshll.u32 v8, $0x4;
	v8 =	vmov s20  }
0x441: {  	v18 =	vor.u32 v1, v7;
	v7 =	vshll.u32 v8, $0x4;
	v8 =	vmov s1  }
0x442: {  	v9 =	vor.u32 $0x3, v18;
	v19 =	vor.u32 v1, v7;
	v7 =	vshll.u32 v8, $0x4  }
0x443: {  	[tilespmem:s29+$0x110E0] =	vst v2;
	v5 =	vadd.f32 v5, v6;
	v2 =	vor.u32 $0x3, v19;
	v20 =	vor.u32 v1, v7  }
0x444: {  	s19 =	simm.s32 $0x3;
	v4 =	vadd.f32 v4, v10;
	[tilespmem:s29+$0x130E0] =	vst v3;
	v3 =	vor.u32 $0x3, v20  }
0x445: {  	[tilespmem:s29+$0x150E0] =	vst v5;
	v5 =	vmov s19  }
0x446: {  	[tilespmem:s29+$0x170E0] =	vst v4;
	v4 =	vshll.u32 v5, $0x4  }
0x447: {  	v5 =	vor.u32 v1, v4;
	v6 =	vld.idx.msk [tilespmem:v9+s25+$0x0], $0xffff  }
0x448: {  	v4 =	vor.u32 $0x3, v5;
	v2 =	vld.idx.msk [tilespmem:v2+s25+$0x0], $0xffff  }
0x449: {  	v3 =	vld.idx.msk [tilespmem:v3+s25+$0x0], $0xffff;
	_ =	sdelay $0x2  }
0x44a: {  	v6 =	vsub.f32 $0.0e+00, v6  }
0x44b: {  	v4 =	vld.idx.msk [tilespmem:v4+s25+$0x0], $0xffff;
	v2 =	vsub.f32 $0.0e+00, v2  }
0x44c: {  	v6 =	vmul.f32 $1.442695020e+00, v6;
	v3 =	vsub.f32 $0.0e+00, v3  }
0x44d: {  	v2 =	vmul.f32 $1.442695020e+00, v2  }
0x44e: {  	(erf) = vpow2.f32 v6;
	v3 =	vmul.f32 $1.442695020e+00, v3  }
0x44f: {  	(erf) = vpow2.f32 v2  }
0x450: {  	v2 =	vsub.f32 $0.0e+00, v4;
	(erf) = vpow2.f32 v3;
	_ =	sdelay $0x1  }
0x451: {  	v2 =	vmul.f32 $1.442695020e+00, v2  }
0x452: {  	s0 =	simm.s32 $0x5  }
0x453: {  	(erf) = vpow2.f32 v2;
	v2 =	vmov s0  }
0x454: {  	s30 =	simm.s32 $0x6;
	v2 =	vshll.u32 v2, $0x4  }
0x455: {  	v31 =	vimm.f32 $0.0e+00;
	v3 =	vor.u32 v1, v2;
	v2 =	vmov s30  }
0x456: {  	v22 =	vimm.f32 $1.000000000e+00;
	v7 =	vor.u32 $0x3, v3;
	v2 =	vshll.u32 v2, $0x4;
	v4 =	vpop (erf)  }
0x457: {  	v23 =	vor.u32 $0x1, v18;
	v24 =	vor.u32 $0x2, v18;
	v2 =	vor.u32 v1, v2;
	v6 =	vpop (erf)  }
0x458: {  	v56 =	vor.u32 $0x2, v19;
	v4 =	vadd.f32 $1.000000000e+00, v4;
	v9 =	vor.u32 $0x3, v2;
	v8 =	vpop (erf)  }
0x459: {  	s16 =	simm.s32 $0x4;
	v15 =	vor.u32 $0x1, v19;
	v16 =	vor.u32 $0x2, v20;
	v8 =	vadd.f32 $1.000000000e+00, v8  }
0x45a: {  	s28 =	simm.s32 $0x7;
	v6 =	vadd.f32 $1.000000000e+00, v6;
	(erf) = vrcp.f32 v4;
	v4 =	vmov s16  }
0x45b: {  	v4 =	vshll.u32 v4, $0x4;
	v17 =	vld.idx.msk [tilespmem:v7+s25+$0x0], $0xffff;
	v7 =	vmov s28;
	(erf) = vrcp.f32 v8  }
0x45c: {  	v21 =	vor.u32 $0x1, v20;
	v10 =	vor.u32 v1, v4;
	v4 =	vld [tilespmem:$0x11070];
	v7 =	vshll.u32 v7, $0x4  }
0x45d: {  	v25 =	vor.u32 $0x3, v10;
	(erf) = vrcp.f32 v6;
	v26 =	vld.idx.msk [tilespmem:v9+s25+$0x0], $0xffff;
	v12 =	vor.u32 v1, v7  }
0x45e: {  	v14 =	vor.u32 $0x1, v5;
	v13 =	vor.u32 $0x2, v5;
	v8 =	vpop (erf);
	v27 =	vor.u32 $0x3, v12  }
0x45f: {  	v7 =	vor.u32 $0x1, v3;
	v9 =	vor.u32 $0x1, v10;
	v8 =	vadd.f32 $1.000000000e+00, v8  }
0x460: {  	v29 =	vld.idx.msk [tilespmem:v16+s25+$0x0], $0xffff;
	v11 =	vor.u32 $0x2, v10;
	v6 =	vor.u32 $0x2, v2;
	v16 =	vor.u32 $0x2, v12  }
0x461: {  	v28 =	vsub.f32 $0.0e+00, v17;
	v17 =	vor.u32 $0x1, v12;
	(erf) = vrcp.f32 v8  }
0x462: {  	v8 =	vor.u32 $0x2, v3;
	vm12 =	vgt.s32 v4, s3;
	v25 =	vld.idx.msk [tilespmem:v25+s25+$0x0], $0xffff;
	v26 =	vsub.f32 $0.0e+00, v26  }
0x463: {  	vm13 =	vgt.s32 v4, s1;
	vm14 =	vgt.s32 v4, s20;
	v28 =	vmul.f32 $1.442695020e+00, v28;
	v30 =	vpop (erf);
	v27 =	vld.idx.msk [tilespmem:v27+s25+$0x0], $0xffff  }
0x464: {  	v20 =	vld.idx.msk [tilespmem:v20+s25+$0x0], $0xffff;
	vm15 =	vgt.s32 v4, s19;
	v30 =	vnsel vm12, $0x0, v30;
	v26 =	vmul.f32 $1.442695020e+00, v26;
	v57 =	vpop (erf)  }
0x465: {  	v59 =	vld.idx.msk [tilespmem:v21+s25+$0x0], $0xffff;
	v58 =	vsub.f32 $1.000000000e+00, v30;
	(erf) = vpow2.f32 v28;
	v33 =	vnsel vm13, $0x0, v57  }
0x466: {  	v21 =	vpop (erf);
	(erf) = vpow2.f32 v26;
	v28 =	vmul.f32 v33, v22;
	v33 =	vsub.f32 $1.000000000e+00, v33  }
0x467: {  	v34 =	vadd.f32 $1.000000010e-10, v58;
	v25 =	vsub.f32 $0.0e+00, v25;
	v21 =	vnsel vm14, $0x0, v21  }
0x468: {  	v60 =	vsub.f32 $1.000000000e+00, v21;
	v37 =	vsub.f32 $0.0e+00, v27;
	v29 =	vmul.f32 v28, v29  }
0x469: {  	v61 =	vld.idx.msk [tilespmem:v18+s25+$0x0], $0xffff;
	v26 =	vadd.f32 $1.000000010e-10, v33;
	v25 =	vmul.f32 $1.442695020e+00, v25;
	v38 =	vmul.f32 v28, v20  }
0x46a: {  	v39 =	vld.idx.msk [tilespmem:v23+s25+$0x0], $0xffff;
	v35 =	vmul.f32 v28, v59;
	v27 =	vadd.f32 v28, v31;
	v62 =	vmul.f32 $1.442695020e+00, v37  }
0x46b: {  	v18 =	vpop (erf);
	v23 =	vadd.f32 $1.000000010e-10, v60;
	(erf) = vpow2.f32 v25;
	v22 =	vmul.f32 v26, v22;
	v26 =	vld.idx.msk [tilespmem:v24+s25+$0x0], $0xffff  }
0x46c: {  	v20 =	vnsel vm15, $0x0, v18;
	v25 =	vadd.f32 v38, v31;
	v18 =	vor.u32 $0x1, v2  }
0x46d: {  	v19 =	vld.idx.msk [tilespmem:v19+s25+$0x0], $0xffff;
	v29 =	vadd.f32 v29, v31;
	v63 =	vsub.f32 $1.000000000e+00, v20;
	v30 =	vmul.f32 v30, v22  }
0x46e: {  	v24 =	vld.idx.msk [tilespmem:v56+s25+$0x0], $0xffff;
	v31 =	vadd.f32 v35, v31;
	(erf) = vpow2.f32 v62;
	v28 =	vmul.f32 v34, v22  }
0x46f: {  	s20 =	simm.s32 $0x8;
	v22 =	vadd.f32 $1.000000010e-10, v63;
	v32 =	vpop (erf);
	v33 =	vmul.f32 v30, v61;
	v34 =	vmul.f32 v30, v39  }
.LBB2_17:
0x470: {  	p1 =	sne.s32 s20, $0x1C;
	v26 =	vmul.f32 v30, v26;
	v27 =	vadd.f32 v30, v27;
	v21 =	vmul.f32 v21, v28;
	s3 =	smov.u32 s20;
	s20 =	sadd.s32 $0x4, s20  }
0x471: {  	v23 =	vmul.f32 v23, v28;
	s1 =	sadd.s32 $0x1, s3;
	v30 =	vpop (erf);
	v25 =	vadd.f32 v33, v25;
	v31 =	vadd.f32 v34, v31;
	v28 =	vld.idx.msk [tilespmem:v14+s25+$0x0], $0xffff  }
0x472: {  	v32 =	vadd.f32 $1.000000000e+00, v32;
	v14 =	vmovc v17;
	v33 =	vmov s1;
	v26 =	vadd.f32 v26, v29;
	v29 =	vld.idx.msk [tilespmem:v5+s25+$0x0], $0xffff;
	v5 =	vmovc v12  }
0x473: {  	s19 =	sadd.s32 $0x2, s3;
	v17 =	vmul.f32 v21, v19;
	v19 =	vmul.f32 v21, v24;
	v12 =	vshll.u32 v33, $0x4;
	v24 =	vld.idx.msk [tilespmem:v13+s25+$0x0], $0xffff;
	v13 =	vmovc v16  }
0x474: {  	v20 =	vmul.f32 v20, v23;
	v33 =	vor.u32 v1, v12;
	v12 =	vmov s19;
	v16 =	vpop (erf);
	v34 =	vld.idx.msk [tilespmem:v15+s25+$0x0], $0xffff  }
0x475: {  	v22 =	vmul.f32 v22, v23;
	v15 =	vmovc v18;
	v35 =	vor.u32 $0x3, v33;
	v12 =	vshll.u32 v12, $0x4  }
0x476: {  	v23 =	vadd.f32 $1.000000000e+00, v30;
	v27 =	vadd.f32 v21, v27;
	v18 =	vor.u32 v1, v12  }
0x477: {  	v16 =	vadd.f32 $1.000000000e+00, v16;
	v28 =	vmul.f32 v20, v28;
	v12 =	vor.u32 $0x3, v18;
	v30 =	vpop (erf)  }
0x478: {  	v19 =	vadd.f32 v19, v26;
	v26 =	vmul.f32 v20, v29;
	v30 =	vadd.f32 $1.000000000e+00, v30  }
0x479: {  	v29 =	vmov s3;
	v24 =	vmul.f32 v20, v24;
	(erf) = vrcp.f32 v32  }
0x47a: {  	s12 =	sadd.s32 $0x3, s3;
	v29 =	vshll.u32 v29, $0x4;
	v32 =	vld.idx.msk [tilespmem:v35+s25+$0x0], $0xffff;
	(erf) = vrcp.f32 v16;
	v16 =	vmul.f32 v21, v34  }
0x47b: {  	v21 =	vor.u32 v1, v29;
	v29 =	vor.u32 $0x1, v33;
	v34 =	vmov s12  }
0x47c: {  	v17 =	vadd.f32 v17, v25;
	v35 =	vor.u32 $0x3, v21;
	v34 =	vshll.u32 v34, $0x4  }
0x47d: {  	v16 =	vadd.f32 v16, v31;
	v25 =	vld.idx.msk [tilespmem:v12+s25+$0x0], $0xffff;
	v12 =	vor.u32 v1, v34;
	(erf) = vrcp.f32 v23  }
0x47e: {  	v31 =	vadd.f32 v24, v19;
	v19 =	vadd.f32 v20, v27;
	v23 =	vor.u32 $0x3, v12  }
0x47f: {  	v24 =	vadd.f32 v26, v17;
	v34 =	vadd.f32 v28, v16;
	(erf) = vrcp.f32 v30  }
0x480: {  	v20 =	vor.u32 $0x1, v21;
	v16 =	vsub.f32 $0.0e+00, v32;
	v26 =	vld.idx.msk [tilespmem:v11+s25+$0x0], $0xffff;
	v11 =	vor.u32 $0x2, v21  }
0x481: {  	v28 =	vor.u32 $0x2, v33;
	v17 =	vor.u32 $0x1, v12;
	v32 =	vor.u32 $0x2, v18;
	v27 =	vld.idx.msk [tilespmem:v35+s25+$0x0], $0xffff  }
0x482: {  	vm0 =	vgt.s32 v4, s0;
	s0 =	smov.u32 s1;
	v30 =	vmul.f32 $1.442695020e+00, v16;
	v16 =	vor.u32 $0x2, v12;
	v35 =	vld.idx.msk [tilespmem:v10+s25+$0x0], $0xffff;
	v10 =	vpop (erf)  }
0x483: {  	vm1 =	vgt.s32 v4, s16;
	s16 =	smov.u32 s3;
	v25 =	vsub.f32 $0.0e+00, v25;
	v23 =	vld.idx.msk [tilespmem:v23+s25+$0x0], $0xffff;
	v36 =	vnsel vm0, $0x0, v10;
	v10 =	vpop (erf)  }
0x484: {  	vm0 =	vgt.s32 v4, s30;
	s30 =	smov.u32 s19;
	v37 =	vnsel vm1, $0x0, v10;
	v38 =	vld.idx.msk [tilespmem:v9+s25+$0x0], $0xffff;
	v39 =	vsub.f32 $1.000000000e+00, v36;
	v10 =	vmovc v21;
	v9 =	vmovc v20  }
0x485: {  	(erf) = vpow2.f32 v30;
	v30 =	vmul.f32 v37, v22;
	v20 =	vsub.f32 $1.000000000e+00, v37  }
0x486: {  	v25 =	vmul.f32 $1.442695020e+00, v25;
	vm1 =	vgt.s32 v4, s28;
	s28 =	smov.u32 s12;
	v37 =	vadd.f32 $1.000000010e-10, v39;
	v21 =	vpop (erf)  }
0x487: {  	v27 =	vsub.f32 $0.0e+00, v27;
	v39 =	vmul.f32 v30, v26;
	v21 =	vnsel vm0, $0x0, v21  }
0x488: {  	(erf) = vpow2.f32 v25;
	v25 =	vadd.f32 $1.000000010e-10, v20;
	v40 =	vld.idx.msk [tilespmem:v3+s25+$0x0], $0xffff;
	v20 =	vsub.f32 $1.000000000e+00, v21;
	v41 =	vpop (erf)  }
0x489: {  	v35 =	vmul.f32 v30, v35;
	v27 =	vmul.f32 $1.442695020e+00, v27;
	v42 =	vsub.f32 $0.0e+00, v23;
	v3 =	vmovc v33;
	v43 =	vld.idx.msk [tilespmem:v7+s25+$0x0], $0xffff;
	v7 =	vmovc v29  }
0x48a: {  	v33 =	vmul.f32 v30, v38;
	v26 =	vld.idx.msk [tilespmem:v8+s25+$0x0], $0xffff;
	v23 =	vadd.f32 $1.000000010e-10, v20;
	v20 =	vnsel vm1, $0x0, v41;
	v8 =	vmovc v28  }
.Ltmp9:
0x48b: {  	v22 =	vmul.f32 v25, v22;
	(erf) = vpow2.f32 v27;
	v27 =	vadd.f32 v30, v19;
	(pc) =	sbr.rel @p1 .LBB2_17-.Ltmp9, $4  }
0x48c: {  	v29 =	vmul.f32 $1.442695020e+00, v42;
	v25 =	vadd.f32 v35, v24;
	v35 =	vsub.f32 $1.000000000e+00, v20;
	v19 =	vld.idx.msk [tilespmem:v2+s25+$0x0], $0xffff;
	v2 =	vmovc v18  }
0x48d: {  	v30 =	vmul.f32 v36, v22;
	v28 =	vmul.f32 v37, v22;
	v18 =	vor.u32 $0x1, v2;
	v24 =	vld.idx.msk [tilespmem:v6+s25+$0x0], $0xffff;
	v6 =	vmovc v32  }
0x48e: {  	v22 =	vadd.f32 $1.000000010e-10, v35;
	v32 =	vpop (erf);
	(erf) = vpow2.f32 v29;
	v29 =	vadd.f32 v39, v31  }
0x48f: {  	v31 =	vadd.f32 v33, v34;
	v33 =	vmul.f32 v30, v40;
	v34 =	vmul.f32 v30, v43  }
0x490: {  	_ =	sdelay $0x2  }
0x491: {  	v35 =	vpop (erf)  }
0x492: {  	v32 =	vadd.f32 $1.000000000e+00, v32;
	v36 =	vpop (erf)  }
0x493: {  	v36 =	vadd.f32 $1.000000000e+00, v36  }
0x494: {  	(erf) = vrcp.f32 v32  }
0x495: {  	(erf) = vrcp.f32 v36;
	_ =	sdelay $0x2  }
0x496: {  	v14 =	vld.idx.msk [tilespmem:v14+s25+$0x0], $0xffff;
	v26 =	vmul.f32 v30, v26;
	v27 =	vadd.f32 v30, v27;
	v40 =	vadd.f32 $1.000000000e+00, v35  }
0x497: {  	v5 =	vld.idx.msk [tilespmem:v5+s25+$0x0], $0xffff;
	v23 =	vmul.f32 v23, v28;
	v21 =	vmul.f32 v21, v28;
	vm0 =	vgt.s32 v4, s16  }
0x498: {  	v15 =	vld.idx.msk [tilespmem:v15+s25+$0x0], $0xffff;
	vm13 =	vgt.s32 v4, s0;
	v25 =	vadd.f32 v33, v25;
	v42 =	vpop (erf);
	(erf) = vrcp.f32 v40  }
0x499: {  	v13 =	vld.idx.msk [tilespmem:v13+s25+$0x0], $0xffff;
	vm14 =	vgt.s32 v4, s30;
	v26 =	vadd.f32 v26, v29;
	v29 =	vadd.f32 $1.000000000e+00, v42  }
0x49a: {  	v41 =	vadd.f32 v34, v31;
	v19 =	vmul.f32 v21, v19;
	v24 =	vmul.f32 v21, v24  }
0x49b: {  	v20 =	vmul.f32 v20, v23;
	v43 =	vadd.f32 v21, v27;
	(erf) = vrcp.f32 v29;
	v44 =	vpop (erf)  }
0x49c: {  	v22 =	vmul.f32 v22, v23;
	v24 =	vadd.f32 v24, v26;
	v19 =	vadd.f32 v19, v25;
	v45 =	vpop (erf)  }
0x49d: {  	v11 =	vld.idx.msk [tilespmem:v11+s25+$0x0], $0xffff;
	v14 =	vmul.f32 v20, v14;
	v15 =	vmul.f32 v21, v15;
	v46 =	vnsel vm0, $0x0, v45  }
0x49e: {  	v10 =	vld.idx.msk [tilespmem:v10+s25+$0x0], $0xffff;
	v5 =	vmul.f32 v20, v5;
	v13 =	vmul.f32 v20, v13;
	v47 =	vsub.f32 $1.000000000e+00, v46  }
0x49f: {  	v9 =	vld.idx.msk [tilespmem:v9+s25+$0x0], $0xffff;
	v20 =	vadd.f32 v20, v43;
	v15 =	vadd.f32 v15, v41;
	v48 =	vnsel vm13, $0x0, v44  }
0x4a0: {  	v3 =	vld.idx.msk [tilespmem:v3+s25+$0x0], $0xffff;
	vm15 =	vgt.s32 v4, s28;
	v21 =	vsub.f32 $1.000000000e+00, v48;
	v49 =	vadd.f32 $1.000000010e-10, v47  }
0x4a1: {  	v7 =	vld.idx.msk [tilespmem:v7+s25+$0x0], $0xffff;
	v13 =	vadd.f32 v13, v24;
	v5 =	vadd.f32 v5, v19;
	v51 =	vpop (erf);
	v50 =	vmul.f32 v46, v22  }
0x4a2: {  	v8 =	vld.idx.msk [tilespmem:v8+s25+$0x0], $0xffff;
	v21 =	vadd.f32 $1.000000010e-10, v21;
	v24 =	vnsel vm14, $0x0, v51;
	v22 =	vmul.f32 v49, v22  }
0x4a3: {  	v2 =	vld.idx.msk [tilespmem:v2+s25+$0x0], $0xffff;
	v52 =	vsub.f32 $1.000000000e+00, v24;
	v11 =	vmul.f32 v50, v11;
	v10 =	vmul.f32 v50, v10  }
0x4a4: {  	v6 =	vld.idx.msk [tilespmem:v6+s25+$0x0], $0xffff;
	v14 =	vadd.f32 v14, v15;
	v53 =	vpop (erf);
	v9 =	vmul.f32 v50, v9;
	v19 =	vmul.f32 v48, v22  }
0x4a5: {  	v18 =	vld.idx.msk [tilespmem:v18+s25+$0x0], $0xffff;
	v4 =	vnsel vm15, $0x0, v53;
	v23 =	vadd.f32 $1.000000010e-10, v52;
	v21 =	vmul.f32 v21, v22  }
0x4a6: {  	v54 =	vld.idx.msk [tilespmem:v12+s25+$0x0], $0xffff;
	v15 =	vadd.f32 v50, v20;
	v5 =	vadd.f32 v10, v5;
	v3 =	vmul.f32 v19, v3  }
0x4a7: {  	v17 =	vld.idx.msk [tilespmem:v17+s25+$0x0], $0xffff;
	v11 =	vadd.f32 v11, v13;
	v55 =	vmul.f32 v24, v21;
	v56 =	vmul.f32 v23, v21  }
0x4a8: {  	v57 =	vld.idx.msk [tilespmem:v16+s25+$0x0], $0xffff;
	v9 =	vadd.f32 v9, v14;
	v7 =	vmul.f32 v19, v7;
	v8 =	vmul.f32 v19, v8  }
0x4a9: {  	v3 =	vadd.f32 v3, v5;
	v2 =	vmul.f32 v55, v2;
	v4 =	vmul.f32 v4, v56  }
0x4aa: {  	v58 =	vadd.f32 v7, v9;
	v59 =	vadd.f32 v8, v11;
	v60 =	vmul.f32 v55, v18  }
0x4ab: {  	v6 =	vmul.f32 v55, v6;
	v61 =	vmul.f32 v4, v54;
	v2 =	vadd.f32 v2, v3  }
0x4ac: {  	v3 =	vadd.f32 v19, v15;
	v62 =	vmul.f32 v4, v17;
	v5 =	vadd.f32 v60, v58  }
0x4ad: {  	v6 =	vadd.f32 v6, v59;
	v63 =	vmul.f32 v4, v57;
	v2 =	vadd.f32 v61, v2  }
.Ltmp10:
0x4ae: {  	v3 =	vadd.f32 v55, v3;
	v5 =	vadd.f32 v62, v5;
	(pc) =	sbr.rel @p0 .LBB2_20-.Ltmp10, $4  }
0x4af: {  	v6 =	vadd.f32 v63, v6;
	[tilespmem:s29+$0x110F0] =	vst v2  }
0x4b0: {  	v2 =	vadd.f32 v4, v3;
	[tilespmem:s29+$0x130F0] =	vst v5  }
0x4b1: {  	[tilespmem:s29+$0x150F0] =	vst v6  }
0x4b2: {  	[tilespmem:s29+$0x170F0] =	vst v2  }
0x4b3: {  	s0 =	rddreg [dreg:$0x10]  }
0x4b4: {  	s0 =	sadd.s32 s29, s0  }
0x4b5: {  	s3 =	rddreg [dreg:$0x1];
	s1 =	sshll.u32 s0, $0x2  }
0x4b6: {  	s16 =	simm.s32 $0x800;
	s3 =	sadd.s32 s3, s1  }
0x4b7: {  	[tilespmem:s16], [sflag:$0x4] =	stream.linear.gather [hbm4b:s3+s4], $0x200, $0x38;
	[tilespmem:$0x19880] =	vst v63  }
0x4b8: {  	s20 =	sadd.s32 s1, s6  }
0x4b9: {  	[tilespmem:s13], [sflag:$0x4] =	stream.linear.gather [hbm4b:s20+s4], $0x200, $0x38;
	[tilespmem:$0x19880] =	vst v63  }
0x4ba: {  	s28 =	sadd.s32 s1, s9  }
0x4bb: {  	[tilespmem:s14], [sflag:$0x4] =	stream.linear.gather [hbm4b:s28+s4], $0x200, $0x38;
	[tilespmem:$0x19880] =	vst v63  }
.Ltmp11:
0x4bc: {  	_ = 	snop;
	(pc) =	sbr.rel .LBB2_2-.Ltmp11, $4  }
0x4bd: {  	s29 =	rddreg [dreg:$0x2];
	s0 =	sshrl.u32 s0, $0x3;
	s1 =	sadd.s32 s1, s11  }
0x4be: {  	[tilespmem:s15], [sflag:$0x4] =	stream.linear.gather [hbm4b:s1+s4], $0x200, $0x38;
	[tilespmem:$0x19880] =	vst v63  }
0x4bf: {  	s30 =	simm.s32 $0x11040;
	s22 =	sadd.s32 $0x1, s22;
	s0 =	sadd.s32 s29, s0  }
0x4c0: {  	[tilespmem:s30], [sflag:$0x4] =	stream.linear.gather [hbm4b:s0+s4], $0x40, $0x38;
	[tilespmem:$0x19880] =	vst v63  }
.LBB2_21:
0x4c1: {  	_ =	sfence.sel $0x180000  }
0x4c2: {  	[bflag:$0x0] =	sbarrier.arrive $0xFFFF  }
0x4c3: {  	_ =	strace $0x90000047  }
0x4c4: {  	s0 =	stileid.u32;
	[bflag:$0x2] =	sbarrier.arrive $0xFFFF  }
0x4c5: {  	p0 =	sne.s32 s0, $0x0;
	s0 =	rddreg [dreg:$0x4]  }
0x4c6: {  	s0 =	sadd.s32 @!p0 $0x100000, s0  }
0x4c7: {  	[sflag:s0] =	ssyncadd.tile.s32 @!p0 $0x1;
	_ =	shalt  }
.Lfunc_end2:
_tile_overlayer_lowered:
.L_overlay_start_2:
0x4c8: {  	(tag) =	ssettag $0x2  }
0x4c9: {  	s0 =	rddreg [dreg:$0x0];
	s2 =	stileid.u32  }
0x4ca: {  	s1 =	rddreg [dreg:$0x1];
	p0 =	sne.s32 s2, $0x0  }
0x4cb: {  	s3 =	rddreg [dreg:$0x2];
	[bflag:$0x3] =	sbarrier.arrive $0xFFFF;
	s2 =	simm.s32 @!p0 $0x1C05  }
0x4cc: {  	[timem:s3], [sflag:s2] =	dma.local @!p0 [hbm:s0], s1  }
0x4cd: {  	s0 =	simm.s32 @!p0 $0x5  }
0x4ce: {  	_ =	swait.ge @!p0 [sflag:s0], s1  }
0x4cf: {  	s1 =	ssub.s32 @!p0 $0x0, s1;
	[sflag:s0] =	ssyncset.done @!p0 $0x0  }
0x4d0: {  	[sflag:s0] =	ssyncadd.s32 @!p0 s1  }
0x4d1: {  	[bflag:$0x3] =	sbarrier.arrive $0xFFFF  }
0x4d2: {  	_ =	shalt  }

</sc_bundles>
